<compile_context>
chip_gen: v7x
topology: tpu7x:2x2x1
jax: 0.10.2.dev20260603
libtpu: 0.0.44.dev20260713+nightly
codegen_flags: <defaults>
</compile_context>

<pallas_src>
import functools

import jax
import jax.numpy as jnp
from jax import lax
from jax.experimental import pallas as pl
from jax.experimental.pallas import tpu as pltpu
from jax.experimental.pallas import tpu_sc as plsc

N_PAD = 102400
N_ACC = 100096
E_PAD = 1671168
IDX_ROWS = E_PAD // 128
ROWS_PER_SUB = N_ACC // 16
TC_BLOCK = 4096
N_GRID = 25


def _sc_mesh():
    return plsc.VectorSubcoreMesh(
        core_axis_name="c", subcore_axis_name="s", num_cores=2, num_subcores=16
    )


_SC_PARAMS = pltpu.CompilerParams(use_tc_tiling_on_sc=False)


def _agg1_call(table, srcp, dstp, zeros):

    @functools.partial(
        pl.kernel,
        out_type=jax.ShapeDtypeStruct((2, N_PAD, 8), jnp.float32),
        mesh=_sc_mesh(),
        scratch_types=[
            pltpu.VMEM((3072, 8), jnp.float32),
            pltpu.VMEM_SHARED((N_ACC, 8), jnp.float32),
            pltpu.SemaphoreType.DMA,
            pltpu.SemaphoreType.DMA,
        ],
        compiler_params=_SC_PARAMS,
    )
    def agg1(table_hbm, src_hbm, dst_hbm, zeros_hbm, out_hbm,
             rows_v, acc_sh, semg, sems):
        c = lax.axis_index("c")
        s = lax.axis_index("s")
        r0 = s * ROWS_PER_SUB
        pltpu.sync_copy(zeros_hbm.at[pl.ds(r0, ROWS_PER_SUB)],
                        acc_sh.at[pl.ds(r0, ROWS_PER_SUB)])
        plsc.subcore_barrier()

        def body(src_b, dst_b):
            gs = [pltpu.async_copy(table_hbm.at[src_b.at[j]],
                                   rows_v.at[pl.ds(j * 128, 128)], semg)
                  for j in range(24)]
            sc = []
            for j in range(24):
                gs[j].wait()
                sc.append(pltpu.async_copy(rows_v.at[pl.ds(j * 128, 128)],
                                           acc_sh.at[dst_b.at[j]], sems,
                                           add=True))
            for d in sc:
                d.wait()

        pltpu.emit_pipeline(
            body,
            grid=(IDX_ROWS // 24,),
            in_specs=[
                pl.BlockSpec((24, 128), lambda i: (i, 0)),
                pl.BlockSpec((24, 128), lambda i: (i, 0)),
            ],
            out_specs=[],
            core_axis_name=("c", "s"),
            dimension_semantics=(pltpu.PARALLEL,),
        )(src_hbm, dst_hbm)

        plsc.subcore_barrier()
        pltpu.sync_copy(acc_sh.at[pl.ds(r0, ROWS_PER_SUB)],
                        out_hbm.at[c].at[pl.ds(r0, ROWS_PER_SUB)])

    return agg1(table, srcp, dstp, zeros)


def _agg2_call(table2, srcp, dstp, zeros):

    @functools.partial(
        pl.kernel,
        out_type=jax.ShapeDtypeStruct((2, N_PAD, 16), jnp.float32),
        mesh=_sc_mesh(),
        scratch_types=[
            pltpu.VMEM((1536, 16), jnp.float32),
            pltpu.VMEM_SHARED((N_ACC, 16), jnp.float32),
            pltpu.SemaphoreType.DMA,
            pltpu.SemaphoreType.DMA,
        ],
        compiler_params=_SC_PARAMS,
    )
    def agg2(table_hbm, src_hbm, dst_hbm, zeros_hbm, out_hbm,
             rows_v, acc_sh, semg, sems):
        c = lax.axis_index("c")
        s = lax.axis_index("s")
        r0 = s * ROWS_PER_SUB
        pltpu.sync_copy(zeros_hbm.at[pl.ds(r0, ROWS_PER_SUB)],
                        acc_sh.at[pl.ds(r0, ROWS_PER_SUB)])
        plsc.subcore_barrier()
        tab = table_hbm.at[c]

        def body(src_b, dst_b):
            gs = [pltpu.async_copy(tab.at[src_b.at[j]],
                                   rows_v.at[pl.ds(j * 128, 128)], semg)
                  for j in range(12)]
            sc = []
            for j in range(12):
                gs[j].wait()
                sc.append(pltpu.async_copy(rows_v.at[pl.ds(j * 128, 128)],
                                           acc_sh.at[dst_b.at[j]], sems,
                                           add=True))
            for d in sc:
                d.wait()

        pltpu.emit_pipeline(
            body,
            grid=(IDX_ROWS // 12,),
            in_specs=[
                pl.BlockSpec((12, 128), lambda i: (i, 0)),
                pl.BlockSpec((12, 128), lambda i: (i, 0)),
            ],
            out_specs=[],
            core_axis_name="s",
            dimension_semantics=(pltpu.PARALLEL,),
        )(src_hbm, dst_hbm)

        plsc.subcore_barrier()
        pltpu.sync_copy(acc_sh.at[pl.ds(r0, ROWS_PER_SUB)],
                        out_hbm.at[c].at[pl.ds(r0, ROWS_PER_SUB)])

    return agg2(table2, srcp, dstp, zeros)


def _dense1_body(aggp_ref, x_ref, wl_ref, wr_ref, b_ref, t2_ref, scale_ref):
    agg = aggp_ref[0] + aggp_ref[1]
    cnt = agg[:, 4:5]
    scale = 1.0 / jnp.maximum(cnt, 1.0)
    mean = agg[:, 0:4] * scale
    h = (jnp.dot(mean, wl_ref[...], preferred_element_type=jnp.float32)
         + b_ref[...]
         + jnp.dot(x_ref[...], wr_ref[...], preferred_element_type=jnp.float32))
    h = jnp.maximum(h, 0.0)
    t2_ref[0] = h[:, :16]
    t2_ref[1] = h[:, 16:]
    scale_ref[...] = scale


def _dense2_body(a2_ref, t2_ref, scale_ref, wl_ref, wr_ref, b_ref, o_ref):
    agg = jnp.concatenate([a2_ref[0], a2_ref[1]], axis=1)
    h1 = jnp.concatenate([t2_ref[0], t2_ref[1]], axis=1)
    mean = agg * scale_ref[...]
    o = (jnp.dot(mean, wl_ref[...], preferred_element_type=jnp.float32)
         + b_ref[...]
         + jnp.dot(h1, wr_ref[...], preferred_element_type=jnp.float32))
    o_ref[...] = jnp.maximum(o, 0.0)


def _dense1_call(aggp, x, W1l, W1r, b1):
    return pl.pallas_call(
        _dense1_body,
        grid=(N_GRID,),
        in_specs=[
            pl.BlockSpec((2, TC_BLOCK, 8), lambda i: (0, i, 0)),
            pl.BlockSpec((TC_BLOCK, 4), lambda i: (i, 0)),
            pl.BlockSpec((4, 32), lambda i: (0, 0)),
            pl.BlockSpec((4, 32), lambda i: (0, 0)),
            pl.BlockSpec((1, 32), lambda i: (0, 0)),
        ],
        out_specs=[
            pl.BlockSpec((2, TC_BLOCK, 16), lambda i: (0, i, 0)),
            pl.BlockSpec((TC_BLOCK, 1), lambda i: (i, 0)),
        ],
        out_shape=[
            jax.ShapeDtypeStruct((2, N_PAD, 16), jnp.float32),
            jax.ShapeDtypeStruct((N_PAD, 1), jnp.float32),
        ],
    )(aggp, x, W1l, W1r, b1)


def _dense2_call(a2, t2, scale, W2l, W2r, b2, n_out):
    return pl.pallas_call(
        _dense2_body,
        grid=(N_GRID,),
        in_specs=[
            pl.BlockSpec((2, TC_BLOCK, 16), lambda i: (0, i, 0)),
            pl.BlockSpec((2, TC_BLOCK, 16), lambda i: (0, i, 0)),
            pl.BlockSpec((TC_BLOCK, 1), lambda i: (i, 0)),
            pl.BlockSpec((32, 32), lambda i: (0, 0)),
            pl.BlockSpec((32, 32), lambda i: (0, 0)),
            pl.BlockSpec((1, 32), lambda i: (0, 0)),
        ],
        out_specs=pl.BlockSpec((TC_BLOCK, 32), lambda i: (i, 0)),
        out_shape=jax.ShapeDtypeStruct((n_out, 32), jnp.float32),
    )(a2, t2, scale, W2l, W2r, b2)


def kernel(x, edge_index, W1l, W1r, b1, W2l, W2r, b2):
    N = x.shape[0]
    E = edge_index.shape[1]
    src = edge_index[0]
    dst = edge_index[1]

    npad = E_PAD - E
    spread = jax.lax.iota(jnp.int32, npad) % 2048
    dspread = jax.lax.iota(jnp.int32, npad) % 64
    srcp = jnp.concatenate([src, spread]).reshape(IDX_ROWS, 128)
    dstp = jnp.concatenate([dst, N + dspread]).reshape(IDX_ROWS, 128)

    table1 = jnp.pad(
        jnp.concatenate(
            [x, jnp.ones((N, 1), jnp.float32), jnp.zeros((N, 3), jnp.float32)],
            axis=1),
        ((0, N_PAD - N), (0, 0)))

    zeros8 = jnp.zeros((N_ACC, 8), jnp.float32)
    zeros16 = jnp.zeros((N_ACC, 16), jnp.float32)
    b1r = b1.reshape(1, 32)
    b2r = b2.reshape(1, 32)

    aggp = _agg1_call(table1, srcp, dstp, zeros8)
    t2, scale = _dense1_call(aggp, x, W1l, W1r, b1r)
    a2 = _agg2_call(t2, srcp, dstp, zeros16)
    out = _dense2_call(a2, t2, scale, W2l, W2r, b2r, N)
    return out

# --- scband reference (transcript-rebuilt; emitter-appended) ---
"""Pipeline reference for scband-gnn-89610197663847 (READ-ONLY COPY).

The authoritative reference and input builder live on the scoring server;
editing this copy changes nothing except your own understanding.
"""

import jax, jax.numpy as jnp
import numpy as np

N = 100000
E = 1600000


def setup_inputs(seed: int = 0) -> dict:
    key = jax.random.key(seed)
    ks = jax.random.split(key, 8)
    x = jax.random.normal(ks[0], (N, 4), dtype=jnp.float32)
    edge_index = jax.random.randint(ks[1], (2, E), 0, N, dtype=jnp.int32)
    # SAGEConv layer 1: (4,4) -> 32. lin_l (applied to aggregated msgs, has bias), lin_r (root weight, no bias)
    W1l = jax.random.normal(ks[2], (4, 32), dtype=jnp.float32) * 0.5
    W1r = jax.random.normal(ks[3], (4, 32), dtype=jnp.float32) * 0.5
    b1 = jnp.zeros((32,), dtype=jnp.float32)
    # SAGEConv layer 2: (32,32) -> 32
    W2l = jax.random.normal(ks[4], (32, 32), dtype=jnp.float32) * 0.18
    W2r = jax.random.normal(ks[5], (32, 32), dtype=jnp.float32) * 0.18
    b2 = jnp.zeros((32,), dtype=jnp.float32)
    return {"x": x, "edge_index": edge_index, "W1l": W1l, "W1r": W1r, "b1": b1, "W2l": W2l, "W2r": W2r, "b2": b2}


def _sage_conv(h, src, dst, Wl, Wr, b):
    # PyG SAGEConv with mean aggregation: out = lin_l(mean_{j in N(i)} x_j) + lin_r(x_i)
    msg = jnp.take(h, src, axis=0)                                   # gather  [E, d]
    agg = jax.ops.segment_sum(msg, dst, num_segments=h.shape[0])     # scatter-add [N, d]
    cnt = jax.ops.segment_sum(jnp.ones((src.shape[0],), h.dtype), dst, num_segments=h.shape[0])
    mean = agg / jnp.maximum(cnt, 1.0)[:, None]
    return mean @ Wl + b + h @ Wr


def reference(x, edge_index, W1l, W1r, b1, W2l, W2r, b2):
    src = edge_index[0]
    dst = edge_index[1]
    h = jax.nn.relu(_sage_conv(x, src, dst, W1l, W1r, b1))
    h = jax.nn.relu(_sage_conv(h, src, dst, W2l, W2r, b2))
    return h

if __name__ == "__main__":
    import jax
    _d = setup_inputs()
    print(jax.jit(kernel)(*tuple(_d.values())))

</pallas_src>

<mosaic_0001>
#map = affine_map<(d0, d1) -> (0, 0, 0)>
#map1 = affine_map<(d0, d1) -> (0, 0)>
module attributes {stable_mosaic.version = 14 : i64} {
  func.func @agg2(%arg0: i32, %arg1: i32, %arg2: memref<2x102400x16xf32, #tpu.memory_space<hbm>>, %arg3: memref<13056x128xi32, #tpu.memory_space<hbm>>, %arg4: memref<13056x128xi32, #tpu.memory_space<hbm>>, %arg5: memref<100096x16xf32, #tpu.memory_space<hbm>>, %arg6: memref<2x102400x16xf32, #tpu.memory_space<hbm>>, %arg7: memref<1536x16xf32, #tpu.memory_space<vmem>>, %arg8: memref<100096x16xf32, #tpu.memory_space<vmem_shared>>, %arg9: memref<!tpu.dma_semaphore, #tpu.memory_space<semaphore_mem>>, %arg10: memref<!tpu.dma_semaphore, #tpu.memory_space<semaphore_mem>>) attributes {dimension_semantics = [#tpu.dimension_semantics<core_parallel>, #tpu.dimension_semantics<subcore_parallel>], iteration_bounds = array<i64: 2, 16>, scalar_prefetch = 0 : i64, scratch_operands = 4 : i64, tpu.core_type = #tpu.core_type<sc_vector_subcore>, window_params = [{transform_indices = #map}, {transform_indices = #map1}, {transform_indices = #map1}, {transform_indices = #map1}, {transform_indices = #map}]} {
    %mul3A = arith.constant 6256 : i32
    %mul3A_0 = arith.muli %arg1, %mul3A : i32
    "tpu.region"() ({
      %run_scoped3A = tpu.sem_alloc : memref<!tpu.dma_semaphore, #tpu.memory_space<semaphore_mem>>
      %dma_start3A = arith.constant 0 : i32
      %dma_start3A_4 = tpu.memref_slice %arg8[%mul3A_0, %dma_start3A] : memref<100096x16xf32, #tpu.memory_space<vmem_shared>> -> memref<6256x16xf32, #tpu.memory_space<vmem_shared>>
      %dma_start3A_5 = arith.constant 0 : i32
      %dma_start3A_6 = tpu.memref_slice %arg5[%mul3A_0, %dma_start3A_5] : memref<100096x16xf32, #tpu.memory_space<hbm>> -> memref<6256x16xf32, #tpu.memory_space<hbm>>
      tpu.enqueue_dma source(%dma_start3A_6 : memref<6256x16xf32, #tpu.memory_space<hbm>>) target(%dma_start3A_4 : memref<6256x16xf32, #tpu.memory_space<vmem_shared>>) target_semaphore(%run_scoped3A : memref<!tpu.dma_semaphore, #tpu.memory_space<semaphore_mem>>)
      %dma_wait3A = arith.constant 0 : i32
      %dma_wait3A_7 = tpu.memref_slice %arg8[%mul3A_0, %dma_wait3A] : memref<100096x16xf32, #tpu.memory_space<vmem_shared>> -> memref<6256x16xf32, #tpu.memory_space<vmem_shared>>
      %dma_wait3A_8 = arith.constant 0 : i32
      %dma_wait3A_9 = tpu.memref_slice %arg5[%mul3A_0, %dma_wait3A_8] : memref<100096x16xf32, #tpu.memory_space<hbm>> -> memref<6256x16xf32, #tpu.memory_space<hbm>>
      tpu.wait_dma2 semaphore(%run_scoped3A : memref<!tpu.dma_semaphore, #tpu.memory_space<semaphore_mem>>) src(%dma_wait3A_9 : memref<6256x16xf32, #tpu.memory_space<hbm>>) dst(%dma_wait3A_7 : memref<6256x16xf32, #tpu.memory_space<vmem_shared>>)
      tpu.yield
    }) : () -> ()
    %barrier3A = arith.constant 0 : index
    tpu.barrier barrier_id(%barrier3A)
    %mul3A_1 = arith.constant 68 : i32
    %mul3A_2 = arith.muli %arg1, %mul3A_1 : i32
    "tpu.region"() ({
      %run_scoped3A = memref.alloca() : memref<2x12x128xi32, #tpu.memory_space<vmem>>
      %run_scoped3A_4 = tpu.sem_alloc : memref<2x!tpu.dma_semaphore, #tpu.memory_space<semaphore_mem>>
      %run_scoped3A_5 = memref.alloca() : memref<2x12x128xi32, #tpu.memory_space<vmem>>
      %run_scoped3A_6 = tpu.sem_alloc : memref<2x!tpu.dma_semaphore, #tpu.memory_space<semaphore_mem>>
      %add3A = arith.constant 0 : i32
      %add3A_7 = arith.addi %add3A, %mul3A_2 : i32
      %select_n3A = arith.constant true
      %select_n3A_8 = arith.constant 0 : i32
      %select_n3A_9 = arith.constant -1 : i32
      %select_n3A_10 = arith.select %select_n3A, %select_n3A_9, %select_n3A_8 : i32
      %eq3A = arith.constant -1 : i32
      %eq3A_11 = arith.cmpi eq, %select_n3A_10, %eq3A : i32
      %select_n3A_12 = arith.constant 67 : i32
      %select_n3A_13 = arith.select %eq3A_11, %select_n3A_12, %select_n3A_10 : i32
      %add3A_14 = arith.addi %select_n3A_13, %mul3A_2 : i32
      %select_n3A_15 = arith.constant true
      %select_n3A_16 = arith.constant 0 : i32
      %select_n3A_17 = arith.constant 1 : i32
      %select_n3A_18 = arith.select %select_n3A_15, %select_n3A_17, %select_n3A_16 : i32
      %eq3A_19 = arith.constant 68 : i32
      %eq3A_20 = arith.cmpi eq, %select_n3A_18, %eq3A_19 : i32
      %select_n3A_21 = arith.constant 0 : i32
      %select_n3A_22 = arith.select %eq3A_20, %select_n3A_21, %select_n3A_18 : i32
      %add3A_23 = arith.addi %select_n3A_22, %mul3A_2 : i32
      %add3A_24 = arith.constant 1 : i32
      %add3A_25 = arith.addi %select_n3A_22, %add3A_24 : i32
      %select_n3A_26 = arith.constant true
      %select_n3A_27 = arith.select %select_n3A_26, %add3A_25, %select_n3A_22 : i32
      %eq3A_28 = arith.constant 68 : i32
      %eq3A_29 = arith.cmpi eq, %select_n3A_27, %eq3A_28 : i32
      %select_n3A_30 = arith.constant 0 : i32
      %select_n3A_31 = arith.select %eq3A_29, %select_n3A_30, %select_n3A_27 : i32
      %add3A_32 = arith.addi %select_n3A_31, %mul3A_2 : i32
      "tpu.trace_start"() <{level = 10 : i32, message = "ep_initialize_0"}> : () -> ()
      %rem3A = arith.constant 0 : i32
      %rem3A_33 = arith.constant 2 : i32
      %rem3A_34 = arith.remui %rem3A, %rem3A_33 : i32
      %mul3A_35 = arith.constant 12 : i32
      %mul3A_36 = arith.muli %mul3A_35, %add3A_7 : i32
      %dma_start3A = arith.constant 0 : i32
      %dma_start3A_37 = arith.constant 0 : i32
      %dma_start3A_38 = tpu.memref_slice %run_scoped3A[%rem3A_34, %dma_start3A, %dma_start3A_37] : memref<2x12x128xi32, #tpu.memory_space<vmem>> -> memref<1x12x128xi32, #tpu.memory_space<vmem>>
      %dma_start3A_39 = tpu.memref_squeeze %dma_start3A_38 : memref<1x12x128xi32, #tpu.memory_space<vmem>> -> memref<12x128xi32, #tpu.memory_space<vmem>>
      %dma_start3A_40 = arith.constant 0 : i32
      %dma_start3A_41 = tpu.memref_slice %arg3[%mul3A_36, %dma_start3A_40] : memref<13056x128xi32, #tpu.memory_space<hbm>> -> memref<12x128xi32, #tpu.memory_space<hbm>>
      %dma_start3A_42 = tpu.memref_slice %run_scoped3A_4[%rem3A_34] : memref<2x!tpu.dma_semaphore, #tpu.memory_space<semaphore_mem>> -> memref<1x!tpu.dma_semaphore, #tpu.memory_space<semaphore_mem>>
      %dma_start3A_43 = tpu.memref_squeeze %dma_start3A_42 : memref<1x!tpu.dma_semaphore, #tpu.memory_space<semaphore_mem>> -> memref<!tpu.dma_semaphore, #tpu.memory_space<semaphore_mem>>
      %dma_start3A_44 = arith.constant 0 : i32
      %dma_start3A_45 = arith.constant 0 : i32
      %dma_start3A_46 = tpu.memref_slice %run_scoped3A[%rem3A_34, %dma_start3A_44, %dma_start3A_45] : memref<2x12x128xi32, #tpu.memory_space<vmem>> -> memref<1x12x128xi32, #tpu.memory_space<vmem>>
      %dma_start3A_47 = tpu.memref_squeeze %dma_start3A_46 : memref<1x12x128xi32, #tpu.memory_space<vmem>> -> memref<12x128xi32, #tpu.memory_space<vmem>>
      %dma_start3A_48 = arith.constant 0 : i32
      %dma_start3A_49 = tpu.memref_slice %arg3[%mul3A_36, %dma_start3A_48] : memref<13056x128xi32, #tpu.memory_space<hbm>> -> memref<12x128xi32, #tpu.memory_space<hbm>>
      tpu.enqueue_dma source(%dma_start3A_49 : memref<12x128xi32, #tpu.memory_space<hbm>>) target(%dma_start3A_47 : memref<12x128xi32, #tpu.memory_space<vmem>>) target_semaphore(%dma_start3A_43 : memref<!tpu.dma_semaphore, #tpu.memory_space<semaphore_mem>>)
      %add3A_50 = arith.constant 0 : i32
      %add3A_51 = arith.constant 1 : i32
      %add3A_52 = arith.addi %add3A_50, %add3A_51 : i32
      %select_n3A_53 = arith.constant true
      %select_n3A_54 = arith.constant 0 : i32
      %select_n3A_55 = arith.select %select_n3A_53, %add3A_52, %select_n3A_54 : i32
      %rem3A_56 = arith.constant 0 : i32
      %rem3A_57 = arith.constant 2 : i32
      %rem3A_58 = arith.remui %rem3A_56, %rem3A_57 : i32
      %mul3A_59 = arith.constant 12 : i32
      %mul3A_60 = arith.muli %mul3A_59, %add3A_7 : i32
      %dma_start3A_61 = arith.constant 0 : i32
      %dma_start3A_62 = arith.constant 0 : i32
      %dma_start3A_63 = tpu.memref_slice %run_scoped3A_5[%rem3A_58, %dma_start3A_61, %dma_start3A_62] : memref<2x12x128xi32, #tpu.memory_space<vmem>> -> memref<1x12x128xi32, #tpu.memory_space<vmem>>
      %dma_start3A_64 = tpu.memref_squeeze %dma_start3A_63 : memref<1x12x128xi32, #tpu.memory_space<vmem>> -> memref<12x128xi32, #tpu.memory_space<vmem>>
      %dma_start3A_65 = arith.constant 0 : i32
      %dma_start3A_66 = tpu.memref_slice %arg4[%mul3A_60, %dma_start3A_65] : memref<13056x128xi32, #tpu.memory_space<hbm>> -> memref<12x128xi32, #tpu.memory_space<hbm>>
      %dma_start3A_67 = tpu.memref_slice %run_scoped3A_6[%rem3A_58] : memref<2x!tpu.dma_semaphore, #tpu.memory_space<semaphore_mem>> -> memref<1x!tpu.dma_semaphore, #tpu.memory_space<semaphore_mem>>
      %dma_start3A_68 = tpu.memref_squeeze %dma_start3A_67 : memref<1x!tpu.dma_semaphore, #tpu.memory_space<semaphore_mem>> -> memref<!tpu.dma_semaphore, #tpu.memory_space<semaphore_mem>>
      %dma_start3A_69 = arith.constant 0 : i32
      %dma_start3A_70 = arith.constant 0 : i32
      %dma_start3A_71 = tpu.memref_slice %run_scoped3A_5[%rem3A_58, %dma_start3A_69, %dma_start3A_70] : memref<2x12x128xi32, #tpu.memory_space<vmem>> -> memref<1x12x128xi32, #tpu.memory_space<vmem>>
      %dma_start3A_72 = tpu.memref_squeeze %dma_start3A_71 : memref<1x12x128xi32, #tpu.memory_space<vmem>> -> memref<12x128xi32, #tpu.memory_space<vmem>>
      %dma_start3A_73 = arith.constant 0 : i32
      %dma_start3A_74 = tpu.memref_slice %arg4[%mul3A_60, %dma_start3A_73] : memref<13056x128xi32, #tpu.memory_space<hbm>> -> memref<12x128xi32, #tpu.memory_space<hbm>>
      tpu.enqueue_dma source(%dma_start3A_74 : memref<12x128xi32, #tpu.memory_space<hbm>>) target(%dma_start3A_72 : memref<12x128xi32, #tpu.memory_space<vmem>>) target_semaphore(%dma_start3A_68 : memref<!tpu.dma_semaphore, #tpu.memory_space<semaphore_mem>>)
      %add3A_75 = arith.constant 0 : i32
      %add3A_76 = arith.constant 1 : i32
      %add3A_77 = arith.addi %add3A_75, %add3A_76 : i32
      %select_n3A_78 = arith.constant true
      %select_n3A_79 = arith.constant 0 : i32
      %select_n3A_80 = arith.select %select_n3A_78, %add3A_77, %select_n3A_79 : i32
      "tpu.trace_stop"() : () -> ()
      %scan3A = arith.constant 0 : i32
      %scan3A_81 = arith.constant 0 : i32
      %scan3A_82 = arith.constant 0 : i32
      %scan3A_83 = arith.constant 0 : i32
      %scan3A_84 = arith.constant 68 : i32
      %scan3A_85 = arith.addi %scan3A_83, %scan3A_84 : i32
      %scan3A_86 = arith.constant 1 : i32
      %scan3A_87:5 = scf.for %scan3A_124 = %scan3A_83 to %scan3A_85 step %scan3A_86 iter_args(%scan3A_125 = %select_n3A_55, %scan3A_126 = %scan3A, %scan3A_127 = %select_n3A_80, %scan3A_128 = %scan3A_81, %scan3A_129 = %scan3A_82) -> (i32, i32, i32, i32, i32)  : i32 {
        %eq3A_130 = arith.constant 0 : i32
        %eq3A_131 = arith.cmpi eq, %scan3A_124, %eq3A_130 : i32
        %eq3A_132 = arith.constant 67 : i32
        %eq3A_133 = arith.cmpi eq, %scan3A_124, %eq3A_132 : i32
        %add3A_134 = arith.addi %scan3A_129, %mul3A_2 : i32
        %sub3A_135 = arith.constant 1 : i32
        %sub3A_136 = arith.subi %scan3A_129, %sub3A_135 : i32
        %select_n3A_137 = arith.constant true
        %select_n3A_138 = arith.select %select_n3A_137, %sub3A_136, %scan3A_129 : i32
        %eq3A_139 = arith.constant -1 : i32
        %eq3A_140 = arith.cmpi eq, %select_n3A_138, %eq3A_139 : i32
        %select_n3A_141 = arith.constant 67 : i32
        %select_n3A_142 = arith.select %eq3A_140, %select_n3A_141, %select_n3A_138 : i32
        %add3A_143 = arith.addi %select_n3A_142, %mul3A_2 : i32
        %add3A_144 = arith.constant 1 : i32
        %add3A_145 = arith.addi %scan3A_129, %add3A_144 : i32
        %select_n3A_146 = arith.constant true
        %select_n3A_147 = arith.select %select_n3A_146, %add3A_145, %scan3A_129 : i32
        %eq3A_148 = arith.constant 68 : i32
        %eq3A_149 = arith.cmpi eq, %select_n3A_147, %eq3A_148 : i32
        %select_n3A_150 = arith.constant 0 : i32
        %select_n3A_151 = arith.select %eq3A_149, %select_n3A_150, %select_n3A_147 : i32
        %add3A_152 = arith.addi %select_n3A_151, %mul3A_2 : i32
        %add3A_153 = arith.constant 1 : i32
        %add3A_154 = arith.addi %select_n3A_151, %add3A_153 : i32
        %select_n3A_155 = arith.constant true
        %select_n3A_156 = arith.select %select_n3A_155, %add3A_154, %select_n3A_151 : i32
        %eq3A_157 = arith.constant 68 : i32
        %eq3A_158 = arith.cmpi eq, %select_n3A_156, %eq3A_157 : i32
        %select_n3A_159 = arith.constant 0 : i32
        %select_n3A_160 = arith.select %eq3A_158, %select_n3A_159, %select_n3A_156 : i32
        %add3A_161 = arith.addi %select_n3A_160, %mul3A_2 : i32
        %ne3A = arith.cmpi ne, %add3A_134, %add3A_152 : i32
        %or3A = arith.constant false
        %or3A_162 = arith.ori %or3A, %ne3A : i1
        %or3A_163 = arith.constant false
        %or3A_164 = arith.ori %or3A_162, %or3A_163 : i1
        %ge3A = arith.constant 67 : i32
        %ge3A_165 = arith.cmpi sge, %scan3A_124, %ge3A : i32
        %not3A = arith.constant true
        %not3A_166 = arith.xori %ge3A_165, %not3A : i1
        %and3A = arith.andi %or3A_164, %not3A_166 : i1
        %convert_element_type3A = arith.extui %and3A : i1 to i32
        %cond3A = arith.constant 0 : i32
        %cond3A_167 = arith.cmpi ne, %convert_element_type3A, %cond3A : i32
        scf.if %cond3A_167 {
          "tpu.trace_start"() <{level = 10 : i32, message = "ep_copy_in"}> : () -> ()
          %rem3A_1054 = arith.constant 2 : i32
          %rem3A_1055 = arith.remui %scan3A_125, %rem3A_1054 : i32
          %mul3A_1056 = arith.constant 12 : i32
          %mul3A_1057 = arith.muli %mul3A_1056, %add3A_152 : i32
          %dma_start3A_1058 = arith.constant 0 : i32
          %dma_start3A_1059 = arith.constant 0 : i32
          %dma_start3A_1060 = tpu.memref_slice %run_scoped3A[%rem3A_1055, %dma_start3A_1058, %dma_start3A_1059] : memref<2x12x128xi32, #tpu.memory_space<vmem>> -> memref<1x12x128xi32, #tpu.memory_space<vmem>>
          %dma_start3A_1061 = tpu.memref_squeeze %dma_start3A_1060 : memref<1x12x128xi32, #tpu.memory_space<vmem>> -> memref<12x128xi32, #tpu.memory_space<vmem>>
          %dma_start3A_1062 = arith.constant 0 : i32
          %dma_start3A_1063 = tpu.memref_slice %arg3[%mul3A_1057, %dma_start3A_1062] : memref<13056x128xi32, #tpu.memory_space<hbm>> -> memref<12x128xi32, #tpu.memory_space<hbm>>
          %dma_start3A_1064 = tpu.memref_slice %run_scoped3A_4[%rem3A_1055] : memref<2x!tpu.dma_semaphore, #tpu.memory_space<semaphore_mem>> -> memref<1x!tpu.dma_semaphore, #tpu.memory_space<semaphore_mem>>
          %dma_start3A_1065 = tpu.memref_squeeze %dma_start3A_1064 : memref<1x!tpu.dma_semaphore, #tpu.memory_space<semaphore_mem>> -> memref<!tpu.dma_semaphore, #tpu.memory_space<semaphore_mem>>
          %dma_start3A_1066 = arith.constant 0 : i32
          %dma_start3A_1067 = arith.constant 0 : i32
          %dma_start3A_1068 = tpu.memref_slice %run_scoped3A[%rem3A_1055, %dma_start3A_1066, %dma_start3A_1067] : memref<2x12x128xi32, #tpu.memory_space<vmem>> -> memref<1x12x128xi32, #tpu.memory_space<vmem>>
          %dma_start3A_1069 = tpu.memref_squeeze %dma_start3A_1068 : memref<1x12x128xi32, #tpu.memory_space<vmem>> -> memref<12x128xi32, #tpu.memory_space<vmem>>
          %dma_start3A_1070 = arith.constant 0 : i32
          %dma_start3A_1071 = tpu.memref_slice %arg3[%mul3A_1057, %dma_start3A_1070] : memref<13056x128xi32, #tpu.memory_space<hbm>> -> memref<12x128xi32, #tpu.memory_space<hbm>>
          tpu.enqueue_dma source(%dma_start3A_1071 : memref<12x128xi32, #tpu.memory_space<hbm>>) target(%dma_start3A_1069 : memref<12x128xi32, #tpu.memory_space<vmem>>) target_semaphore(%dma_start3A_1065 : memref<!tpu.dma_semaphore, #tpu.memory_space<semaphore_mem>>)
          "tpu.trace_stop"() : () -> ()
        } else {
        }
        %and3A_168 = arith.constant true
        %and3A_169 = arith.andi %and3A, %and3A_168 : i1
        %add3A_170 = arith.constant 1 : i32
        %add3A_171 = arith.addi %scan3A_125, %add3A_170 : i32
        %select_n3A_172 = arith.select %and3A_169, %add3A_171, %scan3A_125 : i32
        %ne3A_173 = arith.cmpi ne, %add3A_134, %add3A_152 : i32
        %or3A_174 = arith.constant false
        %or3A_175 = arith.ori %or3A_174, %ne3A_173 : i1
        %or3A_176 = arith.constant false
        %or3A_177 = arith.ori %or3A_175, %or3A_176 : i1
        %ge3A_178 = arith.constant 67 : i32
        %ge3A_179 = arith.cmpi sge, %scan3A_124, %ge3A_178 : i32
        %not3A_180 = arith.constant true
        %not3A_181 = arith.xori %ge3A_179, %not3A_180 : i1
        %and3A_182 = arith.andi %or3A_177, %not3A_181 : i1
        %convert_element_type3A_183 = arith.extui %and3A_182 : i1 to i32
        %cond3A_184 = arith.constant 0 : i32
        %cond3A_185 = arith.cmpi ne, %convert_element_type3A_183, %cond3A_184 : i32
        scf.if %cond3A_185 {
          "tpu.trace_start"() <{level = 10 : i32, message = "ep_copy_in"}> : () -> ()
          %rem3A_1054 = arith.constant 2 : i32
          %rem3A_1055 = arith.remui %scan3A_127, %rem3A_1054 : i32
          %mul3A_1056 = arith.constant 12 : i32
          %mul3A_1057 = arith.muli %mul3A_1056, %add3A_152 : i32
          %dma_start3A_1058 = arith.constant 0 : i32
          %dma_start3A_1059 = arith.constant 0 : i32
          %dma_start3A_1060 = tpu.memref_slice %run_scoped3A_5[%rem3A_1055, %dma_start3A_1058, %dma_start3A_1059] : memref<2x12x128xi32, #tpu.memory_space<vmem>> -> memref<1x12x128xi32, #tpu.memory_space<vmem>>
          %dma_start3A_1061 = tpu.memref_squeeze %dma_start3A_1060 : memref<1x12x128xi32, #tpu.memory_space<vmem>> -> memref<12x128xi32, #tpu.memory_space<vmem>>
          %dma_start3A_1062 = arith.constant 0 : i32
          %dma_start3A_1063 = tpu.memref_slice %arg4[%mul3A_1057, %dma_start3A_1062] : memref<13056x128xi32, #tpu.memory_space<hbm>> -> memref<12x128xi32, #tpu.memory_space<hbm>>
          %dma_start3A_1064 = tpu.memref_slice %run_scoped3A_6[%rem3A_1055] : memref<2x!tpu.dma_semaphore, #tpu.memory_space<semaphore_mem>> -> memref<1x!tpu.dma_semaphore, #tpu.memory_space<semaphore_mem>>
          %dma_start3A_1065 = tpu.memref_squeeze %dma_start3A_1064 : memref<1x!tpu.dma_semaphore, #tpu.memory_space<semaphore_mem>> -> memref<!tpu.dma_semaphore, #tpu.memory_space<semaphore_mem>>
          %dma_start3A_1066 = arith.constant 0 : i32
          %dma_start3A_1067 = arith.constant 0 : i32
          %dma_start3A_1068 = tpu.memref_slice %run_scoped3A_5[%rem3A_1055, %dma_start3A_1066, %dma_start3A_1067] : memref<2x12x128xi32, #tpu.memory_space<vmem>> -> memref<1x12x128xi32, #tpu.memory_space<vmem>>
          %dma_start3A_1069 = tpu.memref_squeeze %dma_start3A_1068 : memref<1x12x128xi32, #tpu.memory_space<vmem>> -> memref<12x128xi32, #tpu.memory_space<vmem>>
          %dma_start3A_1070 = arith.constant 0 : i32
          %dma_start3A_1071 = tpu.memref_slice %arg4[%mul3A_1057, %dma_start3A_1070] : memref<13056x128xi32, #tpu.memory_space<hbm>> -> memref<12x128xi32, #tpu.memory_space<hbm>>
          tpu.enqueue_dma source(%dma_start3A_1071 : memref<12x128xi32, #tpu.memory_space<hbm>>) target(%dma_start3A_1069 : memref<12x128xi32, #tpu.memory_space<vmem>>) target_semaphore(%dma_start3A_1065 : memref<!tpu.dma_semaphore, #tpu.memory_space<semaphore_mem>>)
          "tpu.trace_stop"() : () -> ()
        } else {
        }
        %and3A_186 = arith.constant true
        %and3A_187 = arith.andi %and3A_182, %and3A_186 : i1
        %add3A_188 = arith.constant 1 : i32
        %add3A_189 = arith.addi %scan3A_127, %add3A_188 : i32
        %select_n3A_190 = arith.select %and3A_187, %add3A_189, %scan3A_127 : i32
        %ne3A_191 = arith.cmpi ne, %add3A_134, %add3A_143 : i32
        %or3A_192 = arith.constant false
        %or3A_193 = arith.ori %or3A_192, %ne3A_191 : i1
        %or3A_194 = arith.constant false
        %or3A_195 = arith.ori %or3A_193, %or3A_194 : i1
        %or3A_196 = arith.ori %or3A_195, %eq3A_131 : i1
        %convert_element_type3A_197 = arith.extui %or3A_196 : i1 to i32
        %cond3A_198 = arith.constant 0 : i32
        %cond3A_199 = arith.cmpi ne, %convert_element_type3A_197, %cond3A_198 : i32
        scf.if %cond3A_199 {
          "tpu.trace_start"() <{level = 10 : i32, message = "ep_wait_in"}> : () -> ()
          %mul3A_1054 = arith.constant 12 : i32
          %mul3A_1055 = arith.muli %mul3A_1054, %add3A_134 : i32
          %rem3A_1056 = arith.constant 2 : i32
          %rem3A_1057 = arith.remui %scan3A_126, %rem3A_1056 : i32
          %dma_wait3A_1058 = arith.constant 0 : i32
          %dma_wait3A_1059 = arith.constant 0 : i32
          %dma_wait3A_1060 = tpu.memref_slice %run_scoped3A[%rem3A_1057, %dma_wait3A_1058, %dma_wait3A_1059] : memref<2x12x128xi32, #tpu.memory_space<vmem>> -> memref<1x12x128xi32, #tpu.memory_space<vmem>>
          %dma_wait3A_1061 = tpu.memref_squeeze %dma_wait3A_1060 : memref<1x12x128xi32, #tpu.memory_space<vmem>> -> memref<12x128xi32, #tpu.memory_space<vmem>>
          %dma_wait3A_1062 = arith.constant 0 : i32
          %dma_wait3A_1063 = tpu.memref_slice %arg3[%mul3A_1055, %dma_wait3A_1062] : memref<13056x128xi32, #tpu.memory_space<hbm>> -> memref<12x128xi32, #tpu.memory_space<hbm>>
          %dma_wait3A_1064 = tpu.memref_slice %run_scoped3A_4[%rem3A_1057] : memref<2x!tpu.dma_semaphore, #tpu.memory_space<semaphore_mem>> -> memref<1x!tpu.dma_semaphore, #tpu.memory_space<semaphore_mem>>
          %dma_wait3A_1065 = tpu.memref_squeeze %dma_wait3A_1064 : memref<1x!tpu.dma_semaphore, #tpu.memory_space<semaphore_mem>> -> memref<!tpu.dma_semaphore, #tpu.memory_space<semaphore_mem>>
          %dma_wait3A_1066 = arith.constant 0 : i32
          %dma_wait3A_1067 = arith.constant 0 : i32
          %dma_wait3A_1068 = tpu.memref_slice %run_scoped3A[%rem3A_1057, %dma_wait3A_1066, %dma_wait3A_1067] : memref<2x12x128xi32, #tpu.memory_space<vmem>> -> memref<1x12x128xi32, #tpu.memory_space<vmem>>
          %dma_wait3A_1069 = tpu.memref_squeeze %dma_wait3A_1068 : memref<1x12x128xi32, #tpu.memory_space<vmem>> -> memref<12x128xi32, #tpu.memory_space<vmem>>
          %dma_wait3A_1070 = arith.constant 0 : i32
          %dma_wait3A_1071 = tpu.memref_slice %arg3[%mul3A_1055, %dma_wait3A_1070] : memref<13056x128xi32, #tpu.memory_space<hbm>> -> memref<12x128xi32, #tpu.memory_space<hbm>>
          tpu.wait_dma2 semaphore(%dma_wait3A_1065 : memref<!tpu.dma_semaphore, #tpu.memory_space<semaphore_mem>>) src(%dma_wait3A_1071 : memref<12x128xi32, #tpu.memory_space<hbm>>) dst(%dma_wait3A_1069 : memref<12x128xi32, #tpu.memory_space<vmem>>)
          "tpu.trace_stop"() : () -> ()
        } else {
        }
        %ne3A_200 = arith.cmpi ne, %add3A_134, %add3A_143 : i32
        %or3A_201 = arith.constant false
        %or3A_202 = arith.ori %or3A_201, %ne3A_200 : i1
        %or3A_203 = arith.constant false
        %or3A_204 = arith.ori %or3A_202, %or3A_203 : i1
        %or3A_205 = arith.ori %or3A_204, %eq3A_131 : i1
        %convert_element_type3A_206 = arith.extui %or3A_205 : i1 to i32
        %cond3A_207 = arith.constant 0 : i32
        %cond3A_208 = arith.cmpi ne, %convert_element_type3A_206, %cond3A_207 : i32
        scf.if %cond3A_208 {
          "tpu.trace_start"() <{level = 10 : i32, message = "ep_wait_in"}> : () -> ()
          %mul3A_1054 = arith.constant 12 : i32
          %mul3A_1055 = arith.muli %mul3A_1054, %add3A_134 : i32
          %rem3A_1056 = arith.constant 2 : i32
          %rem3A_1057 = arith.remui %scan3A_128, %rem3A_1056 : i32
          %dma_wait3A_1058 = arith.constant 0 : i32
          %dma_wait3A_1059 = arith.constant 0 : i32
          %dma_wait3A_1060 = tpu.memref_slice %run_scoped3A_5[%rem3A_1057, %dma_wait3A_1058, %dma_wait3A_1059] : memref<2x12x128xi32, #tpu.memory_space<vmem>> -> memref<1x12x128xi32, #tpu.memory_space<vmem>>
          %dma_wait3A_1061 = tpu.memref_squeeze %dma_wait3A_1060 : memref<1x12x128xi32, #tpu.memory_space<vmem>> -> memref<12x128xi32, #tpu.memory_space<vmem>>
          %dma_wait3A_1062 = arith.constant 0 : i32
          %dma_wait3A_1063 = tpu.memref_slice %arg4[%mul3A_1055, %dma_wait3A_1062] : memref<13056x128xi32, #tpu.memory_space<hbm>> -> memref<12x128xi32, #tpu.memory_space<hbm>>
          %dma_wait3A_1064 = tpu.memref_slice %run_scoped3A_6[%rem3A_1057] : memref<2x!tpu.dma_semaphore, #tpu.memory_space<semaphore_mem>> -> memref<1x!tpu.dma_semaphore, #tpu.memory_space<semaphore_mem>>
          %dma_wait3A_1065 = tpu.memref_squeeze %dma_wait3A_1064 : memref<1x!tpu.dma_semaphore, #tpu.memory_space<semaphore_mem>> -> memref<!tpu.dma_semaphore, #tpu.memory_space<semaphore_mem>>
          %dma_wait3A_1066 = arith.constant 0 : i32
          %dma_wait3A_1067 = arith.constant 0 : i32
          %dma_wait3A_1068 = tpu.memref_slice %run_scoped3A_5[%rem3A_1057, %dma_wait3A_1066, %dma_wait3A_1067] : memref<2x12x128xi32, #tpu.memory_space<vmem>> -> memref<1x12x128xi32, #tpu.memory_space<vmem>>
          %dma_wait3A_1069 = tpu.memref_squeeze %dma_wait3A_1068 : memref<1x12x128xi32, #tpu.memory_space<vmem>> -> memref<12x128xi32, #tpu.memory_space<vmem>>
          %dma_wait3A_1070 = arith.constant 0 : i32
          %dma_wait3A_1071 = tpu.memref_slice %arg4[%mul3A_1055, %dma_wait3A_1070] : memref<13056x128xi32, #tpu.memory_space<hbm>> -> memref<12x128xi32, #tpu.memory_space<hbm>>
          tpu.wait_dma2 semaphore(%dma_wait3A_1065 : memref<!tpu.dma_semaphore, #tpu.memory_space<semaphore_mem>>) src(%dma_wait3A_1071 : memref<12x128xi32, #tpu.memory_space<hbm>>) dst(%dma_wait3A_1069 : memref<12x128xi32, #tpu.memory_space<vmem>>)
          "tpu.trace_stop"() : () -> ()
        } else {
        }
        %rem3A_209 = arith.constant 2 : i32
        %rem3A_210 = arith.remui %scan3A_126, %rem3A_209 : i32
        %rem3A_211 = arith.constant 2 : i32
        %rem3A_212 = arith.remui %scan3A_128, %rem3A_211 : i32
        %dma_start3A_213 = arith.constant 0 : i32
        "tpu.trace_start"() <{level = 10 : i32, message = "ep_run_kernel"}> : () -> ()
        %dma_start3A_214 = arith.constant 0 : i32
        %dma_start3A_215 = arith.constant 0 : i32
        %dma_start3A_216 = tpu.memref_slice %arg7[%dma_start3A_214, %dma_start3A_215] : memref<1536x16xf32, #tpu.memory_space<vmem>> -> memref<128x16xf32, #tpu.memory_space<vmem>>
        %dma_start3A_217 = arith.constant 0 : i32
        %dma_start3A_218 = arith.constant 0 : i32
        %dma_start3A_219 = tpu.memref_slice %run_scoped3A[%rem3A_210, %dma_start3A_217, %dma_start3A_218] : memref<2x12x128xi32, #tpu.memory_space<vmem>> -> memref<1x12x128xi32, #tpu.memory_space<vmem>>
        %dma_start3A_220 = tpu.memref_squeeze %dma_start3A_219 : memref<1x12x128xi32, #tpu.memory_space<vmem>> -> memref<12x128xi32, #tpu.memory_space<vmem>>
        %dma_start3A_221 = arith.constant 0 : i32
        %dma_start3A_222 = tpu.memref_slice %dma_start3A_220[%dma_start3A_213, %dma_start3A_221] : memref<12x128xi32, #tpu.memory_space<vmem>> -> memref<1x128xi32, #tpu.memory_space<vmem>>
        %dma_start3A_223 = tpu.memref_squeeze %dma_start3A_222 : memref<1x128xi32, #tpu.memory_space<vmem>> -> memref<128xi32, #tpu.memory_space<vmem>>
        %dma_start3A_224 = arith.constant 0 : i32
        %dma_start3A_225 = arith.constant 0 : i32
        %dma_start3A_226 = tpu.memref_slice %arg2[%arg0, %dma_start3A_224, %dma_start3A_225] : memref<2x102400x16xf32, #tpu.memory_space<hbm>> -> memref<1x102400x16xf32, #tpu.memory_space<hbm>>
        %dma_start3A_227 = tpu.memref_squeeze %dma_start3A_226 : memref<1x102400x16xf32, #tpu.memory_space<hbm>> -> memref<102400x16xf32, #tpu.memory_space<hbm>>
        %dma_start3A_228 = arith.constant 0 : i32
        %dma_start3A_229 = arith.constant 0 : i32
        %dma_start3A_230 = tpu.memref_slice %dma_start3A_227[%dma_start3A_228, %dma_start3A_229] : memref<102400x16xf32, #tpu.memory_space<hbm>> -> memref<102400x16xf32, #tpu.memory_space<hbm>>
        tpu.enqueue_indirect_dma source(%dma_start3A_230 : memref<102400x16xf32, #tpu.memory_space<hbm>>) target(%dma_start3A_216 : memref<128x16xf32, #tpu.memory_space<vmem>>) offsets(%dma_start3A_223 : memref<128xi32, #tpu.memory_space<vmem>>) semaphore(%arg9 : memref<!tpu.dma_semaphore, #tpu.memory_space<semaphore_mem>>)
        %dma_start3A_231 = arith.constant 1 : i32
        %dma_start3A_232 = arith.constant 128 : i32
        %dma_start3A_233 = arith.constant 0 : i32
        %dma_start3A_234 = tpu.memref_slice %arg7[%dma_start3A_232, %dma_start3A_233] : memref<1536x16xf32, #tpu.memory_space<vmem>> -> memref<128x16xf32, #tpu.memory_space<vmem>>
        %dma_start3A_235 = arith.constant 0 : i32
        %dma_start3A_236 = arith.constant 0 : i32
        %dma_start3A_237 = tpu.memref_slice %run_scoped3A[%rem3A_210, %dma_start3A_235, %dma_start3A_236] : memref<2x12x128xi32, #tpu.memory_space<vmem>> -> memref<1x12x128xi32, #tpu.memory_space<vmem>>
        %dma_start3A_238 = tpu.memref_squeeze %dma_start3A_237 : memref<1x12x128xi32, #tpu.memory_space<vmem>> -> memref<12x128xi32, #tpu.memory_space<vmem>>
        %dma_start3A_239 = arith.constant 0 : i32
        %dma_start3A_240 = tpu.memref_slice %dma_start3A_238[%dma_start3A_231, %dma_start3A_239] : memref<12x128xi32, #tpu.memory_space<vmem>> -> memref<1x128xi32, #tpu.memory_space<vmem>>
        %dma_start3A_241 = tpu.memref_squeeze %dma_start3A_240 : memref<1x128xi32, #tpu.memory_space<vmem>> -> memref<128xi32, #tpu.memory_space<vmem>>
        %dma_start3A_242 = arith.constant 0 : i32
        %dma_start3A_243 = arith.constant 0 : i32
        %dma_start3A_244 = tpu.memref_slice %arg2[%arg0, %dma_start3A_242, %dma_start3A_243] : memref<2x102400x16xf32, #tpu.memory_space<hbm>> -> memref<1x102400x16xf32, #tpu.memory_space<hbm>>
        %dma_start3A_245 = tpu.memref_squeeze %dma_start3A_244 : memref<1x102400x16xf32, #tpu.memory_space<hbm>> -> memref<102400x16xf32, #tpu.memory_space<hbm>>
        %dma_start3A_246 = arith.constant 0 : i32
        %dma_start3A_247 = arith.constant 0 : i32
        %dma_start3A_248 = tpu.memref_slice %dma_start3A_245[%dma_start3A_246, %dma_start3A_247] : memref<102400x16xf32, #tpu.memory_space<hbm>> -> memref<102400x16xf32, #tpu.memory_space<hbm>>
        tpu.enqueue_indirect_dma source(%dma_start3A_248 : memref<102400x16xf32, #tpu.memory_space<hbm>>) target(%dma_start3A_234 : memref<128x16xf32, #tpu.memory_space<vmem>>) offsets(%dma_start3A_241 : memref<128xi32, #tpu.memory_space<vmem>>) semaphore(%arg9 : memref<!tpu.dma_semaphore, #tpu.memory_space<semaphore_mem>>)
        %dma_start3A_249 = arith.constant 2 : i32
        %dma_start3A_250 = arith.constant 256 : i32
        %dma_start3A_251 = arith.constant 0 : i32
        %dma_start3A_252 = tpu.memref_slice %arg7[%dma_start3A_250, %dma_start3A_251] : memref<1536x16xf32, #tpu.memory_space<vmem>> -> memref<128x16xf32, #tpu.memory_space<vmem>>
        %dma_start3A_253 = arith.constant 0 : i32
        %dma_start3A_254 = arith.constant 0 : i32
        %dma_start3A_255 = tpu.memref_slice %run_scoped3A[%rem3A_210, %dma_start3A_253, %dma_start3A_254] : memref<2x12x128xi32, #tpu.memory_space<vmem>> -> memref<1x12x128xi32, #tpu.memory_space<vmem>>
        %dma_start3A_256 = tpu.memref_squeeze %dma_start3A_255 : memref<1x12x128xi32, #tpu.memory_space<vmem>> -> memref<12x128xi32, #tpu.memory_space<vmem>>
        %dma_start3A_257 = arith.constant 0 : i32
        %dma_start3A_258 = tpu.memref_slice %dma_start3A_256[%dma_start3A_249, %dma_start3A_257] : memref<12x128xi32, #tpu.memory_space<vmem>> -> memref<1x128xi32, #tpu.memory_space<vmem>>
        %dma_start3A_259 = tpu.memref_squeeze %dma_start3A_258 : memref<1x128xi32, #tpu.memory_space<vmem>> -> memref<128xi32, #tpu.memory_space<vmem>>
        %dma_start3A_260 = arith.constant 0 : i32
        %dma_start3A_261 = arith.constant 0 : i32
        %dma_start3A_262 = tpu.memref_slice %arg2[%arg0, %dma_start3A_260, %dma_start3A_261] : memref<2x102400x16xf32, #tpu.memory_space<hbm>> -> memref<1x102400x16xf32, #tpu.memory_space<hbm>>
        %dma_start3A_263 = tpu.memref_squeeze %dma_start3A_262 : memref<1x102400x16xf32, #tpu.memory_space<hbm>> -> memref<102400x16xf32, #tpu.memory_space<hbm>>
        %dma_start3A_264 = arith.constant 0 : i32
        %dma_start3A_265 = arith.constant 0 : i32
        %dma_start3A_266 = tpu.memref_slice %dma_start3A_263[%dma_start3A_264, %dma_start3A_265] : memref<102400x16xf32, #tpu.memory_space<hbm>> -> memref<102400x16xf32, #tpu.memory_space<hbm>>
        tpu.enqueue_indirect_dma source(%dma_start3A_266 : memref<102400x16xf32, #tpu.memory_space<hbm>>) target(%dma_start3A_252 : memref<128x16xf32, #tpu.memory_space<vmem>>) offsets(%dma_start3A_259 : memref<128xi32, #tpu.memory_space<vmem>>) semaphore(%arg9 : memref<!tpu.dma_semaphore, #tpu.memory_space<semaphore_mem>>)
        %dma_start3A_267 = arith.constant 3 : i32
        %dma_start3A_268 = arith.constant 384 : i32
        %dma_start3A_269 = arith.constant 0 : i32
        %dma_start3A_270 = tpu.memref_slice %arg7[%dma_start3A_268, %dma_start3A_269] : memref<1536x16xf32, #tpu.memory_space<vmem>> -> memref<128x16xf32, #tpu.memory_space<vmem>>
        %dma_start3A_271 = arith.constant 0 : i32
        %dma_start3A_272 = arith.constant 0 : i32
        %dma_start3A_273 = tpu.memref_slice %run_scoped3A[%rem3A_210, %dma_start3A_271, %dma_start3A_272] : memref<2x12x128xi32, #tpu.memory_space<vmem>> -> memref<1x12x128xi32, #tpu.memory_space<vmem>>
        %dma_start3A_274 = tpu.memref_squeeze %dma_start3A_273 : memref<1x12x128xi32, #tpu.memory_space<vmem>> -> memref<12x128xi32, #tpu.memory_space<vmem>>
        %dma_start3A_275 = arith.constant 0 : i32
        %dma_start3A_276 = tpu.memref_slice %dma_start3A_274[%dma_start3A_267, %dma_start3A_275] : memref<12x128xi32, #tpu.memory_space<vmem>> -> memref<1x128xi32, #tpu.memory_space<vmem>>
        %dma_start3A_277 = tpu.memref_squeeze %dma_start3A_276 : memref<1x128xi32, #tpu.memory_space<vmem>> -> memref<128xi32, #tpu.memory_space<vmem>>
        %dma_start3A_278 = arith.constant 0 : i32
        %dma_start3A_279 = arith.constant 0 : i32
        %dma_start3A_280 = tpu.memref_slice %arg2[%arg0, %dma_start3A_278, %dma_start3A_279] : memref<2x102400x16xf32, #tpu.memory_space<hbm>> -> memref<1x102400x16xf32, #tpu.memory_space<hbm>>
        %dma_start3A_281 = tpu.memref_squeeze %dma_start3A_280 : memref<1x102400x16xf32, #tpu.memory_space<hbm>> -> memref<102400x16xf32, #tpu.memory_space<hbm>>
        %dma_start3A_282 = arith.constant 0 : i32
        %dma_start3A_283 = arith.constant 0 : i32
        %dma_start3A_284 = tpu.memref_slice %dma_start3A_281[%dma_start3A_282, %dma_start3A_283] : memref<102400x16xf32, #tpu.memory_space<hbm>> -> memref<102400x16xf32, #tpu.memory_space<hbm>>
        tpu.enqueue_indirect_dma source(%dma_start3A_284 : memref<102400x16xf32, #tpu.memory_space<hbm>>) target(%dma_start3A_270 : memref<128x16xf32, #tpu.memory_space<vmem>>) offsets(%dma_start3A_277 : memref<128xi32, #tpu.memory_space<vmem>>) semaphore(%arg9 : memref<!tpu.dma_semaphore, #tpu.memory_space<semaphore_mem>>)
        %dma_start3A_285 = arith.constant 4 : i32
        %dma_start3A_286 = arith.constant 512 : i32
        %dma_start3A_287 = arith.constant 0 : i32
        %dma_start3A_288 = tpu.memref_slice %arg7[%dma_start3A_286, %dma_start3A_287] : memref<1536x16xf32, #tpu.memory_space<vmem>> -> memref<128x16xf32, #tpu.memory_space<vmem>>
        %dma_start3A_289 = arith.constant 0 : i32
        %dma_start3A_290 = arith.constant 0 : i32
        %dma_start3A_291 = tpu.memref_slice %run_scoped3A[%rem3A_210, %dma_start3A_289, %dma_start3A_290] : memref<2x12x128xi32, #tpu.memory_space<vmem>> -> memref<1x12x128xi32, #tpu.memory_space<vmem>>
        %dma_start3A_292 = tpu.memref_squeeze %dma_start3A_291 : memref<1x12x128xi32, #tpu.memory_space<vmem>> -> memref<12x128xi32, #tpu.memory_space<vmem>>
        %dma_start3A_293 = arith.constant 0 : i32
        %dma_start3A_294 = tpu.memref_slice %dma_start3A_292[%dma_start3A_285, %dma_start3A_293] : memref<12x128xi32, #tpu.memory_space<vmem>> -> memref<1x128xi32, #tpu.memory_space<vmem>>
        %dma_start3A_295 = tpu.memref_squeeze %dma_start3A_294 : memref<1x128xi32, #tpu.memory_space<vmem>> -> memref<128xi32, #tpu.memory_space<vmem>>
        %dma_start3A_296 = arith.constant 0 : i32
        %dma_start3A_297 = arith.constant 0 : i32
        %dma_start3A_298 = tpu.memref_slice %arg2[%arg0, %dma_start3A_296, %dma_start3A_297] : memref<2x102400x16xf32, #tpu.memory_space<hbm>> -> memref<1x102400x16xf32, #tpu.memory_space<hbm>>
        %dma_start3A_299 = tpu.memref_squeeze %dma_start3A_298 : memref<1x102400x16xf32, #tpu.memory_space<hbm>> -> memref<102400x16xf32, #tpu.memory_space<hbm>>
        %dma_start3A_300 = arith.constant 0 : i32
        %dma_start3A_301 = arith.constant 0 : i32
        %dma_start3A_302 = tpu.memref_slice %dma_start3A_299[%dma_start3A_300, %dma_start3A_301] : memref<102400x16xf32, #tpu.memory_space<hbm>> -> memref<102400x16xf32, #tpu.memory_space<hbm>>
        tpu.enqueue_indirect_dma source(%dma_start3A_302 : memref<102400x16xf32, #tpu.memory_space<hbm>>) target(%dma_start3A_288 : memref<128x16xf32, #tpu.memory_space<vmem>>) offsets(%dma_start3A_295 : memref<128xi32, #tpu.memory_space<vmem>>) semaphore(%arg9 : memref<!tpu.dma_semaphore, #tpu.memory_space<semaphore_mem>>)
        %dma_start3A_303 = arith.constant 5 : i32
        %dma_start3A_304 = arith.constant 640 : i32
        %dma_start3A_305 = arith.constant 0 : i32
        %dma_start3A_306 = tpu.memref_slice %arg7[%dma_start3A_304, %dma_start3A_305] : memref<1536x16xf32, #tpu.memory_space<vmem>> -> memref<128x16xf32, #tpu.memory_space<vmem>>
        %dma_start3A_307 = arith.constant 0 : i32
        %dma_start3A_308 = arith.constant 0 : i32
        %dma_start3A_309 = tpu.memref_slice %run_scoped3A[%rem3A_210, %dma_start3A_307, %dma_start3A_308] : memref<2x12x128xi32, #tpu.memory_space<vmem>> -> memref<1x12x128xi32, #tpu.memory_space<vmem>>
        %dma_start3A_310 = tpu.memref_squeeze %dma_start3A_309 : memref<1x12x128xi32, #tpu.memory_space<vmem>> -> memref<12x128xi32, #tpu.memory_space<vmem>>
        %dma_start3A_311 = arith.constant 0 : i32
        %dma_start3A_312 = tpu.memref_slice %dma_start3A_310[%dma_start3A_303, %dma_start3A_311] : memref<12x128xi32, #tpu.memory_space<vmem>> -> memref<1x128xi32, #tpu.memory_space<vmem>>
        %dma_start3A_313 = tpu.memref_squeeze %dma_start3A_312 : memref<1x128xi32, #tpu.memory_space<vmem>> -> memref<128xi32, #tpu.memory_space<vmem>>
        %dma_start3A_314 = arith.constant 0 : i32
        %dma_start3A_315 = arith.constant 0 : i32
        %dma_start3A_316 = tpu.memref_slice %arg2[%arg0, %dma_start3A_314, %dma_start3A_315] : memref<2x102400x16xf32, #tpu.memory_space<hbm>> -> memref<1x102400x16xf32, #tpu.memory_space<hbm>>
        %dma_start3A_317 = tpu.memref_squeeze %dma_start3A_316 : memref<1x102400x16xf32, #tpu.memory_space<hbm>> -> memref<102400x16xf32, #tpu.memory_space<hbm>>
        %dma_start3A_318 = arith.constant 0 : i32
        %dma_start3A_319 = arith.constant 0 : i32
        %dma_start3A_320 = tpu.memref_slice %dma_start3A_317[%dma_start3A_318, %dma_start3A_319] : memref<102400x16xf32, #tpu.memory_space<hbm>> -> memref<102400x16xf32, #tpu.memory_space<hbm>>
        tpu.enqueue_indirect_dma source(%dma_start3A_320 : memref<102400x16xf32, #tpu.memory_space<hbm>>) target(%dma_start3A_306 : memref<128x16xf32, #tpu.memory_space<vmem>>) offsets(%dma_start3A_313 : memref<128xi32, #tpu.memory_space<vmem>>) semaphore(%arg9 : memref<!tpu.dma_semaphore, #tpu.memory_space<semaphore_mem>>)
        %dma_start3A_321 = arith.constant 6 : i32
        %dma_start3A_322 = arith.constant 768 : i32
        %dma_start3A_323 = arith.constant 0 : i32
        %dma_start3A_324 = tpu.memref_slice %arg7[%dma_start3A_322, %dma_start3A_323] : memref<1536x16xf32, #tpu.memory_space<vmem>> -> memref<128x16xf32, #tpu.memory_space<vmem>>
        %dma_start3A_325 = arith.constant 0 : i32
        %dma_start3A_326 = arith.constant 0 : i32
        %dma_start3A_327 = tpu.memref_slice %run_scoped3A[%rem3A_210, %dma_start3A_325, %dma_start3A_326] : memref<2x12x128xi32, #tpu.memory_space<vmem>> -> memref<1x12x128xi32, #tpu.memory_space<vmem>>
        %dma_start3A_328 = tpu.memref_squeeze %dma_start3A_327 : memref<1x12x128xi32, #tpu.memory_space<vmem>> -> memref<12x128xi32, #tpu.memory_space<vmem>>
        %dma_start3A_329 = arith.constant 0 : i32
        %dma_start3A_330 = tpu.memref_slice %dma_start3A_328[%dma_start3A_321, %dma_start3A_329] : memref<12x128xi32, #tpu.memory_space<vmem>> -> memref<1x128xi32, #tpu.memory_space<vmem>>
        %dma_start3A_331 = tpu.memref_squeeze %dma_start3A_330 : memref<1x128xi32, #tpu.memory_space<vmem>> -> memref<128xi32, #tpu.memory_space<vmem>>
        %dma_start3A_332 = arith.constant 0 : i32
        %dma_start3A_333 = arith.constant 0 : i32
        %dma_start3A_334 = tpu.memref_slice %arg2[%arg0, %dma_start3A_332, %dma_start3A_333] : memref<2x102400x16xf32, #tpu.memory_space<hbm>> -> memref<1x102400x16xf32, #tpu.memory_space<hbm>>
        %dma_start3A_335 = tpu.memref_squeeze %dma_start3A_334 : memref<1x102400x16xf32, #tpu.memory_space<hbm>> -> memref<102400x16xf32, #tpu.memory_space<hbm>>
        %dma_start3A_336 = arith.constant 0 : i32
        %dma_start3A_337 = arith.constant 0 : i32
        %dma_start3A_338 = tpu.memref_slice %dma_start3A_335[%dma_start3A_336, %dma_start3A_337] : memref<102400x16xf32, #tpu.memory_space<hbm>> -> memref<102400x16xf32, #tpu.memory_space<hbm>>
        tpu.enqueue_indirect_dma source(%dma_start3A_338 : memref<102400x16xf32, #tpu.memory_space<hbm>>) target(%dma_start3A_324 : memref<128x16xf32, #tpu.memory_space<vmem>>) offsets(%dma_start3A_331 : memref<128xi32, #tpu.memory_space<vmem>>) semaphore(%arg9 : memref<!tpu.dma_semaphore, #tpu.memory_space<semaphore_mem>>)
        %dma_start3A_339 = arith.constant 7 : i32
        %dma_start3A_340 = arith.constant 896 : i32
        %dma_start3A_341 = arith.constant 0 : i32
        %dma_start3A_342 = tpu.memref_slice %arg7[%dma_start3A_340, %dma_start3A_341] : memref<1536x16xf32, #tpu.memory_space<vmem>> -> memref<128x16xf32, #tpu.memory_space<vmem>>
        %dma_start3A_343 = arith.constant 0 : i32
        %dma_start3A_344 = arith.constant 0 : i32
        %dma_start3A_345 = tpu.memref_slice %run_scoped3A[%rem3A_210, %dma_start3A_343, %dma_start3A_344] : memref<2x12x128xi32, #tpu.memory_space<vmem>> -> memref<1x12x128xi32, #tpu.memory_space<vmem>>
        %dma_start3A_346 = tpu.memref_squeeze %dma_start3A_345 : memref<1x12x128xi32, #tpu.memory_space<vmem>> -> memref<12x128xi32, #tpu.memory_space<vmem>>
        %dma_start3A_347 = arith.constant 0 : i32
        %dma_start3A_348 = tpu.memref_slice %dma_start3A_346[%dma_start3A_339, %dma_start3A_347] : memref<12x128xi32, #tpu.memory_space<vmem>> -> memref<1x128xi32, #tpu.memory_space<vmem>>
        %dma_start3A_349 = tpu.memref_squeeze %dma_start3A_348 : memref<1x128xi32, #tpu.memory_space<vmem>> -> memref<128xi32, #tpu.memory_space<vmem>>
        %dma_start3A_350 = arith.constant 0 : i32
        %dma_start3A_351 = arith.constant 0 : i32
        %dma_start3A_352 = tpu.memref_slice %arg2[%arg0, %dma_start3A_350, %dma_start3A_351] : memref<2x102400x16xf32, #tpu.memory_space<hbm>> -> memref<1x102400x16xf32, #tpu.memory_space<hbm>>
        %dma_start3A_353 = tpu.memref_squeeze %dma_start3A_352 : memref<1x102400x16xf32, #tpu.memory_space<hbm>> -> memref<102400x16xf32, #tpu.memory_space<hbm>>
        %dma_start3A_354 = arith.constant 0 : i32
        %dma_start3A_355 = arith.constant 0 : i32
        %dma_start3A_356 = tpu.memref_slice %dma_start3A_353[%dma_start3A_354, %dma_start3A_355] : memref<102400x16xf32, #tpu.memory_space<hbm>> -> memref<102400x16xf32, #tpu.memory_space<hbm>>
        tpu.enqueue_indirect_dma source(%dma_start3A_356 : memref<102400x16xf32, #tpu.memory_space<hbm>>) target(%dma_start3A_342 : memref<128x16xf32, #tpu.memory_space<vmem>>) offsets(%dma_start3A_349 : memref<128xi32, #tpu.memory_space<vmem>>) semaphore(%arg9 : memref<!tpu.dma_semaphore, #tpu.memory_space<semaphore_mem>>)
        %dma_start3A_357 = arith.constant 8 : i32
        %dma_start3A_358 = arith.constant 1024 : i32
        %dma_start3A_359 = arith.constant 0 : i32
        %dma_start3A_360 = tpu.memref_slice %arg7[%dma_start3A_358, %dma_start3A_359] : memref<1536x16xf32, #tpu.memory_space<vmem>> -> memref<128x16xf32, #tpu.memory_space<vmem>>
        %dma_start3A_361 = arith.constant 0 : i32
        %dma_start3A_362 = arith.constant 0 : i32
        %dma_start3A_363 = tpu.memref_slice %run_scoped3A[%rem3A_210, %dma_start3A_361, %dma_start3A_362] : memref<2x12x128xi32, #tpu.memory_space<vmem>> -> memref<1x12x128xi32, #tpu.memory_space<vmem>>
        %dma_start3A_364 = tpu.memref_squeeze %dma_start3A_363 : memref<1x12x128xi32, #tpu.memory_space<vmem>> -> memref<12x128xi32, #tpu.memory_space<vmem>>
        %dma_start3A_365 = arith.constant 0 : i32
        %dma_start3A_366 = tpu.memref_slice %dma_start3A_364[%dma_start3A_357, %dma_start3A_365] : memref<12x128xi32, #tpu.memory_space<vmem>> -> memref<1x128xi32, #tpu.memory_space<vmem>>
        %dma_start3A_367 = tpu.memref_squeeze %dma_start3A_366 : memref<1x128xi32, #tpu.memory_space<vmem>> -> memref<128xi32, #tpu.memory_space<vmem>>
        %dma_start3A_368 = arith.constant 0 : i32
        %dma_start3A_369 = arith.constant 0 : i32
        %dma_start3A_370 = tpu.memref_slice %arg2[%arg0, %dma_start3A_368, %dma_start3A_369] : memref<2x102400x16xf32, #tpu.memory_space<hbm>> -> memref<1x102400x16xf32, #tpu.memory_space<hbm>>
        %dma_start3A_371 = tpu.memref_squeeze %dma_start3A_370 : memref<1x102400x16xf32, #tpu.memory_space<hbm>> -> memref<102400x16xf32, #tpu.memory_space<hbm>>
        %dma_start3A_372 = arith.constant 0 : i32
        %dma_start3A_373 = arith.constant 0 : i32
        %dma_start3A_374 = tpu.memref_slice %dma_start3A_371[%dma_start3A_372, %dma_start3A_373] : memref<102400x16xf32, #tpu.memory_space<hbm>> -> memref<102400x16xf32, #tpu.memory_space<hbm>>
        tpu.enqueue_indirect_dma source(%dma_start3A_374 : memref<102400x16xf32, #tpu.memory_space<hbm>>) target(%dma_start3A_360 : memref<128x16xf32, #tpu.memory_space<vmem>>) offsets(%dma_start3A_367 : memref<128xi32, #tpu.memory_space<vmem>>) semaphore(%arg9 : memref<!tpu.dma_semaphore, #tpu.memory_space<semaphore_mem>>)
        %dma_start3A_375 = arith.constant 9 : i32
        %dma_start3A_376 = arith.constant 1152 : i32
        %dma_start3A_377 = arith.constant 0 : i32
        %dma_start3A_378 = tpu.memref_slice %arg7[%dma_start3A_376, %dma_start3A_377] : memref<1536x16xf32, #tpu.memory_space<vmem>> -> memref<128x16xf32, #tpu.memory_space<vmem>>
        %dma_start3A_379 = arith.constant 0 : i32
        %dma_start3A_380 = arith.constant 0 : i32
        %dma_start3A_381 = tpu.memref_slice %run_scoped3A[%rem3A_210, %dma_start3A_379, %dma_start3A_380] : memref<2x12x128xi32, #tpu.memory_space<vmem>> -> memref<1x12x128xi32, #tpu.memory_space<vmem>>
        %dma_start3A_382 = tpu.memref_squeeze %dma_start3A_381 : memref<1x12x128xi32, #tpu.memory_space<vmem>> -> memref<12x128xi32, #tpu.memory_space<vmem>>
        %dma_start3A_383 = arith.constant 0 : i32
        %dma_start3A_384 = tpu.memref_slice %dma_start3A_382[%dma_start3A_375, %dma_start3A_383] : memref<12x128xi32, #tpu.memory_space<vmem>> -> memref<1x128xi32, #tpu.memory_space<vmem>>
        %dma_start3A_385 = tpu.memref_squeeze %dma_start3A_384 : memref<1x128xi32, #tpu.memory_space<vmem>> -> memref<128xi32, #tpu.memory_space<vmem>>
        %dma_start3A_386 = arith.constant 0 : i32
        %dma_start3A_387 = arith.constant 0 : i32
        %dma_start3A_388 = tpu.memref_slice %arg2[%arg0, %dma_start3A_386, %dma_start3A_387] : memref<2x102400x16xf32, #tpu.memory_space<hbm>> -> memref<1x102400x16xf32, #tpu.memory_space<hbm>>
        %dma_start3A_389 = tpu.memref_squeeze %dma_start3A_388 : memref<1x102400x16xf32, #tpu.memory_space<hbm>> -> memref<102400x16xf32, #tpu.memory_space<hbm>>
        %dma_start3A_390 = arith.constant 0 : i32
        %dma_start3A_391 = arith.constant 0 : i32
        %dma_start3A_392 = tpu.memref_slice %dma_start3A_389[%dma_start3A_390, %dma_start3A_391] : memref<102400x16xf32, #tpu.memory_space<hbm>> -> memref<102400x16xf32, #tpu.memory_space<hbm>>
        tpu.enqueue_indirect_dma source(%dma_start3A_392 : memref<102400x16xf32, #tpu.memory_space<hbm>>) target(%dma_start3A_378 : memref<128x16xf32, #tpu.memory_space<vmem>>) offsets(%dma_start3A_385 : memref<128xi32, #tpu.memory_space<vmem>>) semaphore(%arg9 : memref<!tpu.dma_semaphore, #tpu.memory_space<semaphore_mem>>)
        %dma_start3A_393 = arith.constant 10 : i32
        %dma_start3A_394 = arith.constant 1280 : i32
        %dma_start3A_395 = arith.constant 0 : i32
        %dma_start3A_396 = tpu.memref_slice %arg7[%dma_start3A_394, %dma_start3A_395] : memref<1536x16xf32, #tpu.memory_space<vmem>> -> memref<128x16xf32, #tpu.memory_space<vmem>>
        %dma_start3A_397 = arith.constant 0 : i32
        %dma_start3A_398 = arith.constant 0 : i32
        %dma_start3A_399 = tpu.memref_slice %run_scoped3A[%rem3A_210, %dma_start3A_397, %dma_start3A_398] : memref<2x12x128xi32, #tpu.memory_space<vmem>> -> memref<1x12x128xi32, #tpu.memory_space<vmem>>
        %dma_start3A_400 = tpu.memref_squeeze %dma_start3A_399 : memref<1x12x128xi32, #tpu.memory_space<vmem>> -> memref<12x128xi32, #tpu.memory_space<vmem>>
        %dma_start3A_401 = arith.constant 0 : i32
        %dma_start3A_402 = tpu.memref_slice %dma_start3A_400[%dma_start3A_393, %dma_start3A_401] : memref<12x128xi32, #tpu.memory_space<vmem>> -> memref<1x128xi32, #tpu.memory_space<vmem>>
        %dma_start3A_403 = tpu.memref_squeeze %dma_start3A_402 : memref<1x128xi32, #tpu.memory_space<vmem>> -> memref<128xi32, #tpu.memory_space<vmem>>
        %dma_start3A_404 = arith.constant 0 : i32
        %dma_start3A_405 = arith.constant 0 : i32
        %dma_start3A_406 = tpu.memref_slice %arg2[%arg0, %dma_start3A_404, %dma_start3A_405] : memref<2x102400x16xf32, #tpu.memory_space<hbm>> -> memref<1x102400x16xf32, #tpu.memory_space<hbm>>
        %dma_start3A_407 = tpu.memref_squeeze %dma_start3A_406 : memref<1x102400x16xf32, #tpu.memory_space<hbm>> -> memref<102400x16xf32, #tpu.memory_space<hbm>>
        %dma_start3A_408 = arith.constant 0 : i32
        %dma_start3A_409 = arith.constant 0 : i32
        %dma_start3A_410 = tpu.memref_slice %dma_start3A_407[%dma_start3A_408, %dma_start3A_409] : memref<102400x16xf32, #tpu.memory_space<hbm>> -> memref<102400x16xf32, #tpu.memory_space<hbm>>
        tpu.enqueue_indirect_dma source(%dma_start3A_410 : memref<102400x16xf32, #tpu.memory_space<hbm>>) target(%dma_start3A_396 : memref<128x16xf32, #tpu.memory_space<vmem>>) offsets(%dma_start3A_403 : memref<128xi32, #tpu.memory_space<vmem>>) semaphore(%arg9 : memref<!tpu.dma_semaphore, #tpu.memory_space<semaphore_mem>>)
        %dma_start3A_411 = arith.constant 11 : i32
        %dma_start3A_412 = arith.constant 1408 : i32
        %dma_start3A_413 = arith.constant 0 : i32
        %dma_start3A_414 = tpu.memref_slice %arg7[%dma_start3A_412, %dma_start3A_413] : memref<1536x16xf32, #tpu.memory_space<vmem>> -> memref<128x16xf32, #tpu.memory_space<vmem>>
        %dma_start3A_415 = arith.constant 0 : i32
        %dma_start3A_416 = arith.constant 0 : i32
        %dma_start3A_417 = tpu.memref_slice %run_scoped3A[%rem3A_210, %dma_start3A_415, %dma_start3A_416] : memref<2x12x128xi32, #tpu.memory_space<vmem>> -> memref<1x12x128xi32, #tpu.memory_space<vmem>>
        %dma_start3A_418 = tpu.memref_squeeze %dma_start3A_417 : memref<1x12x128xi32, #tpu.memory_space<vmem>> -> memref<12x128xi32, #tpu.memory_space<vmem>>
        %dma_start3A_419 = arith.constant 0 : i32
        %dma_start3A_420 = tpu.memref_slice %dma_start3A_418[%dma_start3A_411, %dma_start3A_419] : memref<12x128xi32, #tpu.memory_space<vmem>> -> memref<1x128xi32, #tpu.memory_space<vmem>>
        %dma_start3A_421 = tpu.memref_squeeze %dma_start3A_420 : memref<1x128xi32, #tpu.memory_space<vmem>> -> memref<128xi32, #tpu.memory_space<vmem>>
        %dma_start3A_422 = arith.constant 0 : i32
        %dma_start3A_423 = arith.constant 0 : i32
        %dma_start3A_424 = tpu.memref_slice %arg2[%arg0, %dma_start3A_422, %dma_start3A_423] : memref<2x102400x16xf32, #tpu.memory_space<hbm>> -> memref<1x102400x16xf32, #tpu.memory_space<hbm>>
        %dma_start3A_425 = tpu.memref_squeeze %dma_start3A_424 : memref<1x102400x16xf32, #tpu.memory_space<hbm>> -> memref<102400x16xf32, #tpu.memory_space<hbm>>
        %dma_start3A_426 = arith.constant 0 : i32
        %dma_start3A_427 = arith.constant 0 : i32
        %dma_start3A_428 = tpu.memref_slice %dma_start3A_425[%dma_start3A_426, %dma_start3A_427] : memref<102400x16xf32, #tpu.memory_space<hbm>> -> memref<102400x16xf32, #tpu.memory_space<hbm>>
        tpu.enqueue_indirect_dma source(%dma_start3A_428 : memref<102400x16xf32, #tpu.memory_space<hbm>>) target(%dma_start3A_414 : memref<128x16xf32, #tpu.memory_space<vmem>>) offsets(%dma_start3A_421 : memref<128xi32, #tpu.memory_space<vmem>>) semaphore(%arg9 : memref<!tpu.dma_semaphore, #tpu.memory_space<semaphore_mem>>)
        %dma_wait3A = arith.constant 0 : i32
        %dma_wait3A_429 = arith.constant 0 : i32
        %dma_wait3A_430 = arith.constant 0 : i32
        %dma_wait3A_431 = tpu.memref_slice %arg7[%dma_wait3A_429, %dma_wait3A_430] : memref<1536x16xf32, #tpu.memory_space<vmem>> -> memref<128x16xf32, #tpu.memory_space<vmem>>
        %dma_wait3A_432 = arith.constant 0 : i32
        %dma_wait3A_433 = arith.constant 0 : i32
        %dma_wait3A_434 = tpu.memref_slice %run_scoped3A[%rem3A_210, %dma_wait3A_432, %dma_wait3A_433] : memref<2x12x128xi32, #tpu.memory_space<vmem>> -> memref<1x12x128xi32, #tpu.memory_space<vmem>>
        %dma_wait3A_435 = tpu.memref_squeeze %dma_wait3A_434 : memref<1x12x128xi32, #tpu.memory_space<vmem>> -> memref<12x128xi32, #tpu.memory_space<vmem>>
        %dma_wait3A_436 = arith.constant 0 : i32
        %dma_wait3A_437 = tpu.memref_slice %dma_wait3A_435[%dma_wait3A, %dma_wait3A_436] : memref<12x128xi32, #tpu.memory_space<vmem>> -> memref<1x128xi32, #tpu.memory_space<vmem>>
        %dma_wait3A_438 = tpu.memref_squeeze %dma_wait3A_437 : memref<1x128xi32, #tpu.memory_space<vmem>> -> memref<128xi32, #tpu.memory_space<vmem>>
        %dma_wait3A_439 = arith.constant 0 : i32
        %dma_wait3A_440 = arith.constant 0 : i32
        %dma_wait3A_441 = tpu.memref_slice %arg2[%arg0, %dma_wait3A_439, %dma_wait3A_440] : memref<2x102400x16xf32, #tpu.memory_space<hbm>> -> memref<1x102400x16xf32, #tpu.memory_space<hbm>>
        %dma_wait3A_442 = tpu.memref_squeeze %dma_wait3A_441 : memref<1x102400x16xf32, #tpu.memory_space<hbm>> -> memref<102400x16xf32, #tpu.memory_space<hbm>>
        %dma_wait3A_443 = arith.constant 0 : i32
        %dma_wait3A_444 = arith.constant 0 : i32
        %dma_wait3A_445 = tpu.memref_slice %dma_wait3A_442[%dma_wait3A_443, %dma_wait3A_444] : memref<102400x16xf32, #tpu.memory_space<hbm>> -> memref<102400x16xf32, #tpu.memory_space<hbm>>
        tpu.wait_indirect_dma semaphore(%arg9 : memref<!tpu.dma_semaphore, #tpu.memory_space<semaphore_mem>>) src(%dma_wait3A_445 : memref<102400x16xf32, #tpu.memory_space<hbm>>) dst(%dma_wait3A_431 : memref<128x16xf32, #tpu.memory_space<vmem>>)
        %dma_start3A_446 = arith.constant 0 : i32
        %dma_start3A_447 = arith.constant 0 : i32
        %dma_start3A_448 = arith.constant 0 : i32
        %dma_start3A_449 = tpu.memref_slice %arg7[%dma_start3A_447, %dma_start3A_448] : memref<1536x16xf32, #tpu.memory_space<vmem>> -> memref<128x16xf32, #tpu.memory_space<vmem>>
        %dma_start3A_450 = arith.constant 0 : i32
        %dma_start3A_451 = arith.constant 0 : i32
        %dma_start3A_452 = tpu.memref_slice %run_scoped3A_5[%rem3A_212, %dma_start3A_450, %dma_start3A_451] : memref<2x12x128xi32, #tpu.memory_space<vmem>> -> memref<1x12x128xi32, #tpu.memory_space<vmem>>
        %dma_start3A_453 = tpu.memref_squeeze %dma_start3A_452 : memref<1x12x128xi32, #tpu.memory_space<vmem>> -> memref<12x128xi32, #tpu.memory_space<vmem>>
        %dma_start3A_454 = arith.constant 0 : i32
        %dma_start3A_455 = tpu.memref_slice %dma_start3A_453[%dma_start3A_446, %dma_start3A_454] : memref<12x128xi32, #tpu.memory_space<vmem>> -> memref<1x128xi32, #tpu.memory_space<vmem>>
        %dma_start3A_456 = tpu.memref_squeeze %dma_start3A_455 : memref<1x128xi32, #tpu.memory_space<vmem>> -> memref<128xi32, #tpu.memory_space<vmem>>
        %dma_start3A_457 = arith.constant 0 : i32
        %dma_start3A_458 = arith.constant 0 : i32
        %dma_start3A_459 = tpu.memref_slice %arg8[%dma_start3A_457, %dma_start3A_458] : memref<100096x16xf32, #tpu.memory_space<vmem_shared>> -> memref<100096x16xf32, #tpu.memory_space<vmem_shared>>
        tpu.enqueue_indirect_dma source(%dma_start3A_449 : memref<128x16xf32, #tpu.memory_space<vmem>>) target(%dma_start3A_459 : memref<100096x16xf32, #tpu.memory_space<vmem_shared>>) offsets(%dma_start3A_456 : memref<128xi32, #tpu.memory_space<vmem>>) semaphore(%arg10 : memref<!tpu.dma_semaphore, #tpu.memory_space<semaphore_mem>>) {add = true}
        %dma_wait3A_460 = arith.constant 1 : i32
        %dma_wait3A_461 = arith.constant 128 : i32
        %dma_wait3A_462 = arith.constant 0 : i32
        %dma_wait3A_463 = tpu.memref_slice %arg7[%dma_wait3A_461, %dma_wait3A_462] : memref<1536x16xf32, #tpu.memory_space<vmem>> -> memref<128x16xf32, #tpu.memory_space<vmem>>
        %dma_wait3A_464 = arith.constant 0 : i32
        %dma_wait3A_465 = arith.constant 0 : i32
        %dma_wait3A_466 = tpu.memref_slice %run_scoped3A[%rem3A_210, %dma_wait3A_464, %dma_wait3A_465] : memref<2x12x128xi32, #tpu.memory_space<vmem>> -> memref<1x12x128xi32, #tpu.memory_space<vmem>>
        %dma_wait3A_467 = tpu.memref_squeeze %dma_wait3A_466 : memref<1x12x128xi32, #tpu.memory_space<vmem>> -> memref<12x128xi32, #tpu.memory_space<vmem>>
        %dma_wait3A_468 = arith.constant 0 : i32
        %dma_wait3A_469 = tpu.memref_slice %dma_wait3A_467[%dma_wait3A_460, %dma_wait3A_468] : memref<12x128xi32, #tpu.memory_space<vmem>> -> memref<1x128xi32, #tpu.memory_space<vmem>>
        %dma_wait3A_470 = tpu.memref_squeeze %dma_wait3A_469 : memref<1x128xi32, #tpu.memory_space<vmem>> -> memref<128xi32, #tpu.memory_space<vmem>>
        %dma_wait3A_471 = arith.constant 0 : i32
        %dma_wait3A_472 = arith.constant 0 : i32
        %dma_wait3A_473 = tpu.memref_slice %arg2[%arg0, %dma_wait3A_471, %dma_wait3A_472] : memref<2x102400x16xf32, #tpu.memory_space<hbm>> -> memref<1x102400x16xf32, #tpu.memory_space<hbm>>
        %dma_wait3A_474 = tpu.memref_squeeze %dma_wait3A_473 : memref<1x102400x16xf32, #tpu.memory_space<hbm>> -> memref<102400x16xf32, #tpu.memory_space<hbm>>
        %dma_wait3A_475 = arith.constant 0 : i32
        %dma_wait3A_476 = arith.constant 0 : i32
        %dma_wait3A_477 = tpu.memref_slice %dma_wait3A_474[%dma_wait3A_475, %dma_wait3A_476] : memref<102400x16xf32, #tpu.memory_space<hbm>> -> memref<102400x16xf32, #tpu.memory_space<hbm>>
        tpu.wait_indirect_dma semaphore(%arg9 : memref<!tpu.dma_semaphore, #tpu.memory_space<semaphore_mem>>) src(%dma_wait3A_477 : memref<102400x16xf32, #tpu.memory_space<hbm>>) dst(%dma_wait3A_463 : memref<128x16xf32, #tpu.memory_space<vmem>>)
        %dma_start3A_478 = arith.constant 1 : i32
        %dma_start3A_479 = arith.constant 128 : i32
        %dma_start3A_480 = arith.constant 0 : i32
        %dma_start3A_481 = tpu.memref_slice %arg7[%dma_start3A_479, %dma_start3A_480] : memref<1536x16xf32, #tpu.memory_space<vmem>> -> memref<128x16xf32, #tpu.memory_space<vmem>>
        %dma_start3A_482 = arith.constant 0 : i32
        %dma_start3A_483 = arith.constant 0 : i32
        %dma_start3A_484 = tpu.memref_slice %run_scoped3A_5[%rem3A_212, %dma_start3A_482, %dma_start3A_483] : memref<2x12x128xi32, #tpu.memory_space<vmem>> -> memref<1x12x128xi32, #tpu.memory_space<vmem>>
        %dma_start3A_485 = tpu.memref_squeeze %dma_start3A_484 : memref<1x12x128xi32, #tpu.memory_space<vmem>> -> memref<12x128xi32, #tpu.memory_space<vmem>>
        %dma_start3A_486 = arith.constant 0 : i32
        %dma_start3A_487 = tpu.memref_slice %dma_start3A_485[%dma_start3A_478, %dma_start3A_486] : memref<12x128xi32, #tpu.memory_space<vmem>> -> memref<1x128xi32, #tpu.memory_space<vmem>>
        %dma_start3A_488 = tpu.memref_squeeze %dma_start3A_487 : memref<1x128xi32, #tpu.memory_space<vmem>> -> memref<128xi32, #tpu.memory_space<vmem>>
        %dma_start3A_489 = arith.constant 0 : i32
        %dma_start3A_490 = arith.constant 0 : i32
        %dma_start3A_491 = tpu.memref_slice %arg8[%dma_start3A_489, %dma_start3A_490] : memref<100096x16xf32, #tpu.memory_space<vmem_shared>> -> memref<100096x16xf32, #tpu.memory_space<vmem_shared>>
        tpu.enqueue_indirect_dma source(%dma_start3A_481 : memref<128x16xf32, #tpu.memory_space<vmem>>) target(%dma_start3A_491 : memref<100096x16xf32, #tpu.memory_space<vmem_shared>>) offsets(%dma_start3A_488 : memref<128xi32, #tpu.memory_space<vmem>>) semaphore(%arg10 : memref<!tpu.dma_semaphore, #tpu.memory_space<semaphore_mem>>) {add = true}
        %dma_wait3A_492 = arith.constant 2 : i32
        %dma_wait3A_493 = arith.constant 256 : i32
        %dma_wait3A_494 = arith.constant 0 : i32
        %dma_wait3A_495 = tpu.memref_slice %arg7[%dma_wait3A_493, %dma_wait3A_494] : memref<1536x16xf32, #tpu.memory_space<vmem>> -> memref<128x16xf32, #tpu.memory_space<vmem>>
        %dma_wait3A_496 = arith.constant 0 : i32
        %dma_wait3A_497 = arith.constant 0 : i32
        %dma_wait3A_498 = tpu.memref_slice %run_scoped3A[%rem3A_210, %dma_wait3A_496, %dma_wait3A_497] : memref<2x12x128xi32, #tpu.memory_space<vmem>> -> memref<1x12x128xi32, #tpu.memory_space<vmem>>
        %dma_wait3A_499 = tpu.memref_squeeze %dma_wait3A_498 : memref<1x12x128xi32, #tpu.memory_space<vmem>> -> memref<12x128xi32, #tpu.memory_space<vmem>>
        %dma_wait3A_500 = arith.constant 0 : i32
        %dma_wait3A_501 = tpu.memref_slice %dma_wait3A_499[%dma_wait3A_492, %dma_wait3A_500] : memref<12x128xi32, #tpu.memory_space<vmem>> -> memref<1x128xi32, #tpu.memory_space<vmem>>
        %dma_wait3A_502 = tpu.memref_squeeze %dma_wait3A_501 : memref<1x128xi32, #tpu.memory_space<vmem>> -> memref<128xi32, #tpu.memory_space<vmem>>
        %dma_wait3A_503 = arith.constant 0 : i32
        %dma_wait3A_504 = arith.constant 0 : i32
        %dma_wait3A_505 = tpu.memref_slice %arg2[%arg0, %dma_wait3A_503, %dma_wait3A_504] : memref<2x102400x16xf32, #tpu.memory_space<hbm>> -> memref<1x102400x16xf32, #tpu.memory_space<hbm>>
        %dma_wait3A_506 = tpu.memref_squeeze %dma_wait3A_505 : memref<1x102400x16xf32, #tpu.memory_space<hbm>> -> memref<102400x16xf32, #tpu.memory_space<hbm>>
        %dma_wait3A_507 = arith.constant 0 : i32
        %dma_wait3A_508 = arith.constant 0 : i32
        %dma_wait3A_509 = tpu.memref_slice %dma_wait3A_506[%dma_wait3A_507, %dma_wait3A_508] : memref<102400x16xf32, #tpu.memory_space<hbm>> -> memref<102400x16xf32, #tpu.memory_space<hbm>>
        tpu.wait_indirect_dma semaphore(%arg9 : memref<!tpu.dma_semaphore, #tpu.memory_space<semaphore_mem>>) src(%dma_wait3A_509 : memref<102400x16xf32, #tpu.memory_space<hbm>>) dst(%dma_wait3A_495 : memref<128x16xf32, #tpu.memory_space<vmem>>)
        %dma_start3A_510 = arith.constant 2 : i32
        %dma_start3A_511 = arith.constant 256 : i32
        %dma_start3A_512 = arith.constant 0 : i32
        %dma_start3A_513 = tpu.memref_slice %arg7[%dma_start3A_511, %dma_start3A_512] : memref<1536x16xf32, #tpu.memory_space<vmem>> -> memref<128x16xf32, #tpu.memory_space<vmem>>
        %dma_start3A_514 = arith.constant 0 : i32
        %dma_start3A_515 = arith.constant 0 : i32
        %dma_start3A_516 = tpu.memref_slice %run_scoped3A_5[%rem3A_212, %dma_start3A_514, %dma_start3A_515] : memref<2x12x128xi32, #tpu.memory_space<vmem>> -> memref<1x12x128xi32, #tpu.memory_space<vmem>>
        %dma_start3A_517 = tpu.memref_squeeze %dma_start3A_516 : memref<1x12x128xi32, #tpu.memory_space<vmem>> -> memref<12x128xi32, #tpu.memory_space<vmem>>
        %dma_start3A_518 = arith.constant 0 : i32
        %dma_start3A_519 = tpu.memref_slice %dma_start3A_517[%dma_start3A_510, %dma_start3A_518] : memref<12x128xi32, #tpu.memory_space<vmem>> -> memref<1x128xi32, #tpu.memory_space<vmem>>
        %dma_start3A_520 = tpu.memref_squeeze %dma_start3A_519 : memref<1x128xi32, #tpu.memory_space<vmem>> -> memref<128xi32, #tpu.memory_space<vmem>>
        %dma_start3A_521 = arith.constant 0 : i32
        %dma_start3A_522 = arith.constant 0 : i32
        %dma_start3A_523 = tpu.memref_slice %arg8[%dma_start3A_521, %dma_start3A_522] : memref<100096x16xf32, #tpu.memory_space<vmem_shared>> -> memref<100096x16xf32, #tpu.memory_space<vmem_shared>>
        tpu.enqueue_indirect_dma source(%dma_start3A_513 : memref<128x16xf32, #tpu.memory_space<vmem>>) target(%dma_start3A_523 : memref<100096x16xf32, #tpu.memory_space<vmem_shared>>) offsets(%dma_start3A_520 : memref<128xi32, #tpu.memory_space<vmem>>) semaphore(%arg10 : memref<!tpu.dma_semaphore, #tpu.memory_space<semaphore_mem>>) {add = true}
        %dma_wait3A_524 = arith.constant 3 : i32
        %dma_wait3A_525 = arith.constant 384 : i32
        %dma_wait3A_526 = arith.constant 0 : i32
        %dma_wait3A_527 = tpu.memref_slice %arg7[%dma_wait3A_525, %dma_wait3A_526] : memref<1536x16xf32, #tpu.memory_space<vmem>> -> memref<128x16xf32, #tpu.memory_space<vmem>>
        %dma_wait3A_528 = arith.constant 0 : i32
        %dma_wait3A_529 = arith.constant 0 : i32
        %dma_wait3A_530 = tpu.memref_slice %run_scoped3A[%rem3A_210, %dma_wait3A_528, %dma_wait3A_529] : memref<2x12x128xi32, #tpu.memory_space<vmem>> -> memref<1x12x128xi32, #tpu.memory_space<vmem>>
        %dma_wait3A_531 = tpu.memref_squeeze %dma_wait3A_530 : memref<1x12x128xi32, #tpu.memory_space<vmem>> -> memref<12x128xi32, #tpu.memory_space<vmem>>
        %dma_wait3A_532 = arith.constant 0 : i32
        %dma_wait3A_533 = tpu.memref_slice %dma_wait3A_531[%dma_wait3A_524, %dma_wait3A_532] : memref<12x128xi32, #tpu.memory_space<vmem>> -> memref<1x128xi32, #tpu.memory_space<vmem>>
        %dma_wait3A_534 = tpu.memref_squeeze %dma_wait3A_533 : memref<1x128xi32, #tpu.memory_space<vmem>> -> memref<128xi32, #tpu.memory_space<vmem>>
        %dma_wait3A_535 = arith.constant 0 : i32
        %dma_wait3A_536 = arith.constant 0 : i32
        %dma_wait3A_537 = tpu.memref_slice %arg2[%arg0, %dma_wait3A_535, %dma_wait3A_536] : memref<2x102400x16xf32, #tpu.memory_space<hbm>> -> memref<1x102400x16xf32, #tpu.memory_space<hbm>>
        %dma_wait3A_538 = tpu.memref_squeeze %dma_wait3A_537 : memref<1x102400x16xf32, #tpu.memory_space<hbm>> -> memref<102400x16xf32, #tpu.memory_space<hbm>>
        %dma_wait3A_539 = arith.constant 0 : i32
        %dma_wait3A_540 = arith.constant 0 : i32
        %dma_wait3A_541 = tpu.memref_slice %dma_wait3A_538[%dma_wait3A_539, %dma_wait3A_540] : memref<102400x16xf32, #tpu.memory_space<hbm>> -> memref<102400x16xf32, #tpu.memory_space<hbm>>
        tpu.wait_indirect_dma semaphore(%arg9 : memref<!tpu.dma_semaphore, #tpu.memory_space<semaphore_mem>>) src(%dma_wait3A_541 : memref<102400x16xf32, #tpu.memory_space<hbm>>) dst(%dma_wait3A_527 : memref<128x16xf32, #tpu.memory_space<vmem>>)
        %dma_start3A_542 = arith.constant 3 : i32
        %dma_start3A_543 = arith.constant 384 : i32
        %dma_start3A_544 = arith.constant 0 : i32
        %dma_start3A_545 = tpu.memref_slice %arg7[%dma_start3A_543, %dma_start3A_544] : memref<1536x16xf32, #tpu.memory_space<vmem>> -> memref<128x16xf32, #tpu.memory_space<vmem>>
        %dma_start3A_546 = arith.constant 0 : i32
        %dma_start3A_547 = arith.constant 0 : i32
        %dma_start3A_548 = tpu.memref_slice %run_scoped3A_5[%rem3A_212, %dma_start3A_546, %dma_start3A_547] : memref<2x12x128xi32, #tpu.memory_space<vmem>> -> memref<1x12x128xi32, #tpu.memory_space<vmem>>
        %dma_start3A_549 = tpu.memref_squeeze %dma_start3A_548 : memref<1x12x128xi32, #tpu.memory_space<vmem>> -> memref<12x128xi32, #tpu.memory_space<vmem>>
        %dma_start3A_550 = arith.constant 0 : i32
        %dma_start3A_551 = tpu.memref_slice %dma_start3A_549[%dma_start3A_542, %dma_start3A_550] : memref<12x128xi32, #tpu.memory_space<vmem>> -> memref<1x128xi32, #tpu.memory_space<vmem>>
        %dma_start3A_552 = tpu.memref_squeeze %dma_start3A_551 : memref<1x128xi32, #tpu.memory_space<vmem>> -> memref<128xi32, #tpu.memory_space<vmem>>
        %dma_start3A_553 = arith.constant 0 : i32
        %dma_start3A_554 = arith.constant 0 : i32
        %dma_start3A_555 = tpu.memref_slice %arg8[%dma_start3A_553, %dma_start3A_554] : memref<100096x16xf32, #tpu.memory_space<vmem_shared>> -> memref<100096x16xf32, #tpu.memory_space<vmem_shared>>
        tpu.enqueue_indirect_dma source(%dma_start3A_545 : memref<128x16xf32, #tpu.memory_space<vmem>>) target(%dma_start3A_555 : memref<100096x16xf32, #tpu.memory_space<vmem_shared>>) offsets(%dma_start3A_552 : memref<128xi32, #tpu.memory_space<vmem>>) semaphore(%arg10 : memref<!tpu.dma_semaphore, #tpu.memory_space<semaphore_mem>>) {add = true}
        %dma_wait3A_556 = arith.constant 4 : i32
        %dma_wait3A_557 = arith.constant 512 : i32
        %dma_wait3A_558 = arith.constant 0 : i32
        %dma_wait3A_559 = tpu.memref_slice %arg7[%dma_wait3A_557, %dma_wait3A_558] : memref<1536x16xf32, #tpu.memory_space<vmem>> -> memref<128x16xf32, #tpu.memory_space<vmem>>
        %dma_wait3A_560 = arith.constant 0 : i32
        %dma_wait3A_561 = arith.constant 0 : i32
        %dma_wait3A_562 = tpu.memref_slice %run_scoped3A[%rem3A_210, %dma_wait3A_560, %dma_wait3A_561] : memref<2x12x128xi32, #tpu.memory_space<vmem>> -> memref<1x12x128xi32, #tpu.memory_space<vmem>>
        %dma_wait3A_563 = tpu.memref_squeeze %dma_wait3A_562 : memref<1x12x128xi32, #tpu.memory_space<vmem>> -> memref<12x128xi32, #tpu.memory_space<vmem>>
        %dma_wait3A_564 = arith.constant 0 : i32
        %dma_wait3A_565 = tpu.memref_slice %dma_wait3A_563[%dma_wait3A_556, %dma_wait3A_564] : memref<12x128xi32, #tpu.memory_space<vmem>> -> memref<1x128xi32, #tpu.memory_space<vmem>>
        %dma_wait3A_566 = tpu.memref_squeeze %dma_wait3A_565 : memref<1x128xi32, #tpu.memory_space<vmem>> -> memref<128xi32, #tpu.memory_space<vmem>>
        %dma_wait3A_567 = arith.constant 0 : i32
        %dma_wait3A_568 = arith.constant 0 : i32
        %dma_wait3A_569 = tpu.memref_slice %arg2[%arg0, %dma_wait3A_567, %dma_wait3A_568] : memref<2x102400x16xf32, #tpu.memory_space<hbm>> -> memref<1x102400x16xf32, #tpu.memory_space<hbm>>
        %dma_wait3A_570 = tpu.memref_squeeze %dma_wait3A_569 : memref<1x102400x16xf32, #tpu.memory_space<hbm>> -> memref<102400x16xf32, #tpu.memory_space<hbm>>
        %dma_wait3A_571 = arith.constant 0 : i32
        %dma_wait3A_572 = arith.constant 0 : i32
        %dma_wait3A_573 = tpu.memref_slice %dma_wait3A_570[%dma_wait3A_571, %dma_wait3A_572] : memref<102400x16xf32, #tpu.memory_space<hbm>> -> memref<102400x16xf32, #tpu.memory_space<hbm>>
        tpu.wait_indirect_dma semaphore(%arg9 : memref<!tpu.dma_semaphore, #tpu.memory_space<semaphore_mem>>) src(%dma_wait3A_573 : memref<102400x16xf32, #tpu.memory_space<hbm>>) dst(%dma_wait3A_559 : memref<128x16xf32, #tpu.memory_space<vmem>>)
        %dma_start3A_574 = arith.constant 4 : i32
        %dma_start3A_575 = arith.constant 512 : i32
        %dma_start3A_576 = arith.constant 0 : i32
        %dma_start3A_577 = tpu.memref_slice %arg7[%dma_start3A_575, %dma_start3A_576] : memref<1536x16xf32, #tpu.memory_space<vmem>> -> memref<128x16xf32, #tpu.memory_space<vmem>>
        %dma_start3A_578 = arith.constant 0 : i32
        %dma_start3A_579 = arith.constant 0 : i32
        %dma_start3A_580 = tpu.memref_slice %run_scoped3A_5[%rem3A_212, %dma_start3A_578, %dma_start3A_579] : memref<2x12x128xi32, #tpu.memory_space<vmem>> -> memref<1x12x128xi32, #tpu.memory_space<vmem>>
        %dma_start3A_581 = tpu.memref_squeeze %dma_start3A_580 : memref<1x12x128xi32, #tpu.memory_space<vmem>> -> memref<12x128xi32, #tpu.memory_space<vmem>>
        %dma_start3A_582 = arith.constant 0 : i32
        %dma_start3A_583 = tpu.memref_slice %dma_start3A_581[%dma_start3A_574, %dma_start3A_582] : memref<12x128xi32, #tpu.memory_space<vmem>> -> memref<1x128xi32, #tpu.memory_space<vmem>>
        %dma_start3A_584 = tpu.memref_squeeze %dma_start3A_583 : memref<1x128xi32, #tpu.memory_space<vmem>> -> memref<128xi32, #tpu.memory_space<vmem>>
        %dma_start3A_585 = arith.constant 0 : i32
        %dma_start3A_586 = arith.constant 0 : i32
        %dma_start3A_587 = tpu.memref_slice %arg8[%dma_start3A_585, %dma_start3A_586] : memref<100096x16xf32, #tpu.memory_space<vmem_shared>> -> memref<100096x16xf32, #tpu.memory_space<vmem_shared>>
        tpu.enqueue_indirect_dma source(%dma_start3A_577 : memref<128x16xf32, #tpu.memory_space<vmem>>) target(%dma_start3A_587 : memref<100096x16xf32, #tpu.memory_space<vmem_shared>>) offsets(%dma_start3A_584 : memref<128xi32, #tpu.memory_space<vmem>>) semaphore(%arg10 : memref<!tpu.dma_semaphore, #tpu.memory_space<semaphore_mem>>) {add = true}
        %dma_wait3A_588 = arith.constant 5 : i32
        %dma_wait3A_589 = arith.constant 640 : i32
        %dma_wait3A_590 = arith.constant 0 : i32
        %dma_wait3A_591 = tpu.memref_slice %arg7[%dma_wait3A_589, %dma_wait3A_590] : memref<1536x16xf32, #tpu.memory_space<vmem>> -> memref<128x16xf32, #tpu.memory_space<vmem>>
        %dma_wait3A_592 = arith.constant 0 : i32
        %dma_wait3A_593 = arith.constant 0 : i32
        %dma_wait3A_594 = tpu.memref_slice %run_scoped3A[%rem3A_210, %dma_wait3A_592, %dma_wait3A_593] : memref<2x12x128xi32, #tpu.memory_space<vmem>> -> memref<1x12x128xi32, #tpu.memory_space<vmem>>
        %dma_wait3A_595 = tpu.memref_squeeze %dma_wait3A_594 : memref<1x12x128xi32, #tpu.memory_space<vmem>> -> memref<12x128xi32, #tpu.memory_space<vmem>>
        %dma_wait3A_596 = arith.constant 0 : i32
        %dma_wait3A_597 = tpu.memref_slice %dma_wait3A_595[%dma_wait3A_588, %dma_wait3A_596] : memref<12x128xi32, #tpu.memory_space<vmem>> -> memref<1x128xi32, #tpu.memory_space<vmem>>
        %dma_wait3A_598 = tpu.memref_squeeze %dma_wait3A_597 : memref<1x128xi32, #tpu.memory_space<vmem>> -> memref<128xi32, #tpu.memory_space<vmem>>
        %dma_wait3A_599 = arith.constant 0 : i32
        %dma_wait3A_600 = arith.constant 0 : i32
        %dma_wait3A_601 = tpu.memref_slice %arg2[%arg0, %dma_wait3A_599, %dma_wait3A_600] : memref<2x102400x16xf32, #tpu.memory_space<hbm>> -> memref<1x102400x16xf32, #tpu.memory_space<hbm>>
        %dma_wait3A_602 = tpu.memref_squeeze %dma_wait3A_601 : memref<1x102400x16xf32, #tpu.memory_space<hbm>> -> memref<102400x16xf32, #tpu.memory_space<hbm>>
        %dma_wait3A_603 = arith.constant 0 : i32
        %dma_wait3A_604 = arith.constant 0 : i32
        %dma_wait3A_605 = tpu.memref_slice %dma_wait3A_602[%dma_wait3A_603, %dma_wait3A_604] : memref<102400x16xf32, #tpu.memory_space<hbm>> -> memref<102400x16xf32, #tpu.memory_space<hbm>>
        tpu.wait_indirect_dma semaphore(%arg9 : memref<!tpu.dma_semaphore, #tpu.memory_space<semaphore_mem>>) src(%dma_wait3A_605 : memref<102400x16xf32, #tpu.memory_space<hbm>>) dst(%dma_wait3A_591 : memref<128x16xf32, #tpu.memory_space<vmem>>)
        %dma_start3A_606 = arith.constant 5 : i32
        %dma_start3A_607 = arith.constant 640 : i32
        %dma_start3A_608 = arith.constant 0 : i32
        %dma_start3A_609 = tpu.memref_slice %arg7[%dma_start3A_607, %dma_start3A_608] : memref<1536x16xf32, #tpu.memory_space<vmem>> -> memref<128x16xf32, #tpu.memory_space<vmem>>
        %dma_start3A_610 = arith.constant 0 : i32
        %dma_start3A_611 = arith.constant 0 : i32
        %dma_start3A_612 = tpu.memref_slice %run_scoped3A_5[%rem3A_212, %dma_start3A_610, %dma_start3A_611] : memref<2x12x128xi32, #tpu.memory_space<vmem>> -> memref<1x12x128xi32, #tpu.memory_space<vmem>>
        %dma_start3A_613 = tpu.memref_squeeze %dma_start3A_612 : memref<1x12x128xi32, #tpu.memory_space<vmem>> -> memref<12x128xi32, #tpu.memory_space<vmem>>
        %dma_start3A_614 = arith.constant 0 : i32
        %dma_start3A_615 = tpu.memref_slice %dma_start3A_613[%dma_start3A_606, %dma_start3A_614] : memref<12x128xi32, #tpu.memory_space<vmem>> -> memref<1x128xi32, #tpu.memory_space<vmem>>
        %dma_start3A_616 = tpu.memref_squeeze %dma_start3A_615 : memref<1x128xi32, #tpu.memory_space<vmem>> -> memref<128xi32, #tpu.memory_space<vmem>>
        %dma_start3A_617 = arith.constant 0 : i32
        %dma_start3A_618 = arith.constant 0 : i32
        %dma_start3A_619 = tpu.memref_slice %arg8[%dma_start3A_617, %dma_start3A_618] : memref<100096x16xf32, #tpu.memory_space<vmem_shared>> -> memref<100096x16xf32, #tpu.memory_space<vmem_shared>>
        tpu.enqueue_indirect_dma source(%dma_start3A_609 : memref<128x16xf32, #tpu.memory_space<vmem>>) target(%dma_start3A_619 : memref<100096x16xf32, #tpu.memory_space<vmem_shared>>) offsets(%dma_start3A_616 : memref<128xi32, #tpu.memory_space<vmem>>) semaphore(%arg10 : memref<!tpu.dma_semaphore, #tpu.memory_space<semaphore_mem>>) {add = true}
        %dma_wait3A_620 = arith.constant 6 : i32
        %dma_wait3A_621 = arith.constant 768 : i32
        %dma_wait3A_622 = arith.constant 0 : i32
        %dma_wait3A_623 = tpu.memref_slice %arg7[%dma_wait3A_621, %dma_wait3A_622] : memref<1536x16xf32, #tpu.memory_space<vmem>> -> memref<128x16xf32, #tpu.memory_space<vmem>>
        %dma_wait3A_624 = arith.constant 0 : i32
        %dma_wait3A_625 = arith.constant 0 : i32
        %dma_wait3A_626 = tpu.memref_slice %run_scoped3A[%rem3A_210, %dma_wait3A_624, %dma_wait3A_625] : memref<2x12x128xi32, #tpu.memory_space<vmem>> -> memref<1x12x128xi32, #tpu.memory_space<vmem>>
        %dma_wait3A_627 = tpu.memref_squeeze %dma_wait3A_626 : memref<1x12x128xi32, #tpu.memory_space<vmem>> -> memref<12x128xi32, #tpu.memory_space<vmem>>
        %dma_wait3A_628 = arith.constant 0 : i32
        %dma_wait3A_629 = tpu.memref_slice %dma_wait3A_627[%dma_wait3A_620, %dma_wait3A_628] : memref<12x128xi32, #tpu.memory_space<vmem>> -> memref<1x128xi32, #tpu.memory_space<vmem>>
        %dma_wait3A_630 = tpu.memref_squeeze %dma_wait3A_629 : memref<1x128xi32, #tpu.memory_space<vmem>> -> memref<128xi32, #tpu.memory_space<vmem>>
        %dma_wait3A_631 = arith.constant 0 : i32
        %dma_wait3A_632 = arith.constant 0 : i32
        %dma_wait3A_633 = tpu.memref_slice %arg2[%arg0, %dma_wait3A_631, %dma_wait3A_632] : memref<2x102400x16xf32, #tpu.memory_space<hbm>> -> memref<1x102400x16xf32, #tpu.memory_space<hbm>>
        %dma_wait3A_634 = tpu.memref_squeeze %dma_wait3A_633 : memref<1x102400x16xf32, #tpu.memory_space<hbm>> -> memref<102400x16xf32, #tpu.memory_space<hbm>>
        %dma_wait3A_635 = arith.constant 0 : i32
        %dma_wait3A_636 = arith.constant 0 : i32
        %dma_wait3A_637 = tpu.memref_slice %dma_wait3A_634[%dma_wait3A_635, %dma_wait3A_636] : memref<102400x16xf32, #tpu.memory_space<hbm>> -> memref<102400x16xf32, #tpu.memory_space<hbm>>
        tpu.wait_indirect_dma semaphore(%arg9 : memref<!tpu.dma_semaphore, #tpu.memory_space<semaphore_mem>>) src(%dma_wait3A_637 : memref<102400x16xf32, #tpu.memory_space<hbm>>) dst(%dma_wait3A_623 : memref<128x16xf32, #tpu.memory_space<vmem>>)
        %dma_start3A_638 = arith.constant 6 : i32
        %dma_start3A_639 = arith.constant 768 : i32
        %dma_start3A_640 = arith.constant 0 : i32
        %dma_start3A_641 = tpu.memref_slice %arg7[%dma_start3A_639, %dma_start3A_640] : memref<1536x16xf32, #tpu.memory_space<vmem>> -> memref<128x16xf32, #tpu.memory_space<vmem>>
        %dma_start3A_642 = arith.constant 0 : i32
        %dma_start3A_643 = arith.constant 0 : i32
        %dma_start3A_644 = tpu.memref_slice %run_scoped3A_5[%rem3A_212, %dma_start3A_642, %dma_start3A_643] : memref<2x12x128xi32, #tpu.memory_space<vmem>> -> memref<1x12x128xi32, #tpu.memory_space<vmem>>
        %dma_start3A_645 = tpu.memref_squeeze %dma_start3A_644 : memref<1x12x128xi32, #tpu.memory_space<vmem>> -> memref<12x128xi32, #tpu.memory_space<vmem>>
        %dma_start3A_646 = arith.constant 0 : i32
        %dma_start3A_647 = tpu.memref_slice %dma_start3A_645[%dma_start3A_638, %dma_start3A_646] : memref<12x128xi32, #tpu.memory_space<vmem>> -> memref<1x128xi32, #tpu.memory_space<vmem>>
        %dma_start3A_648 = tpu.memref_squeeze %dma_start3A_647 : memref<1x128xi32, #tpu.memory_space<vmem>> -> memref<128xi32, #tpu.memory_space<vmem>>
        %dma_start3A_649 = arith.constant 0 : i32
        %dma_start3A_650 = arith.constant 0 : i32
        %dma_start3A_651 = tpu.memref_slice %arg8[%dma_start3A_649, %dma_start3A_650] : memref<100096x16xf32, #tpu.memory_space<vmem_shared>> -> memref<100096x16xf32, #tpu.memory_space<vmem_shared>>
        tpu.enqueue_indirect_dma source(%dma_start3A_641 : memref<128x16xf32, #tpu.memory_space<vmem>>) target(%dma_start3A_651 : memref<100096x16xf32, #tpu.memory_space<vmem_shared>>) offsets(%dma_start3A_648 : memref<128xi32, #tpu.memory_space<vmem>>) semaphore(%arg10 : memref<!tpu.dma_semaphore, #tpu.memory_space<semaphore_mem>>) {add = true}
        %dma_wait3A_652 = arith.constant 7 : i32
        %dma_wait3A_653 = arith.constant 896 : i32
        %dma_wait3A_654 = arith.constant 0 : i32
        %dma_wait3A_655 = tpu.memref_slice %arg7[%dma_wait3A_653, %dma_wait3A_654] : memref<1536x16xf32, #tpu.memory_space<vmem>> -> memref<128x16xf32, #tpu.memory_space<vmem>>
        %dma_wait3A_656 = arith.constant 0 : i32
        %dma_wait3A_657 = arith.constant 0 : i32
        %dma_wait3A_658 = tpu.memref_slice %run_scoped3A[%rem3A_210, %dma_wait3A_656, %dma_wait3A_657] : memref<2x12x128xi32, #tpu.memory_space<vmem>> -> memref<1x12x128xi32, #tpu.memory_space<vmem>>
        %dma_wait3A_659 = tpu.memref_squeeze %dma_wait3A_658 : memref<1x12x128xi32, #tpu.memory_space<vmem>> -> memref<12x128xi32, #tpu.memory_space<vmem>>
        %dma_wait3A_660 = arith.constant 0 : i32
        %dma_wait3A_661 = tpu.memref_slice %dma_wait3A_659[%dma_wait3A_652, %dma_wait3A_660] : memref<12x128xi32, #tpu.memory_space<vmem>> -> memref<1x128xi32, #tpu.memory_space<vmem>>
        %dma_wait3A_662 = tpu.memref_squeeze %dma_wait3A_661 : memref<1x128xi32, #tpu.memory_space<vmem>> -> memref<128xi32, #tpu.memory_space<vmem>>
        %dma_wait3A_663 = arith.constant 0 : i32
        %dma_wait3A_664 = arith.constant 0 : i32
        %dma_wait3A_665 = tpu.memref_slice %arg2[%arg0, %dma_wait3A_663, %dma_wait3A_664] : memref<2x102400x16xf32, #tpu.memory_space<hbm>> -> memref<1x102400x16xf32, #tpu.memory_space<hbm>>
        %dma_wait3A_666 = tpu.memref_squeeze %dma_wait3A_665 : memref<1x102400x16xf32, #tpu.memory_space<hbm>> -> memref<102400x16xf32, #tpu.memory_space<hbm>>
        %dma_wait3A_667 = arith.constant 0 : i32
        %dma_wait3A_668 = arith.constant 0 : i32
        %dma_wait3A_669 = tpu.memref_slice %dma_wait3A_666[%dma_wait3A_667, %dma_wait3A_668] : memref<102400x16xf32, #tpu.memory_space<hbm>> -> memref<102400x16xf32, #tpu.memory_space<hbm>>
        tpu.wait_indirect_dma semaphore(%arg9 : memref<!tpu.dma_semaphore, #tpu.memory_space<semaphore_mem>>) src(%dma_wait3A_669 : memref<102400x16xf32, #tpu.memory_space<hbm>>) dst(%dma_wait3A_655 : memref<128x16xf32, #tpu.memory_space<vmem>>)
        %dma_start3A_670 = arith.constant 7 : i32
        %dma_start3A_671 = arith.constant 896 : i32
        %dma_start3A_672 = arith.constant 0 : i32
        %dma_start3A_673 = tpu.memref_slice %arg7[%dma_start3A_671, %dma_start3A_672] : memref<1536x16xf32, #tpu.memory_space<vmem>> -> memref<128x16xf32, #tpu.memory_space<vmem>>
        %dma_start3A_674 = arith.constant 0 : i32
        %dma_start3A_675 = arith.constant 0 : i32
        %dma_start3A_676 = tpu.memref_slice %run_scoped3A_5[%rem3A_212, %dma_start3A_674, %dma_start3A_675] : memref<2x12x128xi32, #tpu.memory_space<vmem>> -> memref<1x12x128xi32, #tpu.memory_space<vmem>>
        %dma_start3A_677 = tpu.memref_squeeze %dma_start3A_676 : memref<1x12x128xi32, #tpu.memory_space<vmem>> -> memref<12x128xi32, #tpu.memory_space<vmem>>
        %dma_start3A_678 = arith.constant 0 : i32
        %dma_start3A_679 = tpu.memref_slice %dma_start3A_677[%dma_start3A_670, %dma_start3A_678] : memref<12x128xi32, #tpu.memory_space<vmem>> -> memref<1x128xi32, #tpu.memory_space<vmem>>
        %dma_start3A_680 = tpu.memref_squeeze %dma_start3A_679 : memref<1x128xi32, #tpu.memory_space<vmem>> -> memref<128xi32, #tpu.memory_space<vmem>>
        %dma_start3A_681 = arith.constant 0 : i32
        %dma_start3A_682 = arith.constant 0 : i32
        %dma_start3A_683 = tpu.memref_slice %arg8[%dma_start3A_681, %dma_start3A_682] : memref<100096x16xf32, #tpu.memory_space<vmem_shared>> -> memref<100096x16xf32, #tpu.memory_space<vmem_shared>>
        tpu.enqueue_indirect_dma source(%dma_start3A_673 : memref<128x16xf32, #tpu.memory_space<vmem>>) target(%dma_start3A_683 : memref<100096x16xf32, #tpu.memory_space<vmem_shared>>) offsets(%dma_start3A_680 : memref<128xi32, #tpu.memory_space<vmem>>) semaphore(%arg10 : memref<!tpu.dma_semaphore, #tpu.memory_space<semaphore_mem>>) {add = true}
        %dma_wait3A_684 = arith.constant 8 : i32
        %dma_wait3A_685 = arith.constant 1024 : i32
        %dma_wait3A_686 = arith.constant 0 : i32
        %dma_wait3A_687 = tpu.memref_slice %arg7[%dma_wait3A_685, %dma_wait3A_686] : memref<1536x16xf32, #tpu.memory_space<vmem>> -> memref<128x16xf32, #tpu.memory_space<vmem>>
        %dma_wait3A_688 = arith.constant 0 : i32
        %dma_wait3A_689 = arith.constant 0 : i32
        %dma_wait3A_690 = tpu.memref_slice %run_scoped3A[%rem3A_210, %dma_wait3A_688, %dma_wait3A_689] : memref<2x12x128xi32, #tpu.memory_space<vmem>> -> memref<1x12x128xi32, #tpu.memory_space<vmem>>
        %dma_wait3A_691 = tpu.memref_squeeze %dma_wait3A_690 : memref<1x12x128xi32, #tpu.memory_space<vmem>> -> memref<12x128xi32, #tpu.memory_space<vmem>>
        %dma_wait3A_692 = arith.constant 0 : i32
        %dma_wait3A_693 = tpu.memref_slice %dma_wait3A_691[%dma_wait3A_684, %dma_wait3A_692] : memref<12x128xi32, #tpu.memory_space<vmem>> -> memref<1x128xi32, #tpu.memory_space<vmem>>
        %dma_wait3A_694 = tpu.memref_squeeze %dma_wait3A_693 : memref<1x128xi32, #tpu.memory_space<vmem>> -> memref<128xi32, #tpu.memory_space<vmem>>
        %dma_wait3A_695 = arith.constant 0 : i32
        %dma_wait3A_696 = arith.constant 0 : i32
        %dma_wait3A_697 = tpu.memref_slice %arg2[%arg0, %dma_wait3A_695, %dma_wait3A_696] : memref<2x102400x16xf32, #tpu.memory_space<hbm>> -> memref<1x102400x16xf32, #tpu.memory_space<hbm>>
        %dma_wait3A_698 = tpu.memref_squeeze %dma_wait3A_697 : memref<1x102400x16xf32, #tpu.memory_space<hbm>> -> memref<102400x16xf32, #tpu.memory_space<hbm>>
        %dma_wait3A_699 = arith.constant 0 : i32
        %dma_wait3A_700 = arith.constant 0 : i32
        %dma_wait3A_701 = tpu.memref_slice %dma_wait3A_698[%dma_wait3A_699, %dma_wait3A_700] : memref<102400x16xf32, #tpu.memory_space<hbm>> -> memref<102400x16xf32, #tpu.memory_space<hbm>>
        tpu.wait_indirect_dma semaphore(%arg9 : memref<!tpu.dma_semaphore, #tpu.memory_space<semaphore_mem>>) src(%dma_wait3A_701 : memref<102400x16xf32, #tpu.memory_space<hbm>>) dst(%dma_wait3A_687 : memref<128x16xf32, #tpu.memory_space<vmem>>)
        %dma_start3A_702 = arith.constant 8 : i32
        %dma_start3A_703 = arith.constant 1024 : i32
        %dma_start3A_704 = arith.constant 0 : i32
        %dma_start3A_705 = tpu.memref_slice %arg7[%dma_start3A_703, %dma_start3A_704] : memref<1536x16xf32, #tpu.memory_space<vmem>> -> memref<128x16xf32, #tpu.memory_space<vmem>>
        %dma_start3A_706 = arith.constant 0 : i32
        %dma_start3A_707 = arith.constant 0 : i32
        %dma_start3A_708 = tpu.memref_slice %run_scoped3A_5[%rem3A_212, %dma_start3A_706, %dma_start3A_707] : memref<2x12x128xi32, #tpu.memory_space<vmem>> -> memref<1x12x128xi32, #tpu.memory_space<vmem>>
        %dma_start3A_709 = tpu.memref_squeeze %dma_start3A_708 : memref<1x12x128xi32, #tpu.memory_space<vmem>> -> memref<12x128xi32, #tpu.memory_space<vmem>>
        %dma_start3A_710 = arith.constant 0 : i32
        %dma_start3A_711 = tpu.memref_slice %dma_start3A_709[%dma_start3A_702, %dma_start3A_710] : memref<12x128xi32, #tpu.memory_space<vmem>> -> memref<1x128xi32, #tpu.memory_space<vmem>>
        %dma_start3A_712 = tpu.memref_squeeze %dma_start3A_711 : memref<1x128xi32, #tpu.memory_space<vmem>> -> memref<128xi32, #tpu.memory_space<vmem>>
        %dma_start3A_713 = arith.constant 0 : i32
        %dma_start3A_714 = arith.constant 0 : i32
        %dma_start3A_715 = tpu.memref_slice %arg8[%dma_start3A_713, %dma_start3A_714] : memref<100096x16xf32, #tpu.memory_space<vmem_shared>> -> memref<100096x16xf32, #tpu.memory_space<vmem_shared>>
        tpu.enqueue_indirect_dma source(%dma_start3A_705 : memref<128x16xf32, #tpu.memory_space<vmem>>) target(%dma_start3A_715 : memref<100096x16xf32, #tpu.memory_space<vmem_shared>>) offsets(%dma_start3A_712 : memref<128xi32, #tpu.memory_space<vmem>>) semaphore(%arg10 : memref<!tpu.dma_semaphore, #tpu.memory_space<semaphore_mem>>) {add = true}
        %dma_wait3A_716 = arith.constant 9 : i32
        %dma_wait3A_717 = arith.constant 1152 : i32
        %dma_wait3A_718 = arith.constant 0 : i32
        %dma_wait3A_719 = tpu.memref_slice %arg7[%dma_wait3A_717, %dma_wait3A_718] : memref<1536x16xf32, #tpu.memory_space<vmem>> -> memref<128x16xf32, #tpu.memory_space<vmem>>
        %dma_wait3A_720 = arith.constant 0 : i32
        %dma_wait3A_721 = arith.constant 0 : i32
        %dma_wait3A_722 = tpu.memref_slice %run_scoped3A[%rem3A_210, %dma_wait3A_720, %dma_wait3A_721] : memref<2x12x128xi32, #tpu.memory_space<vmem>> -> memref<1x12x128xi32, #tpu.memory_space<vmem>>
        %dma_wait3A_723 = tpu.memref_squeeze %dma_wait3A_722 : memref<1x12x128xi32, #tpu.memory_space<vmem>> -> memref<12x128xi32, #tpu.memory_space<vmem>>
        %dma_wait3A_724 = arith.constant 0 : i32
        %dma_wait3A_725 = tpu.memref_slice %dma_wait3A_723[%dma_wait3A_716, %dma_wait3A_724] : memref<12x128xi32, #tpu.memory_space<vmem>> -> memref<1x128xi32, #tpu.memory_space<vmem>>
        %dma_wait3A_726 = tpu.memref_squeeze %dma_wait3A_725 : memref<1x128xi32, #tpu.memory_space<vmem>> -> memref<128xi32, #tpu.memory_space<vmem>>
        %dma_wait3A_727 = arith.constant 0 : i32
        %dma_wait3A_728 = arith.constant 0 : i32
        %dma_wait3A_729 = tpu.memref_slice %arg2[%arg0, %dma_wait3A_727, %dma_wait3A_728] : memref<2x102400x16xf32, #tpu.memory_space<hbm>> -> memref<1x102400x16xf32, #tpu.memory_space<hbm>>
        %dma_wait3A_730 = tpu.memref_squeeze %dma_wait3A_729 : memref<1x102400x16xf32, #tpu.memory_space<hbm>> -> memref<102400x16xf32, #tpu.memory_space<hbm>>
        %dma_wait3A_731 = arith.constant 0 : i32
        %dma_wait3A_732 = arith.constant 0 : i32
        %dma_wait3A_733 = tpu.memref_slice %dma_wait3A_730[%dma_wait3A_731, %dma_wait3A_732] : memref<102400x16xf32, #tpu.memory_space<hbm>> -> memref<102400x16xf32, #tpu.memory_space<hbm>>
        tpu.wait_indirect_dma semaphore(%arg9 : memref<!tpu.dma_semaphore, #tpu.memory_space<semaphore_mem>>) src(%dma_wait3A_733 : memref<102400x16xf32, #tpu.memory_space<hbm>>) dst(%dma_wait3A_719 : memref<128x16xf32, #tpu.memory_space<vmem>>)
        %dma_start3A_734 = arith.constant 9 : i32
        %dma_start3A_735 = arith.constant 1152 : i32
        %dma_start3A_736 = arith.constant 0 : i32
        %dma_start3A_737 = tpu.memref_slice %arg7[%dma_start3A_735, %dma_start3A_736] : memref<1536x16xf32, #tpu.memory_space<vmem>> -> memref<128x16xf32, #tpu.memory_space<vmem>>
        %dma_start3A_738 = arith.constant 0 : i32
        %dma_start3A_739 = arith.constant 0 : i32
        %dma_start3A_740 = tpu.memref_slice %run_scoped3A_5[%rem3A_212, %dma_start3A_738, %dma_start3A_739] : memref<2x12x128xi32, #tpu.memory_space<vmem>> -> memref<1x12x128xi32, #tpu.memory_space<vmem>>
        %dma_start3A_741 = tpu.memref_squeeze %dma_start3A_740 : memref<1x12x128xi32, #tpu.memory_space<vmem>> -> memref<12x128xi32, #tpu.memory_space<vmem>>
        %dma_start3A_742 = arith.constant 0 : i32
        %dma_start3A_743 = tpu.memref_slice %dma_start3A_741[%dma_start3A_734, %dma_start3A_742] : memref<12x128xi32, #tpu.memory_space<vmem>> -> memref<1x128xi32, #tpu.memory_space<vmem>>
        %dma_start3A_744 = tpu.memref_squeeze %dma_start3A_743 : memref<1x128xi32, #tpu.memory_space<vmem>> -> memref<128xi32, #tpu.memory_space<vmem>>
        %dma_start3A_745 = arith.constant 0 : i32
        %dma_start3A_746 = arith.constant 0 : i32
        %dma_start3A_747 = tpu.memref_slice %arg8[%dma_start3A_745, %dma_start3A_746] : memref<100096x16xf32, #tpu.memory_space<vmem_shared>> -> memref<100096x16xf32, #tpu.memory_space<vmem_shared>>
        tpu.enqueue_indirect_dma source(%dma_start3A_737 : memref<128x16xf32, #tpu.memory_space<vmem>>) target(%dma_start3A_747 : memref<100096x16xf32, #tpu.memory_space<vmem_shared>>) offsets(%dma_start3A_744 : memref<128xi32, #tpu.memory_space<vmem>>) semaphore(%arg10 : memref<!tpu.dma_semaphore, #tpu.memory_space<semaphore_mem>>) {add = true}
        %dma_wait3A_748 = arith.constant 10 : i32
        %dma_wait3A_749 = arith.constant 1280 : i32
        %dma_wait3A_750 = arith.constant 0 : i32
        %dma_wait3A_751 = tpu.memref_slice %arg7[%dma_wait3A_749, %dma_wait3A_750] : memref<1536x16xf32, #tpu.memory_space<vmem>> -> memref<128x16xf32, #tpu.memory_space<vmem>>
        %dma_wait3A_752 = arith.constant 0 : i32
        %dma_wait3A_753 = arith.constant 0 : i32
        %dma_wait3A_754 = tpu.memref_slice %run_scoped3A[%rem3A_210, %dma_wait3A_752, %dma_wait3A_753] : memref<2x12x128xi32, #tpu.memory_space<vmem>> -> memref<1x12x128xi32, #tpu.memory_space<vmem>>
        %dma_wait3A_755 = tpu.memref_squeeze %dma_wait3A_754 : memref<1x12x128xi32, #tpu.memory_space<vmem>> -> memref<12x128xi32, #tpu.memory_space<vmem>>
        %dma_wait3A_756 = arith.constant 0 : i32
        %dma_wait3A_757 = tpu.memref_slice %dma_wait3A_755[%dma_wait3A_748, %dma_wait3A_756] : memref<12x128xi32, #tpu.memory_space<vmem>> -> memref<1x128xi32, #tpu.memory_space<vmem>>
        %dma_wait3A_758 = tpu.memref_squeeze %dma_wait3A_757 : memref<1x128xi32, #tpu.memory_space<vmem>> -> memref<128xi32, #tpu.memory_space<vmem>>
        %dma_wait3A_759 = arith.constant 0 : i32
        %dma_wait3A_760 = arith.constant 0 : i32
        %dma_wait3A_761 = tpu.memref_slice %arg2[%arg0, %dma_wait3A_759, %dma_wait3A_760] : memref<2x102400x16xf32, #tpu.memory_space<hbm>> -> memref<1x102400x16xf32, #tpu.memory_space<hbm>>
        %dma_wait3A_762 = tpu.memref_squeeze %dma_wait3A_761 : memref<1x102400x16xf32, #tpu.memory_space<hbm>> -> memref<102400x16xf32, #tpu.memory_space<hbm>>
        %dma_wait3A_763 = arith.constant 0 : i32
        %dma_wait3A_764 = arith.constant 0 : i32
        %dma_wait3A_765 = tpu.memref_slice %dma_wait3A_762[%dma_wait3A_763, %dma_wait3A_764] : memref<102400x16xf32, #tpu.memory_space<hbm>> -> memref<102400x16xf32, #tpu.memory_space<hbm>>
        tpu.wait_indirect_dma semaphore(%arg9 : memref<!tpu.dma_semaphore, #tpu.memory_space<semaphore_mem>>) src(%dma_wait3A_765 : memref<102400x16xf32, #tpu.memory_space<hbm>>) dst(%dma_wait3A_751 : memref<128x16xf32, #tpu.memory_space<vmem>>)
        %dma_start3A_766 = arith.constant 10 : i32
        %dma_start3A_767 = arith.constant 1280 : i32
        %dma_start3A_768 = arith.constant 0 : i32
        %dma_start3A_769 = tpu.memref_slice %arg7[%dma_start3A_767, %dma_start3A_768] : memref<1536x16xf32, #tpu.memory_space<vmem>> -> memref<128x16xf32, #tpu.memory_space<vmem>>
        %dma_start3A_770 = arith.constant 0 : i32
        %dma_start3A_771 = arith.constant 0 : i32
        %dma_start3A_772 = tpu.memref_slice %run_scoped3A_5[%rem3A_212, %dma_start3A_770, %dma_start3A_771] : memref<2x12x128xi32, #tpu.memory_space<vmem>> -> memref<1x12x128xi32, #tpu.memory_space<vmem>>
        %dma_start3A_773 = tpu.memref_squeeze %dma_start3A_772 : memref<1x12x128xi32, #tpu.memory_space<vmem>> -> memref<12x128xi32, #tpu.memory_space<vmem>>
        %dma_start3A_774 = arith.constant 0 : i32
        %dma_start3A_775 = tpu.memref_slice %dma_start3A_773[%dma_start3A_766, %dma_start3A_774] : memref<12x128xi32, #tpu.memory_space<vmem>> -> memref<1x128xi32, #tpu.memory_space<vmem>>
        %dma_start3A_776 = tpu.memref_squeeze %dma_start3A_775 : memref<1x128xi32, #tpu.memory_space<vmem>> -> memref<128xi32, #tpu.memory_space<vmem>>
        %dma_start3A_777 = arith.constant 0 : i32
        %dma_start3A_778 = arith.constant 0 : i32
        %dma_start3A_779 = tpu.memref_slice %arg8[%dma_start3A_777, %dma_start3A_778] : memref<100096x16xf32, #tpu.memory_space<vmem_shared>> -> memref<100096x16xf32, #tpu.memory_space<vmem_shared>>
        tpu.enqueue_indirect_dma source(%dma_start3A_769 : memref<128x16xf32, #tpu.memory_space<vmem>>) target(%dma_start3A_779 : memref<100096x16xf32, #tpu.memory_space<vmem_shared>>) offsets(%dma_start3A_776 : memref<128xi32, #tpu.memory_space<vmem>>) semaphore(%arg10 : memref<!tpu.dma_semaphore, #tpu.memory_space<semaphore_mem>>) {add = true}
        %dma_wait3A_780 = arith.constant 11 : i32
        %dma_wait3A_781 = arith.constant 1408 : i32
        %dma_wait3A_782 = arith.constant 0 : i32
        %dma_wait3A_783 = tpu.memref_slice %arg7[%dma_wait3A_781, %dma_wait3A_782] : memref<1536x16xf32, #tpu.memory_space<vmem>> -> memref<128x16xf32, #tpu.memory_space<vmem>>
        %dma_wait3A_784 = arith.constant 0 : i32
        %dma_wait3A_785 = arith.constant 0 : i32
        %dma_wait3A_786 = tpu.memref_slice %run_scoped3A[%rem3A_210, %dma_wait3A_784, %dma_wait3A_785] : memref<2x12x128xi32, #tpu.memory_space<vmem>> -> memref<1x12x128xi32, #tpu.memory_space<vmem>>
        %dma_wait3A_787 = tpu.memref_squeeze %dma_wait3A_786 : memref<1x12x128xi32, #tpu.memory_space<vmem>> -> memref<12x128xi32, #tpu.memory_space<vmem>>
        %dma_wait3A_788 = arith.constant 0 : i32
        %dma_wait3A_789 = tpu.memref_slice %dma_wait3A_787[%dma_wait3A_780, %dma_wait3A_788] : memref<12x128xi32, #tpu.memory_space<vmem>> -> memref<1x128xi32, #tpu.memory_space<vmem>>
        %dma_wait3A_790 = tpu.memref_squeeze %dma_wait3A_789 : memref<1x128xi32, #tpu.memory_space<vmem>> -> memref<128xi32, #tpu.memory_space<vmem>>
        %dma_wait3A_791 = arith.constant 0 : i32
        %dma_wait3A_792 = arith.constant 0 : i32
        %dma_wait3A_793 = tpu.memref_slice %arg2[%arg0, %dma_wait3A_791, %dma_wait3A_792] : memref<2x102400x16xf32, #tpu.memory_space<hbm>> -> memref<1x102400x16xf32, #tpu.memory_space<hbm>>
        %dma_wait3A_794 = tpu.memref_squeeze %dma_wait3A_793 : memref<1x102400x16xf32, #tpu.memory_space<hbm>> -> memref<102400x16xf32, #tpu.memory_space<hbm>>
        %dma_wait3A_795 = arith.constant 0 : i32
        %dma_wait3A_796 = arith.constant 0 : i32
        %dma_wait3A_797 = tpu.memref_slice %dma_wait3A_794[%dma_wait3A_795, %dma_wait3A_796] : memref<102400x16xf32, #tpu.memory_space<hbm>> -> memref<102400x16xf32, #tpu.memory_space<hbm>>
        tpu.wait_indirect_dma semaphore(%arg9 : memref<!tpu.dma_semaphore, #tpu.memory_space<semaphore_mem>>) src(%dma_wait3A_797 : memref<102400x16xf32, #tpu.memory_space<hbm>>) dst(%dma_wait3A_783 : memref<128x16xf32, #tpu.memory_space<vmem>>)
        %dma_start3A_798 = arith.constant 11 : i32
        %dma_start3A_799 = arith.constant 1408 : i32
        %dma_start3A_800 = arith.constant 0 : i32
        %dma_start3A_801 = tpu.memref_slice %arg7[%dma_start3A_799, %dma_start3A_800] : memref<1536x16xf32, #tpu.memory_space<vmem>> -> memref<128x16xf32, #tpu.memory_space<vmem>>
        %dma_start3A_802 = arith.constant 0 : i32
        %dma_start3A_803 = arith.constant 0 : i32
        %dma_start3A_804 = tpu.memref_slice %run_scoped3A_5[%rem3A_212, %dma_start3A_802, %dma_start3A_803] : memref<2x12x128xi32, #tpu.memory_space<vmem>> -> memref<1x12x128xi32, #tpu.memory_space<vmem>>
        %dma_start3A_805 = tpu.memref_squeeze %dma_start3A_804 : memref<1x12x128xi32, #tpu.memory_space<vmem>> -> memref<12x128xi32, #tpu.memory_space<vmem>>
        %dma_start3A_806 = arith.constant 0 : i32
        %dma_start3A_807 = tpu.memref_slice %dma_start3A_805[%dma_start3A_798, %dma_start3A_806] : memref<12x128xi32, #tpu.memory_space<vmem>> -> memref<1x128xi32, #tpu.memory_space<vmem>>
        %dma_start3A_808 = tpu.memref_squeeze %dma_start3A_807 : memref<1x128xi32, #tpu.memory_space<vmem>> -> memref<128xi32, #tpu.memory_space<vmem>>
        %dma_start3A_809 = arith.constant 0 : i32
        %dma_start3A_810 = arith.constant 0 : i32
        %dma_start3A_811 = tpu.memref_slice %arg8[%dma_start3A_809, %dma_start3A_810] : memref<100096x16xf32, #tpu.memory_space<vmem_shared>> -> memref<100096x16xf32, #tpu.memory_space<vmem_shared>>
        tpu.enqueue_indirect_dma source(%dma_start3A_801 : memref<128x16xf32, #tpu.memory_space<vmem>>) target(%dma_start3A_811 : memref<100096x16xf32, #tpu.memory_space<vmem_shared>>) offsets(%dma_start3A_808 : memref<128xi32, #tpu.memory_space<vmem>>) semaphore(%arg10 : memref<!tpu.dma_semaphore, #tpu.memory_space<semaphore_mem>>) {add = true}
        %dma_wait3A_812 = arith.constant 0 : i32
        %dma_wait3A_813 = arith.constant 0 : i32
        %dma_wait3A_814 = arith.constant 0 : i32
        %dma_wait3A_815 = tpu.memref_slice %arg7[%dma_wait3A_813, %dma_wait3A_814] : memref<1536x16xf32, #tpu.memory_space<vmem>> -> memref<128x16xf32, #tpu.memory_space<vmem>>
        %dma_wait3A_816 = arith.constant 0 : i32
        %dma_wait3A_817 = arith.constant 0 : i32
        %dma_wait3A_818 = tpu.memref_slice %run_scoped3A_5[%rem3A_212, %dma_wait3A_816, %dma_wait3A_817] : memref<2x12x128xi32, #tpu.memory_space<vmem>> -> memref<1x12x128xi32, #tpu.memory_space<vmem>>
        %dma_wait3A_819 = tpu.memref_squeeze %dma_wait3A_818 : memref<1x12x128xi32, #tpu.memory_space<vmem>> -> memref<12x128xi32, #tpu.memory_space<vmem>>
        %dma_wait3A_820 = arith.constant 0 : i32
        %dma_wait3A_821 = tpu.memref_slice %dma_wait3A_819[%dma_wait3A_812, %dma_wait3A_820] : memref<12x128xi32, #tpu.memory_space<vmem>> -> memref<1x128xi32, #tpu.memory_space<vmem>>
        %dma_wait3A_822 = tpu.memref_squeeze %dma_wait3A_821 : memref<1x128xi32, #tpu.memory_space<vmem>> -> memref<128xi32, #tpu.memory_space<vmem>>
        %dma_wait3A_823 = arith.constant 0 : i32
        %dma_wait3A_824 = arith.constant 0 : i32
        %dma_wait3A_825 = tpu.memref_slice %arg8[%dma_wait3A_823, %dma_wait3A_824] : memref<100096x16xf32, #tpu.memory_space<vmem_shared>> -> memref<100096x16xf32, #tpu.memory_space<vmem_shared>>
        tpu.wait_indirect_dma semaphore(%arg10 : memref<!tpu.dma_semaphore, #tpu.memory_space<semaphore_mem>>) src(%dma_wait3A_815 : memref<128x16xf32, #tpu.memory_space<vmem>>) dst(%dma_wait3A_825 : memref<100096x16xf32, #tpu.memory_space<vmem_shared>>)
        %dma_wait3A_826 = arith.constant 1 : i32
        %dma_wait3A_827 = arith.constant 128 : i32
        %dma_wait3A_828 = arith.constant 0 : i32
        %dma_wait3A_829 = tpu.memref_slice %arg7[%dma_wait3A_827, %dma_wait3A_828] : memref<1536x16xf32, #tpu.memory_space<vmem>> -> memref<128x16xf32, #tpu.memory_space<vmem>>
        %dma_wait3A_830 = arith.constant 0 : i32
        %dma_wait3A_831 = arith.constant 0 : i32
        %dma_wait3A_832 = tpu.memref_slice %run_scoped3A_5[%rem3A_212, %dma_wait3A_830, %dma_wait3A_831] : memref<2x12x128xi32, #tpu.memory_space<vmem>> -> memref<1x12x128xi32, #tpu.memory_space<vmem>>
        %dma_wait3A_833 = tpu.memref_squeeze %dma_wait3A_832 : memref<1x12x128xi32, #tpu.memory_space<vmem>> -> memref<12x128xi32, #tpu.memory_space<vmem>>
        %dma_wait3A_834 = arith.constant 0 : i32
        %dma_wait3A_835 = tpu.memref_slice %dma_wait3A_833[%dma_wait3A_826, %dma_wait3A_834] : memref<12x128xi32, #tpu.memory_space<vmem>> -> memref<1x128xi32, #tpu.memory_space<vmem>>
        %dma_wait3A_836 = tpu.memref_squeeze %dma_wait3A_835 : memref<1x128xi32, #tpu.memory_space<vmem>> -> memref<128xi32, #tpu.memory_space<vmem>>
        %dma_wait3A_837 = arith.constant 0 : i32
        %dma_wait3A_838 = arith.constant 0 : i32
        %dma_wait3A_839 = tpu.memref_slice %arg8[%dma_wait3A_837, %dma_wait3A_838] : memref<100096x16xf32, #tpu.memory_space<vmem_shared>> -> memref<100096x16xf32, #tpu.memory_space<vmem_shared>>
        tpu.wait_indirect_dma semaphore(%arg10 : memref<!tpu.dma_semaphore, #tpu.memory_space<semaphore_mem>>) src(%dma_wait3A_829 : memref<128x16xf32, #tpu.memory_space<vmem>>) dst(%dma_wait3A_839 : memref<100096x16xf32, #tpu.memory_space<vmem_shared>>)
        %dma_wait3A_840 = arith.constant 2 : i32
        %dma_wait3A_841 = arith.constant 256 : i32
        %dma_wait3A_842 = arith.constant 0 : i32
        %dma_wait3A_843 = tpu.memref_slice %arg7[%dma_wait3A_841, %dma_wait3A_842] : memref<1536x16xf32, #tpu.memory_space<vmem>> -> memref<128x16xf32, #tpu.memory_space<vmem>>
        %dma_wait3A_844 = arith.constant 0 : i32
        %dma_wait3A_845 = arith.constant 0 : i32
        %dma_wait3A_846 = tpu.memref_slice %run_scoped3A_5[%rem3A_212, %dma_wait3A_844, %dma_wait3A_845] : memref<2x12x128xi32, #tpu.memory_space<vmem>> -> memref<1x12x128xi32, #tpu.memory_space<vmem>>
        %dma_wait3A_847 = tpu.memref_squeeze %dma_wait3A_846 : memref<1x12x128xi32, #tpu.memory_space<vmem>> -> memref<12x128xi32, #tpu.memory_space<vmem>>
        %dma_wait3A_848 = arith.constant 0 : i32
        %dma_wait3A_849 = tpu.memref_slice %dma_wait3A_847[%dma_wait3A_840, %dma_wait3A_848] : memref<12x128xi32, #tpu.memory_space<vmem>> -> memref<1x128xi32, #tpu.memory_space<vmem>>
        %dma_wait3A_850 = tpu.memref_squeeze %dma_wait3A_849 : memref<1x128xi32, #tpu.memory_space<vmem>> -> memref<128xi32, #tpu.memory_space<vmem>>
        %dma_wait3A_851 = arith.constant 0 : i32
        %dma_wait3A_852 = arith.constant 0 : i32
        %dma_wait3A_853 = tpu.memref_slice %arg8[%dma_wait3A_851, %dma_wait3A_852] : memref<100096x16xf32, #tpu.memory_space<vmem_shared>> -> memref<100096x16xf32, #tpu.memory_space<vmem_shared>>
        tpu.wait_indirect_dma semaphore(%arg10 : memref<!tpu.dma_semaphore, #tpu.memory_space<semaphore_mem>>) src(%dma_wait3A_843 : memref<128x16xf32, #tpu.memory_space<vmem>>) dst(%dma_wait3A_853 : memref<100096x16xf32, #tpu.memory_space<vmem_shared>>)
        %dma_wait3A_854 = arith.constant 3 : i32
        %dma_wait3A_855 = arith.constant 384 : i32
        %dma_wait3A_856 = arith.constant 0 : i32
        %dma_wait3A_857 = tpu.memref_slice %arg7[%dma_wait3A_855, %dma_wait3A_856] : memref<1536x16xf32, #tpu.memory_space<vmem>> -> memref<128x16xf32, #tpu.memory_space<vmem>>
        %dma_wait3A_858 = arith.constant 0 : i32
        %dma_wait3A_859 = arith.constant 0 : i32
        %dma_wait3A_860 = tpu.memref_slice %run_scoped3A_5[%rem3A_212, %dma_wait3A_858, %dma_wait3A_859] : memref<2x12x128xi32, #tpu.memory_space<vmem>> -> memref<1x12x128xi32, #tpu.memory_space<vmem>>
        %dma_wait3A_861 = tpu.memref_squeeze %dma_wait3A_860 : memref<1x12x128xi32, #tpu.memory_space<vmem>> -> memref<12x128xi32, #tpu.memory_space<vmem>>
        %dma_wait3A_862 = arith.constant 0 : i32
        %dma_wait3A_863 = tpu.memref_slice %dma_wait3A_861[%dma_wait3A_854, %dma_wait3A_862] : memref<12x128xi32, #tpu.memory_space<vmem>> -> memref<1x128xi32, #tpu.memory_space<vmem>>
        %dma_wait3A_864 = tpu.memref_squeeze %dma_wait3A_863 : memref<1x128xi32, #tpu.memory_space<vmem>> -> memref<128xi32, #tpu.memory_space<vmem>>
        %dma_wait3A_865 = arith.constant 0 : i32
        %dma_wait3A_866 = arith.constant 0 : i32
        %dma_wait3A_867 = tpu.memref_slice %arg8[%dma_wait3A_865, %dma_wait3A_866] : memref<100096x16xf32, #tpu.memory_space<vmem_shared>> -> memref<100096x16xf32, #tpu.memory_space<vmem_shared>>
        tpu.wait_indirect_dma semaphore(%arg10 : memref<!tpu.dma_semaphore, #tpu.memory_space<semaphore_mem>>) src(%dma_wait3A_857 : memref<128x16xf32, #tpu.memory_space<vmem>>) dst(%dma_wait3A_867 : memref<100096x16xf32, #tpu.memory_space<vmem_shared>>)
        %dma_wait3A_868 = arith.constant 4 : i32
        %dma_wait3A_869 = arith.constant 512 : i32
        %dma_wait3A_870 = arith.constant 0 : i32
        %dma_wait3A_871 = tpu.memref_slice %arg7[%dma_wait3A_869, %dma_wait3A_870] : memref<1536x16xf32, #tpu.memory_space<vmem>> -> memref<128x16xf32, #tpu.memory_space<vmem>>
        %dma_wait3A_872 = arith.constant 0 : i32
        %dma_wait3A_873 = arith.constant 0 : i32
        %dma_wait3A_874 = tpu.memref_slice %run_scoped3A_5[%rem3A_212, %dma_wait3A_872, %dma_wait3A_873] : memref<2x12x128xi32, #tpu.memory_space<vmem>> -> memref<1x12x128xi32, #tpu.memory_space<vmem>>
        %dma_wait3A_875 = tpu.memref_squeeze %dma_wait3A_874 : memref<1x12x128xi32, #tpu.memory_space<vmem>> -> memref<12x128xi32, #tpu.memory_space<vmem>>
        %dma_wait3A_876 = arith.constant 0 : i32
        %dma_wait3A_877 = tpu.memref_slice %dma_wait3A_875[%dma_wait3A_868, %dma_wait3A_876] : memref<12x128xi32, #tpu.memory_space<vmem>> -> memref<1x128xi32, #tpu.memory_space<vmem>>
        %dma_wait3A_878 = tpu.memref_squeeze %dma_wait3A_877 : memref<1x128xi32, #tpu.memory_space<vmem>> -> memref<128xi32, #tpu.memory_space<vmem>>
        %dma_wait3A_879 = arith.constant 0 : i32
        %dma_wait3A_880 = arith.constant 0 : i32
        %dma_wait3A_881 = tpu.memref_slice %arg8[%dma_wait3A_879, %dma_wait3A_880] : memref<100096x16xf32, #tpu.memory_space<vmem_shared>> -> memref<100096x16xf32, #tpu.memory_space<vmem_shared>>
        tpu.wait_indirect_dma semaphore(%arg10 : memref<!tpu.dma_semaphore, #tpu.memory_space<semaphore_mem>>) src(%dma_wait3A_871 : memref<128x16xf32, #tpu.memory_space<vmem>>) dst(%dma_wait3A_881 : memref<100096x16xf32, #tpu.memory_space<vmem_shared>>)
        %dma_wait3A_882 = arith.constant 5 : i32
        %dma_wait3A_883 = arith.constant 640 : i32
        %dma_wait3A_884 = arith.constant 0 : i32
        %dma_wait3A_885 = tpu.memref_slice %arg7[%dma_wait3A_883, %dma_wait3A_884] : memref<1536x16xf32, #tpu.memory_space<vmem>> -> memref<128x16xf32, #tpu.memory_space<vmem>>
        %dma_wait3A_886 = arith.constant 0 : i32
        %dma_wait3A_887 = arith.constant 0 : i32
        %dma_wait3A_888 = tpu.memref_slice %run_scoped3A_5[%rem3A_212, %dma_wait3A_886, %dma_wait3A_887] : memref<2x12x128xi32, #tpu.memory_space<vmem>> -> memref<1x12x128xi32, #tpu.memory_space<vmem>>
        %dma_wait3A_889 = tpu.memref_squeeze %dma_wait3A_888 : memref<1x12x128xi32, #tpu.memory_space<vmem>> -> memref<12x128xi32, #tpu.memory_space<vmem>>
        %dma_wait3A_890 = arith.constant 0 : i32
        %dma_wait3A_891 = tpu.memref_slice %dma_wait3A_889[%dma_wait3A_882, %dma_wait3A_890] : memref<12x128xi32, #tpu.memory_space<vmem>> -> memref<1x128xi32, #tpu.memory_space<vmem>>
        %dma_wait3A_892 = tpu.memref_squeeze %dma_wait3A_891 : memref<1x128xi32, #tpu.memory_space<vmem>> -> memref<128xi32, #tpu.memory_space<vmem>>
        %dma_wait3A_893 = arith.constant 0 : i32
        %dma_wait3A_894 = arith.constant 0 : i32
        %dma_wait3A_895 = tpu.memref_slice %arg8[%dma_wait3A_893, %dma_wait3A_894] : memref<100096x16xf32, #tpu.memory_space<vmem_shared>> -> memref<100096x16xf32, #tpu.memory_space<vmem_shared>>
        tpu.wait_indirect_dma semaphore(%arg10 : memref<!tpu.dma_semaphore, #tpu.memory_space<semaphore_mem>>) src(%dma_wait3A_885 : memref<128x16xf32, #tpu.memory_space<vmem>>) dst(%dma_wait3A_895 : memref<100096x16xf32, #tpu.memory_space<vmem_shared>>)
        %dma_wait3A_896 = arith.constant 6 : i32
        %dma_wait3A_897 = arith.constant 768 : i32
        %dma_wait3A_898 = arith.constant 0 : i32
        %dma_wait3A_899 = tpu.memref_slice %arg7[%dma_wait3A_897, %dma_wait3A_898] : memref<1536x16xf32, #tpu.memory_space<vmem>> -> memref<128x16xf32, #tpu.memory_space<vmem>>
        %dma_wait3A_900 = arith.constant 0 : i32
        %dma_wait3A_901 = arith.constant 0 : i32
        %dma_wait3A_902 = tpu.memref_slice %run_scoped3A_5[%rem3A_212, %dma_wait3A_900, %dma_wait3A_901] : memref<2x12x128xi32, #tpu.memory_space<vmem>> -> memref<1x12x128xi32, #tpu.memory_space<vmem>>
        %dma_wait3A_903 = tpu.memref_squeeze %dma_wait3A_902 : memref<1x12x128xi32, #tpu.memory_space<vmem>> -> memref<12x128xi32, #tpu.memory_space<vmem>>
        %dma_wait3A_904 = arith.constant 0 : i32
        %dma_wait3A_905 = tpu.memref_slice %dma_wait3A_903[%dma_wait3A_896, %dma_wait3A_904] : memref<12x128xi32, #tpu.memory_space<vmem>> -> memref<1x128xi32, #tpu.memory_space<vmem>>
        %dma_wait3A_906 = tpu.memref_squeeze %dma_wait3A_905 : memref<1x128xi32, #tpu.memory_space<vmem>> -> memref<128xi32, #tpu.memory_space<vmem>>
        %dma_wait3A_907 = arith.constant 0 : i32
        %dma_wait3A_908 = arith.constant 0 : i32
        %dma_wait3A_909 = tpu.memref_slice %arg8[%dma_wait3A_907, %dma_wait3A_908] : memref<100096x16xf32, #tpu.memory_space<vmem_shared>> -> memref<100096x16xf32, #tpu.memory_space<vmem_shared>>
        tpu.wait_indirect_dma semaphore(%arg10 : memref<!tpu.dma_semaphore, #tpu.memory_space<semaphore_mem>>) src(%dma_wait3A_899 : memref<128x16xf32, #tpu.memory_space<vmem>>) dst(%dma_wait3A_909 : memref<100096x16xf32, #tpu.memory_space<vmem_shared>>)
        %dma_wait3A_910 = arith.constant 7 : i32
        %dma_wait3A_911 = arith.constant 896 : i32
        %dma_wait3A_912 = arith.constant 0 : i32
        %dma_wait3A_913 = tpu.memref_slice %arg7[%dma_wait3A_911, %dma_wait3A_912] : memref<1536x16xf32, #tpu.memory_space<vmem>> -> memref<128x16xf32, #tpu.memory_space<vmem>>
        %dma_wait3A_914 = arith.constant 0 : i32
        %dma_wait3A_915 = arith.constant 0 : i32
        %dma_wait3A_916 = tpu.memref_slice %run_scoped3A_5[%rem3A_212, %dma_wait3A_914, %dma_wait3A_915] : memref<2x12x128xi32, #tpu.memory_space<vmem>> -> memref<1x12x128xi32, #tpu.memory_space<vmem>>
        %dma_wait3A_917 = tpu.memref_squeeze %dma_wait3A_916 : memref<1x12x128xi32, #tpu.memory_space<vmem>> -> memref<12x128xi32, #tpu.memory_space<vmem>>
        %dma_wait3A_918 = arith.constant 0 : i32
        %dma_wait3A_919 = tpu.memref_slice %dma_wait3A_917[%dma_wait3A_910, %dma_wait3A_918] : memref<12x128xi32, #tpu.memory_space<vmem>> -> memref<1x128xi32, #tpu.memory_space<vmem>>
        %dma_wait3A_920 = tpu.memref_squeeze %dma_wait3A_919 : memref<1x128xi32, #tpu.memory_space<vmem>> -> memref<128xi32, #tpu.memory_space<vmem>>
        %dma_wait3A_921 = arith.constant 0 : i32
        %dma_wait3A_922 = arith.constant 0 : i32
        %dma_wait3A_923 = tpu.memref_slice %arg8[%dma_wait3A_921, %dma_wait3A_922] : memref<100096x16xf32, #tpu.memory_space<vmem_shared>> -> memref<100096x16xf32, #tpu.memory_space<vmem_shared>>
        tpu.wait_indirect_dma semaphore(%arg10 : memref<!tpu.dma_semaphore, #tpu.memory_space<semaphore_mem>>) src(%dma_wait3A_913 : memref<128x16xf32, #tpu.memory_space<vmem>>) dst(%dma_wait3A_923 : memref<100096x16xf32, #tpu.memory_space<vmem_shared>>)
        %dma_wait3A_924 = arith.constant 8 : i32
        %dma_wait3A_925 = arith.constant 1024 : i32
        %dma_wait3A_926 = arith.constant 0 : i32
        %dma_wait3A_927 = tpu.memref_slice %arg7[%dma_wait3A_925, %dma_wait3A_926] : memref<1536x16xf32, #tpu.memory_space<vmem>> -> memref<128x16xf32, #tpu.memory_space<vmem>>
        %dma_wait3A_928 = arith.constant 0 : i32
        %dma_wait3A_929 = arith.constant 0 : i32
        %dma_wait3A_930 = tpu.memref_slice %run_scoped3A_5[%rem3A_212, %dma_wait3A_928, %dma_wait3A_929] : memref<2x12x128xi32, #tpu.memory_space<vmem>> -> memref<1x12x128xi32, #tpu.memory_space<vmem>>
        %dma_wait3A_931 = tpu.memref_squeeze %dma_wait3A_930 : memref<1x12x128xi32, #tpu.memory_space<vmem>> -> memref<12x128xi32, #tpu.memory_space<vmem>>
        %dma_wait3A_932 = arith.constant 0 : i32
        %dma_wait3A_933 = tpu.memref_slice %dma_wait3A_931[%dma_wait3A_924, %dma_wait3A_932] : memref<12x128xi32, #tpu.memory_space<vmem>> -> memref<1x128xi32, #tpu.memory_space<vmem>>
        %dma_wait3A_934 = tpu.memref_squeeze %dma_wait3A_933 : memref<1x128xi32, #tpu.memory_space<vmem>> -> memref<128xi32, #tpu.memory_space<vmem>>
        %dma_wait3A_935 = arith.constant 0 : i32
        %dma_wait3A_936 = arith.constant 0 : i32
        %dma_wait3A_937 = tpu.memref_slice %arg8[%dma_wait3A_935, %dma_wait3A_936] : memref<100096x16xf32, #tpu.memory_space<vmem_shared>> -> memref<100096x16xf32, #tpu.memory_space<vmem_shared>>
        tpu.wait_indirect_dma semaphore(%arg10 : memref<!tpu.dma_semaphore, #tpu.memory_space<semaphore_mem>>) src(%dma_wait3A_927 : memref<128x16xf32, #tpu.memory_space<vmem>>) dst(%dma_wait3A_937 : memref<100096x16xf32, #tpu.memory_space<vmem_shared>>)
        %dma_wait3A_938 = arith.constant 9 : i32
        %dma_wait3A_939 = arith.constant 1152 : i32
        %dma_wait3A_940 = arith.constant 0 : i32
        %dma_wait3A_941 = tpu.memref_slice %arg7[%dma_wait3A_939, %dma_wait3A_940] : memref<1536x16xf32, #tpu.memory_space<vmem>> -> memref<128x16xf32, #tpu.memory_space<vmem>>
        %dma_wait3A_942 = arith.constant 0 : i32
        %dma_wait3A_943 = arith.constant 0 : i32
        %dma_wait3A_944 = tpu.memref_slice %run_scoped3A_5[%rem3A_212, %dma_wait3A_942, %dma_wait3A_943] : memref<2x12x128xi32, #tpu.memory_space<vmem>> -> memref<1x12x128xi32, #tpu.memory_space<vmem>>
        %dma_wait3A_945 = tpu.memref_squeeze %dma_wait3A_944 : memref<1x12x128xi32, #tpu.memory_space<vmem>> -> memref<12x128xi32, #tpu.memory_space<vmem>>
        %dma_wait3A_946 = arith.constant 0 : i32
        %dma_wait3A_947 = tpu.memref_slice %dma_wait3A_945[%dma_wait3A_938, %dma_wait3A_946] : memref<12x128xi32, #tpu.memory_space<vmem>> -> memref<1x128xi32, #tpu.memory_space<vmem>>
        %dma_wait3A_948 = tpu.memref_squeeze %dma_wait3A_947 : memref<1x128xi32, #tpu.memory_space<vmem>> -> memref<128xi32, #tpu.memory_space<vmem>>
        %dma_wait3A_949 = arith.constant 0 : i32
        %dma_wait3A_950 = arith.constant 0 : i32
        %dma_wait3A_951 = tpu.memref_slice %arg8[%dma_wait3A_949, %dma_wait3A_950] : memref<100096x16xf32, #tpu.memory_space<vmem_shared>> -> memref<100096x16xf32, #tpu.memory_space<vmem_shared>>
        tpu.wait_indirect_dma semaphore(%arg10 : memref<!tpu.dma_semaphore, #tpu.memory_space<semaphore_mem>>) src(%dma_wait3A_941 : memref<128x16xf32, #tpu.memory_space<vmem>>) dst(%dma_wait3A_951 : memref<100096x16xf32, #tpu.memory_space<vmem_shared>>)
        %dma_wait3A_952 = arith.constant 10 : i32
        %dma_wait3A_953 = arith.constant 1280 : i32
        %dma_wait3A_954 = arith.constant 0 : i32
        %dma_wait3A_955 = tpu.memref_slice %arg7[%dma_wait3A_953, %dma_wait3A_954] : memref<1536x16xf32, #tpu.memory_space<vmem>> -> memref<128x16xf32, #tpu.memory_space<vmem>>
        %dma_wait3A_956 = arith.constant 0 : i32
        %dma_wait3A_957 = arith.constant 0 : i32
        %dma_wait3A_958 = tpu.memref_slice %run_scoped3A_5[%rem3A_212, %dma_wait3A_956, %dma_wait3A_957] : memref<2x12x128xi32, #tpu.memory_space<vmem>> -> memref<1x12x128xi32, #tpu.memory_space<vmem>>
        %dma_wait3A_959 = tpu.memref_squeeze %dma_wait3A_958 : memref<1x12x128xi32, #tpu.memory_space<vmem>> -> memref<12x128xi32, #tpu.memory_space<vmem>>
        %dma_wait3A_960 = arith.constant 0 : i32
        %dma_wait3A_961 = tpu.memref_slice %dma_wait3A_959[%dma_wait3A_952, %dma_wait3A_960] : memref<12x128xi32, #tpu.memory_space<vmem>> -> memref<1x128xi32, #tpu.memory_space<vmem>>
        %dma_wait3A_962 = tpu.memref_squeeze %dma_wait3A_961 : memref<1x128xi32, #tpu.memory_space<vmem>> -> memref<128xi32, #tpu.memory_space<vmem>>
        %dma_wait3A_963 = arith.constant 0 : i32
        %dma_wait3A_964 = arith.constant 0 : i32
        %dma_wait3A_965 = tpu.memref_slice %arg8[%dma_wait3A_963, %dma_wait3A_964] : memref<100096x16xf32, #tpu.memory_space<vmem_shared>> -> memref<100096x16xf32, #tpu.memory_space<vmem_shared>>
        tpu.wait_indirect_dma semaphore(%arg10 : memref<!tpu.dma_semaphore, #tpu.memory_space<semaphore_mem>>) src(%dma_wait3A_955 : memref<128x16xf32, #tpu.memory_space<vmem>>) dst(%dma_wait3A_965 : memref<100096x16xf32, #tpu.memory_space<vmem_shared>>)
        %dma_wait3A_966 = arith.constant 11 : i32
        %dma_wait3A_967 = arith.constant 1408 : i32
        %dma_wait3A_968 = arith.constant 0 : i32
        %dma_wait3A_969 = tpu.memref_slice %arg7[%dma_wait3A_967, %dma_wait3A_968] : memref<1536x16xf32, #tpu.memory_space<vmem>> -> memref<128x16xf32, #tpu.memory_space<vmem>>
        %dma_wait3A_970 = arith.constant 0 : i32
        %dma_wait3A_971 = arith.constant 0 : i32
        %dma_wait3A_972 = tpu.memref_slice %run_scoped3A_5[%rem3A_212, %dma_wait3A_970, %dma_wait3A_971] : memref<2x12x128xi32, #tpu.memory_space<vmem>> -> memref<1x12x128xi32, #tpu.memory_space<vmem>>
        %dma_wait3A_973 = tpu.memref_squeeze %dma_wait3A_972 : memref<1x12x128xi32, #tpu.memory_space<vmem>> -> memref<12x128xi32, #tpu.memory_space<vmem>>
        %dma_wait3A_974 = arith.constant 0 : i32
        %dma_wait3A_975 = tpu.memref_slice %dma_wait3A_973[%dma_wait3A_966, %dma_wait3A_974] : memref<12x128xi32, #tpu.memory_space<vmem>> -> memref<1x128xi32, #tpu.memory_space<vmem>>
        %dma_wait3A_976 = tpu.memref_squeeze %dma_wait3A_975 : memref<1x128xi32, #tpu.memory_space<vmem>> -> memref<128xi32, #tpu.memory_space<vmem>>
        %dma_wait3A_977 = arith.constant 0 : i32
        %dma_wait3A_978 = arith.constant 0 : i32
        %dma_wait3A_979 = tpu.memref_slice %arg8[%dma_wait3A_977, %dma_wait3A_978] : memref<100096x16xf32, #tpu.memory_space<vmem_shared>> -> memref<100096x16xf32, #tpu.memory_space<vmem_shared>>
        tpu.wait_indirect_dma semaphore(%arg10 : memref<!tpu.dma_semaphore, #tpu.memory_space<semaphore_mem>>) src(%dma_wait3A_969 : memref<128x16xf32, #tpu.memory_space<vmem>>) dst(%dma_wait3A_979 : memref<100096x16xf32, #tpu.memory_space<vmem_shared>>)
        "tpu.trace_stop"() : () -> ()
        %ne3A_980 = arith.cmpi ne, %add3A_134, %add3A_152 : i32
        %or3A_981 = arith.constant false
        %or3A_982 = arith.ori %or3A_981, %ne3A_980 : i1
        %or3A_983 = arith.constant false
        %or3A_984 = arith.ori %or3A_982, %or3A_983 : i1
        %or3A_985 = arith.ori %or3A_984, %eq3A_133 : i1
        %convert_element_type3A_986 = arith.extui %or3A_985 : i1 to i32
        %cond3A_987 = arith.constant 0 : i32
        %cond3A_988 = arith.cmpi ne, %convert_element_type3A_986, %cond3A_987 : i32
        scf.if %cond3A_988 {
        } else {
        }
        %and3A_989 = arith.constant false
        %and3A_990 = arith.andi %or3A_985, %and3A_989 : i1
        %ne3A_991 = arith.cmpi ne, %add3A_134, %add3A_152 : i32
        %or3A_992 = arith.constant false
        %or3A_993 = arith.ori %or3A_992, %ne3A_991 : i1
        %or3A_994 = arith.constant false
        %or3A_995 = arith.ori %or3A_993, %or3A_994 : i1
        %or3A_996 = arith.ori %or3A_995, %eq3A_133 : i1
        %convert_element_type3A_997 = arith.extui %or3A_996 : i1 to i32
        %cond3A_998 = arith.constant 0 : i32
        %cond3A_999 = arith.cmpi ne, %convert_element_type3A_997, %cond3A_998 : i32
        scf.if %cond3A_999 {
        } else {
        }
        %and3A_1000 = arith.constant false
        %and3A_1001 = arith.andi %or3A_996, %and3A_1000 : i1
        %ne3A_1002 = arith.cmpi ne, %add3A_134, %add3A_143 : i32
        %or3A_1003 = arith.constant false
        %or3A_1004 = arith.ori %or3A_1003, %ne3A_1002 : i1
        %or3A_1005 = arith.constant false
        %or3A_1006 = arith.ori %or3A_1004, %or3A_1005 : i1
        %not3A_1007 = arith.constant true
        %not3A_1008 = arith.xori %eq3A_131, %not3A_1007 : i1
        %and3A_1009 = arith.andi %or3A_1006, %not3A_1008 : i1
        %convert_element_type3A_1010 = arith.extui %and3A_1009 : i1 to i32
        %cond3A_1011 = arith.constant 0 : i32
        %cond3A_1012 = arith.cmpi ne, %convert_element_type3A_1010, %cond3A_1011 : i32
        scf.if %cond3A_1012 {
        } else {
        }
        %and3A_1013 = arith.constant false
        %and3A_1014 = arith.andi %and3A_1009, %and3A_1013 : i1
        %ne3A_1015 = arith.cmpi ne, %add3A_134, %add3A_143 : i32
        %or3A_1016 = arith.constant false
        %or3A_1017 = arith.ori %or3A_1016, %ne3A_1015 : i1
        %or3A_1018 = arith.constant false
        %or3A_1019 = arith.ori %or3A_1017, %or3A_1018 : i1
        %not3A_1020 = arith.constant true
        %not3A_1021 = arith.xori %eq3A_131, %not3A_1020 : i1
        %and3A_1022 = arith.andi %or3A_1019, %not3A_1021 : i1
        %convert_element_type3A_1023 = arith.extui %and3A_1022 : i1 to i32
        %cond3A_1024 = arith.constant 0 : i32
        %cond3A_1025 = arith.cmpi ne, %convert_element_type3A_1023, %cond3A_1024 : i32
        scf.if %cond3A_1025 {
        } else {
        }
        %and3A_1026 = arith.constant false
        %and3A_1027 = arith.andi %and3A_1022, %and3A_1026 : i1
        %ne3A_1028 = arith.cmpi ne, %add3A_134, %add3A_152 : i32
        %or3A_1029 = arith.constant false
        %or3A_1030 = arith.ori %or3A_1029, %ne3A_1028 : i1
        %or3A_1031 = arith.constant false
        %or3A_1032 = arith.ori %or3A_1030, %or3A_1031 : i1
        %or3A_1033 = arith.ori %or3A_1032, %eq3A_133 : i1
        %add3A_1034 = arith.constant 1 : i32
        %add3A_1035 = arith.addi %scan3A_126, %add3A_1034 : i32
        %select_n3A_1036 = arith.select %or3A_1033, %add3A_1035, %scan3A_126 : i32
        %ne3A_1037 = arith.cmpi ne, %add3A_134, %add3A_152 : i32
        %or3A_1038 = arith.constant false
        %or3A_1039 = arith.ori %or3A_1038, %ne3A_1037 : i1
        %or3A_1040 = arith.constant false
        %or3A_1041 = arith.ori %or3A_1039, %or3A_1040 : i1
        %or3A_1042 = arith.ori %or3A_1041, %eq3A_133 : i1
        %add3A_1043 = arith.constant 1 : i32
        %add3A_1044 = arith.addi %scan3A_128, %add3A_1043 : i32
        %select_n3A_1045 = arith.select %or3A_1042, %add3A_1044, %scan3A_128 : i32
        %add3A_1046 = arith.constant 1 : i32
        %add3A_1047 = arith.addi %scan3A_129, %add3A_1046 : i32
        %select_n3A_1048 = arith.constant true
        %select_n3A_1049 = arith.select %select_n3A_1048, %add3A_1047, %scan3A_129 : i32
        %eq3A_1050 = arith.constant 68 : i32
        %eq3A_1051 = arith.cmpi eq, %select_n3A_1049, %eq3A_1050 : i32
        %select_n3A_1052 = arith.constant 0 : i32
        %select_n3A_1053 = arith.select %eq3A_1051, %select_n3A_1052, %select_n3A_1049 : i32
        scf.yield %select_n3A_172, %select_n3A_1036, %select_n3A_190, %select_n3A_1045, %select_n3A_1053 : i32, i32, i32, i32, i32
      }
      %scan3A_88 = arith.constant 68 : i32
      %sub3A = arith.constant 1 : i32
      %sub3A_89 = arith.subi %scan3A_87#4, %sub3A : i32
      %select_n3A_90 = arith.constant true
      %select_n3A_91 = arith.select %select_n3A_90, %sub3A_89, %scan3A_87#4 : i32
      %eq3A_92 = arith.constant -1 : i32
      %eq3A_93 = arith.cmpi eq, %select_n3A_91, %eq3A_92 : i32
      %select_n3A_94 = arith.constant 67 : i32
      %select_n3A_95 = arith.select %eq3A_93, %select_n3A_94, %select_n3A_91 : i32
      %add3A_96 = arith.addi %select_n3A_95, %mul3A_2 : i32
      %sub3A_97 = arith.constant 1 : i32
      %sub3A_98 = arith.subi %select_n3A_95, %sub3A_97 : i32
      %select_n3A_99 = arith.constant true
      %select_n3A_100 = arith.select %select_n3A_99, %sub3A_98, %select_n3A_95 : i32
      %eq3A_101 = arith.constant -1 : i32
      %eq3A_102 = arith.cmpi eq, %select_n3A_100, %eq3A_101 : i32
      %select_n3A_103 = arith.constant 67 : i32
      %select_n3A_104 = arith.select %eq3A_102, %select_n3A_103, %select_n3A_100 : i32
      %add3A_105 = arith.addi %select_n3A_104, %mul3A_2 : i32
      %add3A_106 = arith.constant 1 : i32
      %add3A_107 = arith.addi %select_n3A_95, %add3A_106 : i32
      %select_n3A_108 = arith.constant true
      %select_n3A_109 = arith.select %select_n3A_108, %add3A_107, %select_n3A_95 : i32
      %eq3A_110 = arith.constant 68 : i32
      %eq3A_111 = arith.cmpi eq, %select_n3A_109, %eq3A_110 : i32
      %select_n3A_112 = arith.constant 0 : i32
      %select_n3A_113 = arith.select %eq3A_111, %select_n3A_112, %select_n3A_109 : i32
      %add3A_114 = arith.addi %select_n3A_113, %mul3A_2 : i32
      %add3A_115 = arith.constant 1 : i32
      %add3A_116 = arith.addi %select_n3A_113, %add3A_115 : i32
      %select_n3A_117 = arith.constant true
      %select_n3A_118 = arith.select %select_n3A_117, %add3A_116, %select_n3A_113 : i32
      %eq3A_119 = arith.constant 68 : i32
      %eq3A_120 = arith.cmpi eq, %select_n3A_118, %eq3A_119 : i32
      %select_n3A_121 = arith.constant 0 : i32
      %select_n3A_122 = arith.select %eq3A_120, %select_n3A_121, %select_n3A_118 : i32
      %add3A_123 = arith.addi %select_n3A_122, %mul3A_2 : i32
      tpu.yield
    }) : () -> ()
    %barrier3A_3 = arith.constant 0 : index
    tpu.barrier barrier_id(%barrier3A_3)
    "tpu.region"() ({
      %run_scoped3A = tpu.sem_alloc : memref<!tpu.dma_semaphore, #tpu.memory_space<semaphore_mem>>
      %dma_start3A = arith.constant 0 : i32
      %dma_start3A_4 = arith.constant 0 : i32
      %dma_start3A_5 = tpu.memref_slice %arg6[%arg0, %dma_start3A, %dma_start3A_4] : memref<2x102400x16xf32, #tpu.memory_space<hbm>> -> memref<1x102400x16xf32, #tpu.memory_space<hbm>>
      %dma_start3A_6 = tpu.memref_squeeze %dma_start3A_5 : memref<1x102400x16xf32, #tpu.memory_space<hbm>> -> memref<102400x16xf32, #tpu.memory_space<hbm>>
      %dma_start3A_7 = arith.constant 0 : i32
      %dma_start3A_8 = tpu.memref_slice %dma_start3A_6[%mul3A_0, %dma_start3A_7] : memref<102400x16xf32, #tpu.memory_space<hbm>> -> memref<6256x16xf32, #tpu.memory_space<hbm>>
      %dma_start3A_9 = arith.constant 0 : i32
      %dma_start3A_10 = tpu.memref_slice %arg8[%mul3A_0, %dma_start3A_9] : memref<100096x16xf32, #tpu.memory_space<vmem_shared>> -> memref<6256x16xf32, #tpu.memory_space<vmem_shared>>
      tpu.enqueue_dma source(%dma_start3A_10 : memref<6256x16xf32, #tpu.memory_space<vmem_shared>>) target(%dma_start3A_8 : memref<6256x16xf32, #tpu.memory_space<hbm>>) target_semaphore(%run_scoped3A : memref<!tpu.dma_semaphore, #tpu.memory_space<semaphore_mem>>)
      %dma_wait3A = arith.constant 0 : i32
      %dma_wait3A_11 = arith.constant 0 : i32
      %dma_wait3A_12 = tpu.memref_slice %arg6[%arg0, %dma_wait3A, %dma_wait3A_11] : memref<2x102400x16xf32, #tpu.memory_space<hbm>> -> memref<1x102400x16xf32, #tpu.memory_space<hbm>>
      %dma_wait3A_13 = tpu.memref_squeeze %dma_wait3A_12 : memref<1x102400x16xf32, #tpu.memory_space<hbm>> -> memref<102400x16xf32, #tpu.memory_space<hbm>>
      %dma_wait3A_14 = arith.constant 0 : i32
      %dma_wait3A_15 = tpu.memref_slice %dma_wait3A_13[%mul3A_0, %dma_wait3A_14] : memref<102400x16xf32, #tpu.memory_space<hbm>> -> memref<6256x16xf32, #tpu.memory_space<hbm>>
      %dma_wait3A_16 = arith.constant 0 : i32
      %dma_wait3A_17 = tpu.memref_slice %arg8[%mul3A_0, %dma_wait3A_16] : memref<100096x16xf32, #tpu.memory_space<vmem_shared>> -> memref<6256x16xf32, #tpu.memory_space<vmem_shared>>
      tpu.wait_dma2 semaphore(%run_scoped3A : memref<!tpu.dma_semaphore, #tpu.memory_space<semaphore_mem>>) src(%dma_wait3A_17 : memref<6256x16xf32, #tpu.memory_space<vmem_shared>>) dst(%dma_wait3A_15 : memref<6256x16xf32, #tpu.memory_space<hbm>>)
      tpu.yield
    }) : () -> ()
    return
  }
}

#map = affine_map<(d0, d1) -> (0, 0)>
#map1 = affine_map<(d0, d1) -> (0, 0, 0)>
module attributes {stable_mosaic.version = 14 : i64} {
  func.func @agg1(%arg0: i32, %arg1: i32, %arg2: memref<102400x8xf32, #tpu.memory_space<hbm>>, %arg3: memref<13056x128xi32, #tpu.memory_space<hbm>>, %arg4: memref<13056x128xi32, #tpu.memory_space<hbm>>, %arg5: memref<100096x8xf32, #tpu.memory_space<hbm>>, %arg6: memref<2x102400x8xf32, #tpu.memory_space<hbm>>, %arg7: memref<3072x8xf32, #tpu.memory_space<vmem>>, %arg8: memref<100096x8xf32, #tpu.memory_space<vmem_shared>>, %arg9: memref<!tpu.dma_semaphore, #tpu.memory_space<semaphore_mem>>, %arg10: memref<!tpu.dma_semaphore, #tpu.memory_space<semaphore_mem>>) attributes {dimension_semantics = [#tpu.dimension_semantics<core_parallel>, #tpu.dimension_semantics<subcore_parallel>], iteration_bounds = array<i64: 2, 16>, scalar_prefetch = 0 : i64, scratch_operands = 4 : i64, tpu.core_type = #tpu.core_type<sc_vector_subcore>, window_params = [{transform_indices = #map}, {transform_indices = #map}, {transform_indices = #map}, {transform_indices = #map}, {transform_indices = #map1}]} {
    %mul3A = arith.constant 6256 : i32
    %mul3A_0 = arith.muli %arg1, %mul3A : i32
    "tpu.region"() ({
      %run_scoped3A = tpu.sem_alloc : memref<!tpu.dma_semaphore, #tpu.memory_space<semaphore_mem>>
      %dma_start3A = arith.constant 0 : i32
      %dma_start3A_10 = tpu.memref_slice %arg8[%mul3A_0, %dma_start3A] : memref<100096x8xf32, #tpu.memory_space<vmem_shared>> -> memref<6256x8xf32, #tpu.memory_space<vmem_shared>>
      %dma_start3A_11 = arith.constant 0 : i32
      %dma_start3A_12 = tpu.memref_slice %arg5[%mul3A_0, %dma_start3A_11] : memref<100096x8xf32, #tpu.memory_space<hbm>> -> memref<6256x8xf32, #tpu.memory_space<hbm>>
      tpu.enqueue_dma source(%dma_start3A_12 : memref<6256x8xf32, #tpu.memory_space<hbm>>) target(%dma_start3A_10 : memref<6256x8xf32, #tpu.memory_space<vmem_shared>>) target_semaphore(%run_scoped3A : memref<!tpu.dma_semaphore, #tpu.memory_space<semaphore_mem>>)
      %dma_wait3A = arith.constant 0 : i32
      %dma_wait3A_13 = tpu.memref_slice %arg8[%mul3A_0, %dma_wait3A] : memref<100096x8xf32, #tpu.memory_space<vmem_shared>> -> memref<6256x8xf32, #tpu.memory_space<vmem_shared>>
      %dma_wait3A_14 = arith.constant 0 : i32
      %dma_wait3A_15 = tpu.memref_slice %arg5[%mul3A_0, %dma_wait3A_14] : memref<100096x8xf32, #tpu.memory_space<hbm>> -> memref<6256x8xf32, #tpu.memory_space<hbm>>
      tpu.wait_dma2 semaphore(%run_scoped3A : memref<!tpu.dma_semaphore, #tpu.memory_space<semaphore_mem>>) src(%dma_wait3A_15 : memref<6256x8xf32, #tpu.memory_space<hbm>>) dst(%dma_wait3A_13 : memref<6256x8xf32, #tpu.memory_space<vmem_shared>>)
      tpu.yield
    }) : () -> ()
    %barrier3A = arith.constant 0 : index
    tpu.barrier barrier_id(%barrier3A)
    %mul3A_1 = arith.constant 1 : i32
    %mul3A_2 = arith.muli %arg1, %mul3A_1 : i32
    %add3A = arith.constant 0 : i32
    %add3A_3 = arith.addi %add3A, %mul3A_2 : i32
    %mul3A_4 = arith.constant 16 : i32
    %mul3A_5 = arith.muli %arg0, %mul3A_4 : i32
    %add3A_6 = arith.addi %add3A_3, %mul3A_5 : i32
    %mul3A_7 = arith.constant 17 : i32
    %mul3A_8 = arith.muli %add3A_6, %mul3A_7 : i32
    "tpu.region"() ({
      %run_scoped3A = memref.alloca() : memref<2x24x128xi32, #tpu.memory_space<vmem>>
      %run_scoped3A_10 = tpu.sem_alloc : memref<2x!tpu.dma_semaphore, #tpu.memory_space<semaphore_mem>>
      %run_scoped3A_11 = memref.alloca() : memref<2x24x128xi32, #tpu.memory_space<vmem>>
      %run_scoped3A_12 = tpu.sem_alloc : memref<2x!tpu.dma_semaphore, #tpu.memory_space<semaphore_mem>>
      %add3A_13 = arith.constant 0 : i32
      %add3A_14 = arith.addi %add3A_13, %mul3A_8 : i32
      %select_n3A = arith.constant true
      %select_n3A_15 = arith.constant 0 : i32
      %select_n3A_16 = arith.constant -1 : i32
      %select_n3A_17 = arith.select %select_n3A, %select_n3A_16, %select_n3A_15 : i32
      %eq3A = arith.constant -1 : i32
      %eq3A_18 = arith.cmpi eq, %select_n3A_17, %eq3A : i32
      %select_n3A_19 = arith.constant 16 : i32
      %select_n3A_20 = arith.select %eq3A_18, %select_n3A_19, %select_n3A_17 : i32
      %add3A_21 = arith.addi %select_n3A_20, %mul3A_8 : i32
      %select_n3A_22 = arith.constant true
      %select_n3A_23 = arith.constant 0 : i32
      %select_n3A_24 = arith.constant 1 : i32
      %select_n3A_25 = arith.select %select_n3A_22, %select_n3A_24, %select_n3A_23 : i32
      %eq3A_26 = arith.constant 17 : i32
      %eq3A_27 = arith.cmpi eq, %select_n3A_25, %eq3A_26 : i32
      %select_n3A_28 = arith.constant 0 : i32
      %select_n3A_29 = arith.select %eq3A_27, %select_n3A_28, %select_n3A_25 : i32
      %add3A_30 = arith.addi %select_n3A_29, %mul3A_8 : i32
      %add3A_31 = arith.constant 1 : i32
      %add3A_32 = arith.addi %select_n3A_29, %add3A_31 : i32
      %select_n3A_33 = arith.constant true
      %select_n3A_34 = arith.select %select_n3A_33, %add3A_32, %select_n3A_29 : i32
      %eq3A_35 = arith.constant 17 : i32
      %eq3A_36 = arith.cmpi eq, %select_n3A_34, %eq3A_35 : i32
      %select_n3A_37 = arith.constant 0 : i32
      %select_n3A_38 = arith.select %eq3A_36, %select_n3A_37, %select_n3A_34 : i32
      %add3A_39 = arith.addi %select_n3A_38, %mul3A_8 : i32
      "tpu.trace_start"() <{level = 10 : i32, message = "ep_initialize_0"}> : () -> ()
      %rem3A = arith.constant 0 : i32
      %rem3A_40 = arith.constant 2 : i32
      %rem3A_41 = arith.remui %rem3A, %rem3A_40 : i32
      %mul3A_42 = arith.constant 24 : i32
      %mul3A_43 = arith.muli %mul3A_42, %add3A_14 : i32
      %dma_start3A = arith.constant 0 : i32
      %dma_start3A_44 = arith.constant 0 : i32
      %dma_start3A_45 = tpu.memref_slice %run_scoped3A[%rem3A_41, %dma_start3A, %dma_start3A_44] : memref<2x24x128xi32, #tpu.memory_space<vmem>> -> memref<1x24x128xi32, #tpu.memory_space<vmem>>
      %dma_start3A_46 = tpu.memref_squeeze %dma_start3A_45 : memref<1x24x128xi32, #tpu.memory_space<vmem>> -> memref<24x128xi32, #tpu.memory_space<vmem>>
      %dma_start3A_47 = arith.constant 0 : i32
      %dma_start3A_48 = tpu.memref_slice %arg3[%mul3A_43, %dma_start3A_47] : memref<13056x128xi32, #tpu.memory_space<hbm>> -> memref<24x128xi32, #tpu.memory_space<hbm>>
      %dma_start3A_49 = tpu.memref_slice %run_scoped3A_10[%rem3A_41] : memref<2x!tpu.dma_semaphore, #tpu.memory_space<semaphore_mem>> -> memref<1x!tpu.dma_semaphore, #tpu.memory_space<semaphore_mem>>
      %dma_start3A_50 = tpu.memref_squeeze %dma_start3A_49 : memref<1x!tpu.dma_semaphore, #tpu.memory_space<semaphore_mem>> -> memref<!tpu.dma_semaphore, #tpu.memory_space<semaphore_mem>>
      %dma_start3A_51 = arith.constant 0 : i32
      %dma_start3A_52 = arith.constant 0 : i32
      %dma_start3A_53 = tpu.memref_slice %run_scoped3A[%rem3A_41, %dma_start3A_51, %dma_start3A_52] : memref<2x24x128xi32, #tpu.memory_space<vmem>> -> memref<1x24x128xi32, #tpu.memory_space<vmem>>
      %dma_start3A_54 = tpu.memref_squeeze %dma_start3A_53 : memref<1x24x128xi32, #tpu.memory_space<vmem>> -> memref<24x128xi32, #tpu.memory_space<vmem>>
      %dma_start3A_55 = arith.constant 0 : i32
      %dma_start3A_56 = tpu.memref_slice %arg3[%mul3A_43, %dma_start3A_55] : memref<13056x128xi32, #tpu.memory_space<hbm>> -> memref<24x128xi32, #tpu.memory_space<hbm>>
      tpu.enqueue_dma source(%dma_start3A_56 : memref<24x128xi32, #tpu.memory_space<hbm>>) target(%dma_start3A_54 : memref<24x128xi32, #tpu.memory_space<vmem>>) target_semaphore(%dma_start3A_50 : memref<!tpu.dma_semaphore, #tpu.memory_space<semaphore_mem>>)
      %add3A_57 = arith.constant 0 : i32
      %add3A_58 = arith.constant 1 : i32
      %add3A_59 = arith.addi %add3A_57, %add3A_58 : i32
      %select_n3A_60 = arith.constant true
      %select_n3A_61 = arith.constant 0 : i32
      %select_n3A_62 = arith.select %select_n3A_60, %add3A_59, %select_n3A_61 : i32
      %rem3A_63 = arith.constant 0 : i32
      %rem3A_64 = arith.constant 2 : i32
      %rem3A_65 = arith.remui %rem3A_63, %rem3A_64 : i32
      %mul3A_66 = arith.constant 24 : i32
      %mul3A_67 = arith.muli %mul3A_66, %add3A_14 : i32
      %dma_start3A_68 = arith.constant 0 : i32
      %dma_start3A_69 = arith.constant 0 : i32
      %dma_start3A_70 = tpu.memref_slice %run_scoped3A_11[%rem3A_65, %dma_start3A_68, %dma_start3A_69] : memref<2x24x128xi32, #tpu.memory_space<vmem>> -> memref<1x24x128xi32, #tpu.memory_space<vmem>>
      %dma_start3A_71 = tpu.memref_squeeze %dma_start3A_70 : memref<1x24x128xi32, #tpu.memory_space<vmem>> -> memref<24x128xi32, #tpu.memory_space<vmem>>
      %dma_start3A_72 = arith.constant 0 : i32
      %dma_start3A_73 = tpu.memref_slice %arg4[%mul3A_67, %dma_start3A_72] : memref<13056x128xi32, #tpu.memory_space<hbm>> -> memref<24x128xi32, #tpu.memory_space<hbm>>
      %dma_start3A_74 = tpu.memref_slice %run_scoped3A_12[%rem3A_65] : memref<2x!tpu.dma_semaphore, #tpu.memory_space<semaphore_mem>> -> memref<1x!tpu.dma_semaphore, #tpu.memory_space<semaphore_mem>>
      %dma_start3A_75 = tpu.memref_squeeze %dma_start3A_74 : memref<1x!tpu.dma_semaphore, #tpu.memory_space<semaphore_mem>> -> memref<!tpu.dma_semaphore, #tpu.memory_space<semaphore_mem>>
      %dma_start3A_76 = arith.constant 0 : i32
      %dma_start3A_77 = arith.constant 0 : i32
      %dma_start3A_78 = tpu.memref_slice %run_scoped3A_11[%rem3A_65, %dma_start3A_76, %dma_start3A_77] : memref<2x24x128xi32, #tpu.memory_space<vmem>> -> memref<1x24x128xi32, #tpu.memory_space<vmem>>
      %dma_start3A_79 = tpu.memref_squeeze %dma_start3A_78 : memref<1x24x128xi32, #tpu.memory_space<vmem>> -> memref<24x128xi32, #tpu.memory_space<vmem>>
      %dma_start3A_80 = arith.constant 0 : i32
      %dma_start3A_81 = tpu.memref_slice %arg4[%mul3A_67, %dma_start3A_80] : memref<13056x128xi32, #tpu.memory_space<hbm>> -> memref<24x128xi32, #tpu.memory_space<hbm>>
      tpu.enqueue_dma source(%dma_start3A_81 : memref<24x128xi32, #tpu.memory_space<hbm>>) target(%dma_start3A_79 : memref<24x128xi32, #tpu.memory_space<vmem>>) target_semaphore(%dma_start3A_75 : memref<!tpu.dma_semaphore, #tpu.memory_space<semaphore_mem>>)
      %add3A_82 = arith.constant 0 : i32
      %add3A_83 = arith.constant 1 : i32
      %add3A_84 = arith.addi %add3A_82, %add3A_83 : i32
      %select_n3A_85 = arith.constant true
      %select_n3A_86 = arith.constant 0 : i32
      %select_n3A_87 = arith.select %select_n3A_85, %add3A_84, %select_n3A_86 : i32
      "tpu.trace_stop"() : () -> ()
      %scan3A = arith.constant 0 : i32
      %scan3A_88 = arith.constant 0 : i32
      %scan3A_89 = arith.constant 0 : i32
      %scan3A_90 = arith.constant 0 : i32
      %scan3A_91 = arith.constant 17 : i32
      %scan3A_92 = arith.addi %scan3A_90, %scan3A_91 : i32
      %scan3A_93 = arith.constant 1 : i32
      %scan3A_94:5 = scf.for %scan3A_131 = %scan3A_90 to %scan3A_92 step %scan3A_93 iter_args(%scan3A_132 = %select_n3A_62, %scan3A_133 = %scan3A, %scan3A_134 = %select_n3A_87, %scan3A_135 = %scan3A_88, %scan3A_136 = %scan3A_89) -> (i32, i32, i32, i32, i32)  : i32 {
        %eq3A_137 = arith.constant 0 : i32
        %eq3A_138 = arith.cmpi eq, %scan3A_131, %eq3A_137 : i32
        %eq3A_139 = arith.constant 16 : i32
        %eq3A_140 = arith.cmpi eq, %scan3A_131, %eq3A_139 : i32
        %add3A_141 = arith.addi %scan3A_136, %mul3A_8 : i32
        %sub3A_142 = arith.constant 1 : i32
        %sub3A_143 = arith.subi %scan3A_136, %sub3A_142 : i32
        %select_n3A_144 = arith.constant true
        %select_n3A_145 = arith.select %select_n3A_144, %sub3A_143, %scan3A_136 : i32
        %eq3A_146 = arith.constant -1 : i32
        %eq3A_147 = arith.cmpi eq, %select_n3A_145, %eq3A_146 : i32
        %select_n3A_148 = arith.constant 16 : i32
        %select_n3A_149 = arith.select %eq3A_147, %select_n3A_148, %select_n3A_145 : i32
        %add3A_150 = arith.addi %select_n3A_149, %mul3A_8 : i32
        %add3A_151 = arith.constant 1 : i32
        %add3A_152 = arith.addi %scan3A_136, %add3A_151 : i32
        %select_n3A_153 = arith.constant true
        %select_n3A_154 = arith.select %select_n3A_153, %add3A_152, %scan3A_136 : i32
        %eq3A_155 = arith.constant 17 : i32
        %eq3A_156 = arith.cmpi eq, %select_n3A_154, %eq3A_155 : i32
        %select_n3A_157 = arith.constant 0 : i32
        %select_n3A_158 = arith.select %eq3A_156, %select_n3A_157, %select_n3A_154 : i32
        %add3A_159 = arith.addi %select_n3A_158, %mul3A_8 : i32
        %add3A_160 = arith.constant 1 : i32
        %add3A_161 = arith.addi %select_n3A_158, %add3A_160 : i32
        %select_n3A_162 = arith.constant true
        %select_n3A_163 = arith.select %select_n3A_162, %add3A_161, %select_n3A_158 : i32
        %eq3A_164 = arith.constant 17 : i32
        %eq3A_165 = arith.cmpi eq, %select_n3A_163, %eq3A_164 : i32
        %select_n3A_166 = arith.constant 0 : i32
        %select_n3A_167 = arith.select %eq3A_165, %select_n3A_166, %select_n3A_163 : i32
        %add3A_168 = arith.addi %select_n3A_167, %mul3A_8 : i32
        %ne3A = arith.cmpi ne, %add3A_141, %add3A_159 : i32
        %or3A = arith.constant false
        %or3A_169 = arith.ori %or3A, %ne3A : i1
        %or3A_170 = arith.constant false
        %or3A_171 = arith.ori %or3A_169, %or3A_170 : i1
        %ge3A = arith.constant 16 : i32
        %ge3A_172 = arith.cmpi sge, %scan3A_131, %ge3A : i32
        %not3A = arith.constant true
        %not3A_173 = arith.xori %ge3A_172, %not3A : i1
        %and3A = arith.andi %or3A_171, %not3A_173 : i1
        %convert_element_type3A = arith.extui %and3A : i1 to i32
        %cond3A = arith.constant 0 : i32
        %cond3A_174 = arith.cmpi ne, %convert_element_type3A, %cond3A : i32
        scf.if %cond3A_174 {
          "tpu.trace_start"() <{level = 10 : i32, message = "ep_copy_in"}> : () -> ()
          %rem3A_1637 = arith.constant 2 : i32
          %rem3A_1638 = arith.remui %scan3A_132, %rem3A_1637 : i32
          %mul3A_1639 = arith.constant 24 : i32
          %mul3A_1640 = arith.muli %mul3A_1639, %add3A_159 : i32
          %dma_start3A_1641 = arith.constant 0 : i32
          %dma_start3A_1642 = arith.constant 0 : i32
          %dma_start3A_1643 = tpu.memref_slice %run_scoped3A[%rem3A_1638, %dma_start3A_1641, %dma_start3A_1642] : memref<2x24x128xi32, #tpu.memory_space<vmem>> -> memref<1x24x128xi32, #tpu.memory_space<vmem>>
          %dma_start3A_1644 = tpu.memref_squeeze %dma_start3A_1643 : memref<1x24x128xi32, #tpu.memory_space<vmem>> -> memref<24x128xi32, #tpu.memory_space<vmem>>
          %dma_start3A_1645 = arith.constant 0 : i32
          %dma_start3A_1646 = tpu.memref_slice %arg3[%mul3A_1640, %dma_start3A_1645] : memref<13056x128xi32, #tpu.memory_space<hbm>> -> memref<24x128xi32, #tpu.memory_space<hbm>>
          %dma_start3A_1647 = tpu.memref_slice %run_scoped3A_10[%rem3A_1638] : memref<2x!tpu.dma_semaphore, #tpu.memory_space<semaphore_mem>> -> memref<1x!tpu.dma_semaphore, #tpu.memory_space<semaphore_mem>>
          %dma_start3A_1648 = tpu.memref_squeeze %dma_start3A_1647 : memref<1x!tpu.dma_semaphore, #tpu.memory_space<semaphore_mem>> -> memref<!tpu.dma_semaphore, #tpu.memory_space<semaphore_mem>>
          %dma_start3A_1649 = arith.constant 0 : i32
          %dma_start3A_1650 = arith.constant 0 : i32
          %dma_start3A_1651 = tpu.memref_slice %run_scoped3A[%rem3A_1638, %dma_start3A_1649, %dma_start3A_1650] : memref<2x24x128xi32, #tpu.memory_space<vmem>> -> memref<1x24x128xi32, #tpu.memory_space<vmem>>
          %dma_start3A_1652 = tpu.memref_squeeze %dma_start3A_1651 : memref<1x24x128xi32, #tpu.memory_space<vmem>> -> memref<24x128xi32, #tpu.memory_space<vmem>>
          %dma_start3A_1653 = arith.constant 0 : i32
          %dma_start3A_1654 = tpu.memref_slice %arg3[%mul3A_1640, %dma_start3A_1653] : memref<13056x128xi32, #tpu.memory_space<hbm>> -> memref<24x128xi32, #tpu.memory_space<hbm>>
          tpu.enqueue_dma source(%dma_start3A_1654 : memref<24x128xi32, #tpu.memory_space<hbm>>) target(%dma_start3A_1652 : memref<24x128xi32, #tpu.memory_space<vmem>>) target_semaphore(%dma_start3A_1648 : memref<!tpu.dma_semaphore, #tpu.memory_space<semaphore_mem>>)
          "tpu.trace_stop"() : () -> ()
        } else {
        }
        %and3A_175 = arith.constant true
        %and3A_176 = arith.andi %and3A, %and3A_175 : i1
        %add3A_177 = arith.constant 1 : i32
        %add3A_178 = arith.addi %scan3A_132, %add3A_177 : i32
        %select_n3A_179 = arith.select %and3A_176, %add3A_178, %scan3A_132 : i32
        %ne3A_180 = arith.cmpi ne, %add3A_141, %add3A_159 : i32
        %or3A_181 = arith.constant false
        %or3A_182 = arith.ori %or3A_181, %ne3A_180 : i1
        %or3A_183 = arith.constant false
        %or3A_184 = arith.ori %or3A_182, %or3A_183 : i1
        %ge3A_185 = arith.constant 16 : i32
        %ge3A_186 = arith.cmpi sge, %scan3A_131, %ge3A_185 : i32
        %not3A_187 = arith.constant true
        %not3A_188 = arith.xori %ge3A_186, %not3A_187 : i1
        %and3A_189 = arith.andi %or3A_184, %not3A_188 : i1
        %convert_element_type3A_190 = arith.extui %and3A_189 : i1 to i32
        %cond3A_191 = arith.constant 0 : i32
        %cond3A_192 = arith.cmpi ne, %convert_element_type3A_190, %cond3A_191 : i32
        scf.if %cond3A_192 {
          "tpu.trace_start"() <{level = 10 : i32, message = "ep_copy_in"}> : () -> ()
          %rem3A_1637 = arith.constant 2 : i32
          %rem3A_1638 = arith.remui %scan3A_134, %rem3A_1637 : i32
          %mul3A_1639 = arith.constant 24 : i32
          %mul3A_1640 = arith.muli %mul3A_1639, %add3A_159 : i32
          %dma_start3A_1641 = arith.constant 0 : i32
          %dma_start3A_1642 = arith.constant 0 : i32
          %dma_start3A_1643 = tpu.memref_slice %run_scoped3A_11[%rem3A_1638, %dma_start3A_1641, %dma_start3A_1642] : memref<2x24x128xi32, #tpu.memory_space<vmem>> -> memref<1x24x128xi32, #tpu.memory_space<vmem>>
          %dma_start3A_1644 = tpu.memref_squeeze %dma_start3A_1643 : memref<1x24x128xi32, #tpu.memory_space<vmem>> -> memref<24x128xi32, #tpu.memory_space<vmem>>
          %dma_start3A_1645 = arith.constant 0 : i32
          %dma_start3A_1646 = tpu.memref_slice %arg4[%mul3A_1640, %dma_start3A_1645] : memref<13056x128xi32, #tpu.memory_space<hbm>> -> memref<24x128xi32, #tpu.memory_space<hbm>>
          %dma_start3A_1647 = tpu.memref_slice %run_scoped3A_12[%rem3A_1638] : memref<2x!tpu.dma_semaphore, #tpu.memory_space<semaphore_mem>> -> memref<1x!tpu.dma_semaphore, #tpu.memory_space<semaphore_mem>>
          %dma_start3A_1648 = tpu.memref_squeeze %dma_start3A_1647 : memref<1x!tpu.dma_semaphore, #tpu.memory_space<semaphore_mem>> -> memref<!tpu.dma_semaphore, #tpu.memory_space<semaphore_mem>>
          %dma_start3A_1649 = arith.constant 0 : i32
          %dma_start3A_1650 = arith.constant 0 : i32
          %dma_start3A_1651 = tpu.memref_slice %run_scoped3A_11[%rem3A_1638, %dma_start3A_1649, %dma_start3A_1650] : memref<2x24x128xi32, #tpu.memory_space<vmem>> -> memref<1x24x128xi32, #tpu.memory_space<vmem>>
          %dma_start3A_1652 = tpu.memref_squeeze %dma_start3A_1651 : memref<1x24x128xi32, #tpu.memory_space<vmem>> -> memref<24x128xi32, #tpu.memory_space<vmem>>
          %dma_start3A_1653 = arith.constant 0 : i32
          %dma_start3A_1654 = tpu.memref_slice %arg4[%mul3A_1640, %dma_start3A_1653] : memref<13056x128xi32, #tpu.memory_space<hbm>> -> memref<24x128xi32, #tpu.memory_space<hbm>>
          tpu.enqueue_dma source(%dma_start3A_1654 : memref<24x128xi32, #tpu.memory_space<hbm>>) target(%dma_start3A_1652 : memref<24x128xi32, #tpu.memory_space<vmem>>) target_semaphore(%dma_start3A_1648 : memref<!tpu.dma_semaphore, #tpu.memory_space<semaphore_mem>>)
          "tpu.trace_stop"() : () -> ()
        } else {
        }
        %and3A_193 = arith.constant true
        %and3A_194 = arith.andi %and3A_189, %and3A_193 : i1
        %add3A_195 = arith.constant 1 : i32
        %add3A_196 = arith.addi %scan3A_134, %add3A_195 : i32
        %select_n3A_197 = arith.select %and3A_194, %add3A_196, %scan3A_134 : i32
        %ne3A_198 = arith.cmpi ne, %add3A_141, %add3A_150 : i32
        %or3A_199 = arith.constant false
        %or3A_200 = arith.ori %or3A_199, %ne3A_198 : i1
        %or3A_201 = arith.constant false
        %or3A_202 = arith.ori %or3A_200, %or3A_201 : i1
        %or3A_203 = arith.ori %or3A_202, %eq3A_138 : i1
        %convert_element_type3A_204 = arith.extui %or3A_203 : i1 to i32
        %cond3A_205 = arith.constant 0 : i32
        %cond3A_206 = arith.cmpi ne, %convert_element_type3A_204, %cond3A_205 : i32
        scf.if %cond3A_206 {
          "tpu.trace_start"() <{level = 10 : i32, message = "ep_wait_in"}> : () -> ()
          %mul3A_1637 = arith.constant 24 : i32
          %mul3A_1638 = arith.muli %mul3A_1637, %add3A_141 : i32
          %rem3A_1639 = arith.constant 2 : i32
          %rem3A_1640 = arith.remui %scan3A_133, %rem3A_1639 : i32
          %dma_wait3A_1641 = arith.constant 0 : i32
          %dma_wait3A_1642 = arith.constant 0 : i32
          %dma_wait3A_1643 = tpu.memref_slice %run_scoped3A[%rem3A_1640, %dma_wait3A_1641, %dma_wait3A_1642] : memref<2x24x128xi32, #tpu.memory_space<vmem>> -> memref<1x24x128xi32, #tpu.memory_space<vmem>>
          %dma_wait3A_1644 = tpu.memref_squeeze %dma_wait3A_1643 : memref<1x24x128xi32, #tpu.memory_space<vmem>> -> memref<24x128xi32, #tpu.memory_space<vmem>>
          %dma_wait3A_1645 = arith.constant 0 : i32
          %dma_wait3A_1646 = tpu.memref_slice %arg3[%mul3A_1638, %dma_wait3A_1645] : memref<13056x128xi32, #tpu.memory_space<hbm>> -> memref<24x128xi32, #tpu.memory_space<hbm>>
          %dma_wait3A_1647 = tpu.memref_slice %run_scoped3A_10[%rem3A_1640] : memref<2x!tpu.dma_semaphore, #tpu.memory_space<semaphore_mem>> -> memref<1x!tpu.dma_semaphore, #tpu.memory_space<semaphore_mem>>
          %dma_wait3A_1648 = tpu.memref_squeeze %dma_wait3A_1647 : memref<1x!tpu.dma_semaphore, #tpu.memory_space<semaphore_mem>> -> memref<!tpu.dma_semaphore, #tpu.memory_space<semaphore_mem>>
          %dma_wait3A_1649 = arith.constant 0 : i32
          %dma_wait3A_1650 = arith.constant 0 : i32
          %dma_wait3A_1651 = tpu.memref_slice %run_scoped3A[%rem3A_1640, %dma_wait3A_1649, %dma_wait3A_1650] : memref<2x24x128xi32, #tpu.memory_space<vmem>> -> memref<1x24x128xi32, #tpu.memory_space<vmem>>
          %dma_wait3A_1652 = tpu.memref_squeeze %dma_wait3A_1651 : memref<1x24x128xi32, #tpu.memory_space<vmem>> -> memref<24x128xi32, #tpu.memory_space<vmem>>
          %dma_wait3A_1653 = arith.constant 0 : i32
          %dma_wait3A_1654 = tpu.memref_slice %arg3[%mul3A_1638, %dma_wait3A_1653] : memref<13056x128xi32, #tpu.memory_space<hbm>> -> memref<24x128xi32, #tpu.memory_space<hbm>>
          tpu.wait_dma2 semaphore(%dma_wait3A_1648 : memref<!tpu.dma_semaphore, #tpu.memory_space<semaphore_mem>>) src(%dma_wait3A_1654 : memref<24x128xi32, #tpu.memory_space<hbm>>) dst(%dma_wait3A_1652 : memref<24x128xi32, #tpu.memory_space<vmem>>)
          "tpu.trace_stop"() : () -> ()
        } else {
        }
        %ne3A_207 = arith.cmpi ne, %add3A_141, %add3A_150 : i32
        %or3A_208 = arith.constant false
        %or3A_209 = arith.ori %or3A_208, %ne3A_207 : i1
        %or3A_210 = arith.constant false
        %or3A_211 = arith.ori %or3A_209, %or3A_210 : i1
        %or3A_212 = arith.ori %or3A_211, %eq3A_138 : i1
        %convert_element_type3A_213 = arith.extui %or3A_212 : i1 to i32
        %cond3A_214 = arith.constant 0 : i32
        %cond3A_215 = arith.cmpi ne, %convert_element_type3A_213, %cond3A_214 : i32
        scf.if %cond3A_215 {
          "tpu.trace_start"() <{level = 10 : i32, message = "ep_wait_in"}> : () -> ()
          %mul3A_1637 = arith.constant 24 : i32
          %mul3A_1638 = arith.muli %mul3A_1637, %add3A_141 : i32
          %rem3A_1639 = arith.constant 2 : i32
          %rem3A_1640 = arith.remui %scan3A_135, %rem3A_1639 : i32
          %dma_wait3A_1641 = arith.constant 0 : i32
          %dma_wait3A_1642 = arith.constant 0 : i32
          %dma_wait3A_1643 = tpu.memref_slice %run_scoped3A_11[%rem3A_1640, %dma_wait3A_1641, %dma_wait3A_1642] : memref<2x24x128xi32, #tpu.memory_space<vmem>> -> memref<1x24x128xi32, #tpu.memory_space<vmem>>
          %dma_wait3A_1644 = tpu.memref_squeeze %dma_wait3A_1643 : memref<1x24x128xi32, #tpu.memory_space<vmem>> -> memref<24x128xi32, #tpu.memory_space<vmem>>
          %dma_wait3A_1645 = arith.constant 0 : i32
          %dma_wait3A_1646 = tpu.memref_slice %arg4[%mul3A_1638, %dma_wait3A_1645] : memref<13056x128xi32, #tpu.memory_space<hbm>> -> memref<24x128xi32, #tpu.memory_space<hbm>>
          %dma_wait3A_1647 = tpu.memref_slice %run_scoped3A_12[%rem3A_1640] : memref<2x!tpu.dma_semaphore, #tpu.memory_space<semaphore_mem>> -> memref<1x!tpu.dma_semaphore, #tpu.memory_space<semaphore_mem>>
          %dma_wait3A_1648 = tpu.memref_squeeze %dma_wait3A_1647 : memref<1x!tpu.dma_semaphore, #tpu.memory_space<semaphore_mem>> -> memref<!tpu.dma_semaphore, #tpu.memory_space<semaphore_mem>>
          %dma_wait3A_1649 = arith.constant 0 : i32
          %dma_wait3A_1650 = arith.constant 0 : i32
          %dma_wait3A_1651 = tpu.memref_slice %run_scoped3A_11[%rem3A_1640, %dma_wait3A_1649, %dma_wait3A_1650] : memref<2x24x128xi32, #tpu.memory_space<vmem>> -> memref<1x24x128xi32, #tpu.memory_space<vmem>>
          %dma_wait3A_1652 = tpu.memref_squeeze %dma_wait3A_1651 : memref<1x24x128xi32, #tpu.memory_space<vmem>> -> memref<24x128xi32, #tpu.memory_space<vmem>>
          %dma_wait3A_1653 = arith.constant 0 : i32
          %dma_wait3A_1654 = tpu.memref_slice %arg4[%mul3A_1638, %dma_wait3A_1653] : memref<13056x128xi32, #tpu.memory_space<hbm>> -> memref<24x128xi32, #tpu.memory_space<hbm>>
          tpu.wait_dma2 semaphore(%dma_wait3A_1648 : memref<!tpu.dma_semaphore, #tpu.memory_space<semaphore_mem>>) src(%dma_wait3A_1654 : memref<24x128xi32, #tpu.memory_space<hbm>>) dst(%dma_wait3A_1652 : memref<24x128xi32, #tpu.memory_space<vmem>>)
          "tpu.trace_stop"() : () -> ()
        } else {
        }
        %rem3A_216 = arith.constant 2 : i32
        %rem3A_217 = arith.remui %scan3A_133, %rem3A_216 : i32
        %rem3A_218 = arith.constant 2 : i32
        %rem3A_219 = arith.remui %scan3A_135, %rem3A_218 : i32
        %dma_start3A_220 = arith.constant 0 : i32
        "tpu.trace_start"() <{level = 10 : i32, message = "ep_run_kernel"}> : () -> ()
        %dma_start3A_221 = arith.constant 0 : i32
        %dma_start3A_222 = arith.constant 0 : i32
        %dma_start3A_223 = tpu.memref_slice %arg7[%dma_start3A_221, %dma_start3A_222] : memref<3072x8xf32, #tpu.memory_space<vmem>> -> memref<128x8xf32, #tpu.memory_space<vmem>>
        %dma_start3A_224 = arith.constant 0 : i32
        %dma_start3A_225 = arith.constant 0 : i32
        %dma_start3A_226 = tpu.memref_slice %run_scoped3A[%rem3A_217, %dma_start3A_224, %dma_start3A_225] : memref<2x24x128xi32, #tpu.memory_space<vmem>> -> memref<1x24x128xi32, #tpu.memory_space<vmem>>
        %dma_start3A_227 = tpu.memref_squeeze %dma_start3A_226 : memref<1x24x128xi32, #tpu.memory_space<vmem>> -> memref<24x128xi32, #tpu.memory_space<vmem>>
        %dma_start3A_228 = arith.constant 0 : i32
        %dma_start3A_229 = tpu.memref_slice %dma_start3A_227[%dma_start3A_220, %dma_start3A_228] : memref<24x128xi32, #tpu.memory_space<vmem>> -> memref<1x128xi32, #tpu.memory_space<vmem>>
        %dma_start3A_230 = tpu.memref_squeeze %dma_start3A_229 : memref<1x128xi32, #tpu.memory_space<vmem>> -> memref<128xi32, #tpu.memory_space<vmem>>
        %dma_start3A_231 = arith.constant 0 : i32
        %dma_start3A_232 = arith.constant 0 : i32
        %dma_start3A_233 = tpu.memref_slice %arg2[%dma_start3A_231, %dma_start3A_232] : memref<102400x8xf32, #tpu.memory_space<hbm>> -> memref<102400x8xf32, #tpu.memory_space<hbm>>
        tpu.enqueue_indirect_dma source(%dma_start3A_233 : memref<102400x8xf32, #tpu.memory_space<hbm>>) target(%dma_start3A_223 : memref<128x8xf32, #tpu.memory_space<vmem>>) offsets(%dma_start3A_230 : memref<128xi32, #tpu.memory_space<vmem>>) semaphore(%arg9 : memref<!tpu.dma_semaphore, #tpu.memory_space<semaphore_mem>>)
        %dma_start3A_234 = arith.constant 1 : i32
        %dma_start3A_235 = arith.constant 128 : i32
        %dma_start3A_236 = arith.constant 0 : i32
        %dma_start3A_237 = tpu.memref_slice %arg7[%dma_start3A_235, %dma_start3A_236] : memref<3072x8xf32, #tpu.memory_space<vmem>> -> memref<128x8xf32, #tpu.memory_space<vmem>>
        %dma_start3A_238 = arith.constant 0 : i32
        %dma_start3A_239 = arith.constant 0 : i32
        %dma_start3A_240 = tpu.memref_slice %run_scoped3A[%rem3A_217, %dma_start3A_238, %dma_start3A_239] : memref<2x24x128xi32, #tpu.memory_space<vmem>> -> memref<1x24x128xi32, #tpu.memory_space<vmem>>
        %dma_start3A_241 = tpu.memref_squeeze %dma_start3A_240 : memref<1x24x128xi32, #tpu.memory_space<vmem>> -> memref<24x128xi32, #tpu.memory_space<vmem>>
        %dma_start3A_242 = arith.constant 0 : i32
        %dma_start3A_243 = tpu.memref_slice %dma_start3A_241[%dma_start3A_234, %dma_start3A_242] : memref<24x128xi32, #tpu.memory_space<vmem>> -> memref<1x128xi32, #tpu.memory_space<vmem>>
        %dma_start3A_244 = tpu.memref_squeeze %dma_start3A_243 : memref<1x128xi32, #tpu.memory_space<vmem>> -> memref<128xi32, #tpu.memory_space<vmem>>
        %dma_start3A_245 = arith.constant 0 : i32
        %dma_start3A_246 = arith.constant 0 : i32
        %dma_start3A_247 = tpu.memref_slice %arg2[%dma_start3A_245, %dma_start3A_246] : memref<102400x8xf32, #tpu.memory_space<hbm>> -> memref<102400x8xf32, #tpu.memory_space<hbm>>
        tpu.enqueue_indirect_dma source(%dma_start3A_247 : memref<102400x8xf32, #tpu.memory_space<hbm>>) target(%dma_start3A_237 : memref<128x8xf32, #tpu.memory_space<vmem>>) offsets(%dma_start3A_244 : memref<128xi32, #tpu.memory_space<vmem>>) semaphore(%arg9 : memref<!tpu.dma_semaphore, #tpu.memory_space<semaphore_mem>>)
        %dma_start3A_248 = arith.constant 2 : i32
        %dma_start3A_249 = arith.constant 256 : i32
        %dma_start3A_250 = arith.constant 0 : i32
        %dma_start3A_251 = tpu.memref_slice %arg7[%dma_start3A_249, %dma_start3A_250] : memref<3072x8xf32, #tpu.memory_space<vmem>> -> memref<128x8xf32, #tpu.memory_space<vmem>>
        %dma_start3A_252 = arith.constant 0 : i32
        %dma_start3A_253 = arith.constant 0 : i32
        %dma_start3A_254 = tpu.memref_slice %run_scoped3A[%rem3A_217, %dma_start3A_252, %dma_start3A_253] : memref<2x24x128xi32, #tpu.memory_space<vmem>> -> memref<1x24x128xi32, #tpu.memory_space<vmem>>
        %dma_start3A_255 = tpu.memref_squeeze %dma_start3A_254 : memref<1x24x128xi32, #tpu.memory_space<vmem>> -> memref<24x128xi32, #tpu.memory_space<vmem>>
        %dma_start3A_256 = arith.constant 0 : i32
        %dma_start3A_257 = tpu.memref_slice %dma_start3A_255[%dma_start3A_248, %dma_start3A_256] : memref<24x128xi32, #tpu.memory_space<vmem>> -> memref<1x128xi32, #tpu.memory_space<vmem>>
        %dma_start3A_258 = tpu.memref_squeeze %dma_start3A_257 : memref<1x128xi32, #tpu.memory_space<vmem>> -> memref<128xi32, #tpu.memory_space<vmem>>
        %dma_start3A_259 = arith.constant 0 : i32
        %dma_start3A_260 = arith.constant 0 : i32
        %dma_start3A_261 = tpu.memref_slice %arg2[%dma_start3A_259, %dma_start3A_260] : memref<102400x8xf32, #tpu.memory_space<hbm>> -> memref<102400x8xf32, #tpu.memory_space<hbm>>
        tpu.enqueue_indirect_dma source(%dma_start3A_261 : memref<102400x8xf32, #tpu.memory_space<hbm>>) target(%dma_start3A_251 : memref<128x8xf32, #tpu.memory_space<vmem>>) offsets(%dma_start3A_258 : memref<128xi32, #tpu.memory_space<vmem>>) semaphore(%arg9 : memref<!tpu.dma_semaphore, #tpu.memory_space<semaphore_mem>>)
        %dma_start3A_262 = arith.constant 3 : i32
        %dma_start3A_263 = arith.constant 384 : i32
        %dma_start3A_264 = arith.constant 0 : i32
        %dma_start3A_265 = tpu.memref_slice %arg7[%dma_start3A_263, %dma_start3A_264] : memref<3072x8xf32, #tpu.memory_space<vmem>> -> memref<128x8xf32, #tpu.memory_space<vmem>>
        %dma_start3A_266 = arith.constant 0 : i32
        %dma_start3A_267 = arith.constant 0 : i32
        %dma_start3A_268 = tpu.memref_slice %run_scoped3A[%rem3A_217, %dma_start3A_266, %dma_start3A_267] : memref<2x24x128xi32, #tpu.memory_space<vmem>> -> memref<1x24x128xi32, #tpu.memory_space<vmem>>
        %dma_start3A_269 = tpu.memref_squeeze %dma_start3A_268 : memref<1x24x128xi32, #tpu.memory_space<vmem>> -> memref<24x128xi32, #tpu.memory_space<vmem>>
        %dma_start3A_270 = arith.constant 0 : i32
        %dma_start3A_271 = tpu.memref_slice %dma_start3A_269[%dma_start3A_262, %dma_start3A_270] : memref<24x128xi32, #tpu.memory_space<vmem>> -> memref<1x128xi32, #tpu.memory_space<vmem>>
        %dma_start3A_272 = tpu.memref_squeeze %dma_start3A_271 : memref<1x128xi32, #tpu.memory_space<vmem>> -> memref<128xi32, #tpu.memory_space<vmem>>
        %dma_start3A_273 = arith.constant 0 : i32
        %dma_start3A_274 = arith.constant 0 : i32
        %dma_start3A_275 = tpu.memref_slice %arg2[%dma_start3A_273, %dma_start3A_274] : memref<102400x8xf32, #tpu.memory_space<hbm>> -> memref<102400x8xf32, #tpu.memory_space<hbm>>
        tpu.enqueue_indirect_dma source(%dma_start3A_275 : memref<102400x8xf32, #tpu.memory_space<hbm>>) target(%dma_start3A_265 : memref<128x8xf32, #tpu.memory_space<vmem>>) offsets(%dma_start3A_272 : memref<128xi32, #tpu.memory_space<vmem>>) semaphore(%arg9 : memref<!tpu.dma_semaphore, #tpu.memory_space<semaphore_mem>>)
        %dma_start3A_276 = arith.constant 4 : i32
        %dma_start3A_277 = arith.constant 512 : i32
        %dma_start3A_278 = arith.constant 0 : i32
        %dma_start3A_279 = tpu.memref_slice %arg7[%dma_start3A_277, %dma_start3A_278] : memref<3072x8xf32, #tpu.memory_space<vmem>> -> memref<128x8xf32, #tpu.memory_space<vmem>>
        %dma_start3A_280 = arith.constant 0 : i32
        %dma_start3A_281 = arith.constant 0 : i32
        %dma_start3A_282 = tpu.memref_slice %run_scoped3A[%rem3A_217, %dma_start3A_280, %dma_start3A_281] : memref<2x24x128xi32, #tpu.memory_space<vmem>> -> memref<1x24x128xi32, #tpu.memory_space<vmem>>
        %dma_start3A_283 = tpu.memref_squeeze %dma_start3A_282 : memref<1x24x128xi32, #tpu.memory_space<vmem>> -> memref<24x128xi32, #tpu.memory_space<vmem>>
        %dma_start3A_284 = arith.constant 0 : i32
        %dma_start3A_285 = tpu.memref_slice %dma_start3A_283[%dma_start3A_276, %dma_start3A_284] : memref<24x128xi32, #tpu.memory_space<vmem>> -> memref<1x128xi32, #tpu.memory_space<vmem>>
        %dma_start3A_286 = tpu.memref_squeeze %dma_start3A_285 : memref<1x128xi32, #tpu.memory_space<vmem>> -> memref<128xi32, #tpu.memory_space<vmem>>
        %dma_start3A_287 = arith.constant 0 : i32
        %dma_start3A_288 = arith.constant 0 : i32
        %dma_start3A_289 = tpu.memref_slice %arg2[%dma_start3A_287, %dma_start3A_288] : memref<102400x8xf32, #tpu.memory_space<hbm>> -> memref<102400x8xf32, #tpu.memory_space<hbm>>
        tpu.enqueue_indirect_dma source(%dma_start3A_289 : memref<102400x8xf32, #tpu.memory_space<hbm>>) target(%dma_start3A_279 : memref<128x8xf32, #tpu.memory_space<vmem>>) offsets(%dma_start3A_286 : memref<128xi32, #tpu.memory_space<vmem>>) semaphore(%arg9 : memref<!tpu.dma_semaphore, #tpu.memory_space<semaphore_mem>>)
        %dma_start3A_290 = arith.constant 5 : i32
        %dma_start3A_291 = arith.constant 640 : i32
        %dma_start3A_292 = arith.constant 0 : i32
        %dma_start3A_293 = tpu.memref_slice %arg7[%dma_start3A_291, %dma_start3A_292] : memref<3072x8xf32, #tpu.memory_space<vmem>> -> memref<128x8xf32, #tpu.memory_space<vmem>>
        %dma_start3A_294 = arith.constant 0 : i32
        %dma_start3A_295 = arith.constant 0 : i32
        %dma_start3A_296 = tpu.memref_slice %run_scoped3A[%rem3A_217, %dma_start3A_294, %dma_start3A_295] : memref<2x24x128xi32, #tpu.memory_space<vmem>> -> memref<1x24x128xi32, #tpu.memory_space<vmem>>
        %dma_start3A_297 = tpu.memref_squeeze %dma_start3A_296 : memref<1x24x128xi32, #tpu.memory_space<vmem>> -> memref<24x128xi32, #tpu.memory_space<vmem>>
        %dma_start3A_298 = arith.constant 0 : i32
        %dma_start3A_299 = tpu.memref_slice %dma_start3A_297[%dma_start3A_290, %dma_start3A_298] : memref<24x128xi32, #tpu.memory_space<vmem>> -> memref<1x128xi32, #tpu.memory_space<vmem>>
        %dma_start3A_300 = tpu.memref_squeeze %dma_start3A_299 : memref<1x128xi32, #tpu.memory_space<vmem>> -> memref<128xi32, #tpu.memory_space<vmem>>
        %dma_start3A_301 = arith.constant 0 : i32
        %dma_start3A_302 = arith.constant 0 : i32
        %dma_start3A_303 = tpu.memref_slice %arg2[%dma_start3A_301, %dma_start3A_302] : memref<102400x8xf32, #tpu.memory_space<hbm>> -> memref<102400x8xf32, #tpu.memory_space<hbm>>
        tpu.enqueue_indirect_dma source(%dma_start3A_303 : memref<102400x8xf32, #tpu.memory_space<hbm>>) target(%dma_start3A_293 : memref<128x8xf32, #tpu.memory_space<vmem>>) offsets(%dma_start3A_300 : memref<128xi32, #tpu.memory_space<vmem>>) semaphore(%arg9 : memref<!tpu.dma_semaphore, #tpu.memory_space<semaphore_mem>>)
        %dma_start3A_304 = arith.constant 6 : i32
        %dma_start3A_305 = arith.constant 768 : i32
        %dma_start3A_306 = arith.constant 0 : i32
        %dma_start3A_307 = tpu.memref_slice %arg7[%dma_start3A_305, %dma_start3A_306] : memref<3072x8xf32, #tpu.memory_space<vmem>> -> memref<128x8xf32, #tpu.memory_space<vmem>>
        %dma_start3A_308 = arith.constant 0 : i32
        %dma_start3A_309 = arith.constant 0 : i32
        %dma_start3A_310 = tpu.memref_slice %run_scoped3A[%rem3A_217, %dma_start3A_308, %dma_start3A_309] : memref<2x24x128xi32, #tpu.memory_space<vmem>> -> memref<1x24x128xi32, #tpu.memory_space<vmem>>
        %dma_start3A_311 = tpu.memref_squeeze %dma_start3A_310 : memref<1x24x128xi32, #tpu.memory_space<vmem>> -> memref<24x128xi32, #tpu.memory_space<vmem>>
        %dma_start3A_312 = arith.constant 0 : i32
        %dma_start3A_313 = tpu.memref_slice %dma_start3A_311[%dma_start3A_304, %dma_start3A_312] : memref<24x128xi32, #tpu.memory_space<vmem>> -> memref<1x128xi32, #tpu.memory_space<vmem>>
        %dma_start3A_314 = tpu.memref_squeeze %dma_start3A_313 : memref<1x128xi32, #tpu.memory_space<vmem>> -> memref<128xi32, #tpu.memory_space<vmem>>
        %dma_start3A_315 = arith.constant 0 : i32
        %dma_start3A_316 = arith.constant 0 : i32
        %dma_start3A_317 = tpu.memref_slice %arg2[%dma_start3A_315, %dma_start3A_316] : memref<102400x8xf32, #tpu.memory_space<hbm>> -> memref<102400x8xf32, #tpu.memory_space<hbm>>
        tpu.enqueue_indirect_dma source(%dma_start3A_317 : memref<102400x8xf32, #tpu.memory_space<hbm>>) target(%dma_start3A_307 : memref<128x8xf32, #tpu.memory_space<vmem>>) offsets(%dma_start3A_314 : memref<128xi32, #tpu.memory_space<vmem>>) semaphore(%arg9 : memref<!tpu.dma_semaphore, #tpu.memory_space<semaphore_mem>>)
        %dma_start3A_318 = arith.constant 7 : i32
        %dma_start3A_319 = arith.constant 896 : i32
        %dma_start3A_320 = arith.constant 0 : i32
        %dma_start3A_321 = tpu.memref_slice %arg7[%dma_start3A_319, %dma_start3A_320] : memref<3072x8xf32, #tpu.memory_space<vmem>> -> memref<128x8xf32, #tpu.memory_space<vmem>>
        %dma_start3A_322 = arith.constant 0 : i32
        %dma_start3A_323 = arith.constant 0 : i32
        %dma_start3A_324 = tpu.memref_slice %run_scoped3A[%rem3A_217, %dma_start3A_322, %dma_start3A_323] : memref<2x24x128xi32, #tpu.memory_space<vmem>> -> memref<1x24x128xi32, #tpu.memory_space<vmem>>
        %dma_start3A_325 = tpu.memref_squeeze %dma_start3A_324 : memref<1x24x128xi32, #tpu.memory_space<vmem>> -> memref<24x128xi32, #tpu.memory_space<vmem>>
        %dma_start3A_326 = arith.constant 0 : i32
        %dma_start3A_327 = tpu.memref_slice %dma_start3A_325[%dma_start3A_318, %dma_start3A_326] : memref<24x128xi32, #tpu.memory_space<vmem>> -> memref<1x128xi32, #tpu.memory_space<vmem>>
        %dma_start3A_328 = tpu.memref_squeeze %dma_start3A_327 : memref<1x128xi32, #tpu.memory_space<vmem>> -> memref<128xi32, #tpu.memory_space<vmem>>
        %dma_start3A_329 = arith.constant 0 : i32
        %dma_start3A_330 = arith.constant 0 : i32
        %dma_start3A_331 = tpu.memref_slice %arg2[%dma_start3A_329, %dma_start3A_330] : memref<102400x8xf32, #tpu.memory_space<hbm>> -> memref<102400x8xf32, #tpu.memory_space<hbm>>
        tpu.enqueue_indirect_dma source(%dma_start3A_331 : memref<102400x8xf32, #tpu.memory_space<hbm>>) target(%dma_start3A_321 : memref<128x8xf32, #tpu.memory_space<vmem>>) offsets(%dma_start3A_328 : memref<128xi32, #tpu.memory_space<vmem>>) semaphore(%arg9 : memref<!tpu.dma_semaphore, #tpu.memory_space<semaphore_mem>>)
        %dma_start3A_332 = arith.constant 8 : i32
        %dma_start3A_333 = arith.constant 1024 : i32
        %dma_start3A_334 = arith.constant 0 : i32
        %dma_start3A_335 = tpu.memref_slice %arg7[%dma_start3A_333, %dma_start3A_334] : memref<3072x8xf32, #tpu.memory_space<vmem>> -> memref<128x8xf32, #tpu.memory_space<vmem>>
        %dma_start3A_336 = arith.constant 0 : i32
        %dma_start3A_337 = arith.constant 0 : i32
        %dma_start3A_338 = tpu.memref_slice %run_scoped3A[%rem3A_217, %dma_start3A_336, %dma_start3A_337] : memref<2x24x128xi32, #tpu.memory_space<vmem>> -> memref<1x24x128xi32, #tpu.memory_space<vmem>>
        %dma_start3A_339 = tpu.memref_squeeze %dma_start3A_338 : memref<1x24x128xi32, #tpu.memory_space<vmem>> -> memref<24x128xi32, #tpu.memory_space<vmem>>
        %dma_start3A_340 = arith.constant 0 : i32
        %dma_start3A_341 = tpu.memref_slice %dma_start3A_339[%dma_start3A_332, %dma_start3A_340] : memref<24x128xi32, #tpu.memory_space<vmem>> -> memref<1x128xi32, #tpu.memory_space<vmem>>
        %dma_start3A_342 = tpu.memref_squeeze %dma_start3A_341 : memref<1x128xi32, #tpu.memory_space<vmem>> -> memref<128xi32, #tpu.memory_space<vmem>>
        %dma_start3A_343 = arith.constant 0 : i32
        %dma_start3A_344 = arith.constant 0 : i32
        %dma_start3A_345 = tpu.memref_slice %arg2[%dma_start3A_343, %dma_start3A_344] : memref<102400x8xf32, #tpu.memory_space<hbm>> -> memref<102400x8xf32, #tpu.memory_space<hbm>>
        tpu.enqueue_indirect_dma source(%dma_start3A_345 : memref<102400x8xf32, #tpu.memory_space<hbm>>) target(%dma_start3A_335 : memref<128x8xf32, #tpu.memory_space<vmem>>) offsets(%dma_start3A_342 : memref<128xi32, #tpu.memory_space<vmem>>) semaphore(%arg9 : memref<!tpu.dma_semaphore, #tpu.memory_space<semaphore_mem>>)
        %dma_start3A_346 = arith.constant 9 : i32
        %dma_start3A_347 = arith.constant 1152 : i32
        %dma_start3A_348 = arith.constant 0 : i32
        %dma_start3A_349 = tpu.memref_slice %arg7[%dma_start3A_347, %dma_start3A_348] : memref<3072x8xf32, #tpu.memory_space<vmem>> -> memref<128x8xf32, #tpu.memory_space<vmem>>
        %dma_start3A_350 = arith.constant 0 : i32
        %dma_start3A_351 = arith.constant 0 : i32
        %dma_start3A_352 = tpu.memref_slice %run_scoped3A[%rem3A_217, %dma_start3A_350, %dma_start3A_351] : memref<2x24x128xi32, #tpu.memory_space<vmem>> -> memref<1x24x128xi32, #tpu.memory_space<vmem>>
        %dma_start3A_353 = tpu.memref_squeeze %dma_start3A_352 : memref<1x24x128xi32, #tpu.memory_space<vmem>> -> memref<24x128xi32, #tpu.memory_space<vmem>>
        %dma_start3A_354 = arith.constant 0 : i32
        %dma_start3A_355 = tpu.memref_slice %dma_start3A_353[%dma_start3A_346, %dma_start3A_354] : memref<24x128xi32, #tpu.memory_space<vmem>> -> memref<1x128xi32, #tpu.memory_space<vmem>>
        %dma_start3A_356 = tpu.memref_squeeze %dma_start3A_355 : memref<1x128xi32, #tpu.memory_space<vmem>> -> memref<128xi32, #tpu.memory_space<vmem>>
        %dma_start3A_357 = arith.constant 0 : i32
        %dma_start3A_358 = arith.constant 0 : i32
        %dma_start3A_359 = tpu.memref_slice %arg2[%dma_start3A_357, %dma_start3A_358] : memref<102400x8xf32, #tpu.memory_space<hbm>> -> memref<102400x8xf32, #tpu.memory_space<hbm>>
        tpu.enqueue_indirect_dma source(%dma_start3A_359 : memref<102400x8xf32, #tpu.memory_space<hbm>>) target(%dma_start3A_349 : memref<128x8xf32, #tpu.memory_space<vmem>>) offsets(%dma_start3A_356 : memref<128xi32, #tpu.memory_space<vmem>>) semaphore(%arg9 : memref<!tpu.dma_semaphore, #tpu.memory_space<semaphore_mem>>)
        %dma_start3A_360 = arith.constant 10 : i32
        %dma_start3A_361 = arith.constant 1280 : i32
        %dma_start3A_362 = arith.constant 0 : i32
        %dma_start3A_363 = tpu.memref_slice %arg7[%dma_start3A_361, %dma_start3A_362] : memref<3072x8xf32, #tpu.memory_space<vmem>> -> memref<128x8xf32, #tpu.memory_space<vmem>>
        %dma_start3A_364 = arith.constant 0 : i32
        %dma_start3A_365 = arith.constant 0 : i32
        %dma_start3A_366 = tpu.memref_slice %run_scoped3A[%rem3A_217, %dma_start3A_364, %dma_start3A_365] : memref<2x24x128xi32, #tpu.memory_space<vmem>> -> memref<1x24x128xi32, #tpu.memory_space<vmem>>
        %dma_start3A_367 = tpu.memref_squeeze %dma_start3A_366 : memref<1x24x128xi32, #tpu.memory_space<vmem>> -> memref<24x128xi32, #tpu.memory_space<vmem>>
        %dma_start3A_368 = arith.constant 0 : i32
        %dma_start3A_369 = tpu.memref_slice %dma_start3A_367[%dma_start3A_360, %dma_start3A_368] : memref<24x128xi32, #tpu.memory_space<vmem>> -> memref<1x128xi32, #tpu.memory_space<vmem>>
        %dma_start3A_370 = tpu.memref_squeeze %dma_start3A_369 : memref<1x128xi32, #tpu.memory_space<vmem>> -> memref<128xi32, #tpu.memory_space<vmem>>
        %dma_start3A_371 = arith.constant 0 : i32
        %dma_start3A_372 = arith.constant 0 : i32
        %dma_start3A_373 = tpu.memref_slice %arg2[%dma_start3A_371, %dma_start3A_372] : memref<102400x8xf32, #tpu.memory_space<hbm>> -> memref<102400x8xf32, #tpu.memory_space<hbm>>
        tpu.enqueue_indirect_dma source(%dma_start3A_373 : memref<102400x8xf32, #tpu.memory_space<hbm>>) target(%dma_start3A_363 : memref<128x8xf32, #tpu.memory_space<vmem>>) offsets(%dma_start3A_370 : memref<128xi32, #tpu.memory_space<vmem>>) semaphore(%arg9 : memref<!tpu.dma_semaphore, #tpu.memory_space<semaphore_mem>>)
        %dma_start3A_374 = arith.constant 11 : i32
        %dma_start3A_375 = arith.constant 1408 : i32
        %dma_start3A_376 = arith.constant 0 : i32
        %dma_start3A_377 = tpu.memref_slice %arg7[%dma_start3A_375, %dma_start3A_376] : memref<3072x8xf32, #tpu.memory_space<vmem>> -> memref<128x8xf32, #tpu.memory_space<vmem>>
        %dma_start3A_378 = arith.constant 0 : i32
        %dma_start3A_379 = arith.constant 0 : i32
        %dma_start3A_380 = tpu.memref_slice %run_scoped3A[%rem3A_217, %dma_start3A_378, %dma_start3A_379] : memref<2x24x128xi32, #tpu.memory_space<vmem>> -> memref<1x24x128xi32, #tpu.memory_space<vmem>>
        %dma_start3A_381 = tpu.memref_squeeze %dma_start3A_380 : memref<1x24x128xi32, #tpu.memory_space<vmem>> -> memref<24x128xi32, #tpu.memory_space<vmem>>
        %dma_start3A_382 = arith.constant 0 : i32
        %dma_start3A_383 = tpu.memref_slice %dma_start3A_381[%dma_start3A_374, %dma_start3A_382] : memref<24x128xi32, #tpu.memory_space<vmem>> -> memref<1x128xi32, #tpu.memory_space<vmem>>
        %dma_start3A_384 = tpu.memref_squeeze %dma_start3A_383 : memref<1x128xi32, #tpu.memory_space<vmem>> -> memref<128xi32, #tpu.memory_space<vmem>>
        %dma_start3A_385 = arith.constant 0 : i32
        %dma_start3A_386 = arith.constant 0 : i32
        %dma_start3A_387 = tpu.memref_slice %arg2[%dma_start3A_385, %dma_start3A_386] : memref<102400x8xf32, #tpu.memory_space<hbm>> -> memref<102400x8xf32, #tpu.memory_space<hbm>>
        tpu.enqueue_indirect_dma source(%dma_start3A_387 : memref<102400x8xf32, #tpu.memory_space<hbm>>) target(%dma_start3A_377 : memref<128x8xf32, #tpu.memory_space<vmem>>) offsets(%dma_start3A_384 : memref<128xi32, #tpu.memory_space<vmem>>) semaphore(%arg9 : memref<!tpu.dma_semaphore, #tpu.memory_space<semaphore_mem>>)
        %dma_start3A_388 = arith.constant 12 : i32
        %dma_start3A_389 = arith.constant 1536 : i32
        %dma_start3A_390 = arith.constant 0 : i32
        %dma_start3A_391 = tpu.memref_slice %arg7[%dma_start3A_389, %dma_start3A_390] : memref<3072x8xf32, #tpu.memory_space<vmem>> -> memref<128x8xf32, #tpu.memory_space<vmem>>
        %dma_start3A_392 = arith.constant 0 : i32
        %dma_start3A_393 = arith.constant 0 : i32
        %dma_start3A_394 = tpu.memref_slice %run_scoped3A[%rem3A_217, %dma_start3A_392, %dma_start3A_393] : memref<2x24x128xi32, #tpu.memory_space<vmem>> -> memref<1x24x128xi32, #tpu.memory_space<vmem>>
        %dma_start3A_395 = tpu.memref_squeeze %dma_start3A_394 : memref<1x24x128xi32, #tpu.memory_space<vmem>> -> memref<24x128xi32, #tpu.memory_space<vmem>>
        %dma_start3A_396 = arith.constant 0 : i32
        %dma_start3A_397 = tpu.memref_slice %dma_start3A_395[%dma_start3A_388, %dma_start3A_396] : memref<24x128xi32, #tpu.memory_space<vmem>> -> memref<1x128xi32, #tpu.memory_space<vmem>>
        %dma_start3A_398 = tpu.memref_squeeze %dma_start3A_397 : memref<1x128xi32, #tpu.memory_space<vmem>> -> memref<128xi32, #tpu.memory_space<vmem>>
        %dma_start3A_399 = arith.constant 0 : i32
        %dma_start3A_400 = arith.constant 0 : i32
        %dma_start3A_401 = tpu.memref_slice %arg2[%dma_start3A_399, %dma_start3A_400] : memref<102400x8xf32, #tpu.memory_space<hbm>> -> memref<102400x8xf32, #tpu.memory_space<hbm>>
        tpu.enqueue_indirect_dma source(%dma_start3A_401 : memref<102400x8xf32, #tpu.memory_space<hbm>>) target(%dma_start3A_391 : memref<128x8xf32, #tpu.memory_space<vmem>>) offsets(%dma_start3A_398 : memref<128xi32, #tpu.memory_space<vmem>>) semaphore(%arg9 : memref<!tpu.dma_semaphore, #tpu.memory_space<semaphore_mem>>)
        %dma_start3A_402 = arith.constant 13 : i32
        %dma_start3A_403 = arith.constant 1664 : i32
        %dma_start3A_404 = arith.constant 0 : i32
        %dma_start3A_405 = tpu.memref_slice %arg7[%dma_start3A_403, %dma_start3A_404] : memref<3072x8xf32, #tpu.memory_space<vmem>> -> memref<128x8xf32, #tpu.memory_space<vmem>>
        %dma_start3A_406 = arith.constant 0 : i32
        %dma_start3A_407 = arith.constant 0 : i32
        %dma_start3A_408 = tpu.memref_slice %run_scoped3A[%rem3A_217, %dma_start3A_406, %dma_start3A_407] : memref<2x24x128xi32, #tpu.memory_space<vmem>> -> memref<1x24x128xi32, #tpu.memory_space<vmem>>
        %dma_start3A_409 = tpu.memref_squeeze %dma_start3A_408 : memref<1x24x128xi32, #tpu.memory_space<vmem>> -> memref<24x128xi32, #tpu.memory_space<vmem>>
        %dma_start3A_410 = arith.constant 0 : i32
        %dma_start3A_411 = tpu.memref_slice %dma_start3A_409[%dma_start3A_402, %dma_start3A_410] : memref<24x128xi32, #tpu.memory_space<vmem>> -> memref<1x128xi32, #tpu.memory_space<vmem>>
        %dma_start3A_412 = tpu.memref_squeeze %dma_start3A_411 : memref<1x128xi32, #tpu.memory_space<vmem>> -> memref<128xi32, #tpu.memory_space<vmem>>
        %dma_start3A_413 = arith.constant 0 : i32
        %dma_start3A_414 = arith.constant 0 : i32
        %dma_start3A_415 = tpu.memref_slice %arg2[%dma_start3A_413, %dma_start3A_414] : memref<102400x8xf32, #tpu.memory_space<hbm>> -> memref<102400x8xf32, #tpu.memory_space<hbm>>
        tpu.enqueue_indirect_dma source(%dma_start3A_415 : memref<102400x8xf32, #tpu.memory_space<hbm>>) target(%dma_start3A_405 : memref<128x8xf32, #tpu.memory_space<vmem>>) offsets(%dma_start3A_412 : memref<128xi32, #tpu.memory_space<vmem>>) semaphore(%arg9 : memref<!tpu.dma_semaphore, #tpu.memory_space<semaphore_mem>>)
        %dma_start3A_416 = arith.constant 14 : i32
        %dma_start3A_417 = arith.constant 1792 : i32
        %dma_start3A_418 = arith.constant 0 : i32
        %dma_start3A_419 = tpu.memref_slice %arg7[%dma_start3A_417, %dma_start3A_418] : memref<3072x8xf32, #tpu.memory_space<vmem>> -> memref<128x8xf32, #tpu.memory_space<vmem>>
        %dma_start3A_420 = arith.constant 0 : i32
        %dma_start3A_421 = arith.constant 0 : i32
        %dma_start3A_422 = tpu.memref_slice %run_scoped3A[%rem3A_217, %dma_start3A_420, %dma_start3A_421] : memref<2x24x128xi32, #tpu.memory_space<vmem>> -> memref<1x24x128xi32, #tpu.memory_space<vmem>>
        %dma_start3A_423 = tpu.memref_squeeze %dma_start3A_422 : memref<1x24x128xi32, #tpu.memory_space<vmem>> -> memref<24x128xi32, #tpu.memory_space<vmem>>
        %dma_start3A_424 = arith.constant 0 : i32
        %dma_start3A_425 = tpu.memref_slice %dma_start3A_423[%dma_start3A_416, %dma_start3A_424] : memref<24x128xi32, #tpu.memory_space<vmem>> -> memref<1x128xi32, #tpu.memory_space<vmem>>
        %dma_start3A_426 = tpu.memref_squeeze %dma_start3A_425 : memref<1x128xi32, #tpu.memory_space<vmem>> -> memref<128xi32, #tpu.memory_space<vmem>>
        %dma_start3A_427 = arith.constant 0 : i32
        %dma_start3A_428 = arith.constant 0 : i32
        %dma_start3A_429 = tpu.memref_slice %arg2[%dma_start3A_427, %dma_start3A_428] : memref<102400x8xf32, #tpu.memory_space<hbm>> -> memref<102400x8xf32, #tpu.memory_space<hbm>>
        tpu.enqueue_indirect_dma source(%dma_start3A_429 : memref<102400x8xf32, #tpu.memory_space<hbm>>) target(%dma_start3A_419 : memref<128x8xf32, #tpu.memory_space<vmem>>) offsets(%dma_start3A_426 : memref<128xi32, #tpu.memory_space<vmem>>) semaphore(%arg9 : memref<!tpu.dma_semaphore, #tpu.memory_space<semaphore_mem>>)
        %dma_start3A_430 = arith.constant 15 : i32
        %dma_start3A_431 = arith.constant 1920 : i32
        %dma_start3A_432 = arith.constant 0 : i32
        %dma_start3A_433 = tpu.memref_slice %arg7[%dma_start3A_431, %dma_start3A_432] : memref<3072x8xf32, #tpu.memory_space<vmem>> -> memref<128x8xf32, #tpu.memory_space<vmem>>
        %dma_start3A_434 = arith.constant 0 : i32
        %dma_start3A_435 = arith.constant 0 : i32
        %dma_start3A_436 = tpu.memref_slice %run_scoped3A[%rem3A_217, %dma_start3A_434, %dma_start3A_435] : memref<2x24x128xi32, #tpu.memory_space<vmem>> -> memref<1x24x128xi32, #tpu.memory_space<vmem>>
        %dma_start3A_437 = tpu.memref_squeeze %dma_start3A_436 : memref<1x24x128xi32, #tpu.memory_space<vmem>> -> memref<24x128xi32, #tpu.memory_space<vmem>>
        %dma_start3A_438 = arith.constant 0 : i32
        %dma_start3A_439 = tpu.memref_slice %dma_start3A_437[%dma_start3A_430, %dma_start3A_438] : memref<24x128xi32, #tpu.memory_space<vmem>> -> memref<1x128xi32, #tpu.memory_space<vmem>>
        %dma_start3A_440 = tpu.memref_squeeze %dma_start3A_439 : memref<1x128xi32, #tpu.memory_space<vmem>> -> memref<128xi32, #tpu.memory_space<vmem>>
        %dma_start3A_441 = arith.constant 0 : i32
        %dma_start3A_442 = arith.constant 0 : i32
        %dma_start3A_443 = tpu.memref_slice %arg2[%dma_start3A_441, %dma_start3A_442] : memref<102400x8xf32, #tpu.memory_space<hbm>> -> memref<102400x8xf32, #tpu.memory_space<hbm>>
        tpu.enqueue_indirect_dma source(%dma_start3A_443 : memref<102400x8xf32, #tpu.memory_space<hbm>>) target(%dma_start3A_433 : memref<128x8xf32, #tpu.memory_space<vmem>>) offsets(%dma_start3A_440 : memref<128xi32, #tpu.memory_space<vmem>>) semaphore(%arg9 : memref<!tpu.dma_semaphore, #tpu.memory_space<semaphore_mem>>)
        %dma_start3A_444 = arith.constant 16 : i32
        %dma_start3A_445 = arith.constant 2048 : i32
        %dma_start3A_446 = arith.constant 0 : i32
        %dma_start3A_447 = tpu.memref_slice %arg7[%dma_start3A_445, %dma_start3A_446] : memref<3072x8xf32, #tpu.memory_space<vmem>> -> memref<128x8xf32, #tpu.memory_space<vmem>>
        %dma_start3A_448 = arith.constant 0 : i32
        %dma_start3A_449 = arith.constant 0 : i32
        %dma_start3A_450 = tpu.memref_slice %run_scoped3A[%rem3A_217, %dma_start3A_448, %dma_start3A_449] : memref<2x24x128xi32, #tpu.memory_space<vmem>> -> memref<1x24x128xi32, #tpu.memory_space<vmem>>
        %dma_start3A_451 = tpu.memref_squeeze %dma_start3A_450 : memref<1x24x128xi32, #tpu.memory_space<vmem>> -> memref<24x128xi32, #tpu.memory_space<vmem>>
        %dma_start3A_452 = arith.constant 0 : i32
        %dma_start3A_453 = tpu.memref_slice %dma_start3A_451[%dma_start3A_444, %dma_start3A_452] : memref<24x128xi32, #tpu.memory_space<vmem>> -> memref<1x128xi32, #tpu.memory_space<vmem>>
        %dma_start3A_454 = tpu.memref_squeeze %dma_start3A_453 : memref<1x128xi32, #tpu.memory_space<vmem>> -> memref<128xi32, #tpu.memory_space<vmem>>
        %dma_start3A_455 = arith.constant 0 : i32
        %dma_start3A_456 = arith.constant 0 : i32
        %dma_start3A_457 = tpu.memref_slice %arg2[%dma_start3A_455, %dma_start3A_456] : memref<102400x8xf32, #tpu.memory_space<hbm>> -> memref<102400x8xf32, #tpu.memory_space<hbm>>
        tpu.enqueue_indirect_dma source(%dma_start3A_457 : memref<102400x8xf32, #tpu.memory_space<hbm>>) target(%dma_start3A_447 : memref<128x8xf32, #tpu.memory_space<vmem>>) offsets(%dma_start3A_454 : memref<128xi32, #tpu.memory_space<vmem>>) semaphore(%arg9 : memref<!tpu.dma_semaphore, #tpu.memory_space<semaphore_mem>>)
        %dma_start3A_458 = arith.constant 17 : i32
        %dma_start3A_459 = arith.constant 2176 : i32
        %dma_start3A_460 = arith.constant 0 : i32
        %dma_start3A_461 = tpu.memref_slice %arg7[%dma_start3A_459, %dma_start3A_460] : memref<3072x8xf32, #tpu.memory_space<vmem>> -> memref<128x8xf32, #tpu.memory_space<vmem>>
        %dma_start3A_462 = arith.constant 0 : i32
        %dma_start3A_463 = arith.constant 0 : i32
        %dma_start3A_464 = tpu.memref_slice %run_scoped3A[%rem3A_217, %dma_start3A_462, %dma_start3A_463] : memref<2x24x128xi32, #tpu.memory_space<vmem>> -> memref<1x24x128xi32, #tpu.memory_space<vmem>>
        %dma_start3A_465 = tpu.memref_squeeze %dma_start3A_464 : memref<1x24x128xi32, #tpu.memory_space<vmem>> -> memref<24x128xi32, #tpu.memory_space<vmem>>
        %dma_start3A_466 = arith.constant 0 : i32
        %dma_start3A_467 = tpu.memref_slice %dma_start3A_465[%dma_start3A_458, %dma_start3A_466] : memref<24x128xi32, #tpu.memory_space<vmem>> -> memref<1x128xi32, #tpu.memory_space<vmem>>
        %dma_start3A_468 = tpu.memref_squeeze %dma_start3A_467 : memref<1x128xi32, #tpu.memory_space<vmem>> -> memref<128xi32, #tpu.memory_space<vmem>>
        %dma_start3A_469 = arith.constant 0 : i32
        %dma_start3A_470 = arith.constant 0 : i32
        %dma_start3A_471 = tpu.memref_slice %arg2[%dma_start3A_469, %dma_start3A_470] : memref<102400x8xf32, #tpu.memory_space<hbm>> -> memref<102400x8xf32, #tpu.memory_space<hbm>>
        tpu.enqueue_indirect_dma source(%dma_start3A_471 : memref<102400x8xf32, #tpu.memory_space<hbm>>) target(%dma_start3A_461 : memref<128x8xf32, #tpu.memory_space<vmem>>) offsets(%dma_start3A_468 : memref<128xi32, #tpu.memory_space<vmem>>) semaphore(%arg9 : memref<!tpu.dma_semaphore, #tpu.memory_space<semaphore_mem>>)
        %dma_start3A_472 = arith.constant 18 : i32
        %dma_start3A_473 = arith.constant 2304 : i32
        %dma_start3A_474 = arith.constant 0 : i32
        %dma_start3A_475 = tpu.memref_slice %arg7[%dma_start3A_473, %dma_start3A_474] : memref<3072x8xf32, #tpu.memory_space<vmem>> -> memref<128x8xf32, #tpu.memory_space<vmem>>
        %dma_start3A_476 = arith.constant 0 : i32
        %dma_start3A_477 = arith.constant 0 : i32
        %dma_start3A_478 = tpu.memref_slice %run_scoped3A[%rem3A_217, %dma_start3A_476, %dma_start3A_477] : memref<2x24x128xi32, #tpu.memory_space<vmem>> -> memref<1x24x128xi32, #tpu.memory_space<vmem>>
        %dma_start3A_479 = tpu.memref_squeeze %dma_start3A_478 : memref<1x24x128xi32, #tpu.memory_space<vmem>> -> memref<24x128xi32, #tpu.memory_space<vmem>>
        %dma_start3A_480 = arith.constant 0 : i32
        %dma_start3A_481 = tpu.memref_slice %dma_start3A_479[%dma_start3A_472, %dma_start3A_480] : memref<24x128xi32, #tpu.memory_space<vmem>> -> memref<1x128xi32, #tpu.memory_space<vmem>>
        %dma_start3A_482 = tpu.memref_squeeze %dma_start3A_481 : memref<1x128xi32, #tpu.memory_space<vmem>> -> memref<128xi32, #tpu.memory_space<vmem>>
        %dma_start3A_483 = arith.constant 0 : i32
        %dma_start3A_484 = arith.constant 0 : i32
        %dma_start3A_485 = tpu.memref_slice %arg2[%dma_start3A_483, %dma_start3A_484] : memref<102400x8xf32, #tpu.memory_space<hbm>> -> memref<102400x8xf32, #tpu.memory_space<hbm>>
        tpu.enqueue_indirect_dma source(%dma_start3A_485 : memref<102400x8xf32, #tpu.memory_space<hbm>>) target(%dma_start3A_475 : memref<128x8xf32, #tpu.memory_space<vmem>>) offsets(%dma_start3A_482 : memref<128xi32, #tpu.memory_space<vmem>>) semaphore(%arg9 : memref<!tpu.dma_semaphore, #tpu.memory_space<semaphore_mem>>)
        %dma_start3A_486 = arith.constant 19 : i32
        %dma_start3A_487 = arith.constant 2432 : i32
        %dma_start3A_488 = arith.constant 0 : i32
        %dma_start3A_489 = tpu.memref_slice %arg7[%dma_start3A_487, %dma_start3A_488] : memref<3072x8xf32, #tpu.memory_space<vmem>> -> memref<128x8xf32, #tpu.memory_space<vmem>>
        %dma_start3A_490 = arith.constant 0 : i32
        %dma_start3A_491 = arith.constant 0 : i32
        %dma_start3A_492 = tpu.memref_slice %run_scoped3A[%rem3A_217, %dma_start3A_490, %dma_start3A_491] : memref<2x24x128xi32, #tpu.memory_space<vmem>> -> memref<1x24x128xi32, #tpu.memory_space<vmem>>
        %dma_start3A_493 = tpu.memref_squeeze %dma_start3A_492 : memref<1x24x128xi32, #tpu.memory_space<vmem>> -> memref<24x128xi32, #tpu.memory_space<vmem>>
        %dma_start3A_494 = arith.constant 0 : i32
        %dma_start3A_495 = tpu.memref_slice %dma_start3A_493[%dma_start3A_486, %dma_start3A_494] : memref<24x128xi32, #tpu.memory_space<vmem>> -> memref<1x128xi32, #tpu.memory_space<vmem>>
        %dma_start3A_496 = tpu.memref_squeeze %dma_start3A_495 : memref<1x128xi32, #tpu.memory_space<vmem>> -> memref<128xi32, #tpu.memory_space<vmem>>
        %dma_start3A_497 = arith.constant 0 : i32
        %dma_start3A_498 = arith.constant 0 : i32
        %dma_start3A_499 = tpu.memref_slice %arg2[%dma_start3A_497, %dma_start3A_498] : memref<102400x8xf32, #tpu.memory_space<hbm>> -> memref<102400x8xf32, #tpu.memory_space<hbm>>
        tpu.enqueue_indirect_dma source(%dma_start3A_499 : memref<102400x8xf32, #tpu.memory_space<hbm>>) target(%dma_start3A_489 : memref<128x8xf32, #tpu.memory_space<vmem>>) offsets(%dma_start3A_496 : memref<128xi32, #tpu.memory_space<vmem>>) semaphore(%arg9 : memref<!tpu.dma_semaphore, #tpu.memory_space<semaphore_mem>>)
        %dma_start3A_500 = arith.constant 20 : i32
        %dma_start3A_501 = arith.constant 2560 : i32
        %dma_start3A_502 = arith.constant 0 : i32
        %dma_start3A_503 = tpu.memref_slice %arg7[%dma_start3A_501, %dma_start3A_502] : memref<3072x8xf32, #tpu.memory_space<vmem>> -> memref<128x8xf32, #tpu.memory_space<vmem>>
        %dma_start3A_504 = arith.constant 0 : i32
        %dma_start3A_505 = arith.constant 0 : i32
        %dma_start3A_506 = tpu.memref_slice %run_scoped3A[%rem3A_217, %dma_start3A_504, %dma_start3A_505] : memref<2x24x128xi32, #tpu.memory_space<vmem>> -> memref<1x24x128xi32, #tpu.memory_space<vmem>>
        %dma_start3A_507 = tpu.memref_squeeze %dma_start3A_506 : memref<1x24x128xi32, #tpu.memory_space<vmem>> -> memref<24x128xi32, #tpu.memory_space<vmem>>
        %dma_start3A_508 = arith.constant 0 : i32
        %dma_start3A_509 = tpu.memref_slice %dma_start3A_507[%dma_start3A_500, %dma_start3A_508] : memref<24x128xi32, #tpu.memory_space<vmem>> -> memref<1x128xi32, #tpu.memory_space<vmem>>
        %dma_start3A_510 = tpu.memref_squeeze %dma_start3A_509 : memref<1x128xi32, #tpu.memory_space<vmem>> -> memref<128xi32, #tpu.memory_space<vmem>>
        %dma_start3A_511 = arith.constant 0 : i32
        %dma_start3A_512 = arith.constant 0 : i32
        %dma_start3A_513 = tpu.memref_slice %arg2[%dma_start3A_511, %dma_start3A_512] : memref<102400x8xf32, #tpu.memory_space<hbm>> -> memref<102400x8xf32, #tpu.memory_space<hbm>>
        tpu.enqueue_indirect_dma source(%dma_start3A_513 : memref<102400x8xf32, #tpu.memory_space<hbm>>) target(%dma_start3A_503 : memref<128x8xf32, #tpu.memory_space<vmem>>) offsets(%dma_start3A_510 : memref<128xi32, #tpu.memory_space<vmem>>) semaphore(%arg9 : memref<!tpu.dma_semaphore, #tpu.memory_space<semaphore_mem>>)
        %dma_start3A_514 = arith.constant 21 : i32
        %dma_start3A_515 = arith.constant 2688 : i32
        %dma_start3A_516 = arith.constant 0 : i32
        %dma_start3A_517 = tpu.memref_slice %arg7[%dma_start3A_515, %dma_start3A_516] : memref<3072x8xf32, #tpu.memory_space<vmem>> -> memref<128x8xf32, #tpu.memory_space<vmem>>
        %dma_start3A_518 = arith.constant 0 : i32
        %dma_start3A_519 = arith.constant 0 : i32
        %dma_start3A_520 = tpu.memref_slice %run_scoped3A[%rem3A_217, %dma_start3A_518, %dma_start3A_519] : memref<2x24x128xi32, #tpu.memory_space<vmem>> -> memref<1x24x128xi32, #tpu.memory_space<vmem>>
        %dma_start3A_521 = tpu.memref_squeeze %dma_start3A_520 : memref<1x24x128xi32, #tpu.memory_space<vmem>> -> memref<24x128xi32, #tpu.memory_space<vmem>>
        %dma_start3A_522 = arith.constant 0 : i32
        %dma_start3A_523 = tpu.memref_slice %dma_start3A_521[%dma_start3A_514, %dma_start3A_522] : memref<24x128xi32, #tpu.memory_space<vmem>> -> memref<1x128xi32, #tpu.memory_space<vmem>>
        %dma_start3A_524 = tpu.memref_squeeze %dma_start3A_523 : memref<1x128xi32, #tpu.memory_space<vmem>> -> memref<128xi32, #tpu.memory_space<vmem>>
        %dma_start3A_525 = arith.constant 0 : i32
        %dma_start3A_526 = arith.constant 0 : i32
        %dma_start3A_527 = tpu.memref_slice %arg2[%dma_start3A_525, %dma_start3A_526] : memref<102400x8xf32, #tpu.memory_space<hbm>> -> memref<102400x8xf32, #tpu.memory_space<hbm>>
        tpu.enqueue_indirect_dma source(%dma_start3A_527 : memref<102400x8xf32, #tpu.memory_space<hbm>>) target(%dma_start3A_517 : memref<128x8xf32, #tpu.memory_space<vmem>>) offsets(%dma_start3A_524 : memref<128xi32, #tpu.memory_space<vmem>>) semaphore(%arg9 : memref<!tpu.dma_semaphore, #tpu.memory_space<semaphore_mem>>)
        %dma_start3A_528 = arith.constant 22 : i32
        %dma_start3A_529 = arith.constant 2816 : i32
        %dma_start3A_530 = arith.constant 0 : i32
        %dma_start3A_531 = tpu.memref_slice %arg7[%dma_start3A_529, %dma_start3A_530] : memref<3072x8xf32, #tpu.memory_space<vmem>> -> memref<128x8xf32, #tpu.memory_space<vmem>>
        %dma_start3A_532 = arith.constant 0 : i32
        %dma_start3A_533 = arith.constant 0 : i32
        %dma_start3A_534 = tpu.memref_slice %run_scoped3A[%rem3A_217, %dma_start3A_532, %dma_start3A_533] : memref<2x24x128xi32, #tpu.memory_space<vmem>> -> memref<1x24x128xi32, #tpu.memory_space<vmem>>
        %dma_start3A_535 = tpu.memref_squeeze %dma_start3A_534 : memref<1x24x128xi32, #tpu.memory_space<vmem>> -> memref<24x128xi32, #tpu.memory_space<vmem>>
        %dma_start3A_536 = arith.constant 0 : i32
        %dma_start3A_537 = tpu.memref_slice %dma_start3A_535[%dma_start3A_528, %dma_start3A_536] : memref<24x128xi32, #tpu.memory_space<vmem>> -> memref<1x128xi32, #tpu.memory_space<vmem>>
        %dma_start3A_538 = tpu.memref_squeeze %dma_start3A_537 : memref<1x128xi32, #tpu.memory_space<vmem>> -> memref<128xi32, #tpu.memory_space<vmem>>
        %dma_start3A_539 = arith.constant 0 : i32
        %dma_start3A_540 = arith.constant 0 : i32
        %dma_start3A_541 = tpu.memref_slice %arg2[%dma_start3A_539, %dma_start3A_540] : memref<102400x8xf32, #tpu.memory_space<hbm>> -> memref<102400x8xf32, #tpu.memory_space<hbm>>
        tpu.enqueue_indirect_dma source(%dma_start3A_541 : memref<102400x8xf32, #tpu.memory_space<hbm>>) target(%dma_start3A_531 : memref<128x8xf32, #tpu.memory_space<vmem>>) offsets(%dma_start3A_538 : memref<128xi32, #tpu.memory_space<vmem>>) semaphore(%arg9 : memref<!tpu.dma_semaphore, #tpu.memory_space<semaphore_mem>>)
        %dma_start3A_542 = arith.constant 23 : i32
        %dma_start3A_543 = arith.constant 2944 : i32
        %dma_start3A_544 = arith.constant 0 : i32
        %dma_start3A_545 = tpu.memref_slice %arg7[%dma_start3A_543, %dma_start3A_544] : memref<3072x8xf32, #tpu.memory_space<vmem>> -> memref<128x8xf32, #tpu.memory_space<vmem>>
        %dma_start3A_546 = arith.constant 0 : i32
        %dma_start3A_547 = arith.constant 0 : i32
        %dma_start3A_548 = tpu.memref_slice %run_scoped3A[%rem3A_217, %dma_start3A_546, %dma_start3A_547] : memref<2x24x128xi32, #tpu.memory_space<vmem>> -> memref<1x24x128xi32, #tpu.memory_space<vmem>>
        %dma_start3A_549 = tpu.memref_squeeze %dma_start3A_548 : memref<1x24x128xi32, #tpu.memory_space<vmem>> -> memref<24x128xi32, #tpu.memory_space<vmem>>
        %dma_start3A_550 = arith.constant 0 : i32
        %dma_start3A_551 = tpu.memref_slice %dma_start3A_549[%dma_start3A_542, %dma_start3A_550] : memref<24x128xi32, #tpu.memory_space<vmem>> -> memref<1x128xi32, #tpu.memory_space<vmem>>
        %dma_start3A_552 = tpu.memref_squeeze %dma_start3A_551 : memref<1x128xi32, #tpu.memory_space<vmem>> -> memref<128xi32, #tpu.memory_space<vmem>>
        %dma_start3A_553 = arith.constant 0 : i32
        %dma_start3A_554 = arith.constant 0 : i32
        %dma_start3A_555 = tpu.memref_slice %arg2[%dma_start3A_553, %dma_start3A_554] : memref<102400x8xf32, #tpu.memory_space<hbm>> -> memref<102400x8xf32, #tpu.memory_space<hbm>>
        tpu.enqueue_indirect_dma source(%dma_start3A_555 : memref<102400x8xf32, #tpu.memory_space<hbm>>) target(%dma_start3A_545 : memref<128x8xf32, #tpu.memory_space<vmem>>) offsets(%dma_start3A_552 : memref<128xi32, #tpu.memory_space<vmem>>) semaphore(%arg9 : memref<!tpu.dma_semaphore, #tpu.memory_space<semaphore_mem>>)
        %dma_wait3A = arith.constant 0 : i32
        %dma_wait3A_556 = arith.constant 0 : i32
        %dma_wait3A_557 = arith.constant 0 : i32
        %dma_wait3A_558 = tpu.memref_slice %arg7[%dma_wait3A_556, %dma_wait3A_557] : memref<3072x8xf32, #tpu.memory_space<vmem>> -> memref<128x8xf32, #tpu.memory_space<vmem>>
        %dma_wait3A_559 = arith.constant 0 : i32
        %dma_wait3A_560 = arith.constant 0 : i32
        %dma_wait3A_561 = tpu.memref_slice %run_scoped3A[%rem3A_217, %dma_wait3A_559, %dma_wait3A_560] : memref<2x24x128xi32, #tpu.memory_space<vmem>> -> memref<1x24x128xi32, #tpu.memory_space<vmem>>
        %dma_wait3A_562 = tpu.memref_squeeze %dma_wait3A_561 : memref<1x24x128xi32, #tpu.memory_space<vmem>> -> memref<24x128xi32, #tpu.memory_space<vmem>>
        %dma_wait3A_563 = arith.constant 0 : i32
        %dma_wait3A_564 = tpu.memref_slice %dma_wait3A_562[%dma_wait3A, %dma_wait3A_563] : memref<24x128xi32, #tpu.memory_space<vmem>> -> memref<1x128xi32, #tpu.memory_space<vmem>>
        %dma_wait3A_565 = tpu.memref_squeeze %dma_wait3A_564 : memref<1x128xi32, #tpu.memory_space<vmem>> -> memref<128xi32, #tpu.memory_space<vmem>>
        %dma_wait3A_566 = arith.constant 0 : i32
        %dma_wait3A_567 = arith.constant 0 : i32
        %dma_wait3A_568 = tpu.memref_slice %arg2[%dma_wait3A_566, %dma_wait3A_567] : memref<102400x8xf32, #tpu.memory_space<hbm>> -> memref<102400x8xf32, #tpu.memory_space<hbm>>
        tpu.wait_indirect_dma semaphore(%arg9 : memref<!tpu.dma_semaphore, #tpu.memory_space<semaphore_mem>>) src(%dma_wait3A_568 : memref<102400x8xf32, #tpu.memory_space<hbm>>) dst(%dma_wait3A_558 : memref<128x8xf32, #tpu.memory_space<vmem>>)
        %dma_start3A_569 = arith.constant 0 : i32
        %dma_start3A_570 = arith.constant 0 : i32
        %dma_start3A_571 = arith.constant 0 : i32
        %dma_start3A_572 = tpu.memref_slice %arg7[%dma_start3A_570, %dma_start3A_571] : memref<3072x8xf32, #tpu.memory_space<vmem>> -> memref<128x8xf32, #tpu.memory_space<vmem>>
        %dma_start3A_573 = arith.constant 0 : i32
        %dma_start3A_574 = arith.constant 0 : i32
        %dma_start3A_575 = tpu.memref_slice %run_scoped3A_11[%rem3A_219, %dma_start3A_573, %dma_start3A_574] : memref<2x24x128xi32, #tpu.memory_space<vmem>> -> memref<1x24x128xi32, #tpu.memory_space<vmem>>
        %dma_start3A_576 = tpu.memref_squeeze %dma_start3A_575 : memref<1x24x128xi32, #tpu.memory_space<vmem>> -> memref<24x128xi32, #tpu.memory_space<vmem>>
        %dma_start3A_577 = arith.constant 0 : i32
        %dma_start3A_578 = tpu.memref_slice %dma_start3A_576[%dma_start3A_569, %dma_start3A_577] : memref<24x128xi32, #tpu.memory_space<vmem>> -> memref<1x128xi32, #tpu.memory_space<vmem>>
        %dma_start3A_579 = tpu.memref_squeeze %dma_start3A_578 : memref<1x128xi32, #tpu.memory_space<vmem>> -> memref<128xi32, #tpu.memory_space<vmem>>
        %dma_start3A_580 = arith.constant 0 : i32
        %dma_start3A_581 = arith.constant 0 : i32
        %dma_start3A_582 = tpu.memref_slice %arg8[%dma_start3A_580, %dma_start3A_581] : memref<100096x8xf32, #tpu.memory_space<vmem_shared>> -> memref<100096x8xf32, #tpu.memory_space<vmem_shared>>
        tpu.enqueue_indirect_dma source(%dma_start3A_572 : memref<128x8xf32, #tpu.memory_space<vmem>>) target(%dma_start3A_582 : memref<100096x8xf32, #tpu.memory_space<vmem_shared>>) offsets(%dma_start3A_579 : memref<128xi32, #tpu.memory_space<vmem>>) semaphore(%arg10 : memref<!tpu.dma_semaphore, #tpu.memory_space<semaphore_mem>>) {add = true}
        %dma_wait3A_583 = arith.constant 1 : i32
        %dma_wait3A_584 = arith.constant 128 : i32
        %dma_wait3A_585 = arith.constant 0 : i32
        %dma_wait3A_586 = tpu.memref_slice %arg7[%dma_wait3A_584, %dma_wait3A_585] : memref<3072x8xf32, #tpu.memory_space<vmem>> -> memref<128x8xf32, #tpu.memory_space<vmem>>
        %dma_wait3A_587 = arith.constant 0 : i32
        %dma_wait3A_588 = arith.constant 0 : i32
        %dma_wait3A_589 = tpu.memref_slice %run_scoped3A[%rem3A_217, %dma_wait3A_587, %dma_wait3A_588] : memref<2x24x128xi32, #tpu.memory_space<vmem>> -> memref<1x24x128xi32, #tpu.memory_space<vmem>>
        %dma_wait3A_590 = tpu.memref_squeeze %dma_wait3A_589 : memref<1x24x128xi32, #tpu.memory_space<vmem>> -> memref<24x128xi32, #tpu.memory_space<vmem>>
        %dma_wait3A_591 = arith.constant 0 : i32
        %dma_wait3A_592 = tpu.memref_slice %dma_wait3A_590[%dma_wait3A_583, %dma_wait3A_591] : memref<24x128xi32, #tpu.memory_space<vmem>> -> memref<1x128xi32, #tpu.memory_space<vmem>>
        %dma_wait3A_593 = tpu.memref_squeeze %dma_wait3A_592 : memref<1x128xi32, #tpu.memory_space<vmem>> -> memref<128xi32, #tpu.memory_space<vmem>>
        %dma_wait3A_594 = arith.constant 0 : i32
        %dma_wait3A_595 = arith.constant 0 : i32
        %dma_wait3A_596 = tpu.memref_slice %arg2[%dma_wait3A_594, %dma_wait3A_595] : memref<102400x8xf32, #tpu.memory_space<hbm>> -> memref<102400x8xf32, #tpu.memory_space<hbm>>
        tpu.wait_indirect_dma semaphore(%arg9 : memref<!tpu.dma_semaphore, #tpu.memory_space<semaphore_mem>>) src(%dma_wait3A_596 : memref<102400x8xf32, #tpu.memory_space<hbm>>) dst(%dma_wait3A_586 : memref<128x8xf32, #tpu.memory_space<vmem>>)
        %dma_start3A_597 = arith.constant 1 : i32
        %dma_start3A_598 = arith.constant 128 : i32
        %dma_start3A_599 = arith.constant 0 : i32
        %dma_start3A_600 = tpu.memref_slice %arg7[%dma_start3A_598, %dma_start3A_599] : memref<3072x8xf32, #tpu.memory_space<vmem>> -> memref<128x8xf32, #tpu.memory_space<vmem>>
        %dma_start3A_601 = arith.constant 0 : i32
        %dma_start3A_602 = arith.constant 0 : i32
        %dma_start3A_603 = tpu.memref_slice %run_scoped3A_11[%rem3A_219, %dma_start3A_601, %dma_start3A_602] : memref<2x24x128xi32, #tpu.memory_space<vmem>> -> memref<1x24x128xi32, #tpu.memory_space<vmem>>
        %dma_start3A_604 = tpu.memref_squeeze %dma_start3A_603 : memref<1x24x128xi32, #tpu.memory_space<vmem>> -> memref<24x128xi32, #tpu.memory_space<vmem>>
        %dma_start3A_605 = arith.constant 0 : i32
        %dma_start3A_606 = tpu.memref_slice %dma_start3A_604[%dma_start3A_597, %dma_start3A_605] : memref<24x128xi32, #tpu.memory_space<vmem>> -> memref<1x128xi32, #tpu.memory_space<vmem>>
        %dma_start3A_607 = tpu.memref_squeeze %dma_start3A_606 : memref<1x128xi32, #tpu.memory_space<vmem>> -> memref<128xi32, #tpu.memory_space<vmem>>
        %dma_start3A_608 = arith.constant 0 : i32
        %dma_start3A_609 = arith.constant 0 : i32
        %dma_start3A_610 = tpu.memref_slice %arg8[%dma_start3A_608, %dma_start3A_609] : memref<100096x8xf32, #tpu.memory_space<vmem_shared>> -> memref<100096x8xf32, #tpu.memory_space<vmem_shared>>
        tpu.enqueue_indirect_dma source(%dma_start3A_600 : memref<128x8xf32, #tpu.memory_space<vmem>>) target(%dma_start3A_610 : memref<100096x8xf32, #tpu.memory_space<vmem_shared>>) offsets(%dma_start3A_607 : memref<128xi32, #tpu.memory_space<vmem>>) semaphore(%arg10 : memref<!tpu.dma_semaphore, #tpu.memory_space<semaphore_mem>>) {add = true}
        %dma_wait3A_611 = arith.constant 2 : i32
        %dma_wait3A_612 = arith.constant 256 : i32
        %dma_wait3A_613 = arith.constant 0 : i32
        %dma_wait3A_614 = tpu.memref_slice %arg7[%dma_wait3A_612, %dma_wait3A_613] : memref<3072x8xf32, #tpu.memory_space<vmem>> -> memref<128x8xf32, #tpu.memory_space<vmem>>
        %dma_wait3A_615 = arith.constant 0 : i32
        %dma_wait3A_616 = arith.constant 0 : i32
        %dma_wait3A_617 = tpu.memref_slice %run_scoped3A[%rem3A_217, %dma_wait3A_615, %dma_wait3A_616] : memref<2x24x128xi32, #tpu.memory_space<vmem>> -> memref<1x24x128xi32, #tpu.memory_space<vmem>>
        %dma_wait3A_618 = tpu.memref_squeeze %dma_wait3A_617 : memref<1x24x128xi32, #tpu.memory_space<vmem>> -> memref<24x128xi32, #tpu.memory_space<vmem>>
        %dma_wait3A_619 = arith.constant 0 : i32
        %dma_wait3A_620 = tpu.memref_slice %dma_wait3A_618[%dma_wait3A_611, %dma_wait3A_619] : memref<24x128xi32, #tpu.memory_space<vmem>> -> memref<1x128xi32, #tpu.memory_space<vmem>>
        %dma_wait3A_621 = tpu.memref_squeeze %dma_wait3A_620 : memref<1x128xi32, #tpu.memory_space<vmem>> -> memref<128xi32, #tpu.memory_space<vmem>>
        %dma_wait3A_622 = arith.constant 0 : i32
        %dma_wait3A_623 = arith.constant 0 : i32
        %dma_wait3A_624 = tpu.memref_slice %arg2[%dma_wait3A_622, %dma_wait3A_623] : memref<102400x8xf32, #tpu.memory_space<hbm>> -> memref<102400x8xf32, #tpu.memory_space<hbm>>
        tpu.wait_indirect_dma semaphore(%arg9 : memref<!tpu.dma_semaphore, #tpu.memory_space<semaphore_mem>>) src(%dma_wait3A_624 : memref<102400x8xf32, #tpu.memory_space<hbm>>) dst(%dma_wait3A_614 : memref<128x8xf32, #tpu.memory_space<vmem>>)
        %dma_start3A_625 = arith.constant 2 : i32
        %dma_start3A_626 = arith.constant 256 : i32
        %dma_start3A_627 = arith.constant 0 : i32
        %dma_start3A_628 = tpu.memref_slice %arg7[%dma_start3A_626, %dma_start3A_627] : memref<3072x8xf32, #tpu.memory_space<vmem>> -> memref<128x8xf32, #tpu.memory_space<vmem>>
        %dma_start3A_629 = arith.constant 0 : i32
        %dma_start3A_630 = arith.constant 0 : i32
        %dma_start3A_631 = tpu.memref_slice %run_scoped3A_11[%rem3A_219, %dma_start3A_629, %dma_start3A_630] : memref<2x24x128xi32, #tpu.memory_space<vmem>> -> memref<1x24x128xi32, #tpu.memory_space<vmem>>
        %dma_start3A_632 = tpu.memref_squeeze %dma_start3A_631 : memref<1x24x128xi32, #tpu.memory_space<vmem>> -> memref<24x128xi32, #tpu.memory_space<vmem>>
        %dma_start3A_633 = arith.constant 0 : i32
        %dma_start3A_634 = tpu.memref_slice %dma_start3A_632[%dma_start3A_625, %dma_start3A_633] : memref<24x128xi32, #tpu.memory_space<vmem>> -> memref<1x128xi32, #tpu.memory_space<vmem>>
        %dma_start3A_635 = tpu.memref_squeeze %dma_start3A_634 : memref<1x128xi32, #tpu.memory_space<vmem>> -> memref<128xi32, #tpu.memory_space<vmem>>
        %dma_start3A_636 = arith.constant 0 : i32
        %dma_start3A_637 = arith.constant 0 : i32
        %dma_start3A_638 = tpu.memref_slice %arg8[%dma_start3A_636, %dma_start3A_637] : memref<100096x8xf32, #tpu.memory_space<vmem_shared>> -> memref<100096x8xf32, #tpu.memory_space<vmem_shared>>
        tpu.enqueue_indirect_dma source(%dma_start3A_628 : memref<128x8xf32, #tpu.memory_space<vmem>>) target(%dma_start3A_638 : memref<100096x8xf32, #tpu.memory_space<vmem_shared>>) offsets(%dma_start3A_635 : memref<128xi32, #tpu.memory_space<vmem>>) semaphore(%arg10 : memref<!tpu.dma_semaphore, #tpu.memory_space<semaphore_mem>>) {add = true}
        %dma_wait3A_639 = arith.constant 3 : i32
        %dma_wait3A_640 = arith.constant 384 : i32
        %dma_wait3A_641 = arith.constant 0 : i32
        %dma_wait3A_642 = tpu.memref_slice %arg7[%dma_wait3A_640, %dma_wait3A_641] : memref<3072x8xf32, #tpu.memory_space<vmem>> -> memref<128x8xf32, #tpu.memory_space<vmem>>
        %dma_wait3A_643 = arith.constant 0 : i32
        %dma_wait3A_644 = arith.constant 0 : i32
        %dma_wait3A_645 = tpu.memref_slice %run_scoped3A[%rem3A_217, %dma_wait3A_643, %dma_wait3A_644] : memref<2x24x128xi32, #tpu.memory_space<vmem>> -> memref<1x24x128xi32, #tpu.memory_space<vmem>>
        %dma_wait3A_646 = tpu.memref_squeeze %dma_wait3A_645 : memref<1x24x128xi32, #tpu.memory_space<vmem>> -> memref<24x128xi32, #tpu.memory_space<vmem>>
        %dma_wait3A_647 = arith.constant 0 : i32
        %dma_wait3A_648 = tpu.memref_slice %dma_wait3A_646[%dma_wait3A_639, %dma_wait3A_647] : memref<24x128xi32, #tpu.memory_space<vmem>> -> memref<1x128xi32, #tpu.memory_space<vmem>>
        %dma_wait3A_649 = tpu.memref_squeeze %dma_wait3A_648 : memref<1x128xi32, #tpu.memory_space<vmem>> -> memref<128xi32, #tpu.memory_space<vmem>>
        %dma_wait3A_650 = arith.constant 0 : i32
        %dma_wait3A_651 = arith.constant 0 : i32
        %dma_wait3A_652 = tpu.memref_slice %arg2[%dma_wait3A_650, %dma_wait3A_651] : memref<102400x8xf32, #tpu.memory_space<hbm>> -> memref<102400x8xf32, #tpu.memory_space<hbm>>
        tpu.wait_indirect_dma semaphore(%arg9 : memref<!tpu.dma_semaphore, #tpu.memory_space<semaphore_mem>>) src(%dma_wait3A_652 : memref<102400x8xf32, #tpu.memory_space<hbm>>) dst(%dma_wait3A_642 : memref<128x8xf32, #tpu.memory_space<vmem>>)
        %dma_start3A_653 = arith.constant 3 : i32
        %dma_start3A_654 = arith.constant 384 : i32
        %dma_start3A_655 = arith.constant 0 : i32
        %dma_start3A_656 = tpu.memref_slice %arg7[%dma_start3A_654, %dma_start3A_655] : memref<3072x8xf32, #tpu.memory_space<vmem>> -> memref<128x8xf32, #tpu.memory_space<vmem>>
        %dma_start3A_657 = arith.constant 0 : i32
        %dma_start3A_658 = arith.constant 0 : i32
        %dma_start3A_659 = tpu.memref_slice %run_scoped3A_11[%rem3A_219, %dma_start3A_657, %dma_start3A_658] : memref<2x24x128xi32, #tpu.memory_space<vmem>> -> memref<1x24x128xi32, #tpu.memory_space<vmem>>
        %dma_start3A_660 = tpu.memref_squeeze %dma_start3A_659 : memref<1x24x128xi32, #tpu.memory_space<vmem>> -> memref<24x128xi32, #tpu.memory_space<vmem>>
        %dma_start3A_661 = arith.constant 0 : i32
        %dma_start3A_662 = tpu.memref_slice %dma_start3A_660[%dma_start3A_653, %dma_start3A_661] : memref<24x128xi32, #tpu.memory_space<vmem>> -> memref<1x128xi32, #tpu.memory_space<vmem>>
        %dma_start3A_663 = tpu.memref_squeeze %dma_start3A_662 : memref<1x128xi32, #tpu.memory_space<vmem>> -> memref<128xi32, #tpu.memory_space<vmem>>
        %dma_start3A_664 = arith.constant 0 : i32
        %dma_start3A_665 = arith.constant 0 : i32
        %dma_start3A_666 = tpu.memref_slice %arg8[%dma_start3A_664, %dma_start3A_665] : memref<100096x8xf32, #tpu.memory_space<vmem_shared>> -> memref<100096x8xf32, #tpu.memory_space<vmem_shared>>
        tpu.enqueue_indirect_dma source(%dma_start3A_656 : memref<128x8xf32, #tpu.memory_space<vmem>>) target(%dma_start3A_666 : memref<100096x8xf32, #tpu.memory_space<vmem_shared>>) offsets(%dma_start3A_663 : memref<128xi32, #tpu.memory_space<vmem>>) semaphore(%arg10 : memref<!tpu.dma_semaphore, #tpu.memory_space<semaphore_mem>>) {add = true}
        %dma_wait3A_667 = arith.constant 4 : i32
        %dma_wait3A_668 = arith.constant 512 : i32
        %dma_wait3A_669 = arith.constant 0 : i32
        %dma_wait3A_670 = tpu.memref_slice %arg7[%dma_wait3A_668, %dma_wait3A_669] : memref<3072x8xf32, #tpu.memory_space<vmem>> -> memref<128x8xf32, #tpu.memory_space<vmem>>
        %dma_wait3A_671 = arith.constant 0 : i32
        %dma_wait3A_672 = arith.constant 0 : i32
        %dma_wait3A_673 = tpu.memref_slice %run_scoped3A[%rem3A_217, %dma_wait3A_671, %dma_wait3A_672] : memref<2x24x128xi32, #tpu.memory_space<vmem>> -> memref<1x24x128xi32, #tpu.memory_space<vmem>>
        %dma_wait3A_674 = tpu.memref_squeeze %dma_wait3A_673 : memref<1x24x128xi32, #tpu.memory_space<vmem>> -> memref<24x128xi32, #tpu.memory_space<vmem>>
        %dma_wait3A_675 = arith.constant 0 : i32
        %dma_wait3A_676 = tpu.memref_slice %dma_wait3A_674[%dma_wait3A_667, %dma_wait3A_675] : memref<24x128xi32, #tpu.memory_space<vmem>> -> memref<1x128xi32, #tpu.memory_space<vmem>>
        %dma_wait3A_677 = tpu.memref_squeeze %dma_wait3A_676 : memref<1x128xi32, #tpu.memory_space<vmem>> -> memref<128xi32, #tpu.memory_space<vmem>>
        %dma_wait3A_678 = arith.constant 0 : i32
        %dma_wait3A_679 = arith.constant 0 : i32
        %dma_wait3A_680 = tpu.memref_slice %arg2[%dma_wait3A_678, %dma_wait3A_679] : memref<102400x8xf32, #tpu.memory_space<hbm>> -> memref<102400x8xf32, #tpu.memory_space<hbm>>
        tpu.wait_indirect_dma semaphore(%arg9 : memref<!tpu.dma_semaphore, #tpu.memory_space<semaphore_mem>>) src(%dma_wait3A_680 : memref<102400x8xf32, #tpu.memory_space<hbm>>) dst(%dma_wait3A_670 : memref<128x8xf32, #tpu.memory_space<vmem>>)
        %dma_start3A_681 = arith.constant 4 : i32
        %dma_start3A_682 = arith.constant 512 : i32
        %dma_start3A_683 = arith.constant 0 : i32
        %dma_start3A_684 = tpu.memref_slice %arg7[%dma_start3A_682, %dma_start3A_683] : memref<3072x8xf32, #tpu.memory_space<vmem>> -> memref<128x8xf32, #tpu.memory_space<vmem>>
        %dma_start3A_685 = arith.constant 0 : i32
        %dma_start3A_686 = arith.constant 0 : i32
        %dma_start3A_687 = tpu.memref_slice %run_scoped3A_11[%rem3A_219, %dma_start3A_685, %dma_start3A_686] : memref<2x24x128xi32, #tpu.memory_space<vmem>> -> memref<1x24x128xi32, #tpu.memory_space<vmem>>
        %dma_start3A_688 = tpu.memref_squeeze %dma_start3A_687 : memref<1x24x128xi32, #tpu.memory_space<vmem>> -> memref<24x128xi32, #tpu.memory_space<vmem>>
        %dma_start3A_689 = arith.constant 0 : i32
        %dma_start3A_690 = tpu.memref_slice %dma_start3A_688[%dma_start3A_681, %dma_start3A_689] : memref<24x128xi32, #tpu.memory_space<vmem>> -> memref<1x128xi32, #tpu.memory_space<vmem>>
        %dma_start3A_691 = tpu.memref_squeeze %dma_start3A_690 : memref<1x128xi32, #tpu.memory_space<vmem>> -> memref<128xi32, #tpu.memory_space<vmem>>
        %dma_start3A_692 = arith.constant 0 : i32
        %dma_start3A_693 = arith.constant 0 : i32
        %dma_start3A_694 = tpu.memref_slice %arg8[%dma_start3A_692, %dma_start3A_693] : memref<100096x8xf32, #tpu.memory_space<vmem_shared>> -> memref<100096x8xf32, #tpu.memory_space<vmem_shared>>
        tpu.enqueue_indirect_dma source(%dma_start3A_684 : memref<128x8xf32, #tpu.memory_space<vmem>>) target(%dma_start3A_694 : memref<100096x8xf32, #tpu.memory_space<vmem_shared>>) offsets(%dma_start3A_691 : memref<128xi32, #tpu.memory_space<vmem>>) semaphore(%arg10 : memref<!tpu.dma_semaphore, #tpu.memory_space<semaphore_mem>>) {add = true}
        %dma_wait3A_695 = arith.constant 5 : i32
        %dma_wait3A_696 = arith.constant 640 : i32
        %dma_wait3A_697 = arith.constant 0 : i32
        %dma_wait3A_698 = tpu.memref_slice %arg7[%dma_wait3A_696, %dma_wait3A_697] : memref<3072x8xf32, #tpu.memory_space<vmem>> -> memref<128x8xf32, #tpu.memory_space<vmem>>
        %dma_wait3A_699 = arith.constant 0 : i32
        %dma_wait3A_700 = arith.constant 0 : i32
        %dma_wait3A_701 = tpu.memref_slice %run_scoped3A[%rem3A_217, %dma_wait3A_699, %dma_wait3A_700] : memref<2x24x128xi32, #tpu.memory_space<vmem>> -> memref<1x24x128xi32, #tpu.memory_space<vmem>>
        %dma_wait3A_702 = tpu.memref_squeeze %dma_wait3A_701 : memref<1x24x128xi32, #tpu.memory_space<vmem>> -> memref<24x128xi32, #tpu.memory_space<vmem>>
        %dma_wait3A_703 = arith.constant 0 : i32
        %dma_wait3A_704 = tpu.memref_slice %dma_wait3A_702[%dma_wait3A_695, %dma_wait3A_703] : memref<24x128xi32, #tpu.memory_space<vmem>> -> memref<1x128xi32, #tpu.memory_space<vmem>>
        %dma_wait3A_705 = tpu.memref_squeeze %dma_wait3A_704 : memref<1x128xi32, #tpu.memory_space<vmem>> -> memref<128xi32, #tpu.memory_space<vmem>>
        %dma_wait3A_706 = arith.constant 0 : i32
        %dma_wait3A_707 = arith.constant 0 : i32
        %dma_wait3A_708 = tpu.memref_slice %arg2[%dma_wait3A_706, %dma_wait3A_707] : memref<102400x8xf32, #tpu.memory_space<hbm>> -> memref<102400x8xf32, #tpu.memory_space<hbm>>
        tpu.wait_indirect_dma semaphore(%arg9 : memref<!tpu.dma_semaphore, #tpu.memory_space<semaphore_mem>>) src(%dma_wait3A_708 : memref<102400x8xf32, #tpu.memory_space<hbm>>) dst(%dma_wait3A_698 : memref<128x8xf32, #tpu.memory_space<vmem>>)
        %dma_start3A_709 = arith.constant 5 : i32
        %dma_start3A_710 = arith.constant 640 : i32
        %dma_start3A_711 = arith.constant 0 : i32
        %dma_start3A_712 = tpu.memref_slice %arg7[%dma_start3A_710, %dma_start3A_711] : memref<3072x8xf32, #tpu.memory_space<vmem>> -> memref<128x8xf32, #tpu.memory_space<vmem>>
        %dma_start3A_713 = arith.constant 0 : i32
        %dma_start3A_714 = arith.constant 0 : i32
        %dma_start3A_715 = tpu.memref_slice %run_scoped3A_11[%rem3A_219, %dma_start3A_713, %dma_start3A_714] : memref<2x24x128xi32, #tpu.memory_space<vmem>> -> memref<1x24x128xi32, #tpu.memory_space<vmem>>
        %dma_start3A_716 = tpu.memref_squeeze %dma_start3A_715 : memref<1x24x128xi32, #tpu.memory_space<vmem>> -> memref<24x128xi32, #tpu.memory_space<vmem>>
        %dma_start3A_717 = arith.constant 0 : i32
        %dma_start3A_718 = tpu.memref_slice %dma_start3A_716[%dma_start3A_709, %dma_start3A_717] : memref<24x128xi32, #tpu.memory_space<vmem>> -> memref<1x128xi32, #tpu.memory_space<vmem>>
        %dma_start3A_719 = tpu.memref_squeeze %dma_start3A_718 : memref<1x128xi32, #tpu.memory_space<vmem>> -> memref<128xi32, #tpu.memory_space<vmem>>
        %dma_start3A_720 = arith.constant 0 : i32
        %dma_start3A_721 = arith.constant 0 : i32
        %dma_start3A_722 = tpu.memref_slice %arg8[%dma_start3A_720, %dma_start3A_721] : memref<100096x8xf32, #tpu.memory_space<vmem_shared>> -> memref<100096x8xf32, #tpu.memory_space<vmem_shared>>
        tpu.enqueue_indirect_dma source(%dma_start3A_712 : memref<128x8xf32, #tpu.memory_space<vmem>>) target(%dma_start3A_722 : memref<100096x8xf32, #tpu.memory_space<vmem_shared>>) offsets(%dma_start3A_719 : memref<128xi32, #tpu.memory_space<vmem>>) semaphore(%arg10 : memref<!tpu.dma_semaphore, #tpu.memory_space<semaphore_mem>>) {add = true}
        %dma_wait3A_723 = arith.constant 6 : i32
        %dma_wait3A_724 = arith.constant 768 : i32
        %dma_wait3A_725 = arith.constant 0 : i32
        %dma_wait3A_726 = tpu.memref_slice %arg7[%dma_wait3A_724, %dma_wait3A_725] : memref<3072x8xf32, #tpu.memory_space<vmem>> -> memref<128x8xf32, #tpu.memory_space<vmem>>
        %dma_wait3A_727 = arith.constant 0 : i32
        %dma_wait3A_728 = arith.constant 0 : i32
        %dma_wait3A_729 = tpu.memref_slice %run_scoped3A[%rem3A_217, %dma_wait3A_727, %dma_wait3A_728] : memref<2x24x128xi32, #tpu.memory_space<vmem>> -> memref<1x24x128xi32, #tpu.memory_space<vmem>>
        %dma_wait3A_730 = tpu.memref_squeeze %dma_wait3A_729 : memref<1x24x128xi32, #tpu.memory_space<vmem>> -> memref<24x128xi32, #tpu.memory_space<vmem>>
        %dma_wait3A_731 = arith.constant 0 : i32
        %dma_wait3A_732 = tpu.memref_slice %dma_wait3A_730[%dma_wait3A_723, %dma_wait3A_731] : memref<24x128xi32, #tpu.memory_space<vmem>> -> memref<1x128xi32, #tpu.memory_space<vmem>>
        %dma_wait3A_733 = tpu.memref_squeeze %dma_wait3A_732 : memref<1x128xi32, #tpu.memory_space<vmem>> -> memref<128xi32, #tpu.memory_space<vmem>>
        %dma_wait3A_734 = arith.constant 0 : i32
        %dma_wait3A_735 = arith.constant 0 : i32
        %dma_wait3A_736 = tpu.memref_slice %arg2[%dma_wait3A_734, %dma_wait3A_735] : memref<102400x8xf32, #tpu.memory_space<hbm>> -> memref<102400x8xf32, #tpu.memory_space<hbm>>
        tpu.wait_indirect_dma semaphore(%arg9 : memref<!tpu.dma_semaphore, #tpu.memory_space<semaphore_mem>>) src(%dma_wait3A_736 : memref<102400x8xf32, #tpu.memory_space<hbm>>) dst(%dma_wait3A_726 : memref<128x8xf32, #tpu.memory_space<vmem>>)
        %dma_start3A_737 = arith.constant 6 : i32
        %dma_start3A_738 = arith.constant 768 : i32
        %dma_start3A_739 = arith.constant 0 : i32
        %dma_start3A_740 = tpu.memref_slice %arg7[%dma_start3A_738, %dma_start3A_739] : memref<3072x8xf32, #tpu.memory_space<vmem>> -> memref<128x8xf32, #tpu.memory_space<vmem>>
        %dma_start3A_741 = arith.constant 0 : i32
        %dma_start3A_742 = arith.constant 0 : i32
        %dma_start3A_743 = tpu.memref_slice %run_scoped3A_11[%rem3A_219, %dma_start3A_741, %dma_start3A_742] : memref<2x24x128xi32, #tpu.memory_space<vmem>> -> memref<1x24x128xi32, #tpu.memory_space<vmem>>
        %dma_start3A_744 = tpu.memref_squeeze %dma_start3A_743 : memref<1x24x128xi32, #tpu.memory_space<vmem>> -> memref<24x128xi32, #tpu.memory_space<vmem>>
        %dma_start3A_745 = arith.constant 0 : i32
        %dma_start3A_746 = tpu.memref_slice %dma_start3A_744[%dma_start3A_737, %dma_start3A_745] : memref<24x128xi32, #tpu.memory_space<vmem>> -> memref<1x128xi32, #tpu.memory_space<vmem>>
        %dma_start3A_747 = tpu.memref_squeeze %dma_start3A_746 : memref<1x128xi32, #tpu.memory_space<vmem>> -> memref<128xi32, #tpu.memory_space<vmem>>
        %dma_start3A_748 = arith.constant 0 : i32
        %dma_start3A_749 = arith.constant 0 : i32
        %dma_start3A_750 = tpu.memref_slice %arg8[%dma_start3A_748, %dma_start3A_749] : memref<100096x8xf32, #tpu.memory_space<vmem_shared>> -> memref<100096x8xf32, #tpu.memory_space<vmem_shared>>
        tpu.enqueue_indirect_dma source(%dma_start3A_740 : memref<128x8xf32, #tpu.memory_space<vmem>>) target(%dma_start3A_750 : memref<100096x8xf32, #tpu.memory_space<vmem_shared>>) offsets(%dma_start3A_747 : memref<128xi32, #tpu.memory_space<vmem>>) semaphore(%arg10 : memref<!tpu.dma_semaphore, #tpu.memory_space<semaphore_mem>>) {add = true}
        %dma_wait3A_751 = arith.constant 7 : i32
        %dma_wait3A_752 = arith.constant 896 : i32
        %dma_wait3A_753 = arith.constant 0 : i32
        %dma_wait3A_754 = tpu.memref_slice %arg7[%dma_wait3A_752, %dma_wait3A_753] : memref<3072x8xf32, #tpu.memory_space<vmem>> -> memref<128x8xf32, #tpu.memory_space<vmem>>
        %dma_wait3A_755 = arith.constant 0 : i32
        %dma_wait3A_756 = arith.constant 0 : i32
        %dma_wait3A_757 = tpu.memref_slice %run_scoped3A[%rem3A_217, %dma_wait3A_755, %dma_wait3A_756] : memref<2x24x128xi32, #tpu.memory_space<vmem>> -> memref<1x24x128xi32, #tpu.memory_space<vmem>>
        %dma_wait3A_758 = tpu.memref_squeeze %dma_wait3A_757 : memref<1x24x128xi32, #tpu.memory_space<vmem>> -> memref<24x128xi32, #tpu.memory_space<vmem>>
        %dma_wait3A_759 = arith.constant 0 : i32
        %dma_wait3A_760 = tpu.memref_slice %dma_wait3A_758[%dma_wait3A_751, %dma_wait3A_759] : memref<24x128xi32, #tpu.memory_space<vmem>> -> memref<1x128xi32, #tpu.memory_space<vmem>>
        %dma_wait3A_761 = tpu.memref_squeeze %dma_wait3A_760 : memref<1x128xi32, #tpu.memory_space<vmem>> -> memref<128xi32, #tpu.memory_space<vmem>>
        %dma_wait3A_762 = arith.constant 0 : i32
        %dma_wait3A_763 = arith.constant 0 : i32
        %dma_wait3A_764 = tpu.memref_slice %arg2[%dma_wait3A_762, %dma_wait3A_763] : memref<102400x8xf32, #tpu.memory_space<hbm>> -> memref<102400x8xf32, #tpu.memory_space<hbm>>
        tpu.wait_indirect_dma semaphore(%arg9 : memref<!tpu.dma_semaphore, #tpu.memory_space<semaphore_mem>>) src(%dma_wait3A_764 : memref<102400x8xf32, #tpu.memory_space<hbm>>) dst(%dma_wait3A_754 : memref<128x8xf32, #tpu.memory_space<vmem>>)
        %dma_start3A_765 = arith.constant 7 : i32
        %dma_start3A_766 = arith.constant 896 : i32
        %dma_start3A_767 = arith.constant 0 : i32
        %dma_start3A_768 = tpu.memref_slice %arg7[%dma_start3A_766, %dma_start3A_767] : memref<3072x8xf32, #tpu.memory_space<vmem>> -> memref<128x8xf32, #tpu.memory_space<vmem>>
        %dma_start3A_769 = arith.constant 0 : i32
        %dma_start3A_770 = arith.constant 0 : i32
        %dma_start3A_771 = tpu.memref_slice %run_scoped3A_11[%rem3A_219, %dma_start3A_769, %dma_start3A_770] : memref<2x24x128xi32, #tpu.memory_space<vmem>> -> memref<1x24x128xi32, #tpu.memory_space<vmem>>
        %dma_start3A_772 = tpu.memref_squeeze %dma_start3A_771 : memref<1x24x128xi32, #tpu.memory_space<vmem>> -> memref<24x128xi32, #tpu.memory_space<vmem>>
        %dma_start3A_773 = arith.constant 0 : i32
        %dma_start3A_774 = tpu.memref_slice %dma_start3A_772[%dma_start3A_765, %dma_start3A_773] : memref<24x128xi32, #tpu.memory_space<vmem>> -> memref<1x128xi32, #tpu.memory_space<vmem>>
        %dma_start3A_775 = tpu.memref_squeeze %dma_start3A_774 : memref<1x128xi32, #tpu.memory_space<vmem>> -> memref<128xi32, #tpu.memory_space<vmem>>
        %dma_start3A_776 = arith.constant 0 : i32
        %dma_start3A_777 = arith.constant 0 : i32
        %dma_start3A_778 = tpu.memref_slice %arg8[%dma_start3A_776, %dma_start3A_777] : memref<100096x8xf32, #tpu.memory_space<vmem_shared>> -> memref<100096x8xf32, #tpu.memory_space<vmem_shared>>
        tpu.enqueue_indirect_dma source(%dma_start3A_768 : memref<128x8xf32, #tpu.memory_space<vmem>>) target(%dma_start3A_778 : memref<100096x8xf32, #tpu.memory_space<vmem_shared>>) offsets(%dma_start3A_775 : memref<128xi32, #tpu.memory_space<vmem>>) semaphore(%arg10 : memref<!tpu.dma_semaphore, #tpu.memory_space<semaphore_mem>>) {add = true}
        %dma_wait3A_779 = arith.constant 8 : i32
        %dma_wait3A_780 = arith.constant 1024 : i32
        %dma_wait3A_781 = arith.constant 0 : i32
        %dma_wait3A_782 = tpu.memref_slice %arg7[%dma_wait3A_780, %dma_wait3A_781] : memref<3072x8xf32, #tpu.memory_space<vmem>> -> memref<128x8xf32, #tpu.memory_space<vmem>>
        %dma_wait3A_783 = arith.constant 0 : i32
        %dma_wait3A_784 = arith.constant 0 : i32
        %dma_wait3A_785 = tpu.memref_slice %run_scoped3A[%rem3A_217, %dma_wait3A_783, %dma_wait3A_784] : memref<2x24x128xi32, #tpu.memory_space<vmem>> -> memref<1x24x128xi32, #tpu.memory_space<vmem>>
        %dma_wait3A_786 = tpu.memref_squeeze %dma_wait3A_785 : memref<1x24x128xi32, #tpu.memory_space<vmem>> -> memref<24x128xi32, #tpu.memory_space<vmem>>
        %dma_wait3A_787 = arith.constant 0 : i32
        %dma_wait3A_788 = tpu.memref_slice %dma_wait3A_786[%dma_wait3A_779, %dma_wait3A_787] : memref<24x128xi32, #tpu.memory_space<vmem>> -> memref<1x128xi32, #tpu.memory_space<vmem>>
        %dma_wait3A_789 = tpu.memref_squeeze %dma_wait3A_788 : memref<1x128xi32, #tpu.memory_space<vmem>> -> memref<128xi32, #tpu.memory_space<vmem>>
        %dma_wait3A_790 = arith.constant 0 : i32
        %dma_wait3A_791 = arith.constant 0 : i32
        %dma_wait3A_792 = tpu.memref_slice %arg2[%dma_wait3A_790, %dma_wait3A_791] : memref<102400x8xf32, #tpu.memory_space<hbm>> -> memref<102400x8xf32, #tpu.memory_space<hbm>>
        tpu.wait_indirect_dma semaphore(%arg9 : memref<!tpu.dma_semaphore, #tpu.memory_space<semaphore_mem>>) src(%dma_wait3A_792 : memref<102400x8xf32, #tpu.memory_space<hbm>>) dst(%dma_wait3A_782 : memref<128x8xf32, #tpu.memory_space<vmem>>)
        %dma_start3A_793 = arith.constant 8 : i32
        %dma_start3A_794 = arith.constant 1024 : i32
        %dma_start3A_795 = arith.constant 0 : i32
        %dma_start3A_796 = tpu.memref_slice %arg7[%dma_start3A_794, %dma_start3A_795] : memref<3072x8xf32, #tpu.memory_space<vmem>> -> memref<128x8xf32, #tpu.memory_space<vmem>>
        %dma_start3A_797 = arith.constant 0 : i32
        %dma_start3A_798 = arith.constant 0 : i32
        %dma_start3A_799 = tpu.memref_slice %run_scoped3A_11[%rem3A_219, %dma_start3A_797, %dma_start3A_798] : memref<2x24x128xi32, #tpu.memory_space<vmem>> -> memref<1x24x128xi32, #tpu.memory_space<vmem>>
        %dma_start3A_800 = tpu.memref_squeeze %dma_start3A_799 : memref<1x24x128xi32, #tpu.memory_space<vmem>> -> memref<24x128xi32, #tpu.memory_space<vmem>>
        %dma_start3A_801 = arith.constant 0 : i32
        %dma_start3A_802 = tpu.memref_slice %dma_start3A_800[%dma_start3A_793, %dma_start3A_801] : memref<24x128xi32, #tpu.memory_space<vmem>> -> memref<1x128xi32, #tpu.memory_space<vmem>>
        %dma_start3A_803 = tpu.memref_squeeze %dma_start3A_802 : memref<1x128xi32, #tpu.memory_space<vmem>> -> memref<128xi32, #tpu.memory_space<vmem>>
        %dma_start3A_804 = arith.constant 0 : i32
        %dma_start3A_805 = arith.constant 0 : i32
        %dma_start3A_806 = tpu.memref_slice %arg8[%dma_start3A_804, %dma_start3A_805] : memref<100096x8xf32, #tpu.memory_space<vmem_shared>> -> memref<100096x8xf32, #tpu.memory_space<vmem_shared>>
        tpu.enqueue_indirect_dma source(%dma_start3A_796 : memref<128x8xf32, #tpu.memory_space<vmem>>) target(%dma_start3A_806 : memref<100096x8xf32, #tpu.memory_space<vmem_shared>>) offsets(%dma_start3A_803 : memref<128xi32, #tpu.memory_space<vmem>>) semaphore(%arg10 : memref<!tpu.dma_semaphore, #tpu.memory_space<semaphore_mem>>) {add = true}
        %dma_wait3A_807 = arith.constant 9 : i32
        %dma_wait3A_808 = arith.constant 1152 : i32
        %dma_wait3A_809 = arith.constant 0 : i32
        %dma_wait3A_810 = tpu.memref_slice %arg7[%dma_wait3A_808, %dma_wait3A_809] : memref<3072x8xf32, #tpu.memory_space<vmem>> -> memref<128x8xf32, #tpu.memory_space<vmem>>
        %dma_wait3A_811 = arith.constant 0 : i32
        %dma_wait3A_812 = arith.constant 0 : i32
        %dma_wait3A_813 = tpu.memref_slice %run_scoped3A[%rem3A_217, %dma_wait3A_811, %dma_wait3A_812] : memref<2x24x128xi32, #tpu.memory_space<vmem>> -> memref<1x24x128xi32, #tpu.memory_space<vmem>>
        %dma_wait3A_814 = tpu.memref_squeeze %dma_wait3A_813 : memref<1x24x128xi32, #tpu.memory_space<vmem>> -> memref<24x128xi32, #tpu.memory_space<vmem>>
        %dma_wait3A_815 = arith.constant 0 : i32
        %dma_wait3A_816 = tpu.memref_slice %dma_wait3A_814[%dma_wait3A_807, %dma_wait3A_815] : memref<24x128xi32, #tpu.memory_space<vmem>> -> memref<1x128xi32, #tpu.memory_space<vmem>>
        %dma_wait3A_817 = tpu.memref_squeeze %dma_wait3A_816 : memref<1x128xi32, #tpu.memory_space<vmem>> -> memref<128xi32, #tpu.memory_space<vmem>>
        %dma_wait3A_818 = arith.constant 0 : i32
        %dma_wait3A_819 = arith.constant 0 : i32
        %dma_wait3A_820 = tpu.memref_slice %arg2[%dma_wait3A_818, %dma_wait3A_819] : memref<102400x8xf32, #tpu.memory_space<hbm>> -> memref<102400x8xf32, #tpu.memory_space<hbm>>
        tpu.wait_indirect_dma semaphore(%arg9 : memref<!tpu.dma_semaphore, #tpu.memory_space<semaphore_mem>>) src(%dma_wait3A_820 : memref<102400x8xf32, #tpu.memory_space<hbm>>) dst(%dma_wait3A_810 : memref<128x8xf32, #tpu.memory_space<vmem>>)
        %dma_start3A_821 = arith.constant 9 : i32
        %dma_start3A_822 = arith.constant 1152 : i32
        %dma_start3A_823 = arith.constant 0 : i32
        %dma_start3A_824 = tpu.memref_slice %arg7[%dma_start3A_822, %dma_start3A_823] : memref<3072x8xf32, #tpu.memory_space<vmem>> -> memref<128x8xf32, #tpu.memory_space<vmem>>
        %dma_start3A_825 = arith.constant 0 : i32
        %dma_start3A_826 = arith.constant 0 : i32
        %dma_start3A_827 = tpu.memref_slice %run_scoped3A_11[%rem3A_219, %dma_start3A_825, %dma_start3A_826] : memref<2x24x128xi32, #tpu.memory_space<vmem>> -> memref<1x24x128xi32, #tpu.memory_space<vmem>>
        %dma_start3A_828 = tpu.memref_squeeze %dma_start3A_827 : memref<1x24x128xi32, #tpu.memory_space<vmem>> -> memref<24x128xi32, #tpu.memory_space<vmem>>
        %dma_start3A_829 = arith.constant 0 : i32
        %dma_start3A_830 = tpu.memref_slice %dma_start3A_828[%dma_start3A_821, %dma_start3A_829] : memref<24x128xi32, #tpu.memory_space<vmem>> -> memref<1x128xi32, #tpu.memory_space<vmem>>
        %dma_start3A_831 = tpu.memref_squeeze %dma_start3A_830 : memref<1x128xi32, #tpu.memory_space<vmem>> -> memref<128xi32, #tpu.memory_space<vmem>>
        %dma_start3A_832 = arith.constant 0 : i32
        %dma_start3A_833 = arith.constant 0 : i32
        %dma_start3A_834 = tpu.memref_slice %arg8[%dma_start3A_832, %dma_start3A_833] : memref<100096x8xf32, #tpu.memory_space<vmem_shared>> -> memref<100096x8xf32, #tpu.memory_space<vmem_shared>>
        tpu.enqueue_indirect_dma source(%dma_start3A_824 : memref<128x8xf32, #tpu.memory_space<vmem>>) target(%dma_start3A_834 : memref<100096x8xf32, #tpu.memory_space<vmem_shared>>) offsets(%dma_start3A_831 : memref<128xi32, #tpu.memory_space<vmem>>) semaphore(%arg10 : memref<!tpu.dma_semaphore, #tpu.memory_space<semaphore_mem>>) {add = true}
        %dma_wait3A_835 = arith.constant 10 : i32
        %dma_wait3A_836 = arith.constant 1280 : i32
        %dma_wait3A_837 = arith.constant 0 : i32
        %dma_wait3A_838 = tpu.memref_slice %arg7[%dma_wait3A_836, %dma_wait3A_837] : memref<3072x8xf32, #tpu.memory_space<vmem>> -> memref<128x8xf32, #tpu.memory_space<vmem>>
        %dma_wait3A_839 = arith.constant 0 : i32
        %dma_wait3A_840 = arith.constant 0 : i32
        %dma_wait3A_841 = tpu.memref_slice %run_scoped3A[%rem3A_217, %dma_wait3A_839, %dma_wait3A_840] : memref<2x24x128xi32, #tpu.memory_space<vmem>> -> memref<1x24x128xi32, #tpu.memory_space<vmem>>
        %dma_wait3A_842 = tpu.memref_squeeze %dma_wait3A_841 : memref<1x24x128xi32, #tpu.memory_space<vmem>> -> memref<24x128xi32, #tpu.memory_space<vmem>>
        %dma_wait3A_843 = arith.constant 0 : i32
        %dma_wait3A_844 = tpu.memref_slice %dma_wait3A_842[%dma_wait3A_835, %dma_wait3A_843] : memref<24x128xi32, #tpu.memory_space<vmem>> -> memref<1x128xi32, #tpu.memory_space<vmem>>
        %dma_wait3A_845 = tpu.memref_squeeze %dma_wait3A_844 : memref<1x128xi32, #tpu.memory_space<vmem>> -> memref<128xi32, #tpu.memory_space<vmem>>
        %dma_wait3A_846 = arith.constant 0 : i32
        %dma_wait3A_847 = arith.constant 0 : i32
        %dma_wait3A_848 = tpu.memref_slice %arg2[%dma_wait3A_846, %dma_wait3A_847] : memref<102400x8xf32, #tpu.memory_space<hbm>> -> memref<102400x8xf32, #tpu.memory_space<hbm>>
        tpu.wait_indirect_dma semaphore(%arg9 : memref<!tpu.dma_semaphore, #tpu.memory_space<semaphore_mem>>) src(%dma_wait3A_848 : memref<102400x8xf32, #tpu.memory_space<hbm>>) dst(%dma_wait3A_838 : memref<128x8xf32, #tpu.memory_space<vmem>>)
        %dma_start3A_849 = arith.constant 10 : i32
        %dma_start3A_850 = arith.constant 1280 : i32
        %dma_start3A_851 = arith.constant 0 : i32
        %dma_start3A_852 = tpu.memref_slice %arg7[%dma_start3A_850, %dma_start3A_851] : memref<3072x8xf32, #tpu.memory_space<vmem>> -> memref<128x8xf32, #tpu.memory_space<vmem>>
        %dma_start3A_853 = arith.constant 0 : i32
        %dma_start3A_854 = arith.constant 0 : i32
        %dma_start3A_855 = tpu.memref_slice %run_scoped3A_11[%rem3A_219, %dma_start3A_853, %dma_start3A_854] : memref<2x24x128xi32, #tpu.memory_space<vmem>> -> memref<1x24x128xi32, #tpu.memory_space<vmem>>
        %dma_start3A_856 = tpu.memref_squeeze %dma_start3A_855 : memref<1x24x128xi32, #tpu.memory_space<vmem>> -> memref<24x128xi32, #tpu.memory_space<vmem>>
        %dma_start3A_857 = arith.constant 0 : i32
        %dma_start3A_858 = tpu.memref_slice %dma_start3A_856[%dma_start3A_849, %dma_start3A_857] : memref<24x128xi32, #tpu.memory_space<vmem>> -> memref<1x128xi32, #tpu.memory_space<vmem>>
        %dma_start3A_859 = tpu.memref_squeeze %dma_start3A_858 : memref<1x128xi32, #tpu.memory_space<vmem>> -> memref<128xi32, #tpu.memory_space<vmem>>
        %dma_start3A_860 = arith.constant 0 : i32
        %dma_start3A_861 = arith.constant 0 : i32
        %dma_start3A_862 = tpu.memref_slice %arg8[%dma_start3A_860, %dma_start3A_861] : memref<100096x8xf32, #tpu.memory_space<vmem_shared>> -> memref<100096x8xf32, #tpu.memory_space<vmem_shared>>
        tpu.enqueue_indirect_dma source(%dma_start3A_852 : memref<128x8xf32, #tpu.memory_space<vmem>>) target(%dma_start3A_862 : memref<100096x8xf32, #tpu.memory_space<vmem_shared>>) offsets(%dma_start3A_859 : memref<128xi32, #tpu.memory_space<vmem>>) semaphore(%arg10 : memref<!tpu.dma_semaphore, #tpu.memory_space<semaphore_mem>>) {add = true}
        %dma_wait3A_863 = arith.constant 11 : i32
        %dma_wait3A_864 = arith.constant 1408 : i32
        %dma_wait3A_865 = arith.constant 0 : i32
        %dma_wait3A_866 = tpu.memref_slice %arg7[%dma_wait3A_864, %dma_wait3A_865] : memref<3072x8xf32, #tpu.memory_space<vmem>> -> memref<128x8xf32, #tpu.memory_space<vmem>>
        %dma_wait3A_867 = arith.constant 0 : i32
        %dma_wait3A_868 = arith.constant 0 : i32
        %dma_wait3A_869 = tpu.memref_slice %run_scoped3A[%rem3A_217, %dma_wait3A_867, %dma_wait3A_868] : memref<2x24x128xi32, #tpu.memory_space<vmem>> -> memref<1x24x128xi32, #tpu.memory_space<vmem>>
        %dma_wait3A_870 = tpu.memref_squeeze %dma_wait3A_869 : memref<1x24x128xi32, #tpu.memory_space<vmem>> -> memref<24x128xi32, #tpu.memory_space<vmem>>
        %dma_wait3A_871 = arith.constant 0 : i32
        %dma_wait3A_872 = tpu.memref_slice %dma_wait3A_870[%dma_wait3A_863, %dma_wait3A_871] : memref<24x128xi32, #tpu.memory_space<vmem>> -> memref<1x128xi32, #tpu.memory_space<vmem>>
        %dma_wait3A_873 = tpu.memref_squeeze %dma_wait3A_872 : memref<1x128xi32, #tpu.memory_space<vmem>> -> memref<128xi32, #tpu.memory_space<vmem>>
        %dma_wait3A_874 = arith.constant 0 : i32
        %dma_wait3A_875 = arith.constant 0 : i32
        %dma_wait3A_876 = tpu.memref_slice %arg2[%dma_wait3A_874, %dma_wait3A_875] : memref<102400x8xf32, #tpu.memory_space<hbm>> -> memref<102400x8xf32, #tpu.memory_space<hbm>>
        tpu.wait_indirect_dma semaphore(%arg9 : memref<!tpu.dma_semaphore, #tpu.memory_space<semaphore_mem>>) src(%dma_wait3A_876 : memref<102400x8xf32, #tpu.memory_space<hbm>>) dst(%dma_wait3A_866 : memref<128x8xf32, #tpu.memory_space<vmem>>)
        %dma_start3A_877 = arith.constant 11 : i32
        %dma_start3A_878 = arith.constant 1408 : i32
        %dma_start3A_879 = arith.constant 0 : i32
        %dma_start3A_880 = tpu.memref_slice %arg7[%dma_start3A_878, %dma_start3A_879] : memref<3072x8xf32, #tpu.memory_space<vmem>> -> memref<128x8xf32, #tpu.memory_space<vmem>>
        %dma_start3A_881 = arith.constant 0 : i32
        %dma_start3A_882 = arith.constant 0 : i32
        %dma_start3A_883 = tpu.memref_slice %run_scoped3A_11[%rem3A_219, %dma_start3A_881, %dma_start3A_882] : memref<2x24x128xi32, #tpu.memory_space<vmem>> -> memref<1x24x128xi32, #tpu.memory_space<vmem>>
        %dma_start3A_884 = tpu.memref_squeeze %dma_start3A_883 : memref<1x24x128xi32, #tpu.memory_space<vmem>> -> memref<24x128xi32, #tpu.memory_space<vmem>>
        %dma_start3A_885 = arith.constant 0 : i32
        %dma_start3A_886 = tpu.memref_slice %dma_start3A_884[%dma_start3A_877, %dma_start3A_885] : memref<24x128xi32, #tpu.memory_space<vmem>> -> memref<1x128xi32, #tpu.memory_space<vmem>>
        %dma_start3A_887 = tpu.memref_squeeze %dma_start3A_886 : memref<1x128xi32, #tpu.memory_space<vmem>> -> memref<128xi32, #tpu.memory_space<vmem>>
        %dma_start3A_888 = arith.constant 0 : i32
        %dma_start3A_889 = arith.constant 0 : i32
        %dma_start3A_890 = tpu.memref_slice %arg8[%dma_start3A_888, %dma_start3A_889] : memref<100096x8xf32, #tpu.memory_space<vmem_shared>> -> memref<100096x8xf32, #tpu.memory_space<vmem_shared>>
        tpu.enqueue_indirect_dma source(%dma_start3A_880 : memref<128x8xf32, #tpu.memory_space<vmem>>) target(%dma_start3A_890 : memref<100096x8xf32, #tpu.memory_space<vmem_shared>>) offsets(%dma_start3A_887 : memref<128xi32, #tpu.memory_space<vmem>>) semaphore(%arg10 : memref<!tpu.dma_semaphore, #tpu.memory_space<semaphore_mem>>) {add = true}
        %dma_wait3A_891 = arith.constant 12 : i32
        %dma_wait3A_892 = arith.constant 1536 : i32
        %dma_wait3A_893 = arith.constant 0 : i32
        %dma_wait3A_894 = tpu.memref_slice %arg7[%dma_wait3A_892, %dma_wait3A_893] : memref<3072x8xf32, #tpu.memory_space<vmem>> -> memref<128x8xf32, #tpu.memory_space<vmem>>
        %dma_wait3A_895 = arith.constant 0 : i32
        %dma_wait3A_896 = arith.constant 0 : i32
        %dma_wait3A_897 = tpu.memref_slice %run_scoped3A[%rem3A_217, %dma_wait3A_895, %dma_wait3A_896] : memref<2x24x128xi32, #tpu.memory_space<vmem>> -> memref<1x24x128xi32, #tpu.memory_space<vmem>>
        %dma_wait3A_898 = tpu.memref_squeeze %dma_wait3A_897 : memref<1x24x128xi32, #tpu.memory_space<vmem>> -> memref<24x128xi32, #tpu.memory_space<vmem>>
        %dma_wait3A_899 = arith.constant 0 : i32
        %dma_wait3A_900 = tpu.memref_slice %dma_wait3A_898[%dma_wait3A_891, %dma_wait3A_899] : memref<24x128xi32, #tpu.memory_space<vmem>> -> memref<1x128xi32, #tpu.memory_space<vmem>>
        %dma_wait3A_901 = tpu.memref_squeeze %dma_wait3A_900 : memref<1x128xi32, #tpu.memory_space<vmem>> -> memref<128xi32, #tpu.memory_space<vmem>>
        %dma_wait3A_902 = arith.constant 0 : i32
        %dma_wait3A_903 = arith.constant 0 : i32
        %dma_wait3A_904 = tpu.memref_slice %arg2[%dma_wait3A_902, %dma_wait3A_903] : memref<102400x8xf32, #tpu.memory_space<hbm>> -> memref<102400x8xf32, #tpu.memory_space<hbm>>
        tpu.wait_indirect_dma semaphore(%arg9 : memref<!tpu.dma_semaphore, #tpu.memory_space<semaphore_mem>>) src(%dma_wait3A_904 : memref<102400x8xf32, #tpu.memory_space<hbm>>) dst(%dma_wait3A_894 : memref<128x8xf32, #tpu.memory_space<vmem>>)
        %dma_start3A_905 = arith.constant 12 : i32
        %dma_start3A_906 = arith.constant 1536 : i32
        %dma_start3A_907 = arith.constant 0 : i32
        %dma_start3A_908 = tpu.memref_slice %arg7[%dma_start3A_906, %dma_start3A_907] : memref<3072x8xf32, #tpu.memory_space<vmem>> -> memref<128x8xf32, #tpu.memory_space<vmem>>
        %dma_start3A_909 = arith.constant 0 : i32
        %dma_start3A_910 = arith.constant 0 : i32
        %dma_start3A_911 = tpu.memref_slice %run_scoped3A_11[%rem3A_219, %dma_start3A_909, %dma_start3A_910] : memref<2x24x128xi32, #tpu.memory_space<vmem>> -> memref<1x24x128xi32, #tpu.memory_space<vmem>>
        %dma_start3A_912 = tpu.memref_squeeze %dma_start3A_911 : memref<1x24x128xi32, #tpu.memory_space<vmem>> -> memref<24x128xi32, #tpu.memory_space<vmem>>
        %dma_start3A_913 = arith.constant 0 : i32
        %dma_start3A_914 = tpu.memref_slice %dma_start3A_912[%dma_start3A_905, %dma_start3A_913] : memref<24x128xi32, #tpu.memory_space<vmem>> -> memref<1x128xi32, #tpu.memory_space<vmem>>
        %dma_start3A_915 = tpu.memref_squeeze %dma_start3A_914 : memref<1x128xi32, #tpu.memory_space<vmem>> -> memref<128xi32, #tpu.memory_space<vmem>>
        %dma_start3A_916 = arith.constant 0 : i32
        %dma_start3A_917 = arith.constant 0 : i32
        %dma_start3A_918 = tpu.memref_slice %arg8[%dma_start3A_916, %dma_start3A_917] : memref<100096x8xf32, #tpu.memory_space<vmem_shared>> -> memref<100096x8xf32, #tpu.memory_space<vmem_shared>>
        tpu.enqueue_indirect_dma source(%dma_start3A_908 : memref<128x8xf32, #tpu.memory_space<vmem>>) target(%dma_start3A_918 : memref<100096x8xf32, #tpu.memory_space<vmem_shared>>) offsets(%dma_start3A_915 : memref<128xi32, #tpu.memory_space<vmem>>) semaphore(%arg10 : memref<!tpu.dma_semaphore, #tpu.memory_space<semaphore_mem>>) {add = true}
        %dma_wait3A_919 = arith.constant 13 : i32
        %dma_wait3A_920 = arith.constant 1664 : i32
        %dma_wait3A_921 = arith.constant 0 : i32
        %dma_wait3A_922 = tpu.memref_slice %arg7[%dma_wait3A_920, %dma_wait3A_921] : memref<3072x8xf32, #tpu.memory_space<vmem>> -> memref<128x8xf32, #tpu.memory_space<vmem>>
        %dma_wait3A_923 = arith.constant 0 : i32
        %dma_wait3A_924 = arith.constant 0 : i32
        %dma_wait3A_925 = tpu.memref_slice %run_scoped3A[%rem3A_217, %dma_wait3A_923, %dma_wait3A_924] : memref<2x24x128xi32, #tpu.memory_space<vmem>> -> memref<1x24x128xi32, #tpu.memory_space<vmem>>
        %dma_wait3A_926 = tpu.memref_squeeze %dma_wait3A_925 : memref<1x24x128xi32, #tpu.memory_space<vmem>> -> memref<24x128xi32, #tpu.memory_space<vmem>>
        %dma_wait3A_927 = arith.constant 0 : i32
        %dma_wait3A_928 = tpu.memref_slice %dma_wait3A_926[%dma_wait3A_919, %dma_wait3A_927] : memref<24x128xi32, #tpu.memory_space<vmem>> -> memref<1x128xi32, #tpu.memory_space<vmem>>
        %dma_wait3A_929 = tpu.memref_squeeze %dma_wait3A_928 : memref<1x128xi32, #tpu.memory_space<vmem>> -> memref<128xi32, #tpu.memory_space<vmem>>
        %dma_wait3A_930 = arith.constant 0 : i32
        %dma_wait3A_931 = arith.constant 0 : i32
        %dma_wait3A_932 = tpu.memref_slice %arg2[%dma_wait3A_930, %dma_wait3A_931] : memref<102400x8xf32, #tpu.memory_space<hbm>> -> memref<102400x8xf32, #tpu.memory_space<hbm>>
        tpu.wait_indirect_dma semaphore(%arg9 : memref<!tpu.dma_semaphore, #tpu.memory_space<semaphore_mem>>) src(%dma_wait3A_932 : memref<102400x8xf32, #tpu.memory_space<hbm>>) dst(%dma_wait3A_922 : memref<128x8xf32, #tpu.memory_space<vmem>>)
        %dma_start3A_933 = arith.constant 13 : i32
        %dma_start3A_934 = arith.constant 1664 : i32
        %dma_start3A_935 = arith.constant 0 : i32
        %dma_start3A_936 = tpu.memref_slice %arg7[%dma_start3A_934, %dma_start3A_935] : memref<3072x8xf32, #tpu.memory_space<vmem>> -> memref<128x8xf32, #tpu.memory_space<vmem>>
        %dma_start3A_937 = arith.constant 0 : i32
        %dma_start3A_938 = arith.constant 0 : i32
        %dma_start3A_939 = tpu.memref_slice %run_scoped3A_11[%rem3A_219, %dma_start3A_937, %dma_start3A_938] : memref<2x24x128xi32, #tpu.memory_space<vmem>> -> memref<1x24x128xi32, #tpu.memory_space<vmem>>
        %dma_start3A_940 = tpu.memref_squeeze %dma_start3A_939 : memref<1x24x128xi32, #tpu.memory_space<vmem>> -> memref<24x128xi32, #tpu.memory_space<vmem>>
        %dma_start3A_941 = arith.constant 0 : i32
        %dma_start3A_942 = tpu.memref_slice %dma_start3A_940[%dma_start3A_933, %dma_start3A_941] : memref<24x128xi32, #tpu.memory_space<vmem>> -> memref<1x128xi32, #tpu.memory_space<vmem>>
        %dma_start3A_943 = tpu.memref_squeeze %dma_start3A_942 : memref<1x128xi32, #tpu.memory_space<vmem>> -> memref<128xi32, #tpu.memory_space<vmem>>
        %dma_start3A_944 = arith.constant 0 : i32
        %dma_start3A_945 = arith.constant 0 : i32
        %dma_start3A_946 = tpu.memref_slice %arg8[%dma_start3A_944, %dma_start3A_945] : memref<100096x8xf32, #tpu.memory_space<vmem_shared>> -> memref<100096x8xf32, #tpu.memory_space<vmem_shared>>
        tpu.enqueue_indirect_dma source(%dma_start3A_936 : memref<128x8xf32, #tpu.memory_space<vmem>>) target(%dma_start3A_946 : memref<100096x8xf32, #tpu.memory_space<vmem_shared>>) offsets(%dma_start3A_943 : memref<128xi32, #tpu.memory_space<vmem>>) semaphore(%arg10 : memref<!tpu.dma_semaphore, #tpu.memory_space<semaphore_mem>>) {add = true}
        %dma_wait3A_947 = arith.constant 14 : i32
        %dma_wait3A_948 = arith.constant 1792 : i32
        %dma_wait3A_949 = arith.constant 0 : i32
        %dma_wait3A_950 = tpu.memref_slice %arg7[%dma_wait3A_948, %dma_wait3A_949] : memref<3072x8xf32, #tpu.memory_space<vmem>> -> memref<128x8xf32, #tpu.memory_space<vmem>>
        %dma_wait3A_951 = arith.constant 0 : i32
        %dma_wait3A_952 = arith.constant 0 : i32
        %dma_wait3A_953 = tpu.memref_slice %run_scoped3A[%rem3A_217, %dma_wait3A_951, %dma_wait3A_952] : memref<2x24x128xi32, #tpu.memory_space<vmem>> -> memref<1x24x128xi32, #tpu.memory_space<vmem>>
        %dma_wait3A_954 = tpu.memref_squeeze %dma_wait3A_953 : memref<1x24x128xi32, #tpu.memory_space<vmem>> -> memref<24x128xi32, #tpu.memory_space<vmem>>
        %dma_wait3A_955 = arith.constant 0 : i32
        %dma_wait3A_956 = tpu.memref_slice %dma_wait3A_954[%dma_wait3A_947, %dma_wait3A_955] : memref<24x128xi32, #tpu.memory_space<vmem>> -> memref<1x128xi32, #tpu.memory_space<vmem>>
        %dma_wait3A_957 = tpu.memref_squeeze %dma_wait3A_956 : memref<1x128xi32, #tpu.memory_space<vmem>> -> memref<128xi32, #tpu.memory_space<vmem>>
        %dma_wait3A_958 = arith.constant 0 : i32
        %dma_wait3A_959 = arith.constant 0 : i32
        %dma_wait3A_960 = tpu.memref_slice %arg2[%dma_wait3A_958, %dma_wait3A_959] : memref<102400x8xf32, #tpu.memory_space<hbm>> -> memref<102400x8xf32, #tpu.memory_space<hbm>>
        tpu.wait_indirect_dma semaphore(%arg9 : memref<!tpu.dma_semaphore, #tpu.memory_space<semaphore_mem>>) src(%dma_wait3A_960 : memref<102400x8xf32, #tpu.memory_space<hbm>>) dst(%dma_wait3A_950 : memref<128x8xf32, #tpu.memory_space<vmem>>)
        %dma_start3A_961 = arith.constant 14 : i32
        %dma_start3A_962 = arith.constant 1792 : i32
        %dma_start3A_963 = arith.constant 0 : i32
        %dma_start3A_964 = tpu.memref_slice %arg7[%dma_start3A_962, %dma_start3A_963] : memref<3072x8xf32, #tpu.memory_space<vmem>> -> memref<128x8xf32, #tpu.memory_space<vmem>>
        %dma_start3A_965 = arith.constant 0 : i32
        %dma_start3A_966 = arith.constant 0 : i32
        %dma_start3A_967 = tpu.memref_slice %run_scoped3A_11[%rem3A_219, %dma_start3A_965, %dma_start3A_966] : memref<2x24x128xi32, #tpu.memory_space<vmem>> -> memref<1x24x128xi32, #tpu.memory_space<vmem>>
        %dma_start3A_968 = tpu.memref_squeeze %dma_start3A_967 : memref<1x24x128xi32, #tpu.memory_space<vmem>> -> memref<24x128xi32, #tpu.memory_space<vmem>>
        %dma_start3A_969 = arith.constant 0 : i32
        %dma_start3A_970 = tpu.memref_slice %dma_start3A_968[%dma_start3A_961, %dma_start3A_969] : memref<24x128xi32, #tpu.memory_space<vmem>> -> memref<1x128xi32, #tpu.memory_space<vmem>>
        %dma_start3A_971 = tpu.memref_squeeze %dma_start3A_970 : memref<1x128xi32, #tpu.memory_space<vmem>> -> memref<128xi32, #tpu.memory_space<vmem>>
        %dma_start3A_972 = arith.constant 0 : i32
        %dma_start3A_973 = arith.constant 0 : i32
        %dma_start3A_974 = tpu.memref_slice %arg8[%dma_start3A_972, %dma_start3A_973] : memref<100096x8xf32, #tpu.memory_space<vmem_shared>> -> memref<100096x8xf32, #tpu.memory_space<vmem_shared>>
        tpu.enqueue_indirect_dma source(%dma_start3A_964 : memref<128x8xf32, #tpu.memory_space<vmem>>) target(%dma_start3A_974 : memref<100096x8xf32, #tpu.memory_space<vmem_shared>>) offsets(%dma_start3A_971 : memref<128xi32, #tpu.memory_space<vmem>>) semaphore(%arg10 : memref<!tpu.dma_semaphore, #tpu.memory_space<semaphore_mem>>) {add = true}
        %dma_wait3A_975 = arith.constant 15 : i32
        %dma_wait3A_976 = arith.constant 1920 : i32
        %dma_wait3A_977 = arith.constant 0 : i32
        %dma_wait3A_978 = tpu.memref_slice %arg7[%dma_wait3A_976, %dma_wait3A_977] : memref<3072x8xf32, #tpu.memory_space<vmem>> -> memref<128x8xf32, #tpu.memory_space<vmem>>
        %dma_wait3A_979 = arith.constant 0 : i32
        %dma_wait3A_980 = arith.constant 0 : i32
        %dma_wait3A_981 = tpu.memref_slice %run_scoped3A[%rem3A_217, %dma_wait3A_979, %dma_wait3A_980] : memref<2x24x128xi32, #tpu.memory_space<vmem>> -> memref<1x24x128xi32, #tpu.memory_space<vmem>>
        %dma_wait3A_982 = tpu.memref_squeeze %dma_wait3A_981 : memref<1x24x128xi32, #tpu.memory_space<vmem>> -> memref<24x128xi32, #tpu.memory_space<vmem>>
        %dma_wait3A_983 = arith.constant 0 : i32
        %dma_wait3A_984 = tpu.memref_slice %dma_wait3A_982[%dma_wait3A_975, %dma_wait3A_983] : memref<24x128xi32, #tpu.memory_space<vmem>> -> memref<1x128xi32, #tpu.memory_space<vmem>>
        %dma_wait3A_985 = tpu.memref_squeeze %dma_wait3A_984 : memref<1x128xi32, #tpu.memory_space<vmem>> -> memref<128xi32, #tpu.memory_space<vmem>>
        %dma_wait3A_986 = arith.constant 0 : i32
        %dma_wait3A_987 = arith.constant 0 : i32
        %dma_wait3A_988 = tpu.memref_slice %arg2[%dma_wait3A_986, %dma_wait3A_987] : memref<102400x8xf32, #tpu.memory_space<hbm>> -> memref<102400x8xf32, #tpu.memory_space<hbm>>
        tpu.wait_indirect_dma semaphore(%arg9 : memref<!tpu.dma_semaphore, #tpu.memory_space<semaphore_mem>>) src(%dma_wait3A_988 : memref<102400x8xf32, #tpu.memory_space<hbm>>) dst(%dma_wait3A_978 : memref<128x8xf32, #tpu.memory_space<vmem>>)
        %dma_start3A_989 = arith.constant 15 : i32
        %dma_start3A_990 = arith.constant 1920 : i32
        %dma_start3A_991 = arith.constant 0 : i32
        %dma_start3A_992 = tpu.memref_slice %arg7[%dma_start3A_990, %dma_start3A_991] : memref<3072x8xf32, #tpu.memory_space<vmem>> -> memref<128x8xf32, #tpu.memory_space<vmem>>
        %dma_start3A_993 = arith.constant 0 : i32
        %dma_start3A_994 = arith.constant 0 : i32
        %dma_start3A_995 = tpu.memref_slice %run_scoped3A_11[%rem3A_219, %dma_start3A_993, %dma_start3A_994] : memref<2x24x128xi32, #tpu.memory_space<vmem>> -> memref<1x24x128xi32, #tpu.memory_space<vmem>>
        %dma_start3A_996 = tpu.memref_squeeze %dma_start3A_995 : memref<1x24x128xi32, #tpu.memory_space<vmem>> -> memref<24x128xi32, #tpu.memory_space<vmem>>
        %dma_start3A_997 = arith.constant 0 : i32
        %dma_start3A_998 = tpu.memref_slice %dma_start3A_996[%dma_start3A_989, %dma_start3A_997] : memref<24x128xi32, #tpu.memory_space<vmem>> -> memref<1x128xi32, #tpu.memory_space<vmem>>
        %dma_start3A_999 = tpu.memref_squeeze %dma_start3A_998 : memref<1x128xi32, #tpu.memory_space<vmem>> -> memref<128xi32, #tpu.memory_space<vmem>>
        %dma_start3A_1000 = arith.constant 0 : i32
        %dma_start3A_1001 = arith.constant 0 : i32
        %dma_start3A_1002 = tpu.memref_slice %arg8[%dma_start3A_1000, %dma_start3A_1001] : memref<100096x8xf32, #tpu.memory_space<vmem_shared>> -> memref<100096x8xf32, #tpu.memory_space<vmem_shared>>
        tpu.enqueue_indirect_dma source(%dma_start3A_992 : memref<128x8xf32, #tpu.memory_space<vmem>>) target(%dma_start3A_1002 : memref<100096x8xf32, #tpu.memory_space<vmem_shared>>) offsets(%dma_start3A_999 : memref<128xi32, #tpu.memory_space<vmem>>) semaphore(%arg10 : memref<!tpu.dma_semaphore, #tpu.memory_space<semaphore_mem>>) {add = true}
        %dma_wait3A_1003 = arith.constant 16 : i32
        %dma_wait3A_1004 = arith.constant 2048 : i32
        %dma_wait3A_1005 = arith.constant 0 : i32
        %dma_wait3A_1006 = tpu.memref_slice %arg7[%dma_wait3A_1004, %dma_wait3A_1005] : memref<3072x8xf32, #tpu.memory_space<vmem>> -> memref<128x8xf32, #tpu.memory_space<vmem>>
        %dma_wait3A_1007 = arith.constant 0 : i32
        %dma_wait3A_1008 = arith.constant 0 : i32
        %dma_wait3A_1009 = tpu.memref_slice %run_scoped3A[%rem3A_217, %dma_wait3A_1007, %dma_wait3A_1008] : memref<2x24x128xi32, #tpu.memory_space<vmem>> -> memref<1x24x128xi32, #tpu.memory_space<vmem>>
        %dma_wait3A_1010 = tpu.memref_squeeze %dma_wait3A_1009 : memref<1x24x128xi32, #tpu.memory_space<vmem>> -> memref<24x128xi32, #tpu.memory_space<vmem>>
        %dma_wait3A_1011 = arith.constant 0 : i32
        %dma_wait3A_1012 = tpu.memref_slice %dma_wait3A_1010[%dma_wait3A_1003, %dma_wait3A_1011] : memref<24x128xi32, #tpu.memory_space<vmem>> -> memref<1x128xi32, #tpu.memory_space<vmem>>
        %dma_wait3A_1013 = tpu.memref_squeeze %dma_wait3A_1012 : memref<1x128xi32, #tpu.memory_space<vmem>> -> memref<128xi32, #tpu.memory_space<vmem>>
        %dma_wait3A_1014 = arith.constant 0 : i32
        %dma_wait3A_1015 = arith.constant 0 : i32
        %dma_wait3A_1016 = tpu.memref_slice %arg2[%dma_wait3A_1014, %dma_wait3A_1015] : memref<102400x8xf32, #tpu.memory_space<hbm>> -> memref<102400x8xf32, #tpu.memory_space<hbm>>
        tpu.wait_indirect_dma semaphore(%arg9 : memref<!tpu.dma_semaphore, #tpu.memory_space<semaphore_mem>>) src(%dma_wait3A_1016 : memref<102400x8xf32, #tpu.memory_space<hbm>>) dst(%dma_wait3A_1006 : memref<128x8xf32, #tpu.memory_space<vmem>>)
        %dma_start3A_1017 = arith.constant 16 : i32
        %dma_start3A_1018 = arith.constant 2048 : i32
        %dma_start3A_1019 = arith.constant 0 : i32
        %dma_start3A_1020 = tpu.memref_slice %arg7[%dma_start3A_1018, %dma_start3A_1019] : memref<3072x8xf32, #tpu.memory_space<vmem>> -> memref<128x8xf32, #tpu.memory_space<vmem>>
        %dma_start3A_1021 = arith.constant 0 : i32
        %dma_start3A_1022 = arith.constant 0 : i32
        %dma_start3A_1023 = tpu.memref_slice %run_scoped3A_11[%rem3A_219, %dma_start3A_1021, %dma_start3A_1022] : memref<2x24x128xi32, #tpu.memory_space<vmem>> -> memref<1x24x128xi32, #tpu.memory_space<vmem>>
        %dma_start3A_1024 = tpu.memref_squeeze %dma_start3A_1023 : memref<1x24x128xi32, #tpu.memory_space<vmem>> -> memref<24x128xi32, #tpu.memory_space<vmem>>
        %dma_start3A_1025 = arith.constant 0 : i32
        %dma_start3A_1026 = tpu.memref_slice %dma_start3A_1024[%dma_start3A_1017, %dma_start3A_1025] : memref<24x128xi32, #tpu.memory_space<vmem>> -> memref<1x128xi32, #tpu.memory_space<vmem>>
        %dma_start3A_1027 = tpu.memref_squeeze %dma_start3A_1026 : memref<1x128xi32, #tpu.memory_space<vmem>> -> memref<128xi32, #tpu.memory_space<vmem>>
        %dma_start3A_1028 = arith.constant 0 : i32
        %dma_start3A_1029 = arith.constant 0 : i32
        %dma_start3A_1030 = tpu.memref_slice %arg8[%dma_start3A_1028, %dma_start3A_1029] : memref<100096x8xf32, #tpu.memory_space<vmem_shared>> -> memref<100096x8xf32, #tpu.memory_space<vmem_shared>>
        tpu.enqueue_indirect_dma source(%dma_start3A_1020 : memref<128x8xf32, #tpu.memory_space<vmem>>) target(%dma_start3A_1030 : memref<100096x8xf32, #tpu.memory_space<vmem_shared>>) offsets(%dma_start3A_1027 : memref<128xi32, #tpu.memory_space<vmem>>) semaphore(%arg10 : memref<!tpu.dma_semaphore, #tpu.memory_space<semaphore_mem>>) {add = true}
        %dma_wait3A_1031 = arith.constant 17 : i32
        %dma_wait3A_1032 = arith.constant 2176 : i32
        %dma_wait3A_1033 = arith.constant 0 : i32
        %dma_wait3A_1034 = tpu.memref_slice %arg7[%dma_wait3A_1032, %dma_wait3A_1033] : memref<3072x8xf32, #tpu.memory_space<vmem>> -> memref<128x8xf32, #tpu.memory_space<vmem>>
        %dma_wait3A_1035 = arith.constant 0 : i32
        %dma_wait3A_1036 = arith.constant 0 : i32
        %dma_wait3A_1037 = tpu.memref_slice %run_scoped3A[%rem3A_217, %dma_wait3A_1035, %dma_wait3A_1036] : memref<2x24x128xi32, #tpu.memory_space<vmem>> -> memref<1x24x128xi32, #tpu.memory_space<vmem>>
        %dma_wait3A_1038 = tpu.memref_squeeze %dma_wait3A_1037 : memref<1x24x128xi32, #tpu.memory_space<vmem>> -> memref<24x128xi32, #tpu.memory_space<vmem>>
        %dma_wait3A_1039 = arith.constant 0 : i32
        %dma_wait3A_1040 = tpu.memref_slice %dma_wait3A_1038[%dma_wait3A_1031, %dma_wait3A_1039] : memref<24x128xi32, #tpu.memory_space<vmem>> -> memref<1x128xi32, #tpu.memory_space<vmem>>
        %dma_wait3A_1041 = tpu.memref_squeeze %dma_wait3A_1040 : memref<1x128xi32, #tpu.memory_space<vmem>> -> memref<128xi32, #tpu.memory_space<vmem>>
        %dma_wait3A_1042 = arith.constant 0 : i32
        %dma_wait3A_1043 = arith.constant 0 : i32
        %dma_wait3A_1044 = tpu.memref_slice %arg2[%dma_wait3A_1042, %dma_wait3A_1043] : memref<102400x8xf32, #tpu.memory_space<hbm>> -> memref<102400x8xf32, #tpu.memory_space<hbm>>
        tpu.wait_indirect_dma semaphore(%arg9 : memref<!tpu.dma_semaphore, #tpu.memory_space<semaphore_mem>>) src(%dma_wait3A_1044 : memref<102400x8xf32, #tpu.memory_space<hbm>>) dst(%dma_wait3A_1034 : memref<128x8xf32, #tpu.memory_space<vmem>>)
        %dma_start3A_1045 = arith.constant 17 : i32
        %dma_start3A_1046 = arith.constant 2176 : i32
        %dma_start3A_1047 = arith.constant 0 : i32
        %dma_start3A_1048 = tpu.memref_slice %arg7[%dma_start3A_1046, %dma_start3A_1047] : memref<3072x8xf32, #tpu.memory_space<vmem>> -> memref<128x8xf32, #tpu.memory_space<vmem>>
        %dma_start3A_1049 = arith.constant 0 : i32
        %dma_start3A_1050 = arith.constant 0 : i32
        %dma_start3A_1051 = tpu.memref_slice %run_scoped3A_11[%rem3A_219, %dma_start3A_1049, %dma_start3A_1050] : memref<2x24x128xi32, #tpu.memory_space<vmem>> -> memref<1x24x128xi32, #tpu.memory_space<vmem>>
        %dma_start3A_1052 = tpu.memref_squeeze %dma_start3A_1051 : memref<1x24x128xi32, #tpu.memory_space<vmem>> -> memref<24x128xi32, #tpu.memory_space<vmem>>
        %dma_start3A_1053 = arith.constant 0 : i32
        %dma_start3A_1054 = tpu.memref_slice %dma_start3A_1052[%dma_start3A_1045, %dma_start3A_1053] : memref<24x128xi32, #tpu.memory_space<vmem>> -> memref<1x128xi32, #tpu.memory_space<vmem>>
        %dma_start3A_1055 = tpu.memref_squeeze %dma_start3A_1054 : memref<1x128xi32, #tpu.memory_space<vmem>> -> memref<128xi32, #tpu.memory_space<vmem>>
        %dma_start3A_1056 = arith.constant 0 : i32
        %dma_start3A_1057 = arith.constant 0 : i32
        %dma_start3A_1058 = tpu.memref_slice %arg8[%dma_start3A_1056, %dma_start3A_1057] : memref<100096x8xf32, #tpu.memory_space<vmem_shared>> -> memref<100096x8xf32, #tpu.memory_space<vmem_shared>>
        tpu.enqueue_indirect_dma source(%dma_start3A_1048 : memref<128x8xf32, #tpu.memory_space<vmem>>) target(%dma_start3A_1058 : memref<100096x8xf32, #tpu.memory_space<vmem_shared>>) offsets(%dma_start3A_1055 : memref<128xi32, #tpu.memory_space<vmem>>) semaphore(%arg10 : memref<!tpu.dma_semaphore, #tpu.memory_space<semaphore_mem>>) {add = true}
        %dma_wait3A_1059 = arith.constant 18 : i32
        %dma_wait3A_1060 = arith.constant 2304 : i32
        %dma_wait3A_1061 = arith.constant 0 : i32
        %dma_wait3A_1062 = tpu.memref_slice %arg7[%dma_wait3A_1060, %dma_wait3A_1061] : memref<3072x8xf32, #tpu.memory_space<vmem>> -> memref<128x8xf32, #tpu.memory_space<vmem>>
        %dma_wait3A_1063 = arith.constant 0 : i32
        %dma_wait3A_1064 = arith.constant 0 : i32
        %dma_wait3A_1065 = tpu.memref_slice %run_scoped3A[%rem3A_217, %dma_wait3A_1063, %dma_wait3A_1064] : memref<2x24x128xi32, #tpu.memory_space<vmem>> -> memref<1x24x128xi32, #tpu.memory_space<vmem>>
        %dma_wait3A_1066 = tpu.memref_squeeze %dma_wait3A_1065 : memref<1x24x128xi32, #tpu.memory_space<vmem>> -> memref<24x128xi32, #tpu.memory_space<vmem>>
        %dma_wait3A_1067 = arith.constant 0 : i32
        %dma_wait3A_1068 = tpu.memref_slice %dma_wait3A_1066[%dma_wait3A_1059, %dma_wait3A_1067] : memref<24x128xi32, #tpu.memory_space<vmem>> -> memref<1x128xi32, #tpu.memory_space<vmem>>
        %dma_wait3A_1069 = tpu.memref_squeeze %dma_wait3A_1068 : memref<1x128xi32, #tpu.memory_space<vmem>> -> memref<128xi32, #tpu.memory_space<vmem>>
        %dma_wait3A_1070 = arith.constant 0 : i32
        %dma_wait3A_1071 = arith.constant 0 : i32
        %dma_wait3A_1072 = tpu.memref_slice %arg2[%dma_wait3A_1070, %dma_wait3A_1071] : memref<102400x8xf32, #tpu.memory_space<hbm>> -> memref<102400x8xf32, #tpu.memory_space<hbm>>
        tpu.wait_indirect_dma semaphore(%arg9 : memref<!tpu.dma_semaphore, #tpu.memory_space<semaphore_mem>>) src(%dma_wait3A_1072 : memref<102400x8xf32, #tpu.memory_space<hbm>>) dst(%dma_wait3A_1062 : memref<128x8xf32, #tpu.memory_space<vmem>>)
        %dma_start3A_1073 = arith.constant 18 : i32
        %dma_start3A_1074 = arith.constant 2304 : i32
        %dma_start3A_1075 = arith.constant 0 : i32
        %dma_start3A_1076 = tpu.memref_slice %arg7[%dma_start3A_1074, %dma_start3A_1075] : memref<3072x8xf32, #tpu.memory_space<vmem>> -> memref<128x8xf32, #tpu.memory_space<vmem>>
        %dma_start3A_1077 = arith.constant 0 : i32
        %dma_start3A_1078 = arith.constant 0 : i32
        %dma_start3A_1079 = tpu.memref_slice %run_scoped3A_11[%rem3A_219, %dma_start3A_1077, %dma_start3A_1078] : memref<2x24x128xi32, #tpu.memory_space<vmem>> -> memref<1x24x128xi32, #tpu.memory_space<vmem>>
        %dma_start3A_1080 = tpu.memref_squeeze %dma_start3A_1079 : memref<1x24x128xi32, #tpu.memory_space<vmem>> -> memref<24x128xi32, #tpu.memory_space<vmem>>
        %dma_start3A_1081 = arith.constant 0 : i32
        %dma_start3A_1082 = tpu.memref_slice %dma_start3A_1080[%dma_start3A_1073, %dma_start3A_1081] : memref<24x128xi32, #tpu.memory_space<vmem>> -> memref<1x128xi32, #tpu.memory_space<vmem>>
        %dma_start3A_1083 = tpu.memref_squeeze %dma_start3A_1082 : memref<1x128xi32, #tpu.memory_space<vmem>> -> memref<128xi32, #tpu.memory_space<vmem>>
        %dma_start3A_1084 = arith.constant 0 : i32
        %dma_start3A_1085 = arith.constant 0 : i32
        %dma_start3A_1086 = tpu.memref_slice %arg8[%dma_start3A_1084, %dma_start3A_1085] : memref<100096x8xf32, #tpu.memory_space<vmem_shared>> -> memref<100096x8xf32, #tpu.memory_space<vmem_shared>>
        tpu.enqueue_indirect_dma source(%dma_start3A_1076 : memref<128x8xf32, #tpu.memory_space<vmem>>) target(%dma_start3A_1086 : memref<100096x8xf32, #tpu.memory_space<vmem_shared>>) offsets(%dma_start3A_1083 : memref<128xi32, #tpu.memory_space<vmem>>) semaphore(%arg10 : memref<!tpu.dma_semaphore, #tpu.memory_space<semaphore_mem>>) {add = true}
        %dma_wait3A_1087 = arith.constant 19 : i32
        %dma_wait3A_1088 = arith.constant 2432 : i32
        %dma_wait3A_1089 = arith.constant 0 : i32
        %dma_wait3A_1090 = tpu.memref_slice %arg7[%dma_wait3A_1088, %dma_wait3A_1089] : memref<3072x8xf32, #tpu.memory_space<vmem>> -> memref<128x8xf32, #tpu.memory_space<vmem>>
        %dma_wait3A_1091 = arith.constant 0 : i32
        %dma_wait3A_1092 = arith.constant 0 : i32
        %dma_wait3A_1093 = tpu.memref_slice %run_scoped3A[%rem3A_217, %dma_wait3A_1091, %dma_wait3A_1092] : memref<2x24x128xi32, #tpu.memory_space<vmem>> -> memref<1x24x128xi32, #tpu.memory_space<vmem>>
        %dma_wait3A_1094 = tpu.memref_squeeze %dma_wait3A_1093 : memref<1x24x128xi32, #tpu.memory_space<vmem>> -> memref<24x128xi32, #tpu.memory_space<vmem>>
        %dma_wait3A_1095 = arith.constant 0 : i32
        %dma_wait3A_1096 = tpu.memref_slice %dma_wait3A_1094[%dma_wait3A_1087, %dma_wait3A_1095] : memref<24x128xi32, #tpu.memory_space<vmem>> -> memref<1x128xi32, #tpu.memory_space<vmem>>
        %dma_wait3A_1097 = tpu.memref_squeeze %dma_wait3A_1096 : memref<1x128xi32, #tpu.memory_space<vmem>> -> memref<128xi32, #tpu.memory_space<vmem>>
        %dma_wait3A_1098 = arith.constant 0 : i32
        %dma_wait3A_1099 = arith.constant 0 : i32
        %dma_wait3A_1100 = tpu.memref_slice %arg2[%dma_wait3A_1098, %dma_wait3A_1099] : memref<102400x8xf32, #tpu.memory_space<hbm>> -> memref<102400x8xf32, #tpu.memory_space<hbm>>
        tpu.wait_indirect_dma semaphore(%arg9 : memref<!tpu.dma_semaphore, #tpu.memory_space<semaphore_mem>>) src(%dma_wait3A_1100 : memref<102400x8xf32, #tpu.memory_space<hbm>>) dst(%dma_wait3A_1090 : memref<128x8xf32, #tpu.memory_space<vmem>>)
        %dma_start3A_1101 = arith.constant 19 : i32
        %dma_start3A_1102 = arith.constant 2432 : i32
        %dma_start3A_1103 = arith.constant 0 : i32
        %dma_start3A_1104 = tpu.memref_slice %arg7[%dma_start3A_1102, %dma_start3A_1103] : memref<3072x8xf32, #tpu.memory_space<vmem>> -> memref<128x8xf32, #tpu.memory_space<vmem>>
        %dma_start3A_1105 = arith.constant 0 : i32
        %dma_start3A_1106 = arith.constant 0 : i32
        %dma_start3A_1107 = tpu.memref_slice %run_scoped3A_11[%rem3A_219, %dma_start3A_1105, %dma_start3A_1106] : memref<2x24x128xi32, #tpu.memory_space<vmem>> -> memref<1x24x128xi32, #tpu.memory_space<vmem>>
        %dma_start3A_1108 = tpu.memref_squeeze %dma_start3A_1107 : memref<1x24x128xi32, #tpu.memory_space<vmem>> -> memref<24x128xi32, #tpu.memory_space<vmem>>
        %dma_start3A_1109 = arith.constant 0 : i32
        %dma_start3A_1110 = tpu.memref_slice %dma_start3A_1108[%dma_start3A_1101, %dma_start3A_1109] : memref<24x128xi32, #tpu.memory_space<vmem>> -> memref<1x128xi32, #tpu.memory_space<vmem>>
        %dma_start3A_1111 = tpu.memref_squeeze %dma_start3A_1110 : memref<1x128xi32, #tpu.memory_space<vmem>> -> memref<128xi32, #tpu.memory_space<vmem>>
        %dma_start3A_1112 = arith.constant 0 : i32
        %dma_start3A_1113 = arith.constant 0 : i32
        %dma_start3A_1114 = tpu.memref_slice %arg8[%dma_start3A_1112, %dma_start3A_1113] : memref<100096x8xf32, #tpu.memory_space<vmem_shared>> -> memref<100096x8xf32, #tpu.memory_space<vmem_shared>>
        tpu.enqueue_indirect_dma source(%dma_start3A_1104 : memref<128x8xf32, #tpu.memory_space<vmem>>) target(%dma_start3A_1114 : memref<100096x8xf32, #tpu.memory_space<vmem_shared>>) offsets(%dma_start3A_1111 : memref<128xi32, #tpu.memory_space<vmem>>) semaphore(%arg10 : memref<!tpu.dma_semaphore, #tpu.memory_space<semaphore_mem>>) {add = true}
        %dma_wait3A_1115 = arith.constant 20 : i32
        %dma_wait3A_1116 = arith.constant 2560 : i32
        %dma_wait3A_1117 = arith.constant 0 : i32
        %dma_wait3A_1118 = tpu.memref_slice %arg7[%dma_wait3A_1116, %dma_wait3A_1117] : memref<3072x8xf32, #tpu.memory_space<vmem>> -> memref<128x8xf32, #tpu.memory_space<vmem>>
        %dma_wait3A_1119 = arith.constant 0 : i32
        %dma_wait3A_1120 = arith.constant 0 : i32
        %dma_wait3A_1121 = tpu.memref_slice %run_scoped3A[%rem3A_217, %dma_wait3A_1119, %dma_wait3A_1120] : memref<2x24x128xi32, #tpu.memory_space<vmem>> -> memref<1x24x128xi32, #tpu.memory_space<vmem>>
        %dma_wait3A_1122 = tpu.memref_squeeze %dma_wait3A_1121 : memref<1x24x128xi32, #tpu.memory_space<vmem>> -> memref<24x128xi32, #tpu.memory_space<vmem>>
        %dma_wait3A_1123 = arith.constant 0 : i32
        %dma_wait3A_1124 = tpu.memref_slice %dma_wait3A_1122[%dma_wait3A_1115, %dma_wait3A_1123] : memref<24x128xi32, #tpu.memory_space<vmem>> -> memref<1x128xi32, #tpu.memory_space<vmem>>
        %dma_wait3A_1125 = tpu.memref_squeeze %dma_wait3A_1124 : memref<1x128xi32, #tpu.memory_space<vmem>> -> memref<128xi32, #tpu.memory_space<vmem>>
        %dma_wait3A_1126 = arith.constant 0 : i32
        %dma_wait3A_1127 = arith.constant 0 : i32
        %dma_wait3A_1128 = tpu.memref_slice %arg2[%dma_wait3A_1126, %dma_wait3A_1127] : memref<102400x8xf32, #tpu.memory_space<hbm>> -> memref<102400x8xf32, #tpu.memory_space<hbm>>
        tpu.wait_indirect_dma semaphore(%arg9 : memref<!tpu.dma_semaphore, #tpu.memory_space<semaphore_mem>>) src(%dma_wait3A_1128 : memref<102400x8xf32, #tpu.memory_space<hbm>>) dst(%dma_wait3A_1118 : memref<128x8xf32, #tpu.memory_space<vmem>>)
        %dma_start3A_1129 = arith.constant 20 : i32
        %dma_start3A_1130 = arith.constant 2560 : i32
        %dma_start3A_1131 = arith.constant 0 : i32
        %dma_start3A_1132 = tpu.memref_slice %arg7[%dma_start3A_1130, %dma_start3A_1131] : memref<3072x8xf32, #tpu.memory_space<vmem>> -> memref<128x8xf32, #tpu.memory_space<vmem>>
        %dma_start3A_1133 = arith.constant 0 : i32
        %dma_start3A_1134 = arith.constant 0 : i32
        %dma_start3A_1135 = tpu.memref_slice %run_scoped3A_11[%rem3A_219, %dma_start3A_1133, %dma_start3A_1134] : memref<2x24x128xi32, #tpu.memory_space<vmem>> -> memref<1x24x128xi32, #tpu.memory_space<vmem>>
        %dma_start3A_1136 = tpu.memref_squeeze %dma_start3A_1135 : memref<1x24x128xi32, #tpu.memory_space<vmem>> -> memref<24x128xi32, #tpu.memory_space<vmem>>
        %dma_start3A_1137 = arith.constant 0 : i32
        %dma_start3A_1138 = tpu.memref_slice %dma_start3A_1136[%dma_start3A_1129, %dma_start3A_1137] : memref<24x128xi32, #tpu.memory_space<vmem>> -> memref<1x128xi32, #tpu.memory_space<vmem>>
        %dma_start3A_1139 = tpu.memref_squeeze %dma_start3A_1138 : memref<1x128xi32, #tpu.memory_space<vmem>> -> memref<128xi32, #tpu.memory_space<vmem>>
        %dma_start3A_1140 = arith.constant 0 : i32
        %dma_start3A_1141 = arith.constant 0 : i32
        %dma_start3A_1142 = tpu.memref_slice %arg8[%dma_start3A_1140, %dma_start3A_1141] : memref<100096x8xf32, #tpu.memory_space<vmem_shared>> -> memref<100096x8xf32, #tpu.memory_space<vmem_shared>>
        tpu.enqueue_indirect_dma source(%dma_start3A_1132 : memref<128x8xf32, #tpu.memory_space<vmem>>) target(%dma_start3A_1142 : memref<100096x8xf32, #tpu.memory_space<vmem_shared>>) offsets(%dma_start3A_1139 : memref<128xi32, #tpu.memory_space<vmem>>) semaphore(%arg10 : memref<!tpu.dma_semaphore, #tpu.memory_space<semaphore_mem>>) {add = true}
        %dma_wait3A_1143 = arith.constant 21 : i32
        %dma_wait3A_1144 = arith.constant 2688 : i32
        %dma_wait3A_1145 = arith.constant 0 : i32
        %dma_wait3A_1146 = tpu.memref_slice %arg7[%dma_wait3A_1144, %dma_wait3A_1145] : memref<3072x8xf32, #tpu.memory_space<vmem>> -> memref<128x8xf32, #tpu.memory_space<vmem>>
        %dma_wait3A_1147 = arith.constant 0 : i32
        %dma_wait3A_1148 = arith.constant 0 : i32
        %dma_wait3A_1149 = tpu.memref_slice %run_scoped3A[%rem3A_217, %dma_wait3A_1147, %dma_wait3A_1148] : memref<2x24x128xi32, #tpu.memory_space<vmem>> -> memref<1x24x128xi32, #tpu.memory_space<vmem>>
        %dma_wait3A_1150 = tpu.memref_squeeze %dma_wait3A_1149 : memref<1x24x128xi32, #tpu.memory_space<vmem>> -> memref<24x128xi32, #tpu.memory_space<vmem>>
        %dma_wait3A_1151 = arith.constant 0 : i32
        %dma_wait3A_1152 = tpu.memref_slice %dma_wait3A_1150[%dma_wait3A_1143, %dma_wait3A_1151] : memref<24x128xi32, #tpu.memory_space<vmem>> -> memref<1x128xi32, #tpu.memory_space<vmem>>
        %dma_wait3A_1153 = tpu.memref_squeeze %dma_wait3A_1152 : memref<1x128xi32, #tpu.memory_space<vmem>> -> memref<128xi32, #tpu.memory_space<vmem>>
        %dma_wait3A_1154 = arith.constant 0 : i32
        %dma_wait3A_1155 = arith.constant 0 : i32
        %dma_wait3A_1156 = tpu.memref_slice %arg2[%dma_wait3A_1154, %dma_wait3A_1155] : memref<102400x8xf32, #tpu.memory_space<hbm>> -> memref<102400x8xf32, #tpu.memory_space<hbm>>
        tpu.wait_indirect_dma semaphore(%arg9 : memref<!tpu.dma_semaphore, #tpu.memory_space<semaphore_mem>>) src(%dma_wait3A_1156 : memref<102400x8xf32, #tpu.memory_space<hbm>>) dst(%dma_wait3A_1146 : memref<128x8xf32, #tpu.memory_space<vmem>>)
        %dma_start3A_1157 = arith.constant 21 : i32
        %dma_start3A_1158 = arith.constant 2688 : i32
        %dma_start3A_1159 = arith.constant 0 : i32
        %dma_start3A_1160 = tpu.memref_slice %arg7[%dma_start3A_1158, %dma_start3A_1159] : memref<3072x8xf32, #tpu.memory_space<vmem>> -> memref<128x8xf32, #tpu.memory_space<vmem>>
        %dma_start3A_1161 = arith.constant 0 : i32
        %dma_start3A_1162 = arith.constant 0 : i32
        %dma_start3A_1163 = tpu.memref_slice %run_scoped3A_11[%rem3A_219, %dma_start3A_1161, %dma_start3A_1162] : memref<2x24x128xi32, #tpu.memory_space<vmem>> -> memref<1x24x128xi32, #tpu.memory_space<vmem>>
        %dma_start3A_1164 = tpu.memref_squeeze %dma_start3A_1163 : memref<1x24x128xi32, #tpu.memory_space<vmem>> -> memref<24x128xi32, #tpu.memory_space<vmem>>
        %dma_start3A_1165 = arith.constant 0 : i32
        %dma_start3A_1166 = tpu.memref_slice %dma_start3A_1164[%dma_start3A_1157, %dma_start3A_1165] : memref<24x128xi32, #tpu.memory_space<vmem>> -> memref<1x128xi32, #tpu.memory_space<vmem>>
        %dma_start3A_1167 = tpu.memref_squeeze %dma_start3A_1166 : memref<1x128xi32, #tpu.memory_space<vmem>> -> memref<128xi32, #tpu.memory_space<vmem>>
        %dma_start3A_1168 = arith.constant 0 : i32
        %dma_start3A_1169 = arith.constant 0 : i32
        %dma_start3A_1170 = tpu.memref_slice %arg8[%dma_start3A_1168, %dma_start3A_1169] : memref<100096x8xf32, #tpu.memory_space<vmem_shared>> -> memref<100096x8xf32, #tpu.memory_space<vmem_shared>>
        tpu.enqueue_indirect_dma source(%dma_start3A_1160 : memref<128x8xf32, #tpu.memory_space<vmem>>) target(%dma_start3A_1170 : memref<100096x8xf32, #tpu.memory_space<vmem_shared>>) offsets(%dma_start3A_1167 : memref<128xi32, #tpu.memory_space<vmem>>) semaphore(%arg10 : memref<!tpu.dma_semaphore, #tpu.memory_space<semaphore_mem>>) {add = true}
        %dma_wait3A_1171 = arith.constant 22 : i32
        %dma_wait3A_1172 = arith.constant 2816 : i32
        %dma_wait3A_1173 = arith.constant 0 : i32
        %dma_wait3A_1174 = tpu.memref_slice %arg7[%dma_wait3A_1172, %dma_wait3A_1173] : memref<3072x8xf32, #tpu.memory_space<vmem>> -> memref<128x8xf32, #tpu.memory_space<vmem>>
        %dma_wait3A_1175 = arith.constant 0 : i32
        %dma_wait3A_1176 = arith.constant 0 : i32
        %dma_wait3A_1177 = tpu.memref_slice %run_scoped3A[%rem3A_217, %dma_wait3A_1175, %dma_wait3A_1176] : memref<2x24x128xi32, #tpu.memory_space<vmem>> -> memref<1x24x128xi32, #tpu.memory_space<vmem>>
        %dma_wait3A_1178 = tpu.memref_squeeze %dma_wait3A_1177 : memref<1x24x128xi32, #tpu.memory_space<vmem>> -> memref<24x128xi32, #tpu.memory_space<vmem>>
        %dma_wait3A_1179 = arith.constant 0 : i32
        %dma_wait3A_1180 = tpu.memref_slice %dma_wait3A_1178[%dma_wait3A_1171, %dma_wait3A_1179] : memref<24x128xi32, #tpu.memory_space<vmem>> -> memref<1x128xi32, #tpu.memory_space<vmem>>
        %dma_wait3A_1181 = tpu.memref_squeeze %dma_wait3A_1180 : memref<1x128xi32, #tpu.memory_space<vmem>> -> memref<128xi32, #tpu.memory_space<vmem>>
        %dma_wait3A_1182 = arith.constant 0 : i32
        %dma_wait3A_1183 = arith.constant 0 : i32
        %dma_wait3A_1184 = tpu.memref_slice %arg2[%dma_wait3A_1182, %dma_wait3A_1183] : memref<102400x8xf32, #tpu.memory_space<hbm>> -> memref<102400x8xf32, #tpu.memory_space<hbm>>
        tpu.wait_indirect_dma semaphore(%arg9 : memref<!tpu.dma_semaphore, #tpu.memory_space<semaphore_mem>>) src(%dma_wait3A_1184 : memref<102400x8xf32, #tpu.memory_space<hbm>>) dst(%dma_wait3A_1174 : memref<128x8xf32, #tpu.memory_space<vmem>>)
        %dma_start3A_1185 = arith.constant 22 : i32
        %dma_start3A_1186 = arith.constant 2816 : i32
        %dma_start3A_1187 = arith.constant 0 : i32
        %dma_start3A_1188 = tpu.memref_slice %arg7[%dma_start3A_1186, %dma_start3A_1187] : memref<3072x8xf32, #tpu.memory_space<vmem>> -> memref<128x8xf32, #tpu.memory_space<vmem>>
        %dma_start3A_1189 = arith.constant 0 : i32
        %dma_start3A_1190 = arith.constant 0 : i32
        %dma_start3A_1191 = tpu.memref_slice %run_scoped3A_11[%rem3A_219, %dma_start3A_1189, %dma_start3A_1190] : memref<2x24x128xi32, #tpu.memory_space<vmem>> -> memref<1x24x128xi32, #tpu.memory_space<vmem>>
        %dma_start3A_1192 = tpu.memref_squeeze %dma_start3A_1191 : memref<1x24x128xi32, #tpu.memory_space<vmem>> -> memref<24x128xi32, #tpu.memory_space<vmem>>
        %dma_start3A_1193 = arith.constant 0 : i32
        %dma_start3A_1194 = tpu.memref_slice %dma_start3A_1192[%dma_start3A_1185, %dma_start3A_1193] : memref<24x128xi32, #tpu.memory_space<vmem>> -> memref<1x128xi32, #tpu.memory_space<vmem>>
        %dma_start3A_1195 = tpu.memref_squeeze %dma_start3A_1194 : memref<1x128xi32, #tpu.memory_space<vmem>> -> memref<128xi32, #tpu.memory_space<vmem>>
        %dma_start3A_1196 = arith.constant 0 : i32
        %dma_start3A_1197 = arith.constant 0 : i32
        %dma_start3A_1198 = tpu.memref_slice %arg8[%dma_start3A_1196, %dma_start3A_1197] : memref<100096x8xf32, #tpu.memory_space<vmem_shared>> -> memref<100096x8xf32, #tpu.memory_space<vmem_shared>>
        tpu.enqueue_indirect_dma source(%dma_start3A_1188 : memref<128x8xf32, #tpu.memory_space<vmem>>) target(%dma_start3A_1198 : memref<100096x8xf32, #tpu.memory_space<vmem_shared>>) offsets(%dma_start3A_1195 : memref<128xi32, #tpu.memory_space<vmem>>) semaphore(%arg10 : memref<!tpu.dma_semaphore, #tpu.memory_space<semaphore_mem>>) {add = true}
        %dma_wait3A_1199 = arith.constant 23 : i32
        %dma_wait3A_1200 = arith.constant 2944 : i32
        %dma_wait3A_1201 = arith.constant 0 : i32
        %dma_wait3A_1202 = tpu.memref_slice %arg7[%dma_wait3A_1200, %dma_wait3A_1201] : memref<3072x8xf32, #tpu.memory_space<vmem>> -> memref<128x8xf32, #tpu.memory_space<vmem>>
        %dma_wait3A_1203 = arith.constant 0 : i32
        %dma_wait3A_1204 = arith.constant 0 : i32
        %dma_wait3A_1205 = tpu.memref_slice %run_scoped3A[%rem3A_217, %dma_wait3A_1203, %dma_wait3A_1204] : memref<2x24x128xi32, #tpu.memory_space<vmem>> -> memref<1x24x128xi32, #tpu.memory_space<vmem>>
        %dma_wait3A_1206 = tpu.memref_squeeze %dma_wait3A_1205 : memref<1x24x128xi32, #tpu.memory_space<vmem>> -> memref<24x128xi32, #tpu.memory_space<vmem>>
        %dma_wait3A_1207 = arith.constant 0 : i32
        %dma_wait3A_1208 = tpu.memref_slice %dma_wait3A_1206[%dma_wait3A_1199, %dma_wait3A_1207] : memref<24x128xi32, #tpu.memory_space<vmem>> -> memref<1x128xi32, #tpu.memory_space<vmem>>
        %dma_wait3A_1209 = tpu.memref_squeeze %dma_wait3A_1208 : memref<1x128xi32, #tpu.memory_space<vmem>> -> memref<128xi32, #tpu.memory_space<vmem>>
        %dma_wait3A_1210 = arith.constant 0 : i32
        %dma_wait3A_1211 = arith.constant 0 : i32
        %dma_wait3A_1212 = tpu.memref_slice %arg2[%dma_wait3A_1210, %dma_wait3A_1211] : memref<102400x8xf32, #tpu.memory_space<hbm>> -> memref<102400x8xf32, #tpu.memory_space<hbm>>
        tpu.wait_indirect_dma semaphore(%arg9 : memref<!tpu.dma_semaphore, #tpu.memory_space<semaphore_mem>>) src(%dma_wait3A_1212 : memref<102400x8xf32, #tpu.memory_space<hbm>>) dst(%dma_wait3A_1202 : memref<128x8xf32, #tpu.memory_space<vmem>>)
        %dma_start3A_1213 = arith.constant 23 : i32
        %dma_start3A_1214 = arith.constant 2944 : i32
        %dma_start3A_1215 = arith.constant 0 : i32
        %dma_start3A_1216 = tpu.memref_slice %arg7[%dma_start3A_1214, %dma_start3A_1215] : memref<3072x8xf32, #tpu.memory_space<vmem>> -> memref<128x8xf32, #tpu.memory_space<vmem>>
        %dma_start3A_1217 = arith.constant 0 : i32
        %dma_start3A_1218 = arith.constant 0 : i32
        %dma_start3A_1219 = tpu.memref_slice %run_scoped3A_11[%rem3A_219, %dma_start3A_1217, %dma_start3A_1218] : memref<2x24x128xi32, #tpu.memory_space<vmem>> -> memref<1x24x128xi32, #tpu.memory_space<vmem>>
        %dma_start3A_1220 = tpu.memref_squeeze %dma_start3A_1219 : memref<1x24x128xi32, #tpu.memory_space<vmem>> -> memref<24x128xi32, #tpu.memory_space<vmem>>
        %dma_start3A_1221 = arith.constant 0 : i32
        %dma_start3A_1222 = tpu.memref_slice %dma_start3A_1220[%dma_start3A_1213, %dma_start3A_1221] : memref<24x128xi32, #tpu.memory_space<vmem>> -> memref<1x128xi32, #tpu.memory_space<vmem>>
        %dma_start3A_1223 = tpu.memref_squeeze %dma_start3A_1222 : memref<1x128xi32, #tpu.memory_space<vmem>> -> memref<128xi32, #tpu.memory_space<vmem>>
        %dma_start3A_1224 = arith.constant 0 : i32
        %dma_start3A_1225 = arith.constant 0 : i32
        %dma_start3A_1226 = tpu.memref_slice %arg8[%dma_start3A_1224, %dma_start3A_1225] : memref<100096x8xf32, #tpu.memory_space<vmem_shared>> -> memref<100096x8xf32, #tpu.memory_space<vmem_shared>>
        tpu.enqueue_indirect_dma source(%dma_start3A_1216 : memref<128x8xf32, #tpu.memory_space<vmem>>) target(%dma_start3A_1226 : memref<100096x8xf32, #tpu.memory_space<vmem_shared>>) offsets(%dma_start3A_1223 : memref<128xi32, #tpu.memory_space<vmem>>) semaphore(%arg10 : memref<!tpu.dma_semaphore, #tpu.memory_space<semaphore_mem>>) {add = true}
        %dma_wait3A_1227 = arith.constant 0 : i32
        %dma_wait3A_1228 = arith.constant 0 : i32
        %dma_wait3A_1229 = arith.constant 0 : i32
        %dma_wait3A_1230 = tpu.memref_slice %arg7[%dma_wait3A_1228, %dma_wait3A_1229] : memref<3072x8xf32, #tpu.memory_space<vmem>> -> memref<128x8xf32, #tpu.memory_space<vmem>>
        %dma_wait3A_1231 = arith.constant 0 : i32
        %dma_wait3A_1232 = arith.constant 0 : i32
        %dma_wait3A_1233 = tpu.memref_slice %run_scoped3A_11[%rem3A_219, %dma_wait3A_1231, %dma_wait3A_1232] : memref<2x24x128xi32, #tpu.memory_space<vmem>> -> memref<1x24x128xi32, #tpu.memory_space<vmem>>
        %dma_wait3A_1234 = tpu.memref_squeeze %dma_wait3A_1233 : memref<1x24x128xi32, #tpu.memory_space<vmem>> -> memref<24x128xi32, #tpu.memory_space<vmem>>
        %dma_wait3A_1235 = arith.constant 0 : i32
        %dma_wait3A_1236 = tpu.memref_slice %dma_wait3A_1234[%dma_wait3A_1227, %dma_wait3A_1235] : memref<24x128xi32, #tpu.memory_space<vmem>> -> memref<1x128xi32, #tpu.memory_space<vmem>>
        %dma_wait3A_1237 = tpu.memref_squeeze %dma_wait3A_1236 : memref<1x128xi32, #tpu.memory_space<vmem>> -> memref<128xi32, #tpu.memory_space<vmem>>
        %dma_wait3A_1238 = arith.constant 0 : i32
        %dma_wait3A_1239 = arith.constant 0 : i32
        %dma_wait3A_1240 = tpu.memref_slice %arg8[%dma_wait3A_1238, %dma_wait3A_1239] : memref<100096x8xf32, #tpu.memory_space<vmem_shared>> -> memref<100096x8xf32, #tpu.memory_space<vmem_shared>>
        tpu.wait_indirect_dma semaphore(%arg10 : memref<!tpu.dma_semaphore, #tpu.memory_space<semaphore_mem>>) src(%dma_wait3A_1230 : memref<128x8xf32, #tpu.memory_space<vmem>>) dst(%dma_wait3A_1240 : memref<100096x8xf32, #tpu.memory_space<vmem_shared>>)
        %dma_wait3A_1241 = arith.constant 1 : i32
        %dma_wait3A_1242 = arith.constant 128 : i32
        %dma_wait3A_1243 = arith.constant 0 : i32
        %dma_wait3A_1244 = tpu.memref_slice %arg7[%dma_wait3A_1242, %dma_wait3A_1243] : memref<3072x8xf32, #tpu.memory_space<vmem>> -> memref<128x8xf32, #tpu.memory_space<vmem>>
        %dma_wait3A_1245 = arith.constant 0 : i32
        %dma_wait3A_1246 = arith.constant 0 : i32
        %dma_wait3A_1247 = tpu.memref_slice %run_scoped3A_11[%rem3A_219, %dma_wait3A_1245, %dma_wait3A_1246] : memref<2x24x128xi32, #tpu.memory_space<vmem>> -> memref<1x24x128xi32, #tpu.memory_space<vmem>>
        %dma_wait3A_1248 = tpu.memref_squeeze %dma_wait3A_1247 : memref<1x24x128xi32, #tpu.memory_space<vmem>> -> memref<24x128xi32, #tpu.memory_space<vmem>>
        %dma_wait3A_1249 = arith.constant 0 : i32
        %dma_wait3A_1250 = tpu.memref_slice %dma_wait3A_1248[%dma_wait3A_1241, %dma_wait3A_1249] : memref<24x128xi32, #tpu.memory_space<vmem>> -> memref<1x128xi32, #tpu.memory_space<vmem>>
        %dma_wait3A_1251 = tpu.memref_squeeze %dma_wait3A_1250 : memref<1x128xi32, #tpu.memory_space<vmem>> -> memref<128xi32, #tpu.memory_space<vmem>>
        %dma_wait3A_1252 = arith.constant 0 : i32
        %dma_wait3A_1253 = arith.constant 0 : i32
        %dma_wait3A_1254 = tpu.memref_slice %arg8[%dma_wait3A_1252, %dma_wait3A_1253] : memref<100096x8xf32, #tpu.memory_space<vmem_shared>> -> memref<100096x8xf32, #tpu.memory_space<vmem_shared>>
        tpu.wait_indirect_dma semaphore(%arg10 : memref<!tpu.dma_semaphore, #tpu.memory_space<semaphore_mem>>) src(%dma_wait3A_1244 : memref<128x8xf32, #tpu.memory_space<vmem>>) dst(%dma_wait3A_1254 : memref<100096x8xf32, #tpu.memory_space<vmem_shared>>)
        %dma_wait3A_1255 = arith.constant 2 : i32
        %dma_wait3A_1256 = arith.constant 256 : i32
        %dma_wait3A_1257 = arith.constant 0 : i32
        %dma_wait3A_1258 = tpu.memref_slice %arg7[%dma_wait3A_1256, %dma_wait3A_1257] : memref<3072x8xf32, #tpu.memory_space<vmem>> -> memref<128x8xf32, #tpu.memory_space<vmem>>
        %dma_wait3A_1259 = arith.constant 0 : i32
        %dma_wait3A_1260 = arith.constant 0 : i32
        %dma_wait3A_1261 = tpu.memref_slice %run_scoped3A_11[%rem3A_219, %dma_wait3A_1259, %dma_wait3A_1260] : memref<2x24x128xi32, #tpu.memory_space<vmem>> -> memref<1x24x128xi32, #tpu.memory_space<vmem>>
        %dma_wait3A_1262 = tpu.memref_squeeze %dma_wait3A_1261 : memref<1x24x128xi32, #tpu.memory_space<vmem>> -> memref<24x128xi32, #tpu.memory_space<vmem>>
        %dma_wait3A_1263 = arith.constant 0 : i32
        %dma_wait3A_1264 = tpu.memref_slice %dma_wait3A_1262[%dma_wait3A_1255, %dma_wait3A_1263] : memref<24x128xi32, #tpu.memory_space<vmem>> -> memref<1x128xi32, #tpu.memory_space<vmem>>
        %dma_wait3A_1265 = tpu.memref_squeeze %dma_wait3A_1264 : memref<1x128xi32, #tpu.memory_space<vmem>> -> memref<128xi32, #tpu.memory_space<vmem>>
        %dma_wait3A_1266 = arith.constant 0 : i32
        %dma_wait3A_1267 = arith.constant 0 : i32
        %dma_wait3A_1268 = tpu.memref_slice %arg8[%dma_wait3A_1266, %dma_wait3A_1267] : memref<100096x8xf32, #tpu.memory_space<vmem_shared>> -> memref<100096x8xf32, #tpu.memory_space<vmem_shared>>
        tpu.wait_indirect_dma semaphore(%arg10 : memref<!tpu.dma_semaphore, #tpu.memory_space<semaphore_mem>>) src(%dma_wait3A_1258 : memref<128x8xf32, #tpu.memory_space<vmem>>) dst(%dma_wait3A_1268 : memref<100096x8xf32, #tpu.memory_space<vmem_shared>>)
        %dma_wait3A_1269 = arith.constant 3 : i32
        %dma_wait3A_1270 = arith.constant 384 : i32
        %dma_wait3A_1271 = arith.constant 0 : i32
        %dma_wait3A_1272 = tpu.memref_slice %arg7[%dma_wait3A_1270, %dma_wait3A_1271] : memref<3072x8xf32, #tpu.memory_space<vmem>> -> memref<128x8xf32, #tpu.memory_space<vmem>>
        %dma_wait3A_1273 = arith.constant 0 : i32
        %dma_wait3A_1274 = arith.constant 0 : i32
        %dma_wait3A_1275 = tpu.memref_slice %run_scoped3A_11[%rem3A_219, %dma_wait3A_1273, %dma_wait3A_1274] : memref<2x24x128xi32, #tpu.memory_space<vmem>> -> memref<1x24x128xi32, #tpu.memory_space<vmem>>
        %dma_wait3A_1276 = tpu.memref_squeeze %dma_wait3A_1275 : memref<1x24x128xi32, #tpu.memory_space<vmem>> -> memref<24x128xi32, #tpu.memory_space<vmem>>
        %dma_wait3A_1277 = arith.constant 0 : i32
        %dma_wait3A_1278 = tpu.memref_slice %dma_wait3A_1276[%dma_wait3A_1269, %dma_wait3A_1277] : memref<24x128xi32, #tpu.memory_space<vmem>> -> memref<1x128xi32, #tpu.memory_space<vmem>>
        %dma_wait3A_1279 = tpu.memref_squeeze %dma_wait3A_1278 : memref<1x128xi32, #tpu.memory_space<vmem>> -> memref<128xi32, #tpu.memory_space<vmem>>
        %dma_wait3A_1280 = arith.constant 0 : i32
        %dma_wait3A_1281 = arith.constant 0 : i32
        %dma_wait3A_1282 = tpu.memref_slice %arg8[%dma_wait3A_1280, %dma_wait3A_1281] : memref<100096x8xf32, #tpu.memory_space<vmem_shared>> -> memref<100096x8xf32, #tpu.memory_space<vmem_shared>>
        tpu.wait_indirect_dma semaphore(%arg10 : memref<!tpu.dma_semaphore, #tpu.memory_space<semaphore_mem>>) src(%dma_wait3A_1272 : memref<128x8xf32, #tpu.memory_space<vmem>>) dst(%dma_wait3A_1282 : memref<100096x8xf32, #tpu.memory_space<vmem_shared>>)
        %dma_wait3A_1283 = arith.constant 4 : i32
        %dma_wait3A_1284 = arith.constant 512 : i32
        %dma_wait3A_1285 = arith.constant 0 : i32
        %dma_wait3A_1286 = tpu.memref_slice %arg7[%dma_wait3A_1284, %dma_wait3A_1285] : memref<3072x8xf32, #tpu.memory_space<vmem>> -> memref<128x8xf32, #tpu.memory_space<vmem>>
        %dma_wait3A_1287 = arith.constant 0 : i32
        %dma_wait3A_1288 = arith.constant 0 : i32
        %dma_wait3A_1289 = tpu.memref_slice %run_scoped3A_11[%rem3A_219, %dma_wait3A_1287, %dma_wait3A_1288] : memref<2x24x128xi32, #tpu.memory_space<vmem>> -> memref<1x24x128xi32, #tpu.memory_space<vmem>>
        %dma_wait3A_1290 = tpu.memref_squeeze %dma_wait3A_1289 : memref<1x24x128xi32, #tpu.memory_space<vmem>> -> memref<24x128xi32, #tpu.memory_space<vmem>>
        %dma_wait3A_1291 = arith.constant 0 : i32
        %dma_wait3A_1292 = tpu.memref_slice %dma_wait3A_1290[%dma_wait3A_1283, %dma_wait3A_1291] : memref<24x128xi32, #tpu.memory_space<vmem>> -> memref<1x128xi32, #tpu.memory_space<vmem>>
        %dma_wait3A_1293 = tpu.memref_squeeze %dma_wait3A_1292 : memref<1x128xi32, #tpu.memory_space<vmem>> -> memref<128xi32, #tpu.memory_space<vmem>>
        %dma_wait3A_1294 = arith.constant 0 : i32
        %dma_wait3A_1295 = arith.constant 0 : i32
        %dma_wait3A_1296 = tpu.memref_slice %arg8[%dma_wait3A_1294, %dma_wait3A_1295] : memref<100096x8xf32, #tpu.memory_space<vmem_shared>> -> memref<100096x8xf32, #tpu.memory_space<vmem_shared>>
        tpu.wait_indirect_dma semaphore(%arg10 : memref<!tpu.dma_semaphore, #tpu.memory_space<semaphore_mem>>) src(%dma_wait3A_1286 : memref<128x8xf32, #tpu.memory_space<vmem>>) dst(%dma_wait3A_1296 : memref<100096x8xf32, #tpu.memory_space<vmem_shared>>)
        %dma_wait3A_1297 = arith.constant 5 : i32
        %dma_wait3A_1298 = arith.constant 640 : i32
        %dma_wait3A_1299 = arith.constant 0 : i32
        %dma_wait3A_1300 = tpu.memref_slice %arg7[%dma_wait3A_1298, %dma_wait3A_1299] : memref<3072x8xf32, #tpu.memory_space<vmem>> -> memref<128x8xf32, #tpu.memory_space<vmem>>
        %dma_wait3A_1301 = arith.constant 0 : i32
        %dma_wait3A_1302 = arith.constant 0 : i32
        %dma_wait3A_1303 = tpu.memref_slice %run_scoped3A_11[%rem3A_219, %dma_wait3A_1301, %dma_wait3A_1302] : memref<2x24x128xi32, #tpu.memory_space<vmem>> -> memref<1x24x128xi32, #tpu.memory_space<vmem>>
        %dma_wait3A_1304 = tpu.memref_squeeze %dma_wait3A_1303 : memref<1x24x128xi32, #tpu.memory_space<vmem>> -> memref<24x128xi32, #tpu.memory_space<vmem>>
        %dma_wait3A_1305 = arith.constant 0 : i32
        %dma_wait3A_1306 = tpu.memref_slice %dma_wait3A_1304[%dma_wait3A_1297, %dma_wait3A_1305] : memref<24x128xi32, #tpu.memory_space<vmem>> -> memref<1x128xi32, #tpu.memory_space<vmem>>
        %dma_wait3A_1307 = tpu.memref_squeeze %dma_wait3A_1306 : memref<1x128xi32, #tpu.memory_space<vmem>> -> memref<128xi32, #tpu.memory_space<vmem>>
        %dma_wait3A_1308 = arith.constant 0 : i32
        %dma_wait3A_1309 = arith.constant 0 : i32
        %dma_wait3A_1310 = tpu.memref_slice %arg8[%dma_wait3A_1308, %dma_wait3A_1309] : memref<100096x8xf32, #tpu.memory_space<vmem_shared>> -> memref<100096x8xf32, #tpu.memory_space<vmem_shared>>
        tpu.wait_indirect_dma semaphore(%arg10 : memref<!tpu.dma_semaphore, #tpu.memory_space<semaphore_mem>>) src(%dma_wait3A_1300 : memref<128x8xf32, #tpu.memory_space<vmem>>) dst(%dma_wait3A_1310 : memref<100096x8xf32, #tpu.memory_space<vmem_shared>>)
        %dma_wait3A_1311 = arith.constant 6 : i32
        %dma_wait3A_1312 = arith.constant 768 : i32
        %dma_wait3A_1313 = arith.constant 0 : i32
        %dma_wait3A_1314 = tpu.memref_slice %arg7[%dma_wait3A_1312, %dma_wait3A_1313] : memref<3072x8xf32, #tpu.memory_space<vmem>> -> memref<128x8xf32, #tpu.memory_space<vmem>>
        %dma_wait3A_1315 = arith.constant 0 : i32
        %dma_wait3A_1316 = arith.constant 0 : i32
        %dma_wait3A_1317 = tpu.memref_slice %run_scoped3A_11[%rem3A_219, %dma_wait3A_1315, %dma_wait3A_1316] : memref<2x24x128xi32, #tpu.memory_space<vmem>> -> memref<1x24x128xi32, #tpu.memory_space<vmem>>
        %dma_wait3A_1318 = tpu.memref_squeeze %dma_wait3A_1317 : memref<1x24x128xi32, #tpu.memory_space<vmem>> -> memref<24x128xi32, #tpu.memory_space<vmem>>
        %dma_wait3A_1319 = arith.constant 0 : i32
        %dma_wait3A_1320 = tpu.memref_slice %dma_wait3A_1318[%dma_wait3A_1311, %dma_wait3A_1319] : memref<24x128xi32, #tpu.memory_space<vmem>> -> memref<1x128xi32, #tpu.memory_space<vmem>>
        %dma_wait3A_1321 = tpu.memref_squeeze %dma_wait3A_1320 : memref<1x128xi32, #tpu.memory_space<vmem>> -> memref<128xi32, #tpu.memory_space<vmem>>
        %dma_wait3A_1322 = arith.constant 0 : i32
        %dma_wait3A_1323 = arith.constant 0 : i32
        %dma_wait3A_1324 = tpu.memref_slice %arg8[%dma_wait3A_1322, %dma_wait3A_1323] : memref<100096x8xf32, #tpu.memory_space<vmem_shared>> -> memref<100096x8xf32, #tpu.memory_space<vmem_shared>>
        tpu.wait_indirect_dma semaphore(%arg10 : memref<!tpu.dma_semaphore, #tpu.memory_space<semaphore_mem>>) src(%dma_wait3A_1314 : memref<128x8xf32, #tpu.memory_space<vmem>>) dst(%dma_wait3A_1324 : memref<100096x8xf32, #tpu.memory_space<vmem_shared>>)
        %dma_wait3A_1325 = arith.constant 7 : i32
        %dma_wait3A_1326 = arith.constant 896 : i32
        %dma_wait3A_1327 = arith.constant 0 : i32
        %dma_wait3A_1328 = tpu.memref_slice %arg7[%dma_wait3A_1326, %dma_wait3A_1327] : memref<3072x8xf32, #tpu.memory_space<vmem>> -> memref<128x8xf32, #tpu.memory_space<vmem>>
        %dma_wait3A_1329 = arith.constant 0 : i32
        %dma_wait3A_1330 = arith.constant 0 : i32
        %dma_wait3A_1331 = tpu.memref_slice %run_scoped3A_11[%rem3A_219, %dma_wait3A_1329, %dma_wait3A_1330] : memref<2x24x128xi32, #tpu.memory_space<vmem>> -> memref<1x24x128xi32, #tpu.memory_space<vmem>>
        %dma_wait3A_1332 = tpu.memref_squeeze %dma_wait3A_1331 : memref<1x24x128xi32, #tpu.memory_space<vmem>> -> memref<24x128xi32, #tpu.memory_space<vmem>>
        %dma_wait3A_1333 = arith.constant 0 : i32
        %dma_wait3A_1334 = tpu.memref_slice %dma_wait3A_1332[%dma_wait3A_1325, %dma_wait3A_1333] : memref<24x128xi32, #tpu.memory_space<vmem>> -> memref<1x128xi32, #tpu.memory_space<vmem>>
        %dma_wait3A_1335 = tpu.memref_squeeze %dma_wait3A_1334 : memref<1x128xi32, #tpu.memory_space<vmem>> -> memref<128xi32, #tpu.memory_space<vmem>>
        %dma_wait3A_1336 = arith.constant 0 : i32
        %dma_wait3A_1337 = arith.constant 0 : i32
        %dma_wait3A_1338 = tpu.memref_slice %arg8[%dma_wait3A_1336, %dma_wait3A_1337] : memref<100096x8xf32, #tpu.memory_space<vmem_shared>> -> memref<100096x8xf32, #tpu.memory_space<vmem_shared>>
        tpu.wait_indirect_dma semaphore(%arg10 : memref<!tpu.dma_semaphore, #tpu.memory_space<semaphore_mem>>) src(%dma_wait3A_1328 : memref<128x8xf32, #tpu.memory_space<vmem>>) dst(%dma_wait3A_1338 : memref<100096x8xf32, #tpu.memory_space<vmem_shared>>)
        %dma_wait3A_1339 = arith.constant 8 : i32
        %dma_wait3A_1340 = arith.constant 1024 : i32
        %dma_wait3A_1341 = arith.constant 0 : i32
        %dma_wait3A_1342 = tpu.memref_slice %arg7[%dma_wait3A_1340, %dma_wait3A_1341] : memref<3072x8xf32, #tpu.memory_space<vmem>> -> memref<128x8xf32, #tpu.memory_space<vmem>>
        %dma_wait3A_1343 = arith.constant 0 : i32
        %dma_wait3A_1344 = arith.constant 0 : i32
        %dma_wait3A_1345 = tpu.memref_slice %run_scoped3A_11[%rem3A_219, %dma_wait3A_1343, %dma_wait3A_1344] : memref<2x24x128xi32, #tpu.memory_space<vmem>> -> memref<1x24x128xi32, #tpu.memory_space<vmem>>
        %dma_wait3A_1346 = tpu.memref_squeeze %dma_wait3A_1345 : memref<1x24x128xi32, #tpu.memory_space<vmem>> -> memref<24x128xi32, #tpu.memory_space<vmem>>
        %dma_wait3A_1347 = arith.constant 0 : i32
        %dma_wait3A_1348 = tpu.memref_slice %dma_wait3A_1346[%dma_wait3A_1339, %dma_wait3A_1347] : memref<24x128xi32, #tpu.memory_space<vmem>> -> memref<1x128xi32, #tpu.memory_space<vmem>>
        %dma_wait3A_1349 = tpu.memref_squeeze %dma_wait3A_1348 : memref<1x128xi32, #tpu.memory_space<vmem>> -> memref<128xi32, #tpu.memory_space<vmem>>
        %dma_wait3A_1350 = arith.constant 0 : i32
        %dma_wait3A_1351 = arith.constant 0 : i32
        %dma_wait3A_1352 = tpu.memref_slice %arg8[%dma_wait3A_1350, %dma_wait3A_1351] : memref<100096x8xf32, #tpu.memory_space<vmem_shared>> -> memref<100096x8xf32, #tpu.memory_space<vmem_shared>>
        tpu.wait_indirect_dma semaphore(%arg10 : memref<!tpu.dma_semaphore, #tpu.memory_space<semaphore_mem>>) src(%dma_wait3A_1342 : memref<128x8xf32, #tpu.memory_space<vmem>>) dst(%dma_wait3A_1352 : memref<100096x8xf32, #tpu.memory_space<vmem_shared>>)
        %dma_wait3A_1353 = arith.constant 9 : i32
        %dma_wait3A_1354 = arith.constant 1152 : i32
        %dma_wait3A_1355 = arith.constant 0 : i32
        %dma_wait3A_1356 = tpu.memref_slice %arg7[%dma_wait3A_1354, %dma_wait3A_1355] : memref<3072x8xf32, #tpu.memory_space<vmem>> -> memref<128x8xf32, #tpu.memory_space<vmem>>
        %dma_wait3A_1357 = arith.constant 0 : i32
        %dma_wait3A_1358 = arith.constant 0 : i32
        %dma_wait3A_1359 = tpu.memref_slice %run_scoped3A_11[%rem3A_219, %dma_wait3A_1357, %dma_wait3A_1358] : memref<2x24x128xi32, #tpu.memory_space<vmem>> -> memref<1x24x128xi32, #tpu.memory_space<vmem>>
        %dma_wait3A_1360 = tpu.memref_squeeze %dma_wait3A_1359 : memref<1x24x128xi32, #tpu.memory_space<vmem>> -> memref<24x128xi32, #tpu.memory_space<vmem>>
        %dma_wait3A_1361 = arith.constant 0 : i32
        %dma_wait3A_1362 = tpu.memref_slice %dma_wait3A_1360[%dma_wait3A_1353, %dma_wait3A_1361] : memref<24x128xi32, #tpu.memory_space<vmem>> -> memref<1x128xi32, #tpu.memory_space<vmem>>
        %dma_wait3A_1363 = tpu.memref_squeeze %dma_wait3A_1362 : memref<1x128xi32, #tpu.memory_space<vmem>> -> memref<128xi32, #tpu.memory_space<vmem>>
        %dma_wait3A_1364 = arith.constant 0 : i32
        %dma_wait3A_1365 = arith.constant 0 : i32
        %dma_wait3A_1366 = tpu.memref_slice %arg8[%dma_wait3A_1364, %dma_wait3A_1365] : memref<100096x8xf32, #tpu.memory_space<vmem_shared>> -> memref<100096x8xf32, #tpu.memory_space<vmem_shared>>
        tpu.wait_indirect_dma semaphore(%arg10 : memref<!tpu.dma_semaphore, #tpu.memory_space<semaphore_mem>>) src(%dma_wait3A_1356 : memref<128x8xf32, #tpu.memory_space<vmem>>) dst(%dma_wait3A_1366 : memref<100096x8xf32, #tpu.memory_space<vmem_shared>>)
        %dma_wait3A_1367 = arith.constant 10 : i32
        %dma_wait3A_1368 = arith.constant 1280 : i32
        %dma_wait3A_1369 = arith.constant 0 : i32
        %dma_wait3A_1370 = tpu.memref_slice %arg7[%dma_wait3A_1368, %dma_wait3A_1369] : memref<3072x8xf32, #tpu.memory_space<vmem>> -> memref<128x8xf32, #tpu.memory_space<vmem>>
        %dma_wait3A_1371 = arith.constant 0 : i32
        %dma_wait3A_1372 = arith.constant 0 : i32
        %dma_wait3A_1373 = tpu.memref_slice %run_scoped3A_11[%rem3A_219, %dma_wait3A_1371, %dma_wait3A_1372] : memref<2x24x128xi32, #tpu.memory_space<vmem>> -> memref<1x24x128xi32, #tpu.memory_space<vmem>>
        %dma_wait3A_1374 = tpu.memref_squeeze %dma_wait3A_1373 : memref<1x24x128xi32, #tpu.memory_space<vmem>> -> memref<24x128xi32, #tpu.memory_space<vmem>>
        %dma_wait3A_1375 = arith.constant 0 : i32
        %dma_wait3A_1376 = tpu.memref_slice %dma_wait3A_1374[%dma_wait3A_1367, %dma_wait3A_1375] : memref<24x128xi32, #tpu.memory_space<vmem>> -> memref<1x128xi32, #tpu.memory_space<vmem>>
        %dma_wait3A_1377 = tpu.memref_squeeze %dma_wait3A_1376 : memref<1x128xi32, #tpu.memory_space<vmem>> -> memref<128xi32, #tpu.memory_space<vmem>>
        %dma_wait3A_1378 = arith.constant 0 : i32
        %dma_wait3A_1379 = arith.constant 0 : i32
        %dma_wait3A_1380 = tpu.memref_slice %arg8[%dma_wait3A_1378, %dma_wait3A_1379] : memref<100096x8xf32, #tpu.memory_space<vmem_shared>> -> memref<100096x8xf32, #tpu.memory_space<vmem_shared>>
        tpu.wait_indirect_dma semaphore(%arg10 : memref<!tpu.dma_semaphore, #tpu.memory_space<semaphore_mem>>) src(%dma_wait3A_1370 : memref<128x8xf32, #tpu.memory_space<vmem>>) dst(%dma_wait3A_1380 : memref<100096x8xf32, #tpu.memory_space<vmem_shared>>)
        %dma_wait3A_1381 = arith.constant 11 : i32
        %dma_wait3A_1382 = arith.constant 1408 : i32
        %dma_wait3A_1383 = arith.constant 0 : i32
        %dma_wait3A_1384 = tpu.memref_slice %arg7[%dma_wait3A_1382, %dma_wait3A_1383] : memref<3072x8xf32, #tpu.memory_space<vmem>> -> memref<128x8xf32, #tpu.memory_space<vmem>>
        %dma_wait3A_1385 = arith.constant 0 : i32
        %dma_wait3A_1386 = arith.constant 0 : i32
        %dma_wait3A_1387 = tpu.memref_slice %run_scoped3A_11[%rem3A_219, %dma_wait3A_1385, %dma_wait3A_1386] : memref<2x24x128xi32, #tpu.memory_space<vmem>> -> memref<1x24x128xi32, #tpu.memory_space<vmem>>
        %dma_wait3A_1388 = tpu.memref_squeeze %dma_wait3A_1387 : memref<1x24x128xi32, #tpu.memory_space<vmem>> -> memref<24x128xi32, #tpu.memory_space<vmem>>
        %dma_wait3A_1389 = arith.constant 0 : i32
        %dma_wait3A_1390 = tpu.memref_slice %dma_wait3A_1388[%dma_wait3A_1381, %dma_wait3A_1389] : memref<24x128xi32, #tpu.memory_space<vmem>> -> memref<1x128xi32, #tpu.memory_space<vmem>>
        %dma_wait3A_1391 = tpu.memref_squeeze %dma_wait3A_1390 : memref<1x128xi32, #tpu.memory_space<vmem>> -> memref<128xi32, #tpu.memory_space<vmem>>
        %dma_wait3A_1392 = arith.constant 0 : i32
        %dma_wait3A_1393 = arith.constant 0 : i32
        %dma_wait3A_1394 = tpu.memref_slice %arg8[%dma_wait3A_1392, %dma_wait3A_1393] : memref<100096x8xf32, #tpu.memory_space<vmem_shared>> -> memref<100096x8xf32, #tpu.memory_space<vmem_shared>>
        tpu.wait_indirect_dma semaphore(%arg10 : memref<!tpu.dma_semaphore, #tpu.memory_space<semaphore_mem>>) src(%dma_wait3A_1384 : memref<128x8xf32, #tpu.memory_space<vmem>>) dst(%dma_wait3A_1394 : memref<100096x8xf32, #tpu.memory_space<vmem_shared>>)
        %dma_wait3A_1395 = arith.constant 12 : i32
        %dma_wait3A_1396 = arith.constant 1536 : i32
        %dma_wait3A_1397 = arith.constant 0 : i32
        %dma_wait3A_1398 = tpu.memref_slice %arg7[%dma_wait3A_1396, %dma_wait3A_1397] : memref<3072x8xf32, #tpu.memory_space<vmem>> -> memref<128x8xf32, #tpu.memory_space<vmem>>
        %dma_wait3A_1399 = arith.constant 0 : i32
        %dma_wait3A_1400 = arith.constant 0 : i32
        %dma_wait3A_1401 = tpu.memref_slice %run_scoped3A_11[%rem3A_219, %dma_wait3A_1399, %dma_wait3A_1400] : memref<2x24x128xi32, #tpu.memory_space<vmem>> -> memref<1x24x128xi32, #tpu.memory_space<vmem>>
        %dma_wait3A_1402 = tpu.memref_squeeze %dma_wait3A_1401 : memref<1x24x128xi32, #tpu.memory_space<vmem>> -> memref<24x128xi32, #tpu.memory_space<vmem>>
        %dma_wait3A_1403 = arith.constant 0 : i32
        %dma_wait3A_1404 = tpu.memref_slice %dma_wait3A_1402[%dma_wait3A_1395, %dma_wait3A_1403] : memref<24x128xi32, #tpu.memory_space<vmem>> -> memref<1x128xi32, #tpu.memory_space<vmem>>
        %dma_wait3A_1405 = tpu.memref_squeeze %dma_wait3A_1404 : memref<1x128xi32, #tpu.memory_space<vmem>> -> memref<128xi32, #tpu.memory_space<vmem>>
        %dma_wait3A_1406 = arith.constant 0 : i32
        %dma_wait3A_1407 = arith.constant 0 : i32
        %dma_wait3A_1408 = tpu.memref_slice %arg8[%dma_wait3A_1406, %dma_wait3A_1407] : memref<100096x8xf32, #tpu.memory_space<vmem_shared>> -> memref<100096x8xf32, #tpu.memory_space<vmem_shared>>
        tpu.wait_indirect_dma semaphore(%arg10 : memref<!tpu.dma_semaphore, #tpu.memory_space<semaphore_mem>>) src(%dma_wait3A_1398 : memref<128x8xf32, #tpu.memory_space<vmem>>) dst(%dma_wait3A_1408 : memref<100096x8xf32, #tpu.memory_space<vmem_shared>>)
        %dma_wait3A_1409 = arith.constant 13 : i32
        %dma_wait3A_1410 = arith.constant 1664 : i32
        %dma_wait3A_1411 = arith.constant 0 : i32
        %dma_wait3A_1412 = tpu.memref_slice %arg7[%dma_wait3A_1410, %dma_wait3A_1411] : memref<3072x8xf32, #tpu.memory_space<vmem>> -> memref<128x8xf32, #tpu.memory_space<vmem>>
        %dma_wait3A_1413 = arith.constant 0 : i32
        %dma_wait3A_1414 = arith.constant 0 : i32
        %dma_wait3A_1415 = tpu.memref_slice %run_scoped3A_11[%rem3A_219, %dma_wait3A_1413, %dma_wait3A_1414] : memref<2x24x128xi32, #tpu.memory_space<vmem>> -> memref<1x24x128xi32, #tpu.memory_space<vmem>>
        %dma_wait3A_1416 = tpu.memref_squeeze %dma_wait3A_1415 : memref<1x24x128xi32, #tpu.memory_space<vmem>> -> memref<24x128xi32, #tpu.memory_space<vmem>>
        %dma_wait3A_1417 = arith.constant 0 : i32
        %dma_wait3A_1418 = tpu.memref_slice %dma_wait3A_1416[%dma_wait3A_1409, %dma_wait3A_1417] : memref<24x128xi32, #tpu.memory_space<vmem>> -> memref<1x128xi32, #tpu.memory_space<vmem>>
        %dma_wait3A_1419 = tpu.memref_squeeze %dma_wait3A_1418 : memref<1x128xi32, #tpu.memory_space<vmem>> -> memref<128xi32, #tpu.memory_space<vmem>>
        %dma_wait3A_1420 = arith.constant 0 : i32
        %dma_wait3A_1421 = arith.constant 0 : i32
        %dma_wait3A_1422 = tpu.memref_slice %arg8[%dma_wait3A_1420, %dma_wait3A_1421] : memref<100096x8xf32, #tpu.memory_space<vmem_shared>> -> memref<100096x8xf32, #tpu.memory_space<vmem_shared>>
        tpu.wait_indirect_dma semaphore(%arg10 : memref<!tpu.dma_semaphore, #tpu.memory_space<semaphore_mem>>) src(%dma_wait3A_1412 : memref<128x8xf32, #tpu.memory_space<vmem>>) dst(%dma_wait3A_1422 : memref<100096x8xf32, #tpu.memory_space<vmem_shared>>)
        %dma_wait3A_1423 = arith.constant 14 : i32
        %dma_wait3A_1424 = arith.constant 1792 : i32
        %dma_wait3A_1425 = arith.constant 0 : i32
        %dma_wait3A_1426 = tpu.memref_slice %arg7[%dma_wait3A_1424, %dma_wait3A_1425] : memref<3072x8xf32, #tpu.memory_space<vmem>> -> memref<128x8xf32, #tpu.memory_space<vmem>>
        %dma_wait3A_1427 = arith.constant 0 : i32
        %dma_wait3A_1428 = arith.constant 0 : i32
        %dma_wait3A_1429 = tpu.memref_slice %run_scoped3A_11[%rem3A_219, %dma_wait3A_1427, %dma_wait3A_1428] : memref<2x24x128xi32, #tpu.memory_space<vmem>> -> memref<1x24x128xi32, #tpu.memory_space<vmem>>
        %dma_wait3A_1430 = tpu.memref_squeeze %dma_wait3A_1429 : memref<1x24x128xi32, #tpu.memory_space<vmem>> -> memref<24x128xi32, #tpu.memory_space<vmem>>
        %dma_wait3A_1431 = arith.constant 0 : i32
        %dma_wait3A_1432 = tpu.memref_slice %dma_wait3A_1430[%dma_wait3A_1423, %dma_wait3A_1431] : memref<24x128xi32, #tpu.memory_space<vmem>> -> memref<1x128xi32, #tpu.memory_space<vmem>>
        %dma_wait3A_1433 = tpu.memref_squeeze %dma_wait3A_1432 : memref<1x128xi32, #tpu.memory_space<vmem>> -> memref<128xi32, #tpu.memory_space<vmem>>
        %dma_wait3A_1434 = arith.constant 0 : i32
        %dma_wait3A_1435 = arith.constant 0 : i32
        %dma_wait3A_1436 = tpu.memref_slice %arg8[%dma_wait3A_1434, %dma_wait3A_1435] : memref<100096x8xf32, #tpu.memory_space<vmem_shared>> -> memref<100096x8xf32, #tpu.memory_space<vmem_shared>>
        tpu.wait_indirect_dma semaphore(%arg10 : memref<!tpu.dma_semaphore, #tpu.memory_space<semaphore_mem>>) src(%dma_wait3A_1426 : memref<128x8xf32, #tpu.memory_space<vmem>>) dst(%dma_wait3A_1436 : memref<100096x8xf32, #tpu.memory_space<vmem_shared>>)
        %dma_wait3A_1437 = arith.constant 15 : i32
        %dma_wait3A_1438 = arith.constant 1920 : i32
        %dma_wait3A_1439 = arith.constant 0 : i32
        %dma_wait3A_1440 = tpu.memref_slice %arg7[%dma_wait3A_1438, %dma_wait3A_1439] : memref<3072x8xf32, #tpu.memory_space<vmem>> -> memref<128x8xf32, #tpu.memory_space<vmem>>
        %dma_wait3A_1441 = arith.constant 0 : i32
        %dma_wait3A_1442 = arith.constant 0 : i32
        %dma_wait3A_1443 = tpu.memref_slice %run_scoped3A_11[%rem3A_219, %dma_wait3A_1441, %dma_wait3A_1442] : memref<2x24x128xi32, #tpu.memory_space<vmem>> -> memref<1x24x128xi32, #tpu.memory_space<vmem>>
        %dma_wait3A_1444 = tpu.memref_squeeze %dma_wait3A_1443 : memref<1x24x128xi32, #tpu.memory_space<vmem>> -> memref<24x128xi32, #tpu.memory_space<vmem>>
        %dma_wait3A_1445 = arith.constant 0 : i32
        %dma_wait3A_1446 = tpu.memref_slice %dma_wait3A_1444[%dma_wait3A_1437, %dma_wait3A_1445] : memref<24x128xi32, #tpu.memory_space<vmem>> -> memref<1x128xi32, #tpu.memory_space<vmem>>
        %dma_wait3A_1447 = tpu.memref_squeeze %dma_wait3A_1446 : memref<1x128xi32, #tpu.memory_space<vmem>> -> memref<128xi32, #tpu.memory_space<vmem>>
        %dma_wait3A_1448 = arith.constant 0 : i32
        %dma_wait3A_1449 = arith.constant 0 : i32
        %dma_wait3A_1450 = tpu.memref_slice %arg8[%dma_wait3A_1448, %dma_wait3A_1449] : memref<100096x8xf32, #tpu.memory_space<vmem_shared>> -> memref<100096x8xf32, #tpu.memory_space<vmem_shared>>
        tpu.wait_indirect_dma semaphore(%arg10 : memref<!tpu.dma_semaphore, #tpu.memory_space<semaphore_mem>>) src(%dma_wait3A_1440 : memref<128x8xf32, #tpu.memory_space<vmem>>) dst(%dma_wait3A_1450 : memref<100096x8xf32, #tpu.memory_space<vmem_shared>>)
        %dma_wait3A_1451 = arith.constant 16 : i32
        %dma_wait3A_1452 = arith.constant 2048 : i32
        %dma_wait3A_1453 = arith.constant 0 : i32
        %dma_wait3A_1454 = tpu.memref_slice %arg7[%dma_wait3A_1452, %dma_wait3A_1453] : memref<3072x8xf32, #tpu.memory_space<vmem>> -> memref<128x8xf32, #tpu.memory_space<vmem>>
        %dma_wait3A_1455 = arith.constant 0 : i32
        %dma_wait3A_1456 = arith.constant 0 : i32
        %dma_wait3A_1457 = tpu.memref_slice %run_scoped3A_11[%rem3A_219, %dma_wait3A_1455, %dma_wait3A_1456] : memref<2x24x128xi32, #tpu.memory_space<vmem>> -> memref<1x24x128xi32, #tpu.memory_space<vmem>>
        %dma_wait3A_1458 = tpu.memref_squeeze %dma_wait3A_1457 : memref<1x24x128xi32, #tpu.memory_space<vmem>> -> memref<24x128xi32, #tpu.memory_space<vmem>>
        %dma_wait3A_1459 = arith.constant 0 : i32
        %dma_wait3A_1460 = tpu.memref_slice %dma_wait3A_1458[%dma_wait3A_1451, %dma_wait3A_1459] : memref<24x128xi32, #tpu.memory_space<vmem>> -> memref<1x128xi32, #tpu.memory_space<vmem>>
        %dma_wait3A_1461 = tpu.memref_squeeze %dma_wait3A_1460 : memref<1x128xi32, #tpu.memory_space<vmem>> -> memref<128xi32, #tpu.memory_space<vmem>>
        %dma_wait3A_1462 = arith.constant 0 : i32
        %dma_wait3A_1463 = arith.constant 0 : i32
        %dma_wait3A_1464 = tpu.memref_slice %arg8[%dma_wait3A_1462, %dma_wait3A_1463] : memref<100096x8xf32, #tpu.memory_space<vmem_shared>> -> memref<100096x8xf32, #tpu.memory_space<vmem_shared>>
        tpu.wait_indirect_dma semaphore(%arg10 : memref<!tpu.dma_semaphore, #tpu.memory_space<semaphore_mem>>) src(%dma_wait3A_1454 : memref<128x8xf32, #tpu.memory_space<vmem>>) dst(%dma_wait3A_1464 : memref<100096x8xf32, #tpu.memory_space<vmem_shared>>)
        %dma_wait3A_1465 = arith.constant 17 : i32
        %dma_wait3A_1466 = arith.constant 2176 : i32
        %dma_wait3A_1467 = arith.constant 0 : i32
        %dma_wait3A_1468 = tpu.memref_slice %arg7[%dma_wait3A_1466, %dma_wait3A_1467] : memref<3072x8xf32, #tpu.memory_space<vmem>> -> memref<128x8xf32, #tpu.memory_space<vmem>>
        %dma_wait3A_1469 = arith.constant 0 : i32
        %dma_wait3A_1470 = arith.constant 0 : i32
        %dma_wait3A_1471 = tpu.memref_slice %run_scoped3A_11[%rem3A_219, %dma_wait3A_1469, %dma_wait3A_1470] : memref<2x24x128xi32, #tpu.memory_space<vmem>> -> memref<1x24x128xi32, #tpu.memory_space<vmem>>
        %dma_wait3A_1472 = tpu.memref_squeeze %dma_wait3A_1471 : memref<1x24x128xi32, #tpu.memory_space<vmem>> -> memref<24x128xi32, #tpu.memory_space<vmem>>
        %dma_wait3A_1473 = arith.constant 0 : i32
        %dma_wait3A_1474 = tpu.memref_slice %dma_wait3A_1472[%dma_wait3A_1465, %dma_wait3A_1473] : memref<24x128xi32, #tpu.memory_space<vmem>> -> memref<1x128xi32, #tpu.memory_space<vmem>>
        %dma_wait3A_1475 = tpu.memref_squeeze %dma_wait3A_1474 : memref<1x128xi32, #tpu.memory_space<vmem>> -> memref<128xi32, #tpu.memory_space<vmem>>
        %dma_wait3A_1476 = arith.constant 0 : i32
        %dma_wait3A_1477 = arith.constant 0 : i32
        %dma_wait3A_1478 = tpu.memref_slice %arg8[%dma_wait3A_1476, %dma_wait3A_1477] : memref<100096x8xf32, #tpu.memory_space<vmem_shared>> -> memref<100096x8xf32, #tpu.memory_space<vmem_shared>>
        tpu.wait_indirect_dma semaphore(%arg10 : memref<!tpu.dma_semaphore, #tpu.memory_space<semaphore_mem>>) src(%dma_wait3A_1468 : memref<128x8xf32, #tpu.memory_space<vmem>>) dst(%dma_wait3A_1478 : memref<100096x8xf32, #tpu.memory_space<vmem_shared>>)
        %dma_wait3A_1479 = arith.constant 18 : i32
        %dma_wait3A_1480 = arith.constant 2304 : i32
        %dma_wait3A_1481 = arith.constant 0 : i32
        %dma_wait3A_1482 = tpu.memref_slice %arg7[%dma_wait3A_1480, %dma_wait3A_1481] : memref<3072x8xf32, #tpu.memory_space<vmem>> -> memref<128x8xf32, #tpu.memory_space<vmem>>
        %dma_wait3A_1483 = arith.constant 0 : i32
        %dma_wait3A_1484 = arith.constant 0 : i32
        %dma_wait3A_1485 = tpu.memref_slice %run_scoped3A_11[%rem3A_219, %dma_wait3A_1483, %dma_wait3A_1484] : memref<2x24x128xi32, #tpu.memory_space<vmem>> -> memref<1x24x128xi32, #tpu.memory_space<vmem>>
        %dma_wait3A_1486 = tpu.memref_squeeze %dma_wait3A_1485 : memref<1x24x128xi32, #tpu.memory_space<vmem>> -> memref<24x128xi32, #tpu.memory_space<vmem>>
        %dma_wait3A_1487 = arith.constant 0 : i32
        %dma_wait3A_1488 = tpu.memref_slice %dma_wait3A_1486[%dma_wait3A_1479, %dma_wait3A_1487] : memref<24x128xi32, #tpu.memory_space<vmem>> -> memref<1x128xi32, #tpu.memory_space<vmem>>
        %dma_wait3A_1489 = tpu.memref_squeeze %dma_wait3A_1488 : memref<1x128xi32, #tpu.memory_space<vmem>> -> memref<128xi32, #tpu.memory_space<vmem>>
        %dma_wait3A_1490 = arith.constant 0 : i32
        %dma_wait3A_1491 = arith.constant 0 : i32
        %dma_wait3A_1492 = tpu.memref_slice %arg8[%dma_wait3A_1490, %dma_wait3A_1491] : memref<100096x8xf32, #tpu.memory_space<vmem_shared>> -> memref<100096x8xf32, #tpu.memory_space<vmem_shared>>
        tpu.wait_indirect_dma semaphore(%arg10 : memref<!tpu.dma_semaphore, #tpu.memory_space<semaphore_mem>>) src(%dma_wait3A_1482 : memref<128x8xf32, #tpu.memory_space<vmem>>) dst(%dma_wait3A_1492 : memref<100096x8xf32, #tpu.memory_space<vmem_shared>>)
        %dma_wait3A_1493 = arith.constant 19 : i32
        %dma_wait3A_1494 = arith.constant 2432 : i32
        %dma_wait3A_1495 = arith.constant 0 : i32
        %dma_wait3A_1496 = tpu.memref_slice %arg7[%dma_wait3A_1494, %dma_wait3A_1495] : memref<3072x8xf32, #tpu.memory_space<vmem>> -> memref<128x8xf32, #tpu.memory_space<vmem>>
        %dma_wait3A_1497 = arith.constant 0 : i32
        %dma_wait3A_1498 = arith.constant 0 : i32
        %dma_wait3A_1499 = tpu.memref_slice %run_scoped3A_11[%rem3A_219, %dma_wait3A_1497, %dma_wait3A_1498] : memref<2x24x128xi32, #tpu.memory_space<vmem>> -> memref<1x24x128xi32, #tpu.memory_space<vmem>>
        %dma_wait3A_1500 = tpu.memref_squeeze %dma_wait3A_1499 : memref<1x24x128xi32, #tpu.memory_space<vmem>> -> memref<24x128xi32, #tpu.memory_space<vmem>>
        %dma_wait3A_1501 = arith.constant 0 : i32
        %dma_wait3A_1502 = tpu.memref_slice %dma_wait3A_1500[%dma_wait3A_1493, %dma_wait3A_1501] : memref<24x128xi32, #tpu.memory_space<vmem>> -> memref<1x128xi32, #tpu.memory_space<vmem>>
        %dma_wait3A_1503 = tpu.memref_squeeze %dma_wait3A_1502 : memref<1x128xi32, #tpu.memory_space<vmem>> -> memref<128xi32, #tpu.memory_space<vmem>>
        %dma_wait3A_1504 = arith.constant 0 : i32
        %dma_wait3A_1505 = arith.constant 0 : i32
        %dma_wait3A_1506 = tpu.memref_slice %arg8[%dma_wait3A_1504, %dma_wait3A_1505] : memref<100096x8xf32, #tpu.memory_space<vmem_shared>> -> memref<100096x8xf32, #tpu.memory_space<vmem_shared>>
        tpu.wait_indirect_dma semaphore(%arg10 : memref<!tpu.dma_semaphore, #tpu.memory_space<semaphore_mem>>) src(%dma_wait3A_1496 : memref<128x8xf32, #tpu.memory_space<vmem>>) dst(%dma_wait3A_1506 : memref<100096x8xf32, #tpu.memory_space<vmem_shared>>)
        %dma_wait3A_1507 = arith.constant 20 : i32
        %dma_wait3A_1508 = arith.constant 2560 : i32
        %dma_wait3A_1509 = arith.constant 0 : i32
        %dma_wait3A_1510 = tpu.memref_slice %arg7[%dma_wait3A_1508, %dma_wait3A_1509] : memref<3072x8xf32, #tpu.memory_space<vmem>> -> memref<128x8xf32, #tpu.memory_space<vmem>>
        %dma_wait3A_1511 = arith.constant 0 : i32
        %dma_wait3A_1512 = arith.constant 0 : i32
        %dma_wait3A_1513 = tpu.memref_slice %run_scoped3A_11[%rem3A_219, %dma_wait3A_1511, %dma_wait3A_1512] : memref<2x24x128xi32, #tpu.memory_space<vmem>> -> memref<1x24x128xi32, #tpu.memory_space<vmem>>
        %dma_wait3A_1514 = tpu.memref_squeeze %dma_wait3A_1513 : memref<1x24x128xi32, #tpu.memory_space<vmem>> -> memref<24x128xi32, #tpu.memory_space<vmem>>
        %dma_wait3A_1515 = arith.constant 0 : i32
        %dma_wait3A_1516 = tpu.memref_slice %dma_wait3A_1514[%dma_wait3A_1507, %dma_wait3A_1515] : memref<24x128xi32, #tpu.memory_space<vmem>> -> memref<1x128xi32, #tpu.memory_space<vmem>>
        %dma_wait3A_1517 = tpu.memref_squeeze %dma_wait3A_1516 : memref<1x128xi32, #tpu.memory_space<vmem>> -> memref<128xi32, #tpu.memory_space<vmem>>
        %dma_wait3A_1518 = arith.constant 0 : i32
        %dma_wait3A_1519 = arith.constant 0 : i32
        %dma_wait3A_1520 = tpu.memref_slice %arg8[%dma_wait3A_1518, %dma_wait3A_1519] : memref<100096x8xf32, #tpu.memory_space<vmem_shared>> -> memref<100096x8xf32, #tpu.memory_space<vmem_shared>>
        tpu.wait_indirect_dma semaphore(%arg10 : memref<!tpu.dma_semaphore, #tpu.memory_space<semaphore_mem>>) src(%dma_wait3A_1510 : memref<128x8xf32, #tpu.memory_space<vmem>>) dst(%dma_wait3A_1520 : memref<100096x8xf32, #tpu.memory_space<vmem_shared>>)
        %dma_wait3A_1521 = arith.constant 21 : i32
        %dma_wait3A_1522 = arith.constant 2688 : i32
        %dma_wait3A_1523 = arith.constant 0 : i32
        %dma_wait3A_1524 = tpu.memref_slice %arg7[%dma_wait3A_1522, %dma_wait3A_1523] : memref<3072x8xf32, #tpu.memory_space<vmem>> -> memref<128x8xf32, #tpu.memory_space<vmem>>
        %dma_wait3A_1525 = arith.constant 0 : i32
        %dma_wait3A_1526 = arith.constant 0 : i32
        %dma_wait3A_1527 = tpu.memref_slice %run_scoped3A_11[%rem3A_219, %dma_wait3A_1525, %dma_wait3A_1526] : memref<2x24x128xi32, #tpu.memory_space<vmem>> -> memref<1x24x128xi32, #tpu.memory_space<vmem>>
        %dma_wait3A_1528 = tpu.memref_squeeze %dma_wait3A_1527 : memref<1x24x128xi32, #tpu.memory_space<vmem>> -> memref<24x128xi32, #tpu.memory_space<vmem>>
        %dma_wait3A_1529 = arith.constant 0 : i32
        %dma_wait3A_1530 = tpu.memref_slice %dma_wait3A_1528[%dma_wait3A_1521, %dma_wait3A_1529] : memref<24x128xi32, #tpu.memory_space<vmem>> -> memref<1x128xi32, #tpu.memory_space<vmem>>
        %dma_wait3A_1531 = tpu.memref_squeeze %dma_wait3A_1530 : memref<1x128xi32, #tpu.memory_space<vmem>> -> memref<128xi32, #tpu.memory_space<vmem>>
        %dma_wait3A_1532 = arith.constant 0 : i32
        %dma_wait3A_1533 = arith.constant 0 : i32
        %dma_wait3A_1534 = tpu.memref_slice %arg8[%dma_wait3A_1532, %dma_wait3A_1533] : memref<100096x8xf32, #tpu.memory_space<vmem_shared>> -> memref<100096x8xf32, #tpu.memory_space<vmem_shared>>
        tpu.wait_indirect_dma semaphore(%arg10 : memref<!tpu.dma_semaphore, #tpu.memory_space<semaphore_mem>>) src(%dma_wait3A_1524 : memref<128x8xf32, #tpu.memory_space<vmem>>) dst(%dma_wait3A_1534 : memref<100096x8xf32, #tpu.memory_space<vmem_shared>>)
        %dma_wait3A_1535 = arith.constant 22 : i32
        %dma_wait3A_1536 = arith.constant 2816 : i32
        %dma_wait3A_1537 = arith.constant 0 : i32
        %dma_wait3A_1538 = tpu.memref_slice %arg7[%dma_wait3A_1536, %dma_wait3A_1537] : memref<3072x8xf32, #tpu.memory_space<vmem>> -> memref<128x8xf32, #tpu.memory_space<vmem>>
        %dma_wait3A_1539 = arith.constant 0 : i32
        %dma_wait3A_1540 = arith.constant 0 : i32
        %dma_wait3A_1541 = tpu.memref_slice %run_scoped3A_11[%rem3A_219, %dma_wait3A_1539, %dma_wait3A_1540] : memref<2x24x128xi32, #tpu.memory_space<vmem>> -> memref<1x24x128xi32, #tpu.memory_space<vmem>>
        %dma_wait3A_1542 = tpu.memref_squeeze %dma_wait3A_1541 : memref<1x24x128xi32, #tpu.memory_space<vmem>> -> memref<24x128xi32, #tpu.memory_space<vmem>>
        %dma_wait3A_1543 = arith.constant 0 : i32
        %dma_wait3A_1544 = tpu.memref_slice %dma_wait3A_1542[%dma_wait3A_1535, %dma_wait3A_1543] : memref<24x128xi32, #tpu.memory_space<vmem>> -> memref<1x128xi32, #tpu.memory_space<vmem>>
        %dma_wait3A_1545 = tpu.memref_squeeze %dma_wait3A_1544 : memref<1x128xi32, #tpu.memory_space<vmem>> -> memref<128xi32, #tpu.memory_space<vmem>>
        %dma_wait3A_1546 = arith.constant 0 : i32
        %dma_wait3A_1547 = arith.constant 0 : i32
        %dma_wait3A_1548 = tpu.memref_slice %arg8[%dma_wait3A_1546, %dma_wait3A_1547] : memref<100096x8xf32, #tpu.memory_space<vmem_shared>> -> memref<100096x8xf32, #tpu.memory_space<vmem_shared>>
        tpu.wait_indirect_dma semaphore(%arg10 : memref<!tpu.dma_semaphore, #tpu.memory_space<semaphore_mem>>) src(%dma_wait3A_1538 : memref<128x8xf32, #tpu.memory_space<vmem>>) dst(%dma_wait3A_1548 : memref<100096x8xf32, #tpu.memory_space<vmem_shared>>)
        %dma_wait3A_1549 = arith.constant 23 : i32
        %dma_wait3A_1550 = arith.constant 2944 : i32
        %dma_wait3A_1551 = arith.constant 0 : i32
        %dma_wait3A_1552 = tpu.memref_slice %arg7[%dma_wait3A_1550, %dma_wait3A_1551] : memref<3072x8xf32, #tpu.memory_space<vmem>> -> memref<128x8xf32, #tpu.memory_space<vmem>>
        %dma_wait3A_1553 = arith.constant 0 : i32
        %dma_wait3A_1554 = arith.constant 0 : i32
        %dma_wait3A_1555 = tpu.memref_slice %run_scoped3A_11[%rem3A_219, %dma_wait3A_1553, %dma_wait3A_1554] : memref<2x24x128xi32, #tpu.memory_space<vmem>> -> memref<1x24x128xi32, #tpu.memory_space<vmem>>
        %dma_wait3A_1556 = tpu.memref_squeeze %dma_wait3A_1555 : memref<1x24x128xi32, #tpu.memory_space<vmem>> -> memref<24x128xi32, #tpu.memory_space<vmem>>
        %dma_wait3A_1557 = arith.constant 0 : i32
        %dma_wait3A_1558 = tpu.memref_slice %dma_wait3A_1556[%dma_wait3A_1549, %dma_wait3A_1557] : memref<24x128xi32, #tpu.memory_space<vmem>> -> memref<1x128xi32, #tpu.memory_space<vmem>>
        %dma_wait3A_1559 = tpu.memref_squeeze %dma_wait3A_1558 : memref<1x128xi32, #tpu.memory_space<vmem>> -> memref<128xi32, #tpu.memory_space<vmem>>
        %dma_wait3A_1560 = arith.constant 0 : i32
        %dma_wait3A_1561 = arith.constant 0 : i32
        %dma_wait3A_1562 = tpu.memref_slice %arg8[%dma_wait3A_1560, %dma_wait3A_1561] : memref<100096x8xf32, #tpu.memory_space<vmem_shared>> -> memref<100096x8xf32, #tpu.memory_space<vmem_shared>>
        tpu.wait_indirect_dma semaphore(%arg10 : memref<!tpu.dma_semaphore, #tpu.memory_space<semaphore_mem>>) src(%dma_wait3A_1552 : memref<128x8xf32, #tpu.memory_space<vmem>>) dst(%dma_wait3A_1562 : memref<100096x8xf32, #tpu.memory_space<vmem_shared>>)
        "tpu.trace_stop"() : () -> ()
        %ne3A_1563 = arith.cmpi ne, %add3A_141, %add3A_159 : i32
        %or3A_1564 = arith.constant false
        %or3A_1565 = arith.ori %or3A_1564, %ne3A_1563 : i1
        %or3A_1566 = arith.constant false
        %or3A_1567 = arith.ori %or3A_1565, %or3A_1566 : i1
        %or3A_1568 = arith.ori %or3A_1567, %eq3A_140 : i1
        %convert_element_type3A_1569 = arith.extui %or3A_1568 : i1 to i32
        %cond3A_1570 = arith.constant 0 : i32
        %cond3A_1571 = arith.cmpi ne, %convert_element_type3A_1569, %cond3A_1570 : i32
        scf.if %cond3A_1571 {
        } else {
        }
        %and3A_1572 = arith.constant false
        %and3A_1573 = arith.andi %or3A_1568, %and3A_1572 : i1
        %ne3A_1574 = arith.cmpi ne, %add3A_141, %add3A_159 : i32
        %or3A_1575 = arith.constant false
        %or3A_1576 = arith.ori %or3A_1575, %ne3A_1574 : i1
        %or3A_1577 = arith.constant false
        %or3A_1578 = arith.ori %or3A_1576, %or3A_1577 : i1
        %or3A_1579 = arith.ori %or3A_1578, %eq3A_140 : i1
        %convert_element_type3A_1580 = arith.extui %or3A_1579 : i1 to i32
        %cond3A_1581 = arith.constant 0 : i32
        %cond3A_1582 = arith.cmpi ne, %convert_element_type3A_1580, %cond3A_1581 : i32
        scf.if %cond3A_1582 {
        } else {
        }
        %and3A_1583 = arith.constant false
        %and3A_1584 = arith.andi %or3A_1579, %and3A_1583 : i1
        %ne3A_1585 = arith.cmpi ne, %add3A_141, %add3A_150 : i32
        %or3A_1586 = arith.constant false
        %or3A_1587 = arith.ori %or3A_1586, %ne3A_1585 : i1
        %or3A_1588 = arith.constant false
        %or3A_1589 = arith.ori %or3A_1587, %or3A_1588 : i1
        %not3A_1590 = arith.constant true
        %not3A_1591 = arith.xori %eq3A_138, %not3A_1590 : i1
        %and3A_1592 = arith.andi %or3A_1589, %not3A_1591 : i1
        %convert_element_type3A_1593 = arith.extui %and3A_1592 : i1 to i32
        %cond3A_1594 = arith.constant 0 : i32
        %cond3A_1595 = arith.cmpi ne, %convert_element_type3A_1593, %cond3A_1594 : i32
        scf.if %cond3A_1595 {
        } else {
        }
        %and3A_1596 = arith.constant false
        %and3A_1597 = arith.andi %and3A_1592, %and3A_1596 : i1
        %ne3A_1598 = arith.cmpi ne, %add3A_141, %add3A_150 : i32
        %or3A_1599 = arith.constant false
        %or3A_1600 = arith.ori %or3A_1599, %ne3A_1598 : i1
        %or3A_1601 = arith.constant false
        %or3A_1602 = arith.ori %or3A_1600, %or3A_1601 : i1
        %not3A_1603 = arith.constant true
        %not3A_1604 = arith.xori %eq3A_138, %not3A_1603 : i1
        %and3A_1605 = arith.andi %or3A_1602, %not3A_1604 : i1
        %convert_element_type3A_1606 = arith.extui %and3A_1605 : i1 to i32
        %cond3A_1607 = arith.constant 0 : i32
        %cond3A_1608 = arith.cmpi ne, %convert_element_type3A_1606, %cond3A_1607 : i32
        scf.if %cond3A_1608 {
        } else {
        }
        %and3A_1609 = arith.constant false
        %and3A_1610 = arith.andi %and3A_1605, %and3A_1609 : i1
        %ne3A_1611 = arith.cmpi ne, %add3A_141, %add3A_159 : i32
        %or3A_1612 = arith.constant false
        %or3A_1613 = arith.ori %or3A_1612, %ne3A_1611 : i1
        %or3A_1614 = arith.constant false
        %or3A_1615 = arith.ori %or3A_1613, %or3A_1614 : i1
        %or3A_1616 = arith.ori %or3A_1615, %eq3A_140 : i1
        %add3A_1617 = arith.constant 1 : i32
        %add3A_1618 = arith.addi %scan3A_133, %add3A_1617 : i32
        %select_n3A_1619 = arith.select %or3A_1616, %add3A_1618, %scan3A_133 : i32
        %ne3A_1620 = arith.cmpi ne, %add3A_141, %add3A_159 : i32
        %or3A_1621 = arith.constant false
        %or3A_1622 = arith.ori %or3A_1621, %ne3A_1620 : i1
        %or3A_1623 = arith.constant false
        %or3A_1624 = arith.ori %or3A_1622, %or3A_1623 : i1
        %or3A_1625 = arith.ori %or3A_1624, %eq3A_140 : i1
        %add3A_1626 = arith.constant 1 : i32
        %add3A_1627 = arith.addi %scan3A_135, %add3A_1626 : i32
        %select_n3A_1628 = arith.select %or3A_1625, %add3A_1627, %scan3A_135 : i32
        %add3A_1629 = arith.constant 1 : i32
        %add3A_1630 = arith.addi %scan3A_136, %add3A_1629 : i32
        %select_n3A_1631 = arith.constant true
        %select_n3A_1632 = arith.select %select_n3A_1631, %add3A_1630, %scan3A_136 : i32
        %eq3A_1633 = arith.constant 17 : i32
        %eq3A_1634 = arith.cmpi eq, %select_n3A_1632, %eq3A_1633 : i32
        %select_n3A_1635 = arith.constant 0 : i32
        %select_n3A_1636 = arith.select %eq3A_1634, %select_n3A_1635, %select_n3A_1632 : i32
        scf.yield %select_n3A_179, %select_n3A_1619, %select_n3A_197, %select_n3A_1628, %select_n3A_1636 : i32, i32, i32, i32, i32
      }
      %scan3A_95 = arith.constant 17 : i32
      %sub3A = arith.constant 1 : i32
      %sub3A_96 = arith.subi %scan3A_94#4, %sub3A : i32
      %select_n3A_97 = arith.constant true
      %select_n3A_98 = arith.select %select_n3A_97, %sub3A_96, %scan3A_94#4 : i32
      %eq3A_99 = arith.constant -1 : i32
      %eq3A_100 = arith.cmpi eq, %select_n3A_98, %eq3A_99 : i32
      %select_n3A_101 = arith.constant 16 : i32
      %select_n3A_102 = arith.select %eq3A_100, %select_n3A_101, %select_n3A_98 : i32
      %add3A_103 = arith.addi %select_n3A_102, %mul3A_8 : i32
      %sub3A_104 = arith.constant 1 : i32
      %sub3A_105 = arith.subi %select_n3A_102, %sub3A_104 : i32
      %select_n3A_106 = arith.constant true
      %select_n3A_107 = arith.select %select_n3A_106, %sub3A_105, %select_n3A_102 : i32
      %eq3A_108 = arith.constant -1 : i32
      %eq3A_109 = arith.cmpi eq, %select_n3A_107, %eq3A_108 : i32
      %select_n3A_110 = arith.constant 16 : i32
      %select_n3A_111 = arith.select %eq3A_109, %select_n3A_110, %select_n3A_107 : i32
      %add3A_112 = arith.addi %select_n3A_111, %mul3A_8 : i32
      %add3A_113 = arith.constant 1 : i32
      %add3A_114 = arith.addi %select_n3A_102, %add3A_113 : i32
      %select_n3A_115 = arith.constant true
      %select_n3A_116 = arith.select %select_n3A_115, %add3A_114, %select_n3A_102 : i32
      %eq3A_117 = arith.constant 17 : i32
      %eq3A_118 = arith.cmpi eq, %select_n3A_116, %eq3A_117 : i32
      %select_n3A_119 = arith.constant 0 : i32
      %select_n3A_120 = arith.select %eq3A_118, %select_n3A_119, %select_n3A_116 : i32
      %add3A_121 = arith.addi %select_n3A_120, %mul3A_8 : i32
      %add3A_122 = arith.constant 1 : i32
      %add3A_123 = arith.addi %select_n3A_120, %add3A_122 : i32
      %select_n3A_124 = arith.constant true
      %select_n3A_125 = arith.select %select_n3A_124, %add3A_123, %select_n3A_120 : i32
      %eq3A_126 = arith.constant 17 : i32
      %eq3A_127 = arith.cmpi eq, %select_n3A_125, %eq3A_126 : i32
      %select_n3A_128 = arith.constant 0 : i32
      %select_n3A_129 = arith.select %eq3A_127, %select_n3A_128, %select_n3A_125 : i32
      %add3A_130 = arith.addi %select_n3A_129, %mul3A_8 : i32
      tpu.yield
    }) : () -> ()
    %barrier3A_9 = arith.constant 0 : index
    tpu.barrier barrier_id(%barrier3A_9)
    "tpu.region"() ({
      %run_scoped3A = tpu.sem_alloc : memref<!tpu.dma_semaphore, #tpu.memory_space<semaphore_mem>>
      %dma_start3A = arith.constant 0 : i32
      %dma_start3A_10 = arith.constant 0 : i32
      %dma_start3A_11 = tpu.memref_slice %arg6[%arg0, %dma_start3A, %dma_start3A_10] : memref<2x102400x8xf32, #tpu.memory_space<hbm>> -> memref<1x102400x8xf32, #tpu.memory_space<hbm>>
      %dma_start3A_12 = tpu.memref_squeeze %dma_start3A_11 : memref<1x102400x8xf32, #tpu.memory_space<hbm>> -> memref<102400x8xf32, #tpu.memory_space<hbm>>
      %dma_start3A_13 = arith.constant 0 : i32
      %dma_start3A_14 = tpu.memref_slice %dma_start3A_12[%mul3A_0, %dma_start3A_13] : memref<102400x8xf32, #tpu.memory_space<hbm>> -> memref<6256x8xf32, #tpu.memory_space<hbm>>
      %dma_start3A_15 = arith.constant 0 : i32
      %dma_start3A_16 = tpu.memref_slice %arg8[%mul3A_0, %dma_start3A_15] : memref<100096x8xf32, #tpu.memory_space<vmem_shared>> -> memref<6256x8xf32, #tpu.memory_space<vmem_shared>>
      tpu.enqueue_dma source(%dma_start3A_16 : memref<6256x8xf32, #tpu.memory_space<vmem_shared>>) target(%dma_start3A_14 : memref<6256x8xf32, #tpu.memory_space<hbm>>) target_semaphore(%run_scoped3A : memref<!tpu.dma_semaphore, #tpu.memory_space<semaphore_mem>>)
      %dma_wait3A = arith.constant 0 : i32
      %dma_wait3A_17 = arith.constant 0 : i32
      %dma_wait3A_18 = tpu.memref_slice %arg6[%arg0, %dma_wait3A, %dma_wait3A_17] : memref<2x102400x8xf32, #tpu.memory_space<hbm>> -> memref<1x102400x8xf32, #tpu.memory_space<hbm>>
      %dma_wait3A_19 = tpu.memref_squeeze %dma_wait3A_18 : memref<1x102400x8xf32, #tpu.memory_space<hbm>> -> memref<102400x8xf32, #tpu.memory_space<hbm>>
      %dma_wait3A_20 = arith.constant 0 : i32
      %dma_wait3A_21 = tpu.memref_slice %dma_wait3A_19[%mul3A_0, %dma_wait3A_20] : memref<102400x8xf32, #tpu.memory_space<hbm>> -> memref<6256x8xf32, #tpu.memory_space<hbm>>
      %dma_wait3A_22 = arith.constant 0 : i32
      %dma_wait3A_23 = tpu.memref_slice %arg8[%mul3A_0, %dma_wait3A_22] : memref<100096x8xf32, #tpu.memory_space<vmem_shared>> -> memref<6256x8xf32, #tpu.memory_space<vmem_shared>>
      tpu.wait_dma2 semaphore(%run_scoped3A : memref<!tpu.dma_semaphore, #tpu.memory_space<semaphore_mem>>) src(%dma_wait3A_23 : memref<6256x8xf32, #tpu.memory_space<vmem_shared>>) dst(%dma_wait3A_21 : memref<6256x8xf32, #tpu.memory_space<hbm>>)
      tpu.yield
    }) : () -> ()
    return
  }
}

module attributes {stable_mosaic.version = 14 : i64} {
  func.func @_dense1_body(%arg0: i32, %arg1: memref<2x4096x8xf32, #tpu.memory_space<vmem>>, %arg2: memref<4096x4xf32, #tpu.memory_space<vmem>>, %arg3: memref<4x32xf32, #tpu.memory_space<vmem>>, %arg4: memref<4x32xf32, #tpu.memory_space<vmem>>, %arg5: memref<1x32xf32, #tpu.memory_space<vmem>>, %arg6: memref<2x4096x16xf32, #tpu.memory_space<vmem>>, %arg7: memref<4096x1xf32, #tpu.memory_space<vmem>>) attributes {dimension_semantics = [#tpu.dimension_semantics<arbitrary>], iteration_bounds = array<i64: 25>, scalar_prefetch = 0 : i64, scratch_operands = 0 : i64, tpu.core_type = #tpu.core_type<tc>, window_params = [{transform_indices = @transform_0, window_bounds = array<i64: 2, 4096, 8>}, {transform_indices = @transform_1, window_bounds = array<i64: 4096, 4>}, {pipeline_mode = #tpu.pipeline_mode<synchronous>, transform_indices = @transform_2, window_bounds = array<i64: 4, 32>}, {pipeline_mode = #tpu.pipeline_mode<synchronous>, transform_indices = @transform_3, window_bounds = array<i64: 4, 32>}, {pipeline_mode = #tpu.pipeline_mode<synchronous>, transform_indices = @transform_4, window_bounds = array<i64: 1, 32>}, {transform_indices = @transform_5, window_bounds = array<i64: 2, 4096, 16>}, {transform_indices = @transform_6, window_bounds = array<i64: 4096, 1>}]} {
    %get3A = arith.constant 0 : index
    %get3A_0 = arith.constant 0 : index
    %get3A_1 = arith.constant 0 : index
    %get3A_2 = vector.load %arg1[%get3A, %get3A_0, %get3A_1] : memref<2x4096x8xf32, #tpu.memory_space<vmem>>, vector<1x4096x8xf32>
    %get3A_3 = vector.shape_cast %get3A_2 : vector<1x4096x8xf32> to vector<4096x8xf32>
    %get3A_4 = arith.constant 1 : index
    %get3A_5 = arith.constant 0 : index
    %get3A_6 = arith.constant 0 : index
    %get3A_7 = vector.load %arg1[%get3A_4, %get3A_5, %get3A_6] : memref<2x4096x8xf32, #tpu.memory_space<vmem>>, vector<1x4096x8xf32>
    %get3A_8 = vector.shape_cast %get3A_7 : vector<1x4096x8xf32> to vector<4096x8xf32>
    %add3A = arith.addf %get3A_3, %get3A_8 : vector<4096x8xf32>
    %slice3A = vector.extract_strided_slice %add3A {offsets = [0, 4], sizes = [4096, 1], strides = [1, 1]} : vector<4096x8xf32> to vector<4096x1xf32>
    %max3A = arith.constant 1.000000e+00 : f32
    %max3A_9 = vector.broadcast %max3A : f32 to vector<4096x1xf32>
    %max3A_10 = arith.maximumf %slice3A, %max3A_9 : vector<4096x1xf32>
    %div3A = arith.constant 1.000000e+00 : f32
    %div3A_11 = vector.broadcast %div3A : f32 to vector<4096x1xf32>
    %div3A_12 = arith.divf %div3A_11, %max3A_10 : vector<4096x1xf32>
    %slice3A_13 = vector.extract_strided_slice %add3A {offsets = [0, 0], sizes = [4096, 4], strides = [1, 1]} : vector<4096x8xf32> to vector<4096x4xf32>
    %mul3A = vector.broadcast %div3A_12 : vector<4096x1xf32> to vector<4096x4xf32>
    %mul3A_14 = arith.mulf %slice3A_13, %mul3A : vector<4096x4xf32>
    %get3A_15 = arith.constant 0 : index
    %get3A_16 = arith.constant 0 : index
    %get3A_17 = vector.load %arg3[%get3A_15, %get3A_16] : memref<4x32xf32, #tpu.memory_space<vmem>>, vector<4x32xf32>
    %dot_general3A = arith.constant dense<0.000000e+00> : vector<4096x32xf32>
    %dot_general3A_18 = tpu.matmul %mul3A_14, %get3A_17, %dot_general3A {dimension_numbers = #tpu.dot_dimension_numbers<[1], [0], [0], [1], [0, 0, 1, 1], [], []>, transpose_lhs_hint = false} : vector<4096x4xf32>, vector<4x32xf32>, vector<4096x32xf32> -> vector<4096x32xf32>
    %get3A_19 = arith.constant 0 : index
    %get3A_20 = arith.constant 0 : index
    %get3A_21 = vector.load %arg5[%get3A_19, %get3A_20] : memref<1x32xf32, #tpu.memory_space<vmem>>, vector<1x32xf32>
    %add3A_22 = vector.broadcast %get3A_21 : vector<1x32xf32> to vector<4096x32xf32>
    %add3A_23 = arith.addf %dot_general3A_18, %add3A_22 : vector<4096x32xf32>
    %get3A_24 = arith.constant 0 : index
    %get3A_25 = arith.constant 0 : index
    %get3A_26 = vector.load %arg2[%get3A_24, %get3A_25] : memref<4096x4xf32, #tpu.memory_space<vmem>>, vector<4096x4xf32>
    %get3A_27 = arith.constant 0 : index
    %get3A_28 = arith.constant 0 : index
    %get3A_29 = vector.load %arg4[%get3A_27, %get3A_28] : memref<4x32xf32, #tpu.memory_space<vmem>>, vector<4x32xf32>
    %dot_general3A_30 = arith.constant dense<0.000000e+00> : vector<4096x32xf32>
    %dot_general3A_31 = tpu.matmul %get3A_26, %get3A_29, %dot_general3A_30 {dimension_numbers = #tpu.dot_dimension_numbers<[1], [0], [0], [1], [0, 0, 1, 1], [], []>, transpose_lhs_hint = false} : vector<4096x4xf32>, vector<4x32xf32>, vector<4096x32xf32> -> vector<4096x32xf32>
    %add3A_32 = arith.addf %add3A_23, %dot_general3A_31 : vector<4096x32xf32>
    %max3A_33 = arith.constant 0.000000e+00 : f32
    %max3A_34 = vector.broadcast %max3A_33 : f32 to vector<4096x32xf32>
    %max3A_35 = arith.maximumf %add3A_32, %max3A_34 : vector<4096x32xf32>
    %slice3A_36 = vector.extract_strided_slice %max3A_35 {offsets = [0, 0], sizes = [4096, 16], strides = [1, 1]} : vector<4096x32xf32> to vector<4096x16xf32>
    %swap3A = arith.constant 0 : index
    %swap3A_37 = arith.constant 0 : index
    %swap3A_38 = arith.constant 0 : index
    %swap3A_39 = vector.load %arg6[%swap3A, %swap3A_37, %swap3A_38] : memref<2x4096x16xf32, #tpu.memory_space<vmem>>, vector<1x4096x16xf32>
    %swap3A_40 = vector.shape_cast %swap3A_39 : vector<1x4096x16xf32> to vector<4096x16xf32>
    %swap3A_41 = vector.shape_cast %slice3A_36 : vector<4096x16xf32> to vector<1x4096x16xf32>
    tpu.vector_store %arg6[%swap3A, %swap3A_37, %swap3A_38], %swap3A_41 {strides = array<i32>} : memref<2x4096x16xf32, #tpu.memory_space<vmem>>, vector<1x4096x16xf32>,
    %slice3A_42 = vector.extract_strided_slice %max3A_35 {offsets = [0, 16], sizes = [4096, 16], strides = [1, 1]} : vector<4096x32xf32> to vector<4096x16xf32>
    %swap3A_43 = arith.constant 1 : index
    %swap3A_44 = arith.constant 0 : index
    %swap3A_45 = arith.constant 0 : index
    %swap3A_46 = vector.load %arg6[%swap3A_43, %swap3A_44, %swap3A_45] : memref<2x4096x16xf32, #tpu.memory_space<vmem>>, vector<1x4096x16xf32>
    %swap3A_47 = vector.shape_cast %swap3A_46 : vector<1x4096x16xf32> to vector<4096x16xf32>
    %swap3A_48 = vector.shape_cast %slice3A_42 : vector<4096x16xf32> to vector<1x4096x16xf32>
    tpu.vector_store %arg6[%swap3A_43, %swap3A_44, %swap3A_45], %swap3A_48 {strides = array<i32>} : memref<2x4096x16xf32, #tpu.memory_space<vmem>>, vector<1x4096x16xf32>,
    %swap3A_49 = arith.constant 0 : index
    %swap3A_50 = arith.constant 0 : index
    %swap3A_51 = vector.load %arg7[%swap3A_49, %swap3A_50] : memref<4096x1xf32, #tpu.memory_space<vmem>>, vector<4096x1xf32>
    tpu.vector_store %arg7[%swap3A_49, %swap3A_50], %div3A_12 {strides = array<i32>} : memref<4096x1xf32, #tpu.memory_space<vmem>>, vector<4096x1xf32>,
    return
  }
  func.func @transform_0(%arg0: i32) -> (i32, i32, i32) {
    %c0_i32 = arith.constant 0 : i32
    %c0_i32_0 = arith.constant 0 : i32
    %c0_i32_1 = arith.constant 0 : i32
    return %c0_i32, %arg0, %c0_i32_0 : i32, i32, i32
  }
  func.func @transform_1(%arg0: i32) -> (i32, i32) {
    %c0_i32 = arith.constant 0 : i32
    %c0_i32_0 = arith.constant 0 : i32
    return %arg0, %c0_i32 : i32, i32
  }
  func.func @transform_2(%arg0: i32) -> (i32, i32) {
    %c0_i32 = arith.constant 0 : i32
    %c0_i32_0 = arith.constant 0 : i32
    %c0_i32_1 = arith.constant 0 : i32
    return %c0_i32, %c0_i32_0 : i32, i32
  }
  func.func @transform_3(%arg0: i32) -> (i32, i32) {
    %c0_i32 = arith.constant 0 : i32
    %c0_i32_0 = arith.constant 0 : i32
    %c0_i32_1 = arith.constant 0 : i32
    return %c0_i32, %c0_i32_0 : i32, i32
  }
  func.func @transform_4(%arg0: i32) -> (i32, i32) {
    %c0_i32 = arith.constant 0 : i32
    %c0_i32_0 = arith.constant 0 : i32
    %c0_i32_1 = arith.constant 0 : i32
    return %c0_i32, %c0_i32_0 : i32, i32
  }
  func.func @transform_5(%arg0: i32) -> (i32, i32, i32) {
    %c0_i32 = arith.constant 0 : i32
    %c0_i32_0 = arith.constant 0 : i32
    %c0_i32_1 = arith.constant 0 : i32
    return %c0_i32, %arg0, %c0_i32_0 : i32, i32, i32
  }
  func.func @transform_6(%arg0: i32) -> (i32, i32) {
    %c0_i32 = arith.constant 0 : i32
    %c0_i32_0 = arith.constant 0 : i32
    return %arg0, %c0_i32 : i32, i32
  }
}

module attributes {stable_mosaic.version = 14 : i64} {
  func.func @_dense2_body(%arg0: i32, %arg1: memref<2x4096x16xf32, #tpu.memory_space<vmem>>, %arg2: memref<2x4096x16xf32, #tpu.memory_space<vmem>>, %arg3: memref<4096x1xf32, #tpu.memory_space<vmem>>, %arg4: memref<32x32xf32, #tpu.memory_space<vmem>>, %arg5: memref<32x32xf32, #tpu.memory_space<vmem>>, %arg6: memref<1x32xf32, #tpu.memory_space<vmem>>, %arg7: memref<4096x32xf32, #tpu.memory_space<vmem>>) attributes {dimension_semantics = [#tpu.dimension_semantics<arbitrary>], iteration_bounds = array<i64: 25>, scalar_prefetch = 0 : i64, scratch_operands = 0 : i64, tpu.core_type = #tpu.core_type<tc>, window_params = [{transform_indices = @transform_0, window_bounds = array<i64: 2, 4096, 16>}, {transform_indices = @transform_1, window_bounds = array<i64: 2, 4096, 16>}, {transform_indices = @transform_2, window_bounds = array<i64: 4096, 1>}, {pipeline_mode = #tpu.pipeline_mode<synchronous>, transform_indices = @transform_3, window_bounds = array<i64: 32, 32>}, {pipeline_mode = #tpu.pipeline_mode<synchronous>, transform_indices = @transform_4, window_bounds = array<i64: 32, 32>}, {pipeline_mode = #tpu.pipeline_mode<synchronous>, transform_indices = @transform_5, window_bounds = array<i64: 1, 32>}, {transform_indices = @transform_6, window_bounds = array<i64: 4096, 32>}]} {
    %get3A = arith.constant 0 : index
    %get3A_0 = arith.constant 0 : index
    %get3A_1 = arith.constant 0 : index
    %get3A_2 = vector.load %arg1[%get3A, %get3A_0, %get3A_1] : memref<2x4096x16xf32, #tpu.memory_space<vmem>>, vector<1x4096x16xf32>
    %get3A_3 = vector.shape_cast %get3A_2 : vector<1x4096x16xf32> to vector<4096x16xf32>
    %get3A_4 = arith.constant 1 : index
    %get3A_5 = arith.constant 0 : index
    %get3A_6 = arith.constant 0 : index
    %get3A_7 = vector.load %arg1[%get3A_4, %get3A_5, %get3A_6] : memref<2x4096x16xf32, #tpu.memory_space<vmem>>, vector<1x4096x16xf32>
    %get3A_8 = vector.shape_cast %get3A_7 : vector<1x4096x16xf32> to vector<4096x16xf32>
    %concatenate3A = tpu.concatenate %get3A_3, %get3A_8 in 1 : vector<4096x16xf32>, vector<4096x16xf32> -> vector<4096x32xf32>
    %get3A_9 = arith.constant 0 : index
    %get3A_10 = arith.constant 0 : index
    %get3A_11 = arith.constant 0 : index
    %get3A_12 = vector.load %arg2[%get3A_9, %get3A_10, %get3A_11] : memref<2x4096x16xf32, #tpu.memory_space<vmem>>, vector<1x4096x16xf32>
    %get3A_13 = vector.shape_cast %get3A_12 : vector<1x4096x16xf32> to vector<4096x16xf32>
    %get3A_14 = arith.constant 1 : index
    %get3A_15 = arith.constant 0 : index
    %get3A_16 = arith.constant 0 : index
    %get3A_17 = vector.load %arg2[%get3A_14, %get3A_15, %get3A_16] : memref<2x4096x16xf32, #tpu.memory_space<vmem>>, vector<1x4096x16xf32>
    %get3A_18 = vector.shape_cast %get3A_17 : vector<1x4096x16xf32> to vector<4096x16xf32>
    %concatenate3A_19 = tpu.concatenate %get3A_13, %get3A_18 in 1 : vector<4096x16xf32>, vector<4096x16xf32> -> vector<4096x32xf32>
    %get3A_20 = arith.constant 0 : index
    %get3A_21 = arith.constant 0 : index
    %get3A_22 = vector.load %arg3[%get3A_20, %get3A_21] : memref<4096x1xf32, #tpu.memory_space<vmem>>, vector<4096x1xf32>
    %mul3A = vector.broadcast %get3A_22 : vector<4096x1xf32> to vector<4096x32xf32>
    %mul3A_23 = arith.mulf %concatenate3A, %mul3A : vector<4096x32xf32>
    %get3A_24 = arith.constant 0 : index
    %get3A_25 = arith.constant 0 : index
    %get3A_26 = vector.load %arg4[%get3A_24, %get3A_25] : memref<32x32xf32, #tpu.memory_space<vmem>>, vector<32x32xf32>
    %dot_general3A = arith.constant dense<0.000000e+00> : vector<4096x32xf32>
    %dot_general3A_27 = tpu.matmul %mul3A_23, %get3A_26, %dot_general3A {dimension_numbers = #tpu.dot_dimension_numbers<[1], [0], [0], [1], [0, 0, 1, 1], [], []>, transpose_lhs_hint = false} : vector<4096x32xf32>, vector<32x32xf32>, vector<4096x32xf32> -> vector<4096x32xf32>
    %get3A_28 = arith.constant 0 : index
    %get3A_29 = arith.constant 0 : index
    %get3A_30 = vector.load %arg6[%get3A_28, %get3A_29] : memref<1x32xf32, #tpu.memory_space<vmem>>, vector<1x32xf32>
    %add3A = vector.broadcast %get3A_30 : vector<1x32xf32> to vector<4096x32xf32>
    %add3A_31 = arith.addf %dot_general3A_27, %add3A : vector<4096x32xf32>
    %get3A_32 = arith.constant 0 : index
    %get3A_33 = arith.constant 0 : index
    %get3A_34 = vector.load %arg5[%get3A_32, %get3A_33] : memref<32x32xf32, #tpu.memory_space<vmem>>, vector<32x32xf32>
    %dot_general3A_35 = arith.constant dense<0.000000e+00> : vector<4096x32xf32>
    %dot_general3A_36 = tpu.matmul %concatenate3A_19, %get3A_34, %dot_general3A_35 {dimension_numbers = #tpu.dot_dimension_numbers<[1], [0], [0], [1], [0, 0, 1, 1], [], []>, transpose_lhs_hint = false} : vector<4096x32xf32>, vector<32x32xf32>, vector<4096x32xf32> -> vector<4096x32xf32>
    %add3A_37 = arith.addf %add3A_31, %dot_general3A_36 : vector<4096x32xf32>
    %max3A = arith.constant 0.000000e+00 : f32
    %max3A_38 = vector.broadcast %max3A : f32 to vector<4096x32xf32>
    %max3A_39 = arith.maximumf %add3A_37, %max3A_38 : vector<4096x32xf32>
    %swap3A = arith.constant 0 : index
    %swap3A_40 = arith.constant 0 : index
    %swap3A_41 = vector.load %arg7[%swap3A, %swap3A_40] : memref<4096x32xf32, #tpu.memory_space<vmem>>, vector<4096x32xf32>
    tpu.vector_store %arg7[%swap3A, %swap3A_40], %max3A_39 {strides = array<i32>} : memref<4096x32xf32, #tpu.memory_space<vmem>>, vector<4096x32xf32>,
    return
  }
  func.func @transform_0(%arg0: i32) -> (i32, i32, i32) {
    %c0_i32 = arith.constant 0 : i32
    %c0_i32_0 = arith.constant 0 : i32
    %c0_i32_1 = arith.constant 0 : i32
    return %c0_i32, %arg0, %c0_i32_0 : i32, i32, i32
  }
  func.func @transform_1(%arg0: i32) -> (i32, i32, i32) {
    %c0_i32 = arith.constant 0 : i32
    %c0_i32_0 = arith.constant 0 : i32
    %c0_i32_1 = arith.constant 0 : i32
    return %c0_i32, %arg0, %c0_i32_0 : i32, i32, i32
  }
  func.func @transform_2(%arg0: i32) -> (i32, i32) {
    %c0_i32 = arith.constant 0 : i32
    %c0_i32_0 = arith.constant 0 : i32
    return %arg0, %c0_i32 : i32, i32
  }
  func.func @transform_3(%arg0: i32) -> (i32, i32) {
    %c0_i32 = arith.constant 0 : i32
    %c0_i32_0 = arith.constant 0 : i32
    %c0_i32_1 = arith.constant 0 : i32
    return %c0_i32, %c0_i32_0 : i32, i32
  }
  func.func @transform_4(%arg0: i32) -> (i32, i32) {
    %c0_i32 = arith.constant 0 : i32
    %c0_i32_0 = arith.constant 0 : i32
    %c0_i32_1 = arith.constant 0 : i32
    return %c0_i32, %c0_i32_0 : i32, i32
  }
  func.func @transform_5(%arg0: i32) -> (i32, i32) {
    %c0_i32 = arith.constant 0 : i32
    %c0_i32_0 = arith.constant 0 : i32
    %c0_i32_1 = arith.constant 0 : i32
    return %c0_i32, %c0_i32_0 : i32, i32
  }
  func.func @transform_6(%arg0: i32) -> (i32, i32) {
    %c0_i32 = arith.constant 0 : i32
    %c0_i32_0 = arith.constant 0 : i32
    return %arg0, %c0_i32 : i32, i32
  }
}

</mosaic_0001>

<sc_bundles>
// kernel: kernel.6.cloned.1.call-start
scs
__scs_entry_jumppad:
0x0: {  	(pc) =	sbr.rel $0x88, $3  }
0x1: {  	(tag) =	ssettag $0x0;
	lr =	simm.s32 $0x1  }
0x2: {  	[smem:$0x3F99] =	sst lr;
	_ =	strace $0xD0000000  }
0x3: {  	_ = 	snop  }
0x4: {  	_ = 	snop  }
0x5: {  	_ = 	snop  }
0x6: {  	_ = 	snop  }
0x7: {  	_ = 	snop  }
__scs_overlays_trampoline_lowered:
0x8: {  	[smem:$0x3FA8] =	sst s0  }
0x9: {  	[smem:$0x3FA9] =	sst s1  }
0xa: {  	[smem:$0x3FAA] =	sst s2  }
0xb: {  	[smem:$0x3FAB] =	sst s3  }
0xc: {  	[smem:$0x3FAC] =	sst s4  }
0xd: {  	[smem:$0x3FAD] =	sst s5  }
0xe: {  	[smem:$0x3FAE] =	sst s6  }
0xf: {  	[smem:$0x3FAF] =	sst s7  }
0x10: {  	[smem:$0x3FB0] =	sst s8  }
0x11: {  	[smem:$0x3FB1] =	sst s9;
	s0 =	simm.s32 @!p0 $0x0  }
0x12: {  	s1 =	sld [smem:$0x3F97];
	s0 =	simm.s32 @p0 $0x1  }
0x13: {  	[smem:$0x3FB2] =	sst s0;
	s0 =	simm.s32 @!p1 $0x0  }
0x14: {  	s2 =	sld [smem:$0x3F96];
	s0 =	simm.s32 @p1 $0x1  }
0x15: {  	[smem:$0x3FB3] =	sst s0;
	s0 =	simm.s32 @!p2 $0x0  }
0x16: {  	s3 =	sld [smem:$0x3FDB];
	s0 =	simm.s32 @p2 $0x1  }
0x17: {  	s4 =	simm.s32 $0x1BF5;
	[smem:$0x3FB5] =	sst s0  }
0x18: {  	s0 =	sld [smem:$0x3F98];
	_ =	swait.ge [sflag:s4], $0x0  }
0x19: {  	s7 =	sld [smem:$0x3F99]  }
0x1a: {  	s8 =	sadd.s32 $0xFFFFE003, lr  }
0x1b: {  	s9 =	sadd.s32 $0xFFFFFEF7, lr;
	s5 =	simm.s32 $0xFFFFFFFF;
	p2 =	slt.u32 s8, $0xFFFFF086  }
0x1c: {  	p1 =	slt.u32 s9, $0xF7A;
	s5 =	simm.s32 @!p2 $0x0  }
0x1d: {  	s5 =	simm.s32 @p1 $0x1;
	p0 =	seq.s32 s7, s2  }
0x1e: {  	s7 =	smul.u32 @!p0 $0xF7A, s2;
	p2 =	seq.s32 @!p0 s5, $0x0  }
0x1f: {  	s9 =	smul.u32 $0xF7A, s1;
	s8 =	simm.s32 @!p0 $0x1BF5;
	p2 =	por !p2, p0  }
0x20: {  	[sflag:s8] =	ssyncset.s32 @!p0 $0xFFFFF086;
	s6 =	sadd.s32 @!p0 s3, s7;
	s7 =	simm.s32 @!p0 $0x108  }
0x21: {  	s3 =	sadd.s32 s3, s9;
	s6 =	sadd.s32 @!p0 $0x88, s6;
	s7 =	simm.s32 @p2 $0x1082  }
0x22: {  	[simem:s7], [sflag:s8] =	dma.local @!p0 [hbm:s6], $0xF7A  }
0x23: {  	s9 =	sor.u32 $0xD0000000, s2;
	s6 =	simm.s32 $0x108;
	_ =	swait.ge @!p0 [sflag:s8], $0x0  }
0x24: {  	s3 =	sadd.s32 $0x88, s3;
	s6 =	simm.s32 @!p1 $0x1082;
	[sflag:s4] =	ssyncset.s32 $0xFFFFF086  }
0x25: {  	[simem:s6], [sflag:s4] =	dma.local [hbm:s3], $0xF7A  }
0x26: {  	[smem:$0x3F99] =	sst s1;
	(tag) =	ssettag s2;
	_ =	strace s9  }
0x27: {  	s1 =	sld [smem:$0x3FA9]  }
0x28: {  	s2 =	sld [smem:$0x3FAA]  }
0x29: {  	s4 =	sld [smem:$0x3FAC]  }
0x2a: {  	p0 =	seq.s32 s5, $0x0;
	s5 =	sld [smem:$0x3FAD]  }
0x2b: {  	s6 =	sld [smem:$0x3FAE]  }
0x2c: {  	s7 =	sld [smem:$0x3FAF]  }
0x2d: {  	s3 =	simm.s32 $0x108;
	s8 =	sld [smem:$0x3FB0]  }
0x2e: {  	s3 =	simm.s32 @!p0 $0x1082;
	s9 =	sld [smem:$0x3FB1]  }
0x2f: {  	lr =	sadd.s32 s0, s3;
	s0 =	sld [smem:$0x3FA8]  }
0x30: {  	s3 =	sld [smem:$0x3FAB]  }
0x31: {  	[smem:$0x3FB4] =	sst s10  }
0x32: {  	s10 =	sld [smem:$0x3FB2];
	_ =	sdelay $0x3  }
0x33: {  	p0 =	seq.s32 s10, $0x1;
	s10 =	sld [smem:$0x3FB4];
	_ =	sdelay $0x3  }
0x34: {  	[smem:$0x3FB4] =	sst s10  }
0x35: {  	s10 =	sld [smem:$0x3FB3];
	_ =	sdelay $0x3  }
0x36: {  	p1 =	seq.s32 s10, $0x1;
	s10 =	sld [smem:$0x3FB4];
	_ =	sdelay $0x3  }
0x37: {  	[smem:$0x3FB4] =	sst s10  }
0x38: {  	s10 =	sld [smem:$0x3FB5]  }
0x39: {  	_ = 	snop;
	(pc) =	sbr.ind lr, $3  }
0x3a: {  	_ = 	snop  }
0x3b: {  	_ = 	snop  }
0x3c: {  	p2 =	seq.s32 s10, $0x1;
	s10 =	sld [smem:$0x3FB4]  }
0x3d: {  	_ =	shalt  }
0x3e: {  	_ =	shalt  }
0x3f: {  	_ =	shalt  }
0x40: {  	_ =	shalt  }
0x41: {  	_ =	shalt  }
0x42: {  	_ =	shalt  }
0x43: {  	_ =	shalt  }
0x44: {  	_ =	shalt  }
0x45: {  	_ =	shalt  }
0x46: {  	_ =	shalt  }
0x47: {  	_ =	shalt  }
0x48: {  	_ =	shalt  }
0x49: {  	_ =	shalt  }
0x4a: {  	_ =	shalt  }
0x4b: {  	_ =	shalt  }
0x4c: {  	_ =	shalt  }
0x4d: {  	_ =	shalt  }
0x4e: {  	_ =	shalt  }
0x4f: {  	_ =	shalt  }
0x50: {  	_ =	shalt  }
0x51: {  	_ =	shalt  }
0x52: {  	_ =	shalt  }
0x53: {  	_ =	shalt  }
0x54: {  	_ =	shalt  }
0x55: {  	_ =	shalt  }
0x56: {  	_ =	shalt  }
0x57: {  	_ =	shalt  }
0x58: {  	_ =	shalt  }
0x59: {  	_ =	shalt  }
0x5a: {  	_ =	shalt  }
0x5b: {  	_ =	shalt  }
0x5c: {  	_ =	shalt  }
0x5d: {  	_ =	shalt  }
0x5e: {  	_ =	shalt  }
0x5f: {  	_ =	shalt  }
0x60: {  	_ =	shalt  }
0x61: {  	_ =	shalt  }
0x62: {  	_ =	shalt  }
0x63: {  	_ =	shalt  }
0x64: {  	_ =	shalt  }
0x65: {  	_ =	shalt  }
0x66: {  	_ =	shalt  }
0x67: {  	_ =	shalt  }
0x68: {  	_ =	shalt  }
0x69: {  	_ =	shalt  }
0x6a: {  	_ =	shalt  }
0x6b: {  	_ =	shalt  }
0x6c: {  	_ =	shalt  }
0x6d: {  	_ =	shalt  }
0x6e: {  	_ =	shalt  }
0x6f: {  	_ =	shalt  }
0x70: {  	_ =	shalt  }
0x71: {  	_ =	shalt  }
0x72: {  	_ =	shalt  }
0x73: {  	_ =	shalt  }
0x74: {  	_ =	shalt  }
0x75: {  	_ =	shalt  }
0x76: {  	_ =	shalt  }
0x77: {  	_ =	shalt  }
0x78: {  	_ =	shalt  }
0x79: {  	_ =	shalt  }
0x7a: {  	_ =	shalt  }
0x7b: {  	_ =	shalt  }
0x7c: {  	_ =	shalt  }
0x7d: {  	_ =	shalt  }
0x7e: {  	_ =	shalt  }
0x7f: {  	_ =	shalt  }
0x80: {  	_ =	shalt  }
0x81: {  	_ =	shalt  }
0x82: {  	_ =	shalt  }
0x83: {  	_ =	shalt  }
0x84: {  	_ =	shalt  }
0x85: {  	_ =	shalt  }
0x86: {  	_ =	shalt  }
0x87: {  	_ =	shalt  }
.Lfunc_end0:
.L_simem_size_0:
called_computation_lowered:
.L_overlay_start_0:
0x88: {  	s2 =	sld [smem:$0x3FD9]  }
0x89: {  	s3 =	sld [smem:$0x3FFE];
	_ =	sdelay $0x1  }
0x8a: {  	s1 =	srdreg.scid  }
0x8b: {  	s0 =	sand.u32 $0x1, s1  }
0x8c: {  	s17 =	sshll.u32 s0, $0xA;
	s2 =	sadd.s32 s3, s2  }
0x8d: {  	s2 =	sadd.s32 s2, s17  }
0x8e: {  	[smem:$0x3FC0] =	sst s2  }
0x8f: {  	_ = 	snop  }
0x90: {  	s2 =	sld [smem:$0x3FD0];
	(tm) =	ssettm $0x1  }
0x91: {  	s18 =	sld [smem:$0x3FFB];
	_ =	sdelay $0x3  }
0x92: {  	_ =	strace s18  }
0x93: {  	s3 =	sld [smem:$0x3FFC];
	_ =	sdelay $0x3  }
0x94: {  	_ =	strace s3  }
0x95: {  	s3 =	sld [smem:$0x3FFD];
	_ =	sdelay $0x3  }
0x96: {  	_ =	strace s3  }
0x97: {  	_ =	strace $0x8FFFFFFF  }
0x98: {  	s19 =	sld [smem:$0x3FDB];
	_ =	sdelay $0x1  }
0x99: {  	s4 =	simm.s32 $_scs_section_size  }
0x9a: {  	s5 =	simm.s32 $_size__tile_overlayer_lowered;
	s6 =	simm.s32 $_tile_overlayer_lowered  }
0x9b: {  	s22 =	simm.s32 $0x1BFF;
	s21 =	sshll.u32 s6, $0x1;
	s3 =	sadd.s32 s4, s19  }
0x9c: {  	s7 =	simm.s32 $0x0;
	s20 =	sshll.u32 s5, $0x1;
	s5 =	sadd.s32 s21, s3  }
0x9d: {  	[timem:s7], [sflag:s22] =	dma.local [hbm:s5], s20  }
0x9e: {  	_ =	swait.ge [sflag:s22], s20  }
0x9f: {  	s4 =	ssub.s32 $0x0, s20;
	[sflag:s22] =	ssyncset.done $0x0  }
0xa0: {  	[sflag:s22] =	ssyncadd.s32 s4;
	_ =	sdelay $0x1  }
0xa1: {  	s23 =	simm.s32 $0x1B8B  }
0xa2: {  	_ =	swait.ge [sflag:s23], $0x1  }
0xa3: {  	[sflag:s23] =	ssyncset.done $0x0  }
0xa4: {  	s25 =	simm.s32 $0x1B8E;
	s24 =	sld [smem:$0x3FFE];
	[sflag:s23] =	ssyncadd.s32 $0xFFFFFFFF  }
0xa5: {  	s26 =	simm.s32 $execute0_lowered;
	[smem:$0x3FD2] =	sst s25  }
0xa6: {  	s5 =	sshll.u32 s26, $0x1;
	_ =	strace $0x80000046;
	[dreg:$0x1] =	wrdreg $0xFFFFFFFF  }
0xa7: {  	s28 =	simm.s32 $_size_execute0_lowered;
	s3 =	sadd.s32 s3, s5;
	[dreg:$0x0] =	wrdreg $0x0  }
0xa8: {  	s5 =	sshll.u32 s28, $0x1;
	[dreg:$0x2] =	wrdreg s3  }
0xa9: {  	[dreg:$0x3] =	wrdreg s5  }
0xaa: {  	[dreg:$0x4] =	wrdreg $0xC0  }
0xab: {  	_ =	task [dreg:s7], $0x5FFFF  }
0xac: {  	[dreg:$0x1] =	wrdreg $0xFFFFFFFF  }
0xad: {  	[dreg:$0x0] =	wrdreg $0x60  }
0xae: {  	[dreg:$0x2] =	wrdreg s24  }
0xaf: {  	[dreg:$0x3] =	wrdreg s2  }
0xb0: {  	[dreg:$0x4] =	wrdreg $0x60000  }
0xb1: {  	[dreg:$0x5] =	wrdreg $0x9  }
0xb2: {  	_ =	task.clear_ibuf [dreg:s7], $0x6FFFF;
	_ =	strace $0x90000046  }
0xb3: {  	s29 =	simm.s32 $0x9;
	_ =	strace $0x8000004E  }
0xb4: {  	_ =	swait.ge [sflag:s29], $0x1  }
0xb5: {  	[sflag:s29] =	ssyncadd.s32 $0xFFFFFFFF  }
0xb6: {  	_ =	strace $0x9000004E  }
0xb7: {  	_ =	sfence  }
0xb8: {  	s30 =	sld [smem:$0x0];
	_ =	sdelay $0x2  }
0xb9: {  	s31 =	sshll.u32 s1, $0xD;
	s1 =	sshrl.u32 s1, $0x2  }
0xba: {  	s3 =	sand.u32 $0x4000, s31;
	s1 =	sadd.s32 s1, s30  }
0xbb: {  	s0 =	sor.u32 s3, s0;
	s1 =	sshll.u32 s1, $0x11  }
0xbc: {  	s0 =	sor.u32 s1, s0  }
0xbd: {  	s0 =	sadd.s32 $0x8F2B, s0  }
0xbe: {  	[sflag:s0] =	ssyncadd.remote.s32 $0x1  }
0xbf: {  	_ =	sfence.sel $0xFFFF  }
0xc0: {  	[dreg:$0x0] =	wrdreg $0xFFFFFFFF;
	(pc) =	sbr.abs _section_cstart, $3  }
0xc1: {  	[dreg:$0x1] =	wrdreg $0xFFFFFFFF  }
0xc2: {  	_ =	task.clear_ibuf [dreg:s7], $0x2FFFF;
	_ =	strace $0x9FFFFFFF  }
0xc3: {  	(tm) =	ssettm $0x7FFFFFFF  }
tec
execute0_lowered:
.L_overlay_start_1:
0x0: {  	(tag) =	ssettag $0x1  }
0x1: {  	s0 =	rddreg [dreg:$0x0]  }
0x2: {  	s11 =	rddreg [dreg:$0x1]  }
0x3: {  	s3 =	rddreg [dreg:$0x2];
	s1 =	simm.s32 $0x0;
	s10 =	stileid.u32  }
0x4: {  	s2 =	srdreg.scid;
	s17 =	simm.s32 $0x80;
	[smem:$0x7FF] =	sst s1  }
0x5: {  	s25 =	smul.u32 $0xC380, s10;
	s12 =	sadd.s32 $0x1A200, s0;
	s2 =	sand.u32 $0x1, s2  }
0x6: {  	s29 =	sshll.u32 s10, $0x6;
	_ =	strace $0x80000047;
	s6 =	smul.u32 $0x19000, s2  }
0x7: {  	s7 =	ssub.s32 $0x2, s2;
	s2 =	sshll.u32 s2, $0x4;
	[dreg:$0x5] =	wrdreg s12  }
0x8: {  	s4 =	sshrl.u32 s25, $0x3;
	s9 =	sshrl.u32 s7, $0x1;
	s2 =	sor.u32 s10, s2  }
0x9: {  	s1 =	sadd.s32 s25, s3;
	s26 =	ssub.s32 s7, s9;
	s9 =	sor.u32 $0x1C03, s29  }
0xa: {  	s8 =	sadd.s32 s4, s0;
	s1 =	sshrl.u32 s1, $0x3;
	[dreg:$0x8] =	wrdreg s9  }
0xb: {  	s28 =	smul.u32 $0x11, s2;
	s8 =	sadd.s32 $0x4D200, s8;
	[dreg:$0xc] =	wrdreg s1  }
0xc: {  	s13 =	simm.s32 $0x2;
	s2 =	smul.u32 $0x1980, s2;
	[dreg:$0x7] =	wrdreg s8  }
0xd: {  	s5 =	sadd.s32 $0x1200, s0;
	s31 =	smax.u32 s26, $0x1;
	[dreg:$0x4] =	wrdreg s28  }
0xe: {  	s0 =	sadd.s32 s6, s0;
	s30 =	sadd.s32 s11, s2;
	[dreg:$0xb] =	wrdreg s31  }
0xf: {  	s0 =	sadd.s32 $0x65A00, s0;
	s2 =	sadd.s32 s12, s2;
	[dreg:$0x9] =	wrdreg s30  }
0x10: {  	s0 =	sadd.s32 s4, s0;
	s12 =	simm.s32 $0x1;
	[dreg:$0xa] =	wrdreg s2  }
0x11: {  	s4 =	simm.s32 $0x0;
	s2 =	simm.s32 $0x3;
	[dreg:$0xd] =	wrdreg s0  }
.LBB2_1:
0x12: {  	[dreg:$0xe] =	wrdreg s4  }
0x13: {  	s0 =	rddreg [dreg:$0x7]  }
0x14: {  	[spmem:s1], [sflag:s9] =	dma.local [hbm:s0], $0x1870  }
0x15: {  	_ =	swait.ge [sflag:s2], $0x1870  }
0x16: {  	[sflag:s2] =	ssyncset.done $0x0  }
0x17: {  	[sflag:s2] =	ssyncadd.s32 $0xFFFFE790  }
0x18: {  	s7 =	simm.s32 $0x0;
	s16 =	simm.s32 $0x12380;
	[bflag:$0x0] =	sbarrier.arrive $0xFFFF  }
0x19: {  	p1 =	por $0x0, $0x0;
	s1 =	simm.s32 $0x1;
	_ =	strace $0x80000048  }
0x1a: {  	p0 =	por $0x0, $0x0;
	s1 =	simm.s32 @p1 $0x0;
	s15 =	rddreg [dreg:$0x9]  }
0x1b: {  	[tilespmem:s16], [sflag:$0x3] =	stream.linear.gather [hbm4b:s15+s7], $0xC00, $0x200038;
	[tilespmem:$0x15380] =	vst v63  }
0x1c: {  	s19 =	simm.s32 $0x13B80;
	p2 =	seq.s32 @!p0 s1, $0x0;
	s18 =	rddreg [dreg:$0xa]  }
0x1d: {  	[tilespmem:s19], [sflag:$0x5] =	stream.linear.gather [hbm4b:s18+s7], $0xC00, $0x200038;
	[tilespmem:$0x15380] =	vst v63  }
0x1e: {  	p1 =	por p2, p0;
	_ =	strace $0x90000048  }
0x1f: {  	s6 =	sand.u32 @!p1 $0x1, s12;
	s4 =	rddreg [dreg:$0x4]  }
0x20: {  	s16 =	smul.u32 @!p1 $0x3000, s6;
	s4 =	sadd.s32 @!p1 s4, s1  }
0x21: {  	s4 =	smul.u32 @!p1 $0xC00, s4  }
0x22: {  	s18 =	sadd.s32 @!p1 $0x3, s6;
	_ =	strace @!p1 $0x80000049  }
0x23: {  	s16 =	sshrl.u32 @!p1 s16, $0x2;
	s0 =	rddreg [dreg:$0x1];
	s4 =	sshrl.u32 @!p1 s4, $0x3  }
0x24: {  	s19 =	simm.s32 @!p1 $0x0;
	s20 =	sor.u32 @!p1 $0x12380, s16;
	s21 =	sadd.s32 @!p1 s0, s4  }
0x25: {  	[tilespmem:s20], [sflag:s18] =	stream.linear.gather @!p1 [hbm4b:s21+s19], $0xC00, $0x200038;
	[tilespmem:$0x15380] =	vst v63  }
0x26: {  	_ =	strace @!p1 $0x90000049  }
0x27: {  	s6 =	sadd.s32 @!p1 $0x5, s6;
	s0 =	rddreg [dreg:$0x5]  }
0x28: {  	s16 =	sadd.s32 @!p1 $0x13B80, s16;
	_ =	strace @!p1 $0x8000004A;
	s4 =	sadd.s32 @!p1 s0, s4  }
0x29: {  	[tilespmem:s16], [sflag:s6] =	stream.linear.gather @!p1 [hbm4b:s4+s19], $0xC00, $0x200038;
	[tilespmem:$0x15380] =	vst v63  }
0x2a: {  	s20 =	sand.u32 $0x1, s7;
	_ =	strace @!p1 $0x9000004A  }
0x2b: {  	s21 =	sadd.s32 $0x3, s20;
	_ =	strace $0x8000004B  }
0x2c: {  	_ =	swait.ge [sflag:s21], $0xC00  }
0x2d: {  	[sflag:s21] =	ssyncset.done $0x0  }
0x2e: {  	[sflag:s21] =	ssyncadd.s32 $0xFFFFF400  }
0x2f: {  	_ =	strace $0x9000004B  }
0x30: {  	s22 =	sadd.s32 $0x5, s20;
	_ =	strace $0x8000004C  }
0x31: {  	_ =	swait.ge [sflag:s22], $0xC00  }
0x32: {  	[sflag:s22] =	ssyncset.done $0x0  }
0x33: {  	p3 =	seq.s32 s20, $0x1;
	s4 =	simm.s32 $0xC00;
	[sflag:s22] =	ssyncadd.s32 $0xFFFFF400  }
0x34: {  	s4 =	simm.s32 @!p3 $0x0;
	_ =	strace $0x9000004C  }
0x35: {  	s23 =	sor.u32 $0x12380, s4;
	_ =	strace $0x8000004D  }
0x36: {  	[tilespmem:s7], [sflag:$0x1] =	stream.indirect.gather [hbm4b:s5+s17], $0x8, s23, s17, $0x2000b8;
	[tilespmem:$0x15380] =	vst v63  }
0x37: {  	s0 =	simm.s32 $0x400;
	s24 =	sadd.s32 $0x12400, s4  }
0x38: {  	[tilespmem:s0], [sflag:$0x1] =	stream.indirect.gather [hbm4b:s5+s17], $0x8, s24, s17, $0x2000b8;
	[tilespmem:$0x15380] =	vst v63  }
0x39: {  	s9 =	simm.s32 $0x800;
	s25 =	sadd.s32 $0x12480, s4  }
0x3a: {  	[tilespmem:s9], [sflag:$0x1] =	stream.indirect.gather [hbm4b:s5+s17], $0x8, s25, s17, $0x2000b8;
	[tilespmem:$0x15380] =	vst v63  }
0x3b: {  	s2 =	simm.s32 $0xC00;
	s26 =	sadd.s32 $0x12500, s4  }
0x3c: {  	[tilespmem:s2], [sflag:$0x1] =	stream.indirect.gather [hbm4b:s5+s17], $0x8, s26, s17, $0x2000b8;
	[tilespmem:$0x15380] =	vst v63  }
0x3d: {  	s14 =	simm.s32 $0x1000;
	s28 =	sadd.s32 $0x12580, s4  }
0x3e: {  	[tilespmem:s14], [sflag:$0x1] =	stream.indirect.gather [hbm4b:s5+s17], $0x8, s28, s17, $0x2000b8;
	[tilespmem:$0x15380] =	vst v63  }
0x3f: {  	s15 =	simm.s32 $0x1400;
	s29 =	sadd.s32 $0x12600, s4  }
0x40: {  	[tilespmem:s15], [sflag:$0x1] =	stream.indirect.gather [hbm4b:s5+s17], $0x8, s29, s17, $0x2000b8;
	[tilespmem:$0x15380] =	vst v63  }
0x41: {  	s10 =	simm.s32 $0x1800;
	s30 =	sadd.s32 $0x12680, s4  }
0x42: {  	[tilespmem:s10], [sflag:$0x1] =	stream.indirect.gather [hbm4b:s5+s17], $0x8, s30, s17, $0x2000b8;
	[tilespmem:$0x15380] =	vst v63  }
0x43: {  	s11 =	simm.s32 $0x1C00;
	s31 =	sadd.s32 $0x12700, s4  }
0x44: {  	[tilespmem:s11], [sflag:$0x1] =	stream.indirect.gather [hbm4b:s5+s17], $0x8, s31, s17, $0x2000b8;
	[tilespmem:$0x15380] =	vst v63  }
0x45: {  	s16 =	simm.s32 $0x2000;
	s8 =	sadd.s32 $0x12780, s4  }
0x46: {  	[tilespmem:s16], [sflag:$0x1] =	stream.indirect.gather [hbm4b:s5+s17], $0x8, s8, s17, $0x2000b8;
	[tilespmem:$0x15380] =	vst v63  }
0x47: {  	s18 =	sadd.s32 $0x12800, s4;
	s8 =	simm.s32 $0x2400  }
0x48: {  	[tilespmem:s8], [sflag:$0x1] =	stream.indirect.gather [hbm4b:s5+s17], $0x8, s18, s17, $0x2000b8;
	[tilespmem:$0x15380] =	vst v63  }
0x49: {  	s19 =	sadd.s32 $0x12880, s4;
	s18 =	simm.s32 $0x2800  }
0x4a: {  	[tilespmem:s18], [sflag:$0x1] =	stream.indirect.gather [hbm4b:s5+s17], $0x8, s19, s17, $0x2000b8;
	[tilespmem:$0x15380] =	vst v63  }
0x4b: {  	s20 =	sadd.s32 $0x12900, s4;
	s19 =	simm.s32 $0x2C00  }
0x4c: {  	[tilespmem:s19], [sflag:$0x1] =	stream.indirect.gather [hbm4b:s5+s17], $0x8, s20, s17, $0x2000b8;
	[tilespmem:$0x15380] =	vst v63  }
0x4d: {  	s21 =	sadd.s32 $0x12980, s4;
	s20 =	simm.s32 $0x3000  }
0x4e: {  	[tilespmem:s20], [sflag:$0x1] =	stream.indirect.gather [hbm4b:s5+s17], $0x8, s21, s17, $0x2000b8;
	[tilespmem:$0x15380] =	vst v63  }
0x4f: {  	s22 =	sadd.s32 $0x12A00, s4;
	s21 =	simm.s32 $0x3400  }
0x50: {  	[tilespmem:s21], [sflag:$0x1] =	stream.indirect.gather [hbm4b:s5+s17], $0x8, s22, s17, $0x2000b8;
	[tilespmem:$0x15380] =	vst v63  }
0x51: {  	s23 =	sadd.s32 $0x12A80, s4;
	s22 =	simm.s32 $0x3800  }
0x52: {  	[tilespmem:s22], [sflag:$0x1] =	stream.indirect.gather [hbm4b:s5+s17], $0x8, s23, s17, $0x2000b8;
	[tilespmem:$0x15380] =	vst v63  }
0x53: {  	s24 =	sadd.s32 $0x12B00, s4;
	s23 =	simm.s32 $0x3C00  }
0x54: {  	[tilespmem:s23], [sflag:$0x1] =	stream.indirect.gather [hbm4b:s5+s17], $0x8, s24, s17, $0x2000b8;
	[tilespmem:$0x15380] =	vst v63  }
0x55: {  	s25 =	sadd.s32 $0x12B80, s4;
	s24 =	simm.s32 $0x4000  }
0x56: {  	[tilespmem:s24], [sflag:$0x1] =	stream.indirect.gather [hbm4b:s5+s17], $0x8, s25, s17, $0x2000b8;
	[tilespmem:$0x15380] =	vst v63  }
0x57: {  	s26 =	sadd.s32 $0x12C00, s4;
	s25 =	simm.s32 $0x4400  }
0x58: {  	[tilespmem:s25], [sflag:$0x1] =	stream.indirect.gather [hbm4b:s5+s17], $0x8, s26, s17, $0x2000b8;
	[tilespmem:$0x15380] =	vst v63  }
0x59: {  	s28 =	sadd.s32 $0x12C80, s4;
	s26 =	simm.s32 $0x4800  }
0x5a: {  	[tilespmem:s26], [sflag:$0x1] =	stream.indirect.gather [hbm4b:s5+s17], $0x8, s28, s17, $0x2000b8;
	[tilespmem:$0x15380] =	vst v63  }
0x5b: {  	s29 =	sadd.s32 $0x12D00, s4;
	s28 =	simm.s32 $0x4C00  }
0x5c: {  	[tilespmem:s28], [sflag:$0x1] =	stream.indirect.gather [hbm4b:s5+s17], $0x8, s29, s17, $0x2000b8;
	[tilespmem:$0x15380] =	vst v63  }
0x5d: {  	s30 =	sadd.s32 $0x12D80, s4;
	s29 =	simm.s32 $0x5000  }
0x5e: {  	[tilespmem:s29], [sflag:$0x1] =	stream.indirect.gather [hbm4b:s5+s17], $0x8, s30, s17, $0x2000b8;
	[tilespmem:$0x15380] =	vst v63  }
0x5f: {  	s31 =	sadd.s32 $0x12E00, s4;
	s30 =	simm.s32 $0x5400  }
0x60: {  	[tilespmem:s30], [sflag:$0x1] =	stream.indirect.gather [hbm4b:s5+s17], $0x8, s31, s17, $0x2000b8;
	[tilespmem:$0x15380] =	vst v63  }
0x61: {  	s6 =	sadd.s32 $0x12E80, s4;
	s31 =	simm.s32 $0x5800  }
0x62: {  	[tilespmem:s31], [sflag:$0x1] =	stream.indirect.gather [hbm4b:s5+s17], $0x8, s6, s17, $0x2000b8;
	[tilespmem:$0x15380] =	vst v63  }
0x63: {  	s6 =	sadd.s32 $0x12F00, s4;
	s31 =	simm.s32 $0x5C00  }
0x64: {  	[tilespmem:s31], [sflag:$0x1] =	stream.indirect.gather [hbm4b:s5+s17], $0x8, s6, s17, $0x2000b8;
	[tilespmem:$0x15380] =	vst v63  }
0x65: {  	_ =	swait.ge [sflag:s12], $0x400  }
0x66: {  	[sflag:s12] =	ssyncset.done $0x0  }
0x67: {  	s6 =	sadd.s32 $0x13B80, s4;
	[sflag:s12] =	ssyncadd.s32 $0xFFFFFC00  }
0x68: {  	[spmem:s3] =	stream.indirect.scatter.add.f32 [tilespmem:s7], [sflag:$0x2], $0x8, s6, s17, $0x2000b8;
	[tilespmem:$0x15380] =	vst v63  }
0x69: {  	_ =	swait.ge [sflag:s12], $0x400  }
0x6a: {  	[sflag:s12] =	ssyncset.done $0x0  }
0x6b: {  	s7 =	sadd.s32 $0x13C00, s4;
	[sflag:s12] =	ssyncadd.s32 $0xFFFFFC00  }
0x6c: {  	[spmem:s3] =	stream.indirect.scatter.add.f32 [tilespmem:s0], [sflag:$0x2], $0x8, s7, s17, $0x2000b8;
	[tilespmem:$0x15380] =	vst v63  }
0x6d: {  	_ =	swait.ge [sflag:s12], $0x400  }
0x6e: {  	[sflag:s12] =	ssyncset.done $0x0  }
0x6f: {  	s7 =	sadd.s32 $0x13C80, s4;
	[sflag:s12] =	ssyncadd.s32 $0xFFFFFC00  }
0x70: {  	[spmem:s3] =	stream.indirect.scatter.add.f32 [tilespmem:s9], [sflag:$0x2], $0x8, s7, s17, $0x2000b8;
	[tilespmem:$0x15380] =	vst v63  }
0x71: {  	_ =	swait.ge [sflag:s12], $0x400  }
0x72: {  	[sflag:s12] =	ssyncset.done $0x0  }
0x73: {  	s0 =	sadd.s32 $0x13D00, s4;
	[sflag:s12] =	ssyncadd.s32 $0xFFFFFC00  }
0x74: {  	[spmem:s3] =	stream.indirect.scatter.add.f32 [tilespmem:s2], [sflag:$0x2], $0x8, s0, s17, $0x2000b8;
	[tilespmem:$0x15380] =	vst v63  }
0x75: {  	_ =	swait.ge [sflag:s12], $0x400  }
0x76: {  	[sflag:s12] =	ssyncset.done $0x0  }
0x77: {  	s2 =	sadd.s32 $0x13D80, s4;
	[sflag:s12] =	ssyncadd.s32 $0xFFFFFC00  }
0x78: {  	[spmem:s3] =	stream.indirect.scatter.add.f32 [tilespmem:s14], [sflag:$0x2], $0x8, s2, s17, $0x2000b8;
	[tilespmem:$0x15380] =	vst v63  }
0x79: {  	_ =	swait.ge [sflag:s12], $0x400  }
0x7a: {  	[sflag:s12] =	ssyncset.done $0x0  }
0x7b: {  	s7 =	sadd.s32 $0x13E00, s4;
	[sflag:s12] =	ssyncadd.s32 $0xFFFFFC00  }
0x7c: {  	[spmem:s3] =	stream.indirect.scatter.add.f32 [tilespmem:s15], [sflag:$0x2], $0x8, s7, s17, $0x2000b8;
	[tilespmem:$0x15380] =	vst v63  }
0x7d: {  	_ =	swait.ge [sflag:s12], $0x400  }
0x7e: {  	[sflag:s12] =	ssyncset.done $0x0  }
0x7f: {  	s9 =	sadd.s32 $0x13E80, s4;
	[sflag:s12] =	ssyncadd.s32 $0xFFFFFC00  }
0x80: {  	[spmem:s3] =	stream.indirect.scatter.add.f32 [tilespmem:s10], [sflag:$0x2], $0x8, s9, s17, $0x2000b8;
	[tilespmem:$0x15380] =	vst v63  }
0x81: {  	_ =	swait.ge [sflag:s12], $0x400  }
0x82: {  	[sflag:s12] =	ssyncset.done $0x0  }
0x83: {  	s10 =	sadd.s32 $0x13F00, s4;
	[sflag:s12] =	ssyncadd.s32 $0xFFFFFC00  }
0x84: {  	[spmem:s3] =	stream.indirect.scatter.add.f32 [tilespmem:s11], [sflag:$0x2], $0x8, s10, s17, $0x2000b8;
	[tilespmem:$0x15380] =	vst v63  }
0x85: {  	_ =	swait.ge [sflag:s12], $0x400  }
0x86: {  	[sflag:s12] =	ssyncset.done $0x0  }
0x87: {  	s11 =	sadd.s32 $0x13F80, s4;
	[sflag:s12] =	ssyncadd.s32 $0xFFFFFC00  }
0x88: {  	[spmem:s3] =	stream.indirect.scatter.add.f32 [tilespmem:s16], [sflag:$0x2], $0x8, s11, s17, $0x2000b8;
	[tilespmem:$0x15380] =	vst v63  }
0x89: {  	_ =	swait.ge [sflag:s12], $0x400  }
0x8a: {  	[sflag:s12] =	ssyncset.done $0x0  }
0x8b: {  	s14 =	sor.u32 $0x14000, s4;
	[sflag:s12] =	ssyncadd.s32 $0xFFFFFC00  }
0x8c: {  	[spmem:s3] =	stream.indirect.scatter.add.f32 [tilespmem:s8], [sflag:$0x2], $0x8, s14, s17, $0x2000b8;
	[tilespmem:$0x15380] =	vst v63  }
0x8d: {  	_ =	swait.ge [sflag:s12], $0x400  }
0x8e: {  	[sflag:s12] =	ssyncset.done $0x0  }
0x8f: {  	s15 =	sor.u32 $0x14080, s4;
	[sflag:s12] =	ssyncadd.s32 $0xFFFFFC00  }
0x90: {  	[spmem:s3] =	stream.indirect.scatter.add.f32 [tilespmem:s18], [sflag:$0x2], $0x8, s15, s17, $0x2000b8;
	[tilespmem:$0x15380] =	vst v63  }
0x91: {  	_ =	swait.ge [sflag:s12], $0x400  }
0x92: {  	[sflag:s12] =	ssyncset.done $0x0  }
0x93: {  	s16 =	sor.u32 $0x14100, s4;
	[sflag:s12] =	ssyncadd.s32 $0xFFFFFC00  }
0x94: {  	[spmem:s3] =	stream.indirect.scatter.add.f32 [tilespmem:s19], [sflag:$0x2], $0x8, s16, s17, $0x2000b8;
	[tilespmem:$0x15380] =	vst v63  }
0x95: {  	_ =	swait.ge [sflag:s12], $0x400  }
0x96: {  	[sflag:s12] =	ssyncset.done $0x0  }
0x97: {  	s18 =	sor.u32 $0x14180, s4;
	[sflag:s12] =	ssyncadd.s32 $0xFFFFFC00  }
0x98: {  	[spmem:s3] =	stream.indirect.scatter.add.f32 [tilespmem:s20], [sflag:$0x2], $0x8, s18, s17, $0x2000b8;
	[tilespmem:$0x15380] =	vst v63  }
0x99: {  	_ =	swait.ge [sflag:s12], $0x400  }
0x9a: {  	[sflag:s12] =	ssyncset.done $0x0  }
0x9b: {  	s19 =	sor.u32 $0x14200, s4;
	[sflag:s12] =	ssyncadd.s32 $0xFFFFFC00  }
0x9c: {  	[spmem:s3] =	stream.indirect.scatter.add.f32 [tilespmem:s21], [sflag:$0x2], $0x8, s19, s17, $0x2000b8;
	[tilespmem:$0x15380] =	vst v63  }
0x9d: {  	_ =	swait.ge [sflag:s12], $0x400  }
0x9e: {  	[sflag:s12] =	ssyncset.done $0x0  }
0x9f: {  	s20 =	sor.u32 $0x14280, s4;
	[sflag:s12] =	ssyncadd.s32 $0xFFFFFC00  }
0xa0: {  	[spmem:s3] =	stream.indirect.scatter.add.f32 [tilespmem:s22], [sflag:$0x2], $0x8, s20, s17, $0x2000b8;
	[tilespmem:$0x15380] =	vst v63  }
0xa1: {  	_ =	swait.ge [sflag:s12], $0x400  }
0xa2: {  	[sflag:s12] =	ssyncset.done $0x0  }
0xa3: {  	s21 =	sor.u32 $0x14300, s4;
	[sflag:s12] =	ssyncadd.s32 $0xFFFFFC00  }
0xa4: {  	[spmem:s3] =	stream.indirect.scatter.add.f32 [tilespmem:s23], [sflag:$0x2], $0x8, s21, s17, $0x2000b8;
	[tilespmem:$0x15380] =	vst v63  }
0xa5: {  	_ =	swait.ge [sflag:s12], $0x400  }
0xa6: {  	[sflag:s12] =	ssyncset.done $0x0  }
0xa7: {  	s22 =	sor.u32 $0x14380, s4;
	[sflag:s12] =	ssyncadd.s32 $0xFFFFFC00  }
0xa8: {  	[spmem:s3] =	stream.indirect.scatter.add.f32 [tilespmem:s24], [sflag:$0x2], $0x8, s22, s17, $0x2000b8;
	[tilespmem:$0x15380] =	vst v63  }
0xa9: {  	_ =	swait.ge [sflag:s12], $0x400  }
0xaa: {  	[sflag:s12] =	ssyncset.done $0x0  }
0xab: {  	s23 =	sadd.s32 $0x14400, s4;
	[sflag:s12] =	ssyncadd.s32 $0xFFFFFC00  }
0xac: {  	[spmem:s3] =	stream.indirect.scatter.add.f32 [tilespmem:s25], [sflag:$0x2], $0x8, s23, s17, $0x2000b8;
	[tilespmem:$0x15380] =	vst v63  }
0xad: {  	_ =	swait.ge [sflag:s12], $0x400  }
0xae: {  	[sflag:s12] =	ssyncset.done $0x0  }
0xaf: {  	s24 =	sadd.s32 $0x14480, s4;
	[sflag:s12] =	ssyncadd.s32 $0xFFFFFC00  }
0xb0: {  	[spmem:s3] =	stream.indirect.scatter.add.f32 [tilespmem:s26], [sflag:$0x2], $0x8, s24, s17, $0x2000b8;
	[tilespmem:$0x15380] =	vst v63  }
0xb1: {  	_ =	swait.ge [sflag:s12], $0x400  }
0xb2: {  	[sflag:s12] =	ssyncset.done $0x0  }
0xb3: {  	s25 =	sadd.s32 $0x14500, s4;
	[sflag:s12] =	ssyncadd.s32 $0xFFFFFC00  }
0xb4: {  	[spmem:s3] =	stream.indirect.scatter.add.f32 [tilespmem:s28], [sflag:$0x2], $0x8, s25, s17, $0x2000b8;
	[tilespmem:$0x15380] =	vst v63  }
0xb5: {  	_ =	swait.ge [sflag:s12], $0x400  }
0xb6: {  	[sflag:s12] =	ssyncset.done $0x0  }
0xb7: {  	s26 =	sadd.s32 $0x14580, s4;
	[sflag:s12] =	ssyncadd.s32 $0xFFFFFC00  }
0xb8: {  	[spmem:s3] =	stream.indirect.scatter.add.f32 [tilespmem:s29], [sflag:$0x2], $0x8, s26, s17, $0x2000b8;
	[tilespmem:$0x15380] =	vst v63  }
0xb9: {  	_ =	swait.ge [sflag:s12], $0x400  }
0xba: {  	[sflag:s12] =	ssyncset.done $0x0  }
0xbb: {  	s28 =	sadd.s32 $0x14600, s4;
	[sflag:s12] =	ssyncadd.s32 $0xFFFFFC00  }
0xbc: {  	[spmem:s3] =	stream.indirect.scatter.add.f32 [tilespmem:s30], [sflag:$0x2], $0x8, s28, s17, $0x2000b8;
	[tilespmem:$0x15380] =	vst v63  }
0xbd: {  	_ =	swait.ge [sflag:s12], $0x400  }
0xbe: {  	[sflag:s12] =	ssyncset.done $0x0  }
0xbf: {  	s29 =	sadd.s32 $0x14680, s4;
	s30 =	simm.s32 $0x5800;
	[sflag:s12] =	ssyncadd.s32 $0xFFFFFC00  }
0xc0: {  	[spmem:s3] =	stream.indirect.scatter.add.f32 [tilespmem:s30], [sflag:$0x2], $0x8, s29, s17, $0x2000b8;
	[tilespmem:$0x15380] =	vst v63  }
0xc1: {  	_ =	swait.ge [sflag:s12], $0x400  }
0xc2: {  	[sflag:s12] =	ssyncset.done $0x0  }
0xc3: {  	s31 =	simm.s32 $0x5C00;
	s4 =	sadd.s32 $0x14700, s4;
	[sflag:s12] =	ssyncadd.s32 $0xFFFFFC00  }
0xc4: {  	[spmem:s3] =	stream.indirect.scatter.add.f32 [tilespmem:s31], [sflag:$0x2], $0x8, s4, s17, $0x2000b8;
	[tilespmem:$0x15380] =	vst v63  }
0xc5: {  	_ =	swait.ge [sflag:s13], $0x400  }
0xc6: {  	[sflag:s13] =	ssyncset.done $0x0  }
0xc7: {  	[sflag:s13] =	ssyncadd.s32 $0xFFFFFC00  }
0xc8: {  	_ =	swait.ge [sflag:s13], $0x400  }
0xc9: {  	[sflag:s13] =	ssyncset.done $0x0  }
0xca: {  	[sflag:s13] =	ssyncadd.s32 $0xFFFFFC00  }
0xcb: {  	_ =	swait.ge [sflag:s13], $0x400  }
0xcc: {  	[sflag:s13] =	ssyncset.done $0x0  }
0xcd: {  	[sflag:s13] =	ssyncadd.s32 $0xFFFFFC00  }
0xce: {  	_ =	swait.ge [sflag:s13], $0x400  }
0xcf: {  	[sflag:s13] =	ssyncset.done $0x0  }
0xd0: {  	[sflag:s13] =	ssyncadd.s32 $0xFFFFFC00  }
0xd1: {  	_ =	swait.ge [sflag:s13], $0x400  }
0xd2: {  	[sflag:s13] =	ssyncset.done $0x0  }
0xd3: {  	[sflag:s13] =	ssyncadd.s32 $0xFFFFFC00  }
0xd4: {  	_ =	swait.ge [sflag:s13], $0x400  }
0xd5: {  	[sflag:s13] =	ssyncset.done $0x0  }
0xd6: {  	[sflag:s13] =	ssyncadd.s32 $0xFFFFFC00  }
0xd7: {  	_ =	swait.ge [sflag:s13], $0x400  }
0xd8: {  	[sflag:s13] =	ssyncset.done $0x0  }
0xd9: {  	[sflag:s13] =	ssyncadd.s32 $0xFFFFFC00  }
0xda: {  	_ =	swait.ge [sflag:s13], $0x400  }
0xdb: {  	[sflag:s13] =	ssyncset.done $0x0  }
0xdc: {  	[sflag:s13] =	ssyncadd.s32 $0xFFFFFC00  }
0xdd: {  	_ =	swait.ge [sflag:s13], $0x400  }
0xde: {  	[sflag:s13] =	ssyncset.done $0x0  }
0xdf: {  	[sflag:s13] =	ssyncadd.s32 $0xFFFFFC00  }
0xe0: {  	_ =	swait.ge [sflag:s13], $0x400  }
0xe1: {  	[sflag:s13] =	ssyncset.done $0x0  }
0xe2: {  	[sflag:s13] =	ssyncadd.s32 $0xFFFFFC00  }
0xe3: {  	_ =	swait.ge [sflag:s13], $0x400  }
0xe4: {  	[sflag:s13] =	ssyncset.done $0x0  }
0xe5: {  	[sflag:s13] =	ssyncadd.s32 $0xFFFFFC00  }
0xe6: {  	_ =	swait.ge [sflag:s13], $0x400  }
0xe7: {  	[sflag:s13] =	ssyncset.done $0x0  }
0xe8: {  	[sflag:s13] =	ssyncadd.s32 $0xFFFFFC00  }
0xe9: {  	_ =	swait.ge [sflag:s13], $0x400  }
0xea: {  	[sflag:s13] =	ssyncset.done $0x0  }
0xeb: {  	[sflag:s13] =	ssyncadd.s32 $0xFFFFFC00  }
0xec: {  	_ =	swait.ge [sflag:s13], $0x400  }
0xed: {  	[sflag:s13] =	ssyncset.done $0x0  }
0xee: {  	[sflag:s13] =	ssyncadd.s32 $0xFFFFFC00  }
0xef: {  	_ =	swait.ge [sflag:s13], $0x400  }
0xf0: {  	[sflag:s13] =	ssyncset.done $0x0  }
0xf1: {  	[sflag:s13] =	ssyncadd.s32 $0xFFFFFC00  }
0xf2: {  	_ =	swait.ge [sflag:s13], $0x400  }
0xf3: {  	[sflag:s13] =	ssyncset.done $0x0  }
0xf4: {  	[sflag:s13] =	ssyncadd.s32 $0xFFFFFC00  }
0xf5: {  	_ =	swait.ge [sflag:s13], $0x400  }
0xf6: {  	[sflag:s13] =	ssyncset.done $0x0  }
0xf7: {  	[sflag:s13] =	ssyncadd.s32 $0xFFFFFC00  }
0xf8: {  	_ =	swait.ge [sflag:s13], $0x400  }
0xf9: {  	[sflag:s13] =	ssyncset.done $0x0  }
0xfa: {  	[sflag:s13] =	ssyncadd.s32 $0xFFFFFC00  }
0xfb: {  	_ =	swait.ge [sflag:s13], $0x400  }
0xfc: {  	[sflag:s13] =	ssyncset.done $0x0  }
0xfd: {  	[sflag:s13] =	ssyncadd.s32 $0xFFFFFC00  }
0xfe: {  	_ =	swait.ge [sflag:s13], $0x400  }
0xff: {  	s0 =	smov.u32 s1;
	[sflag:s13] =	ssyncset.done $0x0  }
0x100: {  	p2 =	por !p2, p0;
	p6 =	sne.s32 s0, $0x0;
	[sflag:s13] =	ssyncadd.s32 $0xFFFFFC00  }
0x101: {  	s6 =	simm.s32 @!p1 $0x2;
	p3 =	por p0, p6;
	_ =	swait.ge [sflag:s13], $0x400  }
0x102: {  	s8 =	simm.s32 $0x10;
	s19 =	simm.s32 $0x1;
	[sflag:s13] =	ssyncset.done $0x0  }
0x103: {  	s18 =	simm.s32 $0x1;
	s19 =	smov.u32 @p2 s6;
	[sflag:s13] =	ssyncadd.s32 $0xFFFFFC00  }
0x104: {  	s18 =	simm.s32 @!p3 $0x0;
	s19 =	smov.u32 @p0 s12;
	_ =	swait.ge [sflag:s13], $0x400  }
0x105: {  	s22 =	sadd.s32 $0x1, s0;
	s23 =	simm.s32 $0xF;
	[sflag:s13] =	ssyncset.done $0x0  }
0x106: {  	s25 =	sadd.s32 $0x0, s18;
	s4 =	simm.s32 $0x0;
	[sflag:s13] =	ssyncadd.s32 $0xFFFFFC00  }
0x107: {  	s18 =	sand.u32 $0x1, s25;
	s4 =	simm.s32 @p2 $0x1;
	_ =	swait.ge [sflag:s13], $0x400  }
0x108: {  	p1 =	seq.s32 s18, $0x1;
	s4 =	simm.s32 @p0 $0x0;
	[sflag:s13] =	ssyncset.done $0x0  }
0x109: {  	s20 =	sadd.s32 $0x1, s4;
	s4 =	simm.s32 $0xC00;
	[sflag:s13] =	ssyncadd.s32 $0xFFFFFC00  }
0x10a: {  	s21 =	smov.u32 s25;
	s4 =	simm.s32 @!p1 $0x0;
	_ =	swait.ge [sflag:s13], $0x400  }
0x10b: {  	s10 =	smov.u32 s18;
	s6 =	smov.u32 s4;
	[sflag:s13] =	ssyncset.done $0x0  }
.LBB2_2:
0x10c: {  	p1 =	seq.s32 s22, $0x11  }
0x10d: {  	p0 =	seq.s32 s8, $0x1;
	s22 =	simm.s32 @p1 $0x0  }
0x10e: {  	[sflag:s13] =	ssyncadd.s32 $0xFFFFFC00;
	p1 =	seq.s32 @!p0 s0, s22  }
0x10f: {  	_ =	strace $0x9000004D;
	p2 =	por p1, p0  }
0x110: {  	s30 =	sadd.s32 $0x3, s18;
	s18 =	rddreg [dreg:$0x4];
	s2 =	sand.u32 @!p2 $0x1, s19  }
0x111: {  	p4 =	sne.s32 s0, s22;
	s18 =	sadd.s32 @!p2 s18, s22;
	s0 =	smul.u32 @!p2 $0x3000, s2  }
0x112: {  	s31 =	sand.u32 @!p2 $0x1, s20;
	s15 =	simm.s32 @!p2 $0x0;
	s18 =	smul.u32 @!p2 $0xC00, s18  }
0x113: {  	_ =	strace @!p2 $0x80000049;
	s2 =	sadd.s32 @!p2 $0x3, s2;
	s1 =	sadd.s32 @!p2 $0x5, s31  }
0x114: {  	s7 =	rddreg [dreg:$0x1];
	s0 =	sshrl.u32 @!p2 s0, $0x2;
	s18 =	sshrl.u32 @!p2 s18, $0x3  }
0x115: {  	s31 =	smul.u32 @!p2 $0x3000, s31;
	s0 =	sor.u32 @!p2 $0x12380, s0;
	s7 =	sadd.s32 @!p2 s7, s18  }
0x116: {  	[tilespmem:s0], [sflag:s2] =	stream.linear.gather @!p2 [hbm4b:s7+s15], $0xC00, $0x200038;
	[tilespmem:$0x15380] =	vst v63  }
0x117: {  	s9 =	rddreg [dreg:$0x5];
	s31 =	sshrl.u32 @!p2 s31, $0x2;
	_ =	strace @!p2 $0x90000049  }
0x118: {  	s18 =	sadd.s32 @!p2 s9, s18;
	s0 =	sadd.s32 @!p2 $0x13B80, s31;
	_ =	strace @!p2 $0x8000004A  }
0x119: {  	[tilespmem:s0], [sflag:s1] =	stream.linear.gather @!p2 [hbm4b:s18+s15], $0xC00, $0x200038;
	[tilespmem:$0x15380] =	vst v63  }
0x11a: {  	_ =	strace @!p2 $0x9000004A  }
0x11b: {  	_ =	strace $0x8000004B  }
0x11c: {  	_ =	swait.ge [sflag:s30], $0xC00  }
0x11d: {  	[sflag:s30] =	ssyncset.done $0x0  }
0x11e: {  	[sflag:s30] =	ssyncadd.s32 $0xFFFFF400  }
0x11f: {  	s24 =	smov.u32 s22;
	_ =	strace $0x9000004B  }
0x120: {  	s16 =	sadd.s32 $0x5, s10;
	_ =	strace $0x8000004C;
	[dreg:$0x6] =	wrdreg s24  }
0x121: {  	_ =	swait.ge [sflag:s16], $0xC00  }
0x122: {  	[sflag:s16] =	ssyncset.done $0x0  }
0x123: {  	s14 =	simm.s32 $0x0;
	p3 =	por !p1, p0;
	[sflag:s16] =	ssyncadd.s32 $0xFFFFF400  }
0x124: {  	s26 =	sor.u32 $0x12380, s4;
	s14 =	simm.s32 @p3 $0x1;
	_ =	strace $0x9000004C  }
0x125: {  	s14 =	simm.s32 @p0 $0x0;
	s7 =	simm.s32 $0x0;
	_ =	strace $0x8000004D  }
0x126: {  	[tilespmem:s7], [sflag:$0x1] =	stream.indirect.gather [hbm4b:s5+s17], $0x8, s26, s17, $0x2000b8;
	[tilespmem:$0x15380] =	vst v63  }
0x127: {  	s20 =	sadd.s32 s20, s14;
	s14 =	simm.s32 $0x400;
	s30 =	sadd.s32 $0x12400, s4  }
0x128: {  	[tilespmem:s14], [sflag:$0x1] =	stream.indirect.gather [hbm4b:s5+s17], $0x8, s30, s17, $0x2000b8;
	[tilespmem:$0x15380] =	vst v63  }
0x129: {  	s31 =	sadd.s32 $0x12480, s4;
	s15 =	simm.s32 $0x800  }
0x12a: {  	[tilespmem:s15], [sflag:$0x1] =	stream.indirect.gather [hbm4b:s5+s17], $0x8, s31, s17, $0x2000b8;
	[tilespmem:$0x15380] =	vst v63  }
0x12b: {  	s11 =	sadd.s32 $0x12580, s4;
	s9 =	simm.s32 $0xC00;
	s2 =	sadd.s32 $0x12500, s4  }
0x12c: {  	[tilespmem:s9], [sflag:$0x1] =	stream.indirect.gather [hbm4b:s5+s17], $0x8, s2, s17, $0x2000b8;
	[tilespmem:$0x15380] =	vst v63  }
0x12d: {  	p1 =	por p0, p4;
	s0 =	simm.s32 $0x1;
	s30 =	simm.s32 $0x1000  }
0x12e: {  	[tilespmem:s30], [sflag:$0x1] =	stream.indirect.gather [hbm4b:s5+s17], $0x8, s11, s17, $0x2000b8;
	[tilespmem:$0x15380] =	vst v63  }
0x12f: {  	s0 =	simm.s32 @!p1 $0x0;
	s16 =	sadd.s32 $0x12600, s4;
	s31 =	simm.s32 $0x1400  }
0x130: {  	[tilespmem:s31], [sflag:$0x1] =	stream.indirect.gather [hbm4b:s5+s17], $0x8, s16, s17, $0x2000b8;
	[tilespmem:$0x15380] =	vst v63  }
0x131: {  	s25 =	sadd.s32 s0, s25;
	s24 =	sadd.s32 $0x12680, s4;
	s2 =	simm.s32 $0x1800  }
0x132: {  	[tilespmem:s2], [sflag:$0x1] =	stream.indirect.gather [hbm4b:s5+s17], $0x8, s24, s17, $0x2000b8;
	[tilespmem:$0x15380] =	vst v63  }
0x133: {  	s21 =	sadd.s32 s0, s21;
	s26 =	sadd.s32 $0x12700, s4;
	s11 =	simm.s32 $0x1C00  }
0x134: {  	[tilespmem:s11], [sflag:$0x1] =	stream.indirect.gather [hbm4b:s5+s17], $0x8, s26, s17, $0x2000b8;
	[tilespmem:$0x15380] =	vst v63  }
0x135: {  	s0 =	sand.u32 $0x1, s21;
	s16 =	sadd.s32 $0x12780, s4;
	s24 =	simm.s32 $0x2000  }
0x136: {  	[tilespmem:s24], [sflag:$0x1] =	stream.indirect.gather [hbm4b:s5+s17], $0x8, s16, s17, $0x2000b8;
	[tilespmem:$0x15380] =	vst v63  }
0x137: {  	p1 =	seq.s32 s0, $0x1;
	s26 =	sadd.s32 $0x12800, s4;
	s16 =	simm.s32 $0x2400  }
0x138: {  	[tilespmem:s16], [sflag:$0x1] =	stream.indirect.gather [hbm4b:s5+s17], $0x8, s26, s17, $0x2000b8;
	[tilespmem:$0x15380] =	vst v63  }
0x139: {  	s10 =	smov.u32 s0;
	s0 =	sadd.s32 $0x12880, s4;
	s26 =	simm.s32 $0x2800  }
0x13a: {  	[tilespmem:s26], [sflag:$0x1] =	stream.indirect.gather [hbm4b:s5+s17], $0x8, s0, s17, $0x2000b8;
	[tilespmem:$0x15380] =	vst v63  }
0x13b: {  	s1 =	sadd.s32 $0x12900, s4;
	s26 =	simm.s32 $0x2C00  }
0x13c: {  	[tilespmem:s26], [sflag:$0x1] =	stream.indirect.gather [hbm4b:s5+s17], $0x8, s1, s17, $0x2000b8;
	[tilespmem:$0x15380] =	vst v63  }
0x13d: {  	s0 =	sadd.s32 $0x12980, s4;
	s26 =	simm.s32 $0x3000  }
0x13e: {  	[tilespmem:s26], [sflag:$0x1] =	stream.indirect.gather [hbm4b:s5+s17], $0x8, s0, s17, $0x2000b8;
	[tilespmem:$0x15380] =	vst v63  }
0x13f: {  	s28 =	smov.u32 s19;
	s1 =	sadd.s32 $0x12A00, s4;
	s26 =	simm.s32 $0x3400  }
0x140: {  	[tilespmem:s26], [sflag:$0x1] =	stream.indirect.gather [hbm4b:s5+s17], $0x8, s1, s17, $0x2000b8;
	[tilespmem:$0x15380] =	vst v63  }
0x141: {  	s29 =	sadd.s32 @!p2 $0x1, s19;
	s0 =	sadd.s32 $0x12A80, s4;
	s26 =	simm.s32 $0x3800  }
0x142: {  	[tilespmem:s26], [sflag:$0x1] =	stream.indirect.gather [hbm4b:s5+s17], $0x8, s0, s17, $0x2000b8;
	[tilespmem:$0x15380] =	vst v63  }
0x143: {  	s19 =	smov.u32 @p3 s29;
	s1 =	sadd.s32 $0x12B00, s4;
	s26 =	simm.s32 $0x3C00  }
0x144: {  	[tilespmem:s26], [sflag:$0x1] =	stream.indirect.gather [hbm4b:s5+s17], $0x8, s1, s17, $0x2000b8;
	[tilespmem:$0x15380] =	vst v63  }
0x145: {  	s29 =	simm.s32 $0xC00;
	s0 =	sadd.s32 $0x12B80, s4;
	s26 =	simm.s32 $0x4000  }
0x146: {  	[tilespmem:s26], [sflag:$0x1] =	stream.indirect.gather [hbm4b:s5+s17], $0x8, s0, s17, $0x2000b8;
	[tilespmem:$0x15380] =	vst v63  }
0x147: {  	s19 =	smov.u32 @p0 s28;
	s1 =	sadd.s32 $0x12C00, s4;
	s26 =	simm.s32 $0x4400  }
0x148: {  	[tilespmem:s26], [sflag:$0x1] =	stream.indirect.gather [hbm4b:s5+s17], $0x8, s1, s17, $0x2000b8;
	[tilespmem:$0x15380] =	vst v63  }
0x149: {  	s18 =	sand.u32 $0x1, s25;
	s0 =	sadd.s32 $0x12C80, s4;
	s26 =	simm.s32 $0x4800  }
0x14a: {  	[tilespmem:s26], [sflag:$0x1] =	stream.indirect.gather [hbm4b:s5+s17], $0x8, s0, s17, $0x2000b8;
	[tilespmem:$0x15380] =	vst v63  }
0x14b: {  	p0 =	seq.s32 s18, $0x1;
	s1 =	sadd.s32 $0x12D00, s4;
	s26 =	simm.s32 $0x4C00  }
0x14c: {  	[tilespmem:s26], [sflag:$0x1] =	stream.indirect.gather [hbm4b:s5+s17], $0x8, s1, s17, $0x2000b8;
	[tilespmem:$0x15380] =	vst v63  }
0x14d: {  	s29 =	simm.s32 @!p0 $0x0;
	s0 =	sadd.s32 $0x12D80, s4;
	s26 =	simm.s32 $0x5000  }
0x14e: {  	[tilespmem:s26], [sflag:$0x1] =	stream.indirect.gather [hbm4b:s5+s17], $0x8, s0, s17, $0x2000b8;
	[tilespmem:$0x15380] =	vst v63  }
0x14f: {  	s1 =	sadd.s32 $0x12E00, s4;
	s0 =	sadd.s32 $0x12E80, s4;
	s26 =	simm.s32 $0x5400  }
0x150: {  	[tilespmem:s26], [sflag:$0x1] =	stream.indirect.gather [hbm4b:s5+s17], $0x8, s1, s17, $0x2000b8;
	[tilespmem:$0x15380] =	vst v63  }
0x151: {  	s1 =	sadd.s32 $0x12F00, s4;
	s4 =	smov.u32 s29;
	s29 =	simm.s32 $0x5800  }
0x152: {  	[tilespmem:s29], [sflag:$0x1] =	stream.indirect.gather [hbm4b:s5+s17], $0x8, s0, s17, $0x2000b8;
	[tilespmem:$0x15380] =	vst v63  }
0x153: {  	s0 =	simm.s32 $0x5C00  }
0x154: {  	[tilespmem:s0], [sflag:$0x1] =	stream.indirect.gather [hbm4b:s5+s17], $0x8, s1, s17, $0x2000b8;
	[tilespmem:$0x15380] =	vst v63  }
0x155: {  	_ =	swait.ge [sflag:s12], $0x400  }
0x156: {  	[sflag:s12] =	ssyncset.done $0x0  }
0x157: {  	s1 =	sadd.s32 $0x13B80, s6;
	[sflag:s12] =	ssyncadd.s32 $0xFFFFFC00  }
0x158: {  	[spmem:s3] =	stream.indirect.scatter.add.f32 [tilespmem:s7], [sflag:$0x2], $0x8, s1, s17, $0x2000b8;
	[tilespmem:$0x15380] =	vst v63  }
0x159: {  	_ =	swait.ge [sflag:s12], $0x400  }
0x15a: {  	[sflag:s12] =	ssyncset.done $0x0  }
0x15b: {  	s1 =	sadd.s32 $0x13C00, s6;
	[sflag:s12] =	ssyncadd.s32 $0xFFFFFC00  }
0x15c: {  	[spmem:s3] =	stream.indirect.scatter.add.f32 [tilespmem:s14], [sflag:$0x2], $0x8, s1, s17, $0x2000b8;
	[tilespmem:$0x15380] =	vst v63  }
0x15d: {  	_ =	swait.ge [sflag:s12], $0x400  }
0x15e: {  	[sflag:s12] =	ssyncset.done $0x0  }
0x15f: {  	s7 =	sadd.s32 $0x13C80, s6;
	[sflag:s12] =	ssyncadd.s32 $0xFFFFFC00  }
0x160: {  	[spmem:s3] =	stream.indirect.scatter.add.f32 [tilespmem:s15], [sflag:$0x2], $0x8, s7, s17, $0x2000b8;
	[tilespmem:$0x15380] =	vst v63  }
0x161: {  	_ =	swait.ge [sflag:s12], $0x400  }
0x162: {  	[sflag:s12] =	ssyncset.done $0x0  }
0x163: {  	s14 =	sadd.s32 $0x13D00, s6;
	[sflag:s12] =	ssyncadd.s32 $0xFFFFFC00  }
0x164: {  	[spmem:s3] =	stream.indirect.scatter.add.f32 [tilespmem:s9], [sflag:$0x2], $0x8, s14, s17, $0x2000b8;
	[tilespmem:$0x15380] =	vst v63  }
0x165: {  	_ =	swait.ge [sflag:s12], $0x400  }
0x166: {  	[sflag:s12] =	ssyncset.done $0x0  }
0x167: {  	s15 =	sadd.s32 $0x13D80, s6;
	[sflag:s12] =	ssyncadd.s32 $0xFFFFFC00  }
0x168: {  	[spmem:s3] =	stream.indirect.scatter.add.f32 [tilespmem:s30], [sflag:$0x2], $0x8, s15, s17, $0x2000b8;
	[tilespmem:$0x15380] =	vst v63  }
0x169: {  	_ =	swait.ge [sflag:s12], $0x400  }
0x16a: {  	[sflag:s12] =	ssyncset.done $0x0  }
0x16b: {  	s1 =	sadd.s32 $0x13E00, s6;
	[sflag:s12] =	ssyncadd.s32 $0xFFFFFC00  }
0x16c: {  	[spmem:s3] =	stream.indirect.scatter.add.f32 [tilespmem:s31], [sflag:$0x2], $0x8, s1, s17, $0x2000b8;
	[tilespmem:$0x15380] =	vst v63  }
0x16d: {  	_ =	swait.ge [sflag:s12], $0x400  }
0x16e: {  	[sflag:s12] =	ssyncset.done $0x0  }
0x16f: {  	s7 =	sadd.s32 $0x13E80, s6;
	[sflag:s12] =	ssyncadd.s32 $0xFFFFFC00  }
0x170: {  	[spmem:s3] =	stream.indirect.scatter.add.f32 [tilespmem:s2], [sflag:$0x2], $0x8, s7, s17, $0x2000b8;
	[tilespmem:$0x15380] =	vst v63  }
0x171: {  	_ =	swait.ge [sflag:s12], $0x400  }
0x172: {  	[sflag:s12] =	ssyncset.done $0x0  }
0x173: {  	s9 =	sadd.s32 $0x13F00, s6;
	[sflag:s12] =	ssyncadd.s32 $0xFFFFFC00  }
0x174: {  	[spmem:s3] =	stream.indirect.scatter.add.f32 [tilespmem:s11], [sflag:$0x2], $0x8, s9, s17, $0x2000b8;
	[tilespmem:$0x15380] =	vst v63  }
0x175: {  	_ =	swait.ge [sflag:s12], $0x400  }
0x176: {  	[sflag:s12] =	ssyncset.done $0x0  }
0x177: {  	s11 =	sadd.s32 $0x13F80, s6;
	[sflag:s12] =	ssyncadd.s32 $0xFFFFFC00  }
0x178: {  	[spmem:s3] =	stream.indirect.scatter.add.f32 [tilespmem:s24], [sflag:$0x2], $0x8, s11, s17, $0x2000b8;
	[tilespmem:$0x15380] =	vst v63  }
0x179: {  	_ =	swait.ge [sflag:s12], $0x400  }
0x17a: {  	[sflag:s12] =	ssyncset.done $0x0  }
0x17b: {  	s14 =	sor.u32 $0x14000, s6;
	[sflag:s12] =	ssyncadd.s32 $0xFFFFFC00  }
0x17c: {  	[spmem:s3] =	stream.indirect.scatter.add.f32 [tilespmem:s16], [sflag:$0x2], $0x8, s14, s17, $0x2000b8;
	[tilespmem:$0x15380] =	vst v63  }
0x17d: {  	_ =	swait.ge [sflag:s12], $0x400  }
0x17e: {  	[sflag:s12] =	ssyncset.done $0x0  }
0x17f: {  	s15 =	sor.u32 $0x14080, s6;
	s16 =	simm.s32 $0x2800;
	[sflag:s12] =	ssyncadd.s32 $0xFFFFFC00  }
0x180: {  	[spmem:s3] =	stream.indirect.scatter.add.f32 [tilespmem:s16], [sflag:$0x2], $0x8, s15, s17, $0x2000b8;
	[tilespmem:$0x15380] =	vst v63  }
0x181: {  	_ =	swait.ge [sflag:s12], $0x400  }
0x182: {  	[sflag:s12] =	ssyncset.done $0x0  }
0x183: {  	s30 =	simm.s32 $0x2C00;
	s24 =	sor.u32 $0x14100, s6;
	[sflag:s12] =	ssyncadd.s32 $0xFFFFFC00  }
0x184: {  	[spmem:s3] =	stream.indirect.scatter.add.f32 [tilespmem:s30], [sflag:$0x2], $0x8, s24, s17, $0x2000b8;
	[tilespmem:$0x15380] =	vst v63  }
0x185: {  	_ =	swait.ge [sflag:s12], $0x400  }
0x186: {  	[sflag:s12] =	ssyncset.done $0x0  }
0x187: {  	s31 =	sor.u32 $0x14180, s6;
	s1 =	simm.s32 $0x3000;
	[sflag:s12] =	ssyncadd.s32 $0xFFFFFC00  }
0x188: {  	[spmem:s3] =	stream.indirect.scatter.add.f32 [tilespmem:s1], [sflag:$0x2], $0x8, s31, s17, $0x2000b8;
	[tilespmem:$0x15380] =	vst v63  }
0x189: {  	_ =	swait.ge [sflag:s12], $0x400  }
0x18a: {  	[sflag:s12] =	ssyncset.done $0x0  }
0x18b: {  	s7 =	sor.u32 $0x14200, s6;
	s9 =	simm.s32 $0x3400;
	[sflag:s12] =	ssyncadd.s32 $0xFFFFFC00  }
0x18c: {  	[spmem:s3] =	stream.indirect.scatter.add.f32 [tilespmem:s9], [sflag:$0x2], $0x8, s7, s17, $0x2000b8;
	[tilespmem:$0x15380] =	vst v63  }
0x18d: {  	_ =	swait.ge [sflag:s12], $0x400  }
0x18e: {  	[sflag:s12] =	ssyncset.done $0x0  }
0x18f: {  	s11 =	sor.u32 $0x14280, s6;
	s14 =	simm.s32 $0x3800;
	[sflag:s12] =	ssyncadd.s32 $0xFFFFFC00  }
0x190: {  	[spmem:s3] =	stream.indirect.scatter.add.f32 [tilespmem:s14], [sflag:$0x2], $0x8, s11, s17, $0x2000b8;
	[tilespmem:$0x15380] =	vst v63  }
0x191: {  	_ =	swait.ge [sflag:s12], $0x400  }
0x192: {  	[sflag:s12] =	ssyncset.done $0x0  }
0x193: {  	s15 =	sor.u32 $0x14300, s6;
	s16 =	simm.s32 $0x3C00;
	[sflag:s12] =	ssyncadd.s32 $0xFFFFFC00  }
0x194: {  	[spmem:s3] =	stream.indirect.scatter.add.f32 [tilespmem:s16], [sflag:$0x2], $0x8, s15, s17, $0x2000b8;
	[tilespmem:$0x15380] =	vst v63  }
0x195: {  	_ =	swait.ge [sflag:s12], $0x400  }
0x196: {  	[sflag:s12] =	ssyncset.done $0x0  }
0x197: {  	s24 =	sor.u32 $0x14380, s6;
	s30 =	simm.s32 $0x4000;
	[sflag:s12] =	ssyncadd.s32 $0xFFFFFC00  }
0x198: {  	[spmem:s3] =	stream.indirect.scatter.add.f32 [tilespmem:s30], [sflag:$0x2], $0x8, s24, s17, $0x2000b8;
	[tilespmem:$0x15380] =	vst v63  }
0x199: {  	_ =	swait.ge [sflag:s12], $0x400  }
0x19a: {  	[sflag:s12] =	ssyncset.done $0x0  }
0x19b: {  	s31 =	sadd.s32 $0x14400, s6;
	s1 =	simm.s32 $0x4400;
	[sflag:s12] =	ssyncadd.s32 $0xFFFFFC00  }
0x19c: {  	[spmem:s3] =	stream.indirect.scatter.add.f32 [tilespmem:s1], [sflag:$0x2], $0x8, s31, s17, $0x2000b8;
	[tilespmem:$0x15380] =	vst v63  }
0x19d: {  	_ =	swait.ge [sflag:s12], $0x400  }
0x19e: {  	[sflag:s12] =	ssyncset.done $0x0  }
0x19f: {  	s7 =	sadd.s32 $0x14480, s6;
	s9 =	simm.s32 $0x4800;
	[sflag:s12] =	ssyncadd.s32 $0xFFFFFC00  }
0x1a0: {  	[spmem:s3] =	stream.indirect.scatter.add.f32 [tilespmem:s9], [sflag:$0x2], $0x8, s7, s17, $0x2000b8;
	[tilespmem:$0x15380] =	vst v63  }
0x1a1: {  	_ =	swait.ge [sflag:s12], $0x400  }
0x1a2: {  	[sflag:s12] =	ssyncset.done $0x0  }
0x1a3: {  	s11 =	sadd.s32 $0x14500, s6;
	s14 =	simm.s32 $0x4C00;
	[sflag:s12] =	ssyncadd.s32 $0xFFFFFC00  }
0x1a4: {  	[spmem:s3] =	stream.indirect.scatter.add.f32 [tilespmem:s14], [sflag:$0x2], $0x8, s11, s17, $0x2000b8;
	[tilespmem:$0x15380] =	vst v63  }
0x1a5: {  	_ =	swait.ge [sflag:s12], $0x400  }
0x1a6: {  	[sflag:s12] =	ssyncset.done $0x0  }
0x1a7: {  	s15 =	sadd.s32 $0x14580, s6;
	s16 =	simm.s32 $0x5000;
	[sflag:s12] =	ssyncadd.s32 $0xFFFFFC00  }
0x1a8: {  	[spmem:s3] =	stream.indirect.scatter.add.f32 [tilespmem:s16], [sflag:$0x2], $0x8, s15, s17, $0x2000b8;
	[tilespmem:$0x15380] =	vst v63  }
0x1a9: {  	_ =	swait.ge [sflag:s12], $0x400  }
0x1aa: {  	[sflag:s12] =	ssyncset.done $0x0  }
0x1ab: {  	s26 =	simm.s32 $0x5400;
	s24 =	sadd.s32 $0x14600, s6;
	[sflag:s12] =	ssyncadd.s32 $0xFFFFFC00  }
0x1ac: {  	[spmem:s3] =	stream.indirect.scatter.add.f32 [tilespmem:s26], [sflag:$0x2], $0x8, s24, s17, $0x2000b8;
	[tilespmem:$0x15380] =	vst v63  }
0x1ad: {  	_ =	swait.ge [sflag:s12], $0x400  }
0x1ae: {  	[sflag:s12] =	ssyncset.done $0x0  }
0x1af: {  	s26 =	sadd.s32 $0x14680, s6;
	[sflag:s12] =	ssyncadd.s32 $0xFFFFFC00  }
0x1b0: {  	[spmem:s3] =	stream.indirect.scatter.add.f32 [tilespmem:s29], [sflag:$0x2], $0x8, s26, s17, $0x2000b8;
	[tilespmem:$0x15380] =	vst v63  }
0x1b1: {  	_ =	swait.ge [sflag:s12], $0x400  }
0x1b2: {  	[sflag:s12] =	ssyncset.done $0x0  }
0x1b3: {  	s30 =	sadd.s32 $0x14700, s6;
	s31 =	simm.s32 $0x5C00;
	[sflag:s12] =	ssyncadd.s32 $0xFFFFFC00  }
0x1b4: {  	[spmem:s3] =	stream.indirect.scatter.add.f32 [tilespmem:s31], [sflag:$0x2], $0x8, s30, s17, $0x2000b8;
	[tilespmem:$0x15380] =	vst v63  }
0x1b5: {  	s0 =	rddreg [dreg:$0x6];
	_ =	swait.ge [sflag:s13], $0x400  }
0x1b6: {  	[sflag:s13] =	ssyncset.done $0x0  }
0x1b7: {  	[sflag:s13] =	ssyncadd.s32 $0xFFFFFC00  }
0x1b8: {  	_ =	swait.ge [sflag:s13], $0x400  }
0x1b9: {  	[sflag:s13] =	ssyncset.done $0x0  }
0x1ba: {  	[sflag:s13] =	ssyncadd.s32 $0xFFFFFC00  }
0x1bb: {  	_ =	swait.ge [sflag:s13], $0x400  }
0x1bc: {  	[sflag:s13] =	ssyncset.done $0x0  }
0x1bd: {  	[sflag:s13] =	ssyncadd.s32 $0xFFFFFC00  }
0x1be: {  	_ =	swait.ge [sflag:s13], $0x400  }
0x1bf: {  	[sflag:s13] =	ssyncset.done $0x0  }
0x1c0: {  	[sflag:s13] =	ssyncadd.s32 $0xFFFFFC00  }
0x1c1: {  	_ =	swait.ge [sflag:s13], $0x400  }
0x1c2: {  	[sflag:s13] =	ssyncset.done $0x0  }
0x1c3: {  	[sflag:s13] =	ssyncadd.s32 $0xFFFFFC00  }
0x1c4: {  	_ =	swait.ge [sflag:s13], $0x400  }
0x1c5: {  	[sflag:s13] =	ssyncset.done $0x0  }
0x1c6: {  	[sflag:s13] =	ssyncadd.s32 $0xFFFFFC00  }
0x1c7: {  	_ =	swait.ge [sflag:s13], $0x400  }
0x1c8: {  	[sflag:s13] =	ssyncset.done $0x0  }
0x1c9: {  	[sflag:s13] =	ssyncadd.s32 $0xFFFFFC00  }
0x1ca: {  	_ =	swait.ge [sflag:s13], $0x400  }
0x1cb: {  	[sflag:s13] =	ssyncset.done $0x0  }
0x1cc: {  	[sflag:s13] =	ssyncadd.s32 $0xFFFFFC00  }
0x1cd: {  	_ =	swait.ge [sflag:s13], $0x400  }
0x1ce: {  	[sflag:s13] =	ssyncset.done $0x0  }
0x1cf: {  	[sflag:s13] =	ssyncadd.s32 $0xFFFFFC00  }
0x1d0: {  	_ =	swait.ge [sflag:s13], $0x400  }
0x1d1: {  	[sflag:s13] =	ssyncset.done $0x0  }
0x1d2: {  	[sflag:s13] =	ssyncadd.s32 $0xFFFFFC00  }
0x1d3: {  	_ =	swait.ge [sflag:s13], $0x400  }
0x1d4: {  	[sflag:s13] =	ssyncset.done $0x0  }
0x1d5: {  	[sflag:s13] =	ssyncadd.s32 $0xFFFFFC00  }
0x1d6: {  	_ =	swait.ge [sflag:s13], $0x400  }
0x1d7: {  	[sflag:s13] =	ssyncset.done $0x0  }
0x1d8: {  	[sflag:s13] =	ssyncadd.s32 $0xFFFFFC00  }
0x1d9: {  	_ =	swait.ge [sflag:s13], $0x400  }
0x1da: {  	[sflag:s13] =	ssyncset.done $0x0  }
0x1db: {  	[sflag:s13] =	ssyncadd.s32 $0xFFFFFC00  }
0x1dc: {  	_ =	swait.ge [sflag:s13], $0x400  }
0x1dd: {  	[sflag:s13] =	ssyncset.done $0x0  }
0x1de: {  	[sflag:s13] =	ssyncadd.s32 $0xFFFFFC00  }
0x1df: {  	_ =	swait.ge [sflag:s13], $0x400  }
0x1e0: {  	[sflag:s13] =	ssyncset.done $0x0  }
0x1e1: {  	[sflag:s13] =	ssyncadd.s32 $0xFFFFFC00  }
0x1e2: {  	_ =	swait.ge [sflag:s13], $0x400  }
0x1e3: {  	[sflag:s13] =	ssyncset.done $0x0  }
0x1e4: {  	[sflag:s13] =	ssyncadd.s32 $0xFFFFFC00  }
0x1e5: {  	_ =	swait.ge [sflag:s13], $0x400  }
0x1e6: {  	[sflag:s13] =	ssyncset.done $0x0  }
0x1e7: {  	[sflag:s13] =	ssyncadd.s32 $0xFFFFFC00  }
0x1e8: {  	_ =	swait.ge [sflag:s13], $0x400  }
0x1e9: {  	[sflag:s13] =	ssyncset.done $0x0  }
0x1ea: {  	[sflag:s13] =	ssyncadd.s32 $0xFFFFFC00  }
0x1eb: {  	_ =	swait.ge [sflag:s13], $0x400  }
0x1ec: {  	[sflag:s13] =	ssyncset.done $0x0  }
0x1ed: {  	[sflag:s13] =	ssyncadd.s32 $0xFFFFFC00  }
0x1ee: {  	_ =	swait.ge [sflag:s13], $0x400  }
0x1ef: {  	[sflag:s13] =	ssyncset.done $0x0  }
0x1f0: {  	[sflag:s13] =	ssyncadd.s32 $0xFFFFFC00  }
0x1f1: {  	_ =	swait.ge [sflag:s13], $0x400  }
0x1f2: {  	[sflag:s13] =	ssyncset.done $0x0  }
0x1f3: {  	[sflag:s13] =	ssyncadd.s32 $0xFFFFFC00  }
0x1f4: {  	_ =	swait.ge [sflag:s13], $0x400  }
0x1f5: {  	s8 =	smov.u32 s23;
	s23 =	sadd.s32 $0xFFFFFFFF, s23;
	[sflag:s13] =	ssyncset.done $0x0  }
0x1f6: {  	p0 =	sne.s32 s23, $0x0;
	[sflag:s13] =	ssyncadd.s32 $0xFFFFFC00  }
.Ltmp0:
0x1f7: {  	_ =	swait.ge [sflag:s13], $0x400;
	(pc) =	sbr.rel @p0 .LBB2_2-.Ltmp0, $4  }
0x1f8: {  	[sflag:s13] =	ssyncset.done $0x0  }
0x1f9: {  	s28 =	simm.s32 $0xC00;
	[sflag:s13] =	ssyncadd.s32 $0xFFFFFC00  }
0x1fa: {  	s28 =	simm.s32 @!p1 $0x0;
	_ =	swait.ge [sflag:s13], $0x400  }
0x1fb: {  	s22 =	sadd.s32 $0x1, s22;
	s6 =	smov.u32 s28;
	[sflag:s13] =	ssyncset.done $0x0  }
0x1fc: {  	p0 =	seq.s32 s22, $0x11  }
0x1fd: {  	p1 =	seq.s32 s8, $0x1;
	s22 =	simm.s32 @p0 $0x0  }
0x1fe: {  	[sflag:s13] =	ssyncadd.s32 $0xFFFFFC00;
	p0 =	seq.s32 @!p1 s0, s22  }
0x1ff: {  	_ =	strace $0x9000004D;
	p0 =	por p0, p1  }
0x200: {  	s0 =	rddreg [dreg:$0x4];
	s1 =	sand.u32 @!p0 $0x1, s19  }
0x201: {  	s0 =	sadd.s32 @!p0 s0, s22;
	s2 =	smul.u32 @!p0 $0x3000, s1  }
0x202: {  	s7 =	sand.u32 @!p0 $0x1, s20;
	s0 =	smul.u32 @!p0 $0xC00, s0  }
0x203: {  	s14 =	simm.s32 @!p0 $0x0;
	_ =	strace @!p0 $0x80000049;
	s1 =	sadd.s32 @!p0 $0x3, s1  }
0x204: {  	s16 =	rddreg [dreg:$0x1];
	s2 =	sshrl.u32 @!p0 s2, $0x2;
	s0 =	sshrl.u32 @!p0 s0, $0x3  }
0x205: {  	s15 =	smul.u32 @!p0 $0x3000, s7;
	s2 =	sor.u32 @!p0 $0x12380, s2;
	s16 =	sadd.s32 @!p0 s16, s0  }
0x206: {  	[tilespmem:s2], [sflag:s1] =	stream.linear.gather @!p0 [hbm4b:s16+s14], $0xC00, $0x200038;
	[tilespmem:$0x15380] =	vst v63  }
0x207: {  	_ =	strace @!p0 $0x90000049  }
0x208: {  	s1 =	sadd.s32 @!p0 $0x5, s7;
	s2 =	sshrl.u32 @!p0 s15, $0x2;
	s7 =	rddreg [dreg:$0x5]  }
0x209: {  	s2 =	sadd.s32 @!p0 $0x13B80, s2;
	_ =	strace @!p0 $0x8000004A;
	s0 =	sadd.s32 @!p0 s7, s0  }
0x20a: {  	[tilespmem:s2], [sflag:s1] =	stream.linear.gather @!p0 [hbm4b:s0+s14], $0xC00, $0x200038;
	[tilespmem:$0x15380] =	vst v63  }
0x20b: {  	_ =	strace @!p0 $0x9000004A  }
0x20c: {  	s21 =	sadd.s32 $0x3, s18;
	_ =	strace $0x8000004B  }
0x20d: {  	_ =	swait.ge [sflag:s21], $0xC00  }
0x20e: {  	[sflag:s21] =	ssyncset.done $0x0  }
0x20f: {  	[sflag:s21] =	ssyncadd.s32 $0xFFFFF400  }
0x210: {  	_ =	strace $0x9000004B  }
0x211: {  	s22 =	sadd.s32 $0x5, s10;
	_ =	strace $0x8000004C  }
0x212: {  	_ =	swait.ge [sflag:s22], $0xC00  }
0x213: {  	[sflag:s22] =	ssyncset.done $0x0  }
0x214: {  	[sflag:s22] =	ssyncadd.s32 $0xFFFFF400  }
0x215: {  	_ =	strace $0x9000004C  }
0x216: {  	s23 =	sor.u32 $0x12380, s4;
	s1 =	simm.s32 $0x0;
	_ =	strace $0x8000004D  }
0x217: {  	[tilespmem:s1], [sflag:$0x1] =	stream.indirect.gather [hbm4b:s5+s17], $0x8, s23, s17, $0x2000b8;
	[tilespmem:$0x15380] =	vst v63  }
0x218: {  	s24 =	sadd.s32 $0x12400, s4;
	s7 =	simm.s32 $0x400  }
0x219: {  	[tilespmem:s7], [sflag:$0x1] =	stream.indirect.gather [hbm4b:s5+s17], $0x8, s24, s17, $0x2000b8;
	[tilespmem:$0x15380] =	vst v63  }
0x21a: {  	s25 =	sadd.s32 $0x12480, s4;
	s9 =	simm.s32 $0x800  }
0x21b: {  	[tilespmem:s9], [sflag:$0x1] =	stream.indirect.gather [hbm4b:s5+s17], $0x8, s25, s17, $0x2000b8;
	[tilespmem:$0x15380] =	vst v63  }
0x21c: {  	s26 =	sadd.s32 $0x12500, s4;
	s2 =	simm.s32 $0xC00  }
0x21d: {  	[tilespmem:s2], [sflag:$0x1] =	stream.indirect.gather [hbm4b:s5+s17], $0x8, s26, s17, $0x2000b8;
	[tilespmem:$0x15380] =	vst v63  }
0x21e: {  	s28 =	sadd.s32 $0x12580, s4;
	s14 =	simm.s32 $0x1000  }
0x21f: {  	[tilespmem:s14], [sflag:$0x1] =	stream.indirect.gather [hbm4b:s5+s17], $0x8, s28, s17, $0x2000b8;
	[tilespmem:$0x15380] =	vst v63  }
0x220: {  	s29 =	sadd.s32 $0x12600, s4;
	s15 =	simm.s32 $0x1400  }
0x221: {  	[tilespmem:s15], [sflag:$0x1] =	stream.indirect.gather [hbm4b:s5+s17], $0x8, s29, s17, $0x2000b8;
	[tilespmem:$0x15380] =	vst v63  }
0x222: {  	s30 =	sadd.s32 $0x12680, s4;
	s10 =	simm.s32 $0x1800  }
0x223: {  	[tilespmem:s10], [sflag:$0x1] =	stream.indirect.gather [hbm4b:s5+s17], $0x8, s30, s17, $0x2000b8;
	[tilespmem:$0x15380] =	vst v63  }
0x224: {  	s31 =	sadd.s32 $0x12700, s4;
	s11 =	simm.s32 $0x1C00  }
0x225: {  	[tilespmem:s11], [sflag:$0x1] =	stream.indirect.gather [hbm4b:s5+s17], $0x8, s31, s17, $0x2000b8;
	[tilespmem:$0x15380] =	vst v63  }
0x226: {  	s8 =	sadd.s32 $0x12780, s4;
	s16 =	simm.s32 $0x2000  }
0x227: {  	[tilespmem:s16], [sflag:$0x1] =	stream.indirect.gather [hbm4b:s5+s17], $0x8, s8, s17, $0x2000b8;
	[tilespmem:$0x15380] =	vst v63  }
0x228: {  	s18 =	sadd.s32 $0x12800, s4;
	s8 =	simm.s32 $0x2400  }
0x229: {  	[tilespmem:s8], [sflag:$0x1] =	stream.indirect.gather [hbm4b:s5+s17], $0x8, s18, s17, $0x2000b8;
	[tilespmem:$0x15380] =	vst v63  }
0x22a: {  	s19 =	sadd.s32 $0x12880, s4;
	s18 =	simm.s32 $0x2800  }
0x22b: {  	[tilespmem:s18], [sflag:$0x1] =	stream.indirect.gather [hbm4b:s5+s17], $0x8, s19, s17, $0x2000b8;
	[tilespmem:$0x15380] =	vst v63  }
0x22c: {  	s20 =	sadd.s32 $0x12900, s4;
	s19 =	simm.s32 $0x2C00  }
0x22d: {  	[tilespmem:s19], [sflag:$0x1] =	stream.indirect.gather [hbm4b:s5+s17], $0x8, s20, s17, $0x2000b8;
	[tilespmem:$0x15380] =	vst v63  }
0x22e: {  	s21 =	sadd.s32 $0x12980, s4;
	s20 =	simm.s32 $0x3000  }
0x22f: {  	[tilespmem:s20], [sflag:$0x1] =	stream.indirect.gather [hbm4b:s5+s17], $0x8, s21, s17, $0x2000b8;
	[tilespmem:$0x15380] =	vst v63  }
0x230: {  	s22 =	sadd.s32 $0x12A00, s4;
	s21 =	simm.s32 $0x3400  }
0x231: {  	[tilespmem:s21], [sflag:$0x1] =	stream.indirect.gather [hbm4b:s5+s17], $0x8, s22, s17, $0x2000b8;
	[tilespmem:$0x15380] =	vst v63  }
0x232: {  	s23 =	sadd.s32 $0x12A80, s4;
	s22 =	simm.s32 $0x3800  }
0x233: {  	[tilespmem:s22], [sflag:$0x1] =	stream.indirect.gather [hbm4b:s5+s17], $0x8, s23, s17, $0x2000b8;
	[tilespmem:$0x15380] =	vst v63  }
0x234: {  	s24 =	sadd.s32 $0x12B00, s4;
	s23 =	simm.s32 $0x3C00  }
0x235: {  	[tilespmem:s23], [sflag:$0x1] =	stream.indirect.gather [hbm4b:s5+s17], $0x8, s24, s17, $0x2000b8;
	[tilespmem:$0x15380] =	vst v63  }
0x236: {  	s25 =	sadd.s32 $0x12B80, s4;
	s24 =	simm.s32 $0x4000  }
0x237: {  	[tilespmem:s24], [sflag:$0x1] =	stream.indirect.gather [hbm4b:s5+s17], $0x8, s25, s17, $0x2000b8;
	[tilespmem:$0x15380] =	vst v63  }
0x238: {  	s26 =	sadd.s32 $0x12C00, s4;
	s25 =	simm.s32 $0x4400  }
0x239: {  	[tilespmem:s25], [sflag:$0x1] =	stream.indirect.gather [hbm4b:s5+s17], $0x8, s26, s17, $0x2000b8;
	[tilespmem:$0x15380] =	vst v63  }
0x23a: {  	s28 =	sadd.s32 $0x12C80, s4;
	s26 =	simm.s32 $0x4800  }
0x23b: {  	[tilespmem:s26], [sflag:$0x1] =	stream.indirect.gather [hbm4b:s5+s17], $0x8, s28, s17, $0x2000b8;
	[tilespmem:$0x15380] =	vst v63  }
0x23c: {  	s29 =	sadd.s32 $0x12D00, s4;
	s28 =	simm.s32 $0x4C00  }
0x23d: {  	[tilespmem:s28], [sflag:$0x1] =	stream.indirect.gather [hbm4b:s5+s17], $0x8, s29, s17, $0x2000b8;
	[tilespmem:$0x15380] =	vst v63  }
0x23e: {  	s30 =	sadd.s32 $0x12D80, s4;
	s29 =	simm.s32 $0x5000  }
0x23f: {  	[tilespmem:s29], [sflag:$0x1] =	stream.indirect.gather [hbm4b:s5+s17], $0x8, s30, s17, $0x2000b8;
	[tilespmem:$0x15380] =	vst v63  }
0x240: {  	s31 =	sadd.s32 $0x12E00, s4;
	s30 =	simm.s32 $0x5400  }
0x241: {  	[tilespmem:s30], [sflag:$0x1] =	stream.indirect.gather [hbm4b:s5+s17], $0x8, s31, s17, $0x2000b8;
	[tilespmem:$0x15380] =	vst v63  }
0x242: {  	s0 =	sadd.s32 $0x12E80, s4;
	s31 =	simm.s32 $0x5800  }
0x243: {  	[tilespmem:s31], [sflag:$0x1] =	stream.indirect.gather [hbm4b:s5+s17], $0x8, s0, s17, $0x2000b8;
	[tilespmem:$0x15380] =	vst v63  }
0x244: {  	s0 =	sadd.s32 $0x12F00, s4;
	s4 =	simm.s32 $0x5C00  }
0x245: {  	[tilespmem:s4], [sflag:$0x1] =	stream.indirect.gather [hbm4b:s5+s17], $0x8, s0, s17, $0x2000b8;
	[tilespmem:$0x15380] =	vst v63  }
0x246: {  	_ =	swait.ge [sflag:s12], $0x400  }
0x247: {  	[sflag:s12] =	ssyncset.done $0x0  }
0x248: {  	s0 =	sadd.s32 $0x13B80, s6;
	[sflag:s12] =	ssyncadd.s32 $0xFFFFFC00  }
0x249: {  	[spmem:s3] =	stream.indirect.scatter.add.f32 [tilespmem:s1], [sflag:$0x2], $0x8, s0, s17, $0x2000b8;
	[tilespmem:$0x15380] =	vst v63  }
0x24a: {  	_ =	swait.ge [sflag:s12], $0x400  }
0x24b: {  	[sflag:s12] =	ssyncset.done $0x0  }
0x24c: {  	s1 =	sadd.s32 $0x13C00, s6;
	[sflag:s12] =	ssyncadd.s32 $0xFFFFFC00  }
0x24d: {  	[spmem:s3] =	stream.indirect.scatter.add.f32 [tilespmem:s7], [sflag:$0x2], $0x8, s1, s17, $0x2000b8;
	[tilespmem:$0x15380] =	vst v63  }
0x24e: {  	_ =	swait.ge [sflag:s12], $0x400  }
0x24f: {  	[sflag:s12] =	ssyncset.done $0x0  }
0x250: {  	s1 =	sadd.s32 $0x13C80, s6;
	[sflag:s12] =	ssyncadd.s32 $0xFFFFFC00  }
0x251: {  	[spmem:s3] =	stream.indirect.scatter.add.f32 [tilespmem:s9], [sflag:$0x2], $0x8, s1, s17, $0x2000b8;
	[tilespmem:$0x15380] =	vst v63  }
0x252: {  	_ =	swait.ge [sflag:s12], $0x400  }
0x253: {  	[sflag:s12] =	ssyncset.done $0x0  }
0x254: {  	s7 =	sadd.s32 $0x13D00, s6;
	[sflag:s12] =	ssyncadd.s32 $0xFFFFFC00  }
0x255: {  	[spmem:s3] =	stream.indirect.scatter.add.f32 [tilespmem:s2], [sflag:$0x2], $0x8, s7, s17, $0x2000b8;
	[tilespmem:$0x15380] =	vst v63  }
0x256: {  	_ =	swait.ge [sflag:s12], $0x400  }
0x257: {  	[sflag:s12] =	ssyncset.done $0x0  }
0x258: {  	s9 =	sadd.s32 $0x13D80, s6;
	[sflag:s12] =	ssyncadd.s32 $0xFFFFFC00  }
0x259: {  	[spmem:s3] =	stream.indirect.scatter.add.f32 [tilespmem:s14], [sflag:$0x2], $0x8, s9, s17, $0x2000b8;
	[tilespmem:$0x15380] =	vst v63  }
0x25a: {  	_ =	swait.ge [sflag:s12], $0x400  }
0x25b: {  	[sflag:s12] =	ssyncset.done $0x0  }
0x25c: {  	s1 =	sadd.s32 $0x13E00, s6;
	[sflag:s12] =	ssyncadd.s32 $0xFFFFFC00  }
0x25d: {  	[spmem:s3] =	stream.indirect.scatter.add.f32 [tilespmem:s15], [sflag:$0x2], $0x8, s1, s17, $0x2000b8;
	[tilespmem:$0x15380] =	vst v63  }
0x25e: {  	_ =	swait.ge [sflag:s12], $0x400  }
0x25f: {  	[sflag:s12] =	ssyncset.done $0x0  }
0x260: {  	s2 =	sadd.s32 $0x13E80, s6;
	[sflag:s12] =	ssyncadd.s32 $0xFFFFFC00  }
0x261: {  	[spmem:s3] =	stream.indirect.scatter.add.f32 [tilespmem:s10], [sflag:$0x2], $0x8, s2, s17, $0x2000b8;
	[tilespmem:$0x15380] =	vst v63  }
0x262: {  	_ =	swait.ge [sflag:s12], $0x400  }
0x263: {  	[sflag:s12] =	ssyncset.done $0x0  }
0x264: {  	s7 =	sadd.s32 $0x13F00, s6;
	[sflag:s12] =	ssyncadd.s32 $0xFFFFFC00  }
0x265: {  	[spmem:s3] =	stream.indirect.scatter.add.f32 [tilespmem:s11], [sflag:$0x2], $0x8, s7, s17, $0x2000b8;
	[tilespmem:$0x15380] =	vst v63  }
0x266: {  	_ =	swait.ge [sflag:s12], $0x400  }
0x267: {  	[sflag:s12] =	ssyncset.done $0x0  }
0x268: {  	s9 =	sadd.s32 $0x13F80, s6;
	[sflag:s12] =	ssyncadd.s32 $0xFFFFFC00  }
0x269: {  	[spmem:s3] =	stream.indirect.scatter.add.f32 [tilespmem:s16], [sflag:$0x2], $0x8, s9, s17, $0x2000b8;
	[tilespmem:$0x15380] =	vst v63  }
0x26a: {  	_ =	swait.ge [sflag:s12], $0x400  }
0x26b: {  	[sflag:s12] =	ssyncset.done $0x0  }
0x26c: {  	s10 =	sor.u32 $0x14000, s6;
	[sflag:s12] =	ssyncadd.s32 $0xFFFFFC00  }
0x26d: {  	[spmem:s3] =	stream.indirect.scatter.add.f32 [tilespmem:s8], [sflag:$0x2], $0x8, s10, s17, $0x2000b8;
	[tilespmem:$0x15380] =	vst v63  }
0x26e: {  	_ =	swait.ge [sflag:s12], $0x400  }
0x26f: {  	[sflag:s12] =	ssyncset.done $0x0  }
0x270: {  	s11 =	sor.u32 $0x14080, s6;
	[sflag:s12] =	ssyncadd.s32 $0xFFFFFC00  }
0x271: {  	[spmem:s3] =	stream.indirect.scatter.add.f32 [tilespmem:s18], [sflag:$0x2], $0x8, s11, s17, $0x2000b8;
	[tilespmem:$0x15380] =	vst v63  }
0x272: {  	_ =	swait.ge [sflag:s12], $0x400  }
0x273: {  	[sflag:s12] =	ssyncset.done $0x0  }
0x274: {  	s14 =	sor.u32 $0x14100, s6;
	[sflag:s12] =	ssyncadd.s32 $0xFFFFFC00  }
0x275: {  	[spmem:s3] =	stream.indirect.scatter.add.f32 [tilespmem:s19], [sflag:$0x2], $0x8, s14, s17, $0x2000b8;
	[tilespmem:$0x15380] =	vst v63  }
0x276: {  	_ =	swait.ge [sflag:s12], $0x400  }
0x277: {  	[sflag:s12] =	ssyncset.done $0x0  }
0x278: {  	s15 =	sor.u32 $0x14180, s6;
	[sflag:s12] =	ssyncadd.s32 $0xFFFFFC00  }
0x279: {  	[spmem:s3] =	stream.indirect.scatter.add.f32 [tilespmem:s20], [sflag:$0x2], $0x8, s15, s17, $0x2000b8;
	[tilespmem:$0x15380] =	vst v63  }
0x27a: {  	_ =	swait.ge [sflag:s12], $0x400  }
0x27b: {  	[sflag:s12] =	ssyncset.done $0x0  }
0x27c: {  	s16 =	sor.u32 $0x14200, s6;
	[sflag:s12] =	ssyncadd.s32 $0xFFFFFC00  }
0x27d: {  	[spmem:s3] =	stream.indirect.scatter.add.f32 [tilespmem:s21], [sflag:$0x2], $0x8, s16, s17, $0x2000b8;
	[tilespmem:$0x15380] =	vst v63  }
0x27e: {  	_ =	swait.ge [sflag:s12], $0x400  }
0x27f: {  	[sflag:s12] =	ssyncset.done $0x0  }
0x280: {  	s18 =	sor.u32 $0x14280, s6;
	[sflag:s12] =	ssyncadd.s32 $0xFFFFFC00  }
0x281: {  	[spmem:s3] =	stream.indirect.scatter.add.f32 [tilespmem:s22], [sflag:$0x2], $0x8, s18, s17, $0x2000b8;
	[tilespmem:$0x15380] =	vst v63  }
0x282: {  	_ =	swait.ge [sflag:s12], $0x400  }
0x283: {  	[sflag:s12] =	ssyncset.done $0x0  }
0x284: {  	s19 =	sor.u32 $0x14300, s6;
	[sflag:s12] =	ssyncadd.s32 $0xFFFFFC00  }
0x285: {  	[spmem:s3] =	stream.indirect.scatter.add.f32 [tilespmem:s23], [sflag:$0x2], $0x8, s19, s17, $0x2000b8;
	[tilespmem:$0x15380] =	vst v63  }
0x286: {  	_ =	swait.ge [sflag:s12], $0x400  }
0x287: {  	[sflag:s12] =	ssyncset.done $0x0  }
0x288: {  	s20 =	sor.u32 $0x14380, s6;
	[sflag:s12] =	ssyncadd.s32 $0xFFFFFC00  }
0x289: {  	[spmem:s3] =	stream.indirect.scatter.add.f32 [tilespmem:s24], [sflag:$0x2], $0x8, s20, s17, $0x2000b8;
	[tilespmem:$0x15380] =	vst v63  }
0x28a: {  	_ =	swait.ge [sflag:s12], $0x400  }
0x28b: {  	[sflag:s12] =	ssyncset.done $0x0  }
0x28c: {  	s21 =	sadd.s32 $0x14400, s6;
	[sflag:s12] =	ssyncadd.s32 $0xFFFFFC00  }
0x28d: {  	[spmem:s3] =	stream.indirect.scatter.add.f32 [tilespmem:s25], [sflag:$0x2], $0x8, s21, s17, $0x2000b8;
	[tilespmem:$0x15380] =	vst v63  }
0x28e: {  	_ =	swait.ge [sflag:s12], $0x400  }
0x28f: {  	[sflag:s12] =	ssyncset.done $0x0  }
0x290: {  	s22 =	sadd.s32 $0x14480, s6;
	[sflag:s12] =	ssyncadd.s32 $0xFFFFFC00  }
0x291: {  	[spmem:s3] =	stream.indirect.scatter.add.f32 [tilespmem:s26], [sflag:$0x2], $0x8, s22, s17, $0x2000b8;
	[tilespmem:$0x15380] =	vst v63  }
0x292: {  	_ =	swait.ge [sflag:s12], $0x400  }
0x293: {  	[sflag:s12] =	ssyncset.done $0x0  }
0x294: {  	s23 =	sadd.s32 $0x14500, s6;
	[sflag:s12] =	ssyncadd.s32 $0xFFFFFC00  }
0x295: {  	[spmem:s3] =	stream.indirect.scatter.add.f32 [tilespmem:s28], [sflag:$0x2], $0x8, s23, s17, $0x2000b8;
	[tilespmem:$0x15380] =	vst v63  }
0x296: {  	_ =	swait.ge [sflag:s12], $0x400  }
0x297: {  	[sflag:s12] =	ssyncset.done $0x0  }
0x298: {  	s24 =	sadd.s32 $0x14580, s6;
	[sflag:s12] =	ssyncadd.s32 $0xFFFFFC00  }
0x299: {  	[spmem:s3] =	stream.indirect.scatter.add.f32 [tilespmem:s29], [sflag:$0x2], $0x8, s24, s17, $0x2000b8;
	[tilespmem:$0x15380] =	vst v63  }
0x29a: {  	_ =	swait.ge [sflag:s12], $0x400  }
0x29b: {  	[sflag:s12] =	ssyncset.done $0x0  }
0x29c: {  	s25 =	sadd.s32 $0x14600, s6;
	[sflag:s12] =	ssyncadd.s32 $0xFFFFFC00  }
0x29d: {  	[spmem:s3] =	stream.indirect.scatter.add.f32 [tilespmem:s30], [sflag:$0x2], $0x8, s25, s17, $0x2000b8;
	[tilespmem:$0x15380] =	vst v63  }
0x29e: {  	_ =	swait.ge [sflag:s12], $0x400  }
0x29f: {  	[sflag:s12] =	ssyncset.done $0x0  }
0x2a0: {  	s26 =	sadd.s32 $0x14680, s6;
	[sflag:s12] =	ssyncadd.s32 $0xFFFFFC00  }
0x2a1: {  	[spmem:s3] =	stream.indirect.scatter.add.f32 [tilespmem:s31], [sflag:$0x2], $0x8, s26, s17, $0x2000b8;
	[tilespmem:$0x15380] =	vst v63  }
0x2a2: {  	_ =	swait.ge [sflag:s12], $0x400  }
0x2a3: {  	[sflag:s12] =	ssyncset.done $0x0  }
0x2a4: {  	s28 =	sadd.s32 $0x14700, s6;
	[sflag:s12] =	ssyncadd.s32 $0xFFFFFC00  }
0x2a5: {  	[spmem:s3] =	stream.indirect.scatter.add.f32 [tilespmem:s4], [sflag:$0x2], $0x8, s28, s17, $0x2000b8;
	[tilespmem:$0x15380] =	vst v63  }
0x2a6: {  	_ =	swait.ge [sflag:s13], $0x400  }
0x2a7: {  	[sflag:s13] =	ssyncset.done $0x0  }
0x2a8: {  	[sflag:s13] =	ssyncadd.s32 $0xFFFFFC00  }
0x2a9: {  	_ =	swait.ge [sflag:s13], $0x400  }
0x2aa: {  	[sflag:s13] =	ssyncset.done $0x0  }
0x2ab: {  	[sflag:s13] =	ssyncadd.s32 $0xFFFFFC00  }
0x2ac: {  	_ =	swait.ge [sflag:s13], $0x400  }
0x2ad: {  	[sflag:s13] =	ssyncset.done $0x0  }
0x2ae: {  	[sflag:s13] =	ssyncadd.s32 $0xFFFFFC00  }
0x2af: {  	_ =	swait.ge [sflag:s13], $0x400  }
0x2b0: {  	[sflag:s13] =	ssyncset.done $0x0  }
0x2b1: {  	[sflag:s13] =	ssyncadd.s32 $0xFFFFFC00  }
0x2b2: {  	_ =	swait.ge [sflag:s13], $0x400  }
0x2b3: {  	[sflag:s13] =	ssyncset.done $0x0  }
0x2b4: {  	[sflag:s13] =	ssyncadd.s32 $0xFFFFFC00  }
0x2b5: {  	_ =	swait.ge [sflag:s13], $0x400  }
0x2b6: {  	[sflag:s13] =	ssyncset.done $0x0  }
0x2b7: {  	[sflag:s13] =	ssyncadd.s32 $0xFFFFFC00  }
0x2b8: {  	_ =	swait.ge [sflag:s13], $0x400  }
0x2b9: {  	[sflag:s13] =	ssyncset.done $0x0  }
0x2ba: {  	[sflag:s13] =	ssyncadd.s32 $0xFFFFFC00  }
0x2bb: {  	_ =	swait.ge [sflag:s13], $0x400  }
0x2bc: {  	[sflag:s13] =	ssyncset.done $0x0  }
0x2bd: {  	[sflag:s13] =	ssyncadd.s32 $0xFFFFFC00  }
0x2be: {  	_ =	swait.ge [sflag:s13], $0x400  }
0x2bf: {  	[sflag:s13] =	ssyncset.done $0x0  }
0x2c0: {  	[sflag:s13] =	ssyncadd.s32 $0xFFFFFC00  }
0x2c1: {  	_ =	swait.ge [sflag:s13], $0x400  }
0x2c2: {  	[sflag:s13] =	ssyncset.done $0x0  }
0x2c3: {  	[sflag:s13] =	ssyncadd.s32 $0xFFFFFC00  }
0x2c4: {  	_ =	swait.ge [sflag:s13], $0x400  }
0x2c5: {  	[sflag:s13] =	ssyncset.done $0x0  }
0x2c6: {  	[sflag:s13] =	ssyncadd.s32 $0xFFFFFC00  }
0x2c7: {  	_ =	swait.ge [sflag:s13], $0x400  }
0x2c8: {  	[sflag:s13] =	ssyncset.done $0x0  }
0x2c9: {  	[sflag:s13] =	ssyncadd.s32 $0xFFFFFC00  }
0x2ca: {  	_ =	swait.ge [sflag:s13], $0x400  }
0x2cb: {  	[sflag:s13] =	ssyncset.done $0x0  }
0x2cc: {  	[sflag:s13] =	ssyncadd.s32 $0xFFFFFC00  }
0x2cd: {  	_ =	swait.ge [sflag:s13], $0x400  }
0x2ce: {  	[sflag:s13] =	ssyncset.done $0x0  }
0x2cf: {  	[sflag:s13] =	ssyncadd.s32 $0xFFFFFC00  }
0x2d0: {  	_ =	swait.ge [sflag:s13], $0x400  }
0x2d1: {  	[sflag:s13] =	ssyncset.done $0x0  }
0x2d2: {  	[sflag:s13] =	ssyncadd.s32 $0xFFFFFC00  }
0x2d3: {  	_ =	swait.ge [sflag:s13], $0x400  }
0x2d4: {  	[sflag:s13] =	ssyncset.done $0x0  }
0x2d5: {  	[sflag:s13] =	ssyncadd.s32 $0xFFFFFC00  }
0x2d6: {  	_ =	swait.ge [sflag:s13], $0x400  }
0x2d7: {  	[sflag:s13] =	ssyncset.done $0x0  }
0x2d8: {  	[sflag:s13] =	ssyncadd.s32 $0xFFFFFC00  }
0x2d9: {  	_ =	swait.ge [sflag:s13], $0x400  }
0x2da: {  	[sflag:s13] =	ssyncset.done $0x0  }
0x2db: {  	[sflag:s13] =	ssyncadd.s32 $0xFFFFFC00  }
0x2dc: {  	_ =	swait.ge [sflag:s13], $0x400  }
0x2dd: {  	[sflag:s13] =	ssyncset.done $0x0  }
0x2de: {  	[sflag:s13] =	ssyncadd.s32 $0xFFFFFC00  }
0x2df: {  	_ =	swait.ge [sflag:s13], $0x400  }
0x2e0: {  	[sflag:s13] =	ssyncset.done $0x0  }
0x2e1: {  	[sflag:s13] =	ssyncadd.s32 $0xFFFFFC00  }
0x2e2: {  	_ =	swait.ge [sflag:s13], $0x400  }
0x2e3: {  	[sflag:s13] =	ssyncset.done $0x0  }
0x2e4: {  	[sflag:s13] =	ssyncadd.s32 $0xFFFFFC00  }
0x2e5: {  	_ =	swait.ge [sflag:s13], $0x400  }
0x2e6: {  	[sflag:s13] =	ssyncset.done $0x0  }
0x2e7: {  	[sflag:s13] =	ssyncadd.s32 $0xFFFFFC00  }
0x2e8: {  	_ =	swait.ge [sflag:s13], $0x400  }
0x2e9: {  	[sflag:s13] =	ssyncset.done $0x0  }
0x2ea: {  	[sflag:s13] =	ssyncadd.s32 $0xFFFFFC00  }
0x2eb: {  	_ =	swait.ge [sflag:s13], $0x400  }
0x2ec: {  	[sflag:s13] =	ssyncset.done $0x0  }
0x2ed: {  	[sflag:s13] =	ssyncadd.s32 $0xFFFFFC00  }
0x2ee: {  	_ =	strace $0x9000004D  }
0x2ef: {  	[bflag:$0x0] =	sbarrier.arrive $0xFFFF  }
0x2f0: {  	s9 =	rddreg [dreg:$0x8]  }
0x2f1: {  	s1 =	rddreg [dreg:$0xc]  }
0x2f2: {  	s2 =	simm.s32 $0x3;
	s29 =	rddreg [dreg:$0xd]  }
0x2f3: {  	[hbm:s29], [sflag:s9] =	dma.local [spmem:s1], $0x1870  }
0x2f4: {  	_ =	swait.ge [sflag:s2], $0x1870  }
0x2f5: {  	s30 =	rddreg [dreg:$0xe]  }
0x2f6: {  	s31 =	rddreg [dreg:$0xb];
	s4 =	sadd.s32 $0x1, s30  }
0x2f7: {  	p0 =	sne.s32 s4, s31  }
.Ltmp1:
0x2f8: {  	_ = 	snop;
	(pc) =	sbr.rel @p0 .LBB2_1-.Ltmp1, $3  }
0x2f9: {  	_ =	sdelay $0x1  }
0x2fa: {  	[sflag:s2] =	ssyncset.done $0x0  }
0x2fb: {  	[sflag:s2] =	ssyncadd.s32 $0xFFFFE790  }
0x2fc: {  	_ =	sfence.sel $0x180000  }
0x2fd: {  	[bflag:$0x0] =	sbarrier.arrive $0xFFFF  }
0x2fe: {  	_ =	strace $0x90000047  }
0x2ff: {  	s0 =	stileid.u32;
	[bflag:$0x2] =	sbarrier.arrive $0xFFFF  }
0x300: {  	p0 =	sne.s32 s0, $0x0;
	s0 =	rddreg [dreg:$0x3]  }
0x301: {  	s0 =	sadd.s32 @!p0 $0x100000, s0  }
0x302: {  	[sflag:s0] =	ssyncadd.tile.s32 @!p0 $0x1;
	_ =	shalt  }
.Lfunc_end2:
_tile_overlayer_lowered:
.L_overlay_start_2:
0x303: {  	(tag) =	ssettag $0x2  }
0x304: {  	s0 =	rddreg [dreg:$0x0];
	s2 =	stileid.u32  }
0x305: {  	s1 =	rddreg [dreg:$0x1];
	p0 =	sne.s32 s2, $0x0  }
0x306: {  	s3 =	rddreg [dreg:$0x2];
	[bflag:$0x3] =	sbarrier.arrive $0xFFFF;
	s2 =	simm.s32 @!p0 $0x1C03  }
0x307: {  	[timem:s3], [sflag:s2] =	dma.local @!p0 [hbm:s0], s1  }
0x308: {  	s0 =	simm.s32 @!p0 $0x3  }
0x309: {  	_ =	swait.ge @!p0 [sflag:s0], s1  }
0x30a: {  	s1 =	ssub.s32 @!p0 $0x0, s1;
	[sflag:s0] =	ssyncset.done @!p0 $0x0  }
0x30b: {  	[sflag:s0] =	ssyncadd.s32 @!p0 s1  }
0x30c: {  	[bflag:$0x3] =	sbarrier.arrive $0xFFFF  }
0x30d: {  	_ =	shalt  }

// kernel: kernel.9.cloned.1.call-start
scs
__scs_entry_jumppad:
0x0: {  	(pc) =	sbr.rel $0x88, $3  }
0x1: {  	(tag) =	ssettag $0x0;
	lr =	simm.s32 $0x1  }
0x2: {  	[smem:$0x3F99] =	sst lr;
	_ =	strace $0xD0000000  }
0x3: {  	_ = 	snop  }
0x4: {  	_ = 	snop  }
0x5: {  	_ = 	snop  }
0x6: {  	_ = 	snop  }
0x7: {  	_ = 	snop  }
__scs_overlays_trampoline_lowered:
0x8: {  	[smem:$0x3FA8] =	sst s0  }
0x9: {  	[smem:$0x3FA9] =	sst s1  }
0xa: {  	[smem:$0x3FAA] =	sst s2  }
0xb: {  	[smem:$0x3FAB] =	sst s3  }
0xc: {  	[smem:$0x3FAC] =	sst s4  }
0xd: {  	[smem:$0x3FAD] =	sst s5  }
0xe: {  	[smem:$0x3FAE] =	sst s6  }
0xf: {  	[smem:$0x3FAF] =	sst s7  }
0x10: {  	[smem:$0x3FB0] =	sst s8  }
0x11: {  	[smem:$0x3FB1] =	sst s9;
	s0 =	simm.s32 @!p0 $0x0  }
0x12: {  	s1 =	sld [smem:$0x3F97];
	s0 =	simm.s32 @p0 $0x1  }
0x13: {  	[smem:$0x3FB2] =	sst s0;
	s0 =	simm.s32 @!p1 $0x0  }
0x14: {  	s2 =	sld [smem:$0x3F96];
	s0 =	simm.s32 @p1 $0x1  }
0x15: {  	[smem:$0x3FB3] =	sst s0;
	s0 =	simm.s32 @!p2 $0x0  }
0x16: {  	s3 =	sld [smem:$0x3FDB];
	s0 =	simm.s32 @p2 $0x1  }
0x17: {  	s4 =	simm.s32 $0x1BF5;
	[smem:$0x3FB5] =	sst s0  }
0x18: {  	s0 =	sld [smem:$0x3F98];
	_ =	swait.ge [sflag:s4], $0x0  }
0x19: {  	s7 =	sld [smem:$0x3F99]  }
0x1a: {  	s8 =	sadd.s32 $0xFFFFE003, lr  }
0x1b: {  	s9 =	sadd.s32 $0xFFFFFEF7, lr;
	s5 =	simm.s32 $0xFFFFFFFF;
	p2 =	slt.u32 s8, $0xFFFFF086  }
0x1c: {  	p1 =	slt.u32 s9, $0xF7A;
	s5 =	simm.s32 @!p2 $0x0  }
0x1d: {  	s5 =	simm.s32 @p1 $0x1;
	p0 =	seq.s32 s7, s2  }
0x1e: {  	s7 =	smul.u32 @!p0 $0xF7A, s2;
	p2 =	seq.s32 @!p0 s5, $0x0  }
0x1f: {  	s9 =	smul.u32 $0xF7A, s1;
	s8 =	simm.s32 @!p0 $0x1BF5;
	p2 =	por !p2, p0  }
0x20: {  	[sflag:s8] =	ssyncset.s32 @!p0 $0xFFFFF086;
	s6 =	sadd.s32 @!p0 s3, s7;
	s7 =	simm.s32 @!p0 $0x108  }
0x21: {  	s3 =	sadd.s32 s3, s9;
	s6 =	sadd.s32 @!p0 $0x88, s6;
	s7 =	simm.s32 @p2 $0x1082  }
0x22: {  	[simem:s7], [sflag:s8] =	dma.local @!p0 [hbm:s6], $0xF7A  }
0x23: {  	s9 =	sor.u32 $0xD0000000, s2;
	s6 =	simm.s32 $0x108;
	_ =	swait.ge @!p0 [sflag:s8], $0x0  }
0x24: {  	s3 =	sadd.s32 $0x88, s3;
	s6 =	simm.s32 @!p1 $0x1082;
	[sflag:s4] =	ssyncset.s32 $0xFFFFF086  }
0x25: {  	[simem:s6], [sflag:s4] =	dma.local [hbm:s3], $0xF7A  }
0x26: {  	[smem:$0x3F99] =	sst s1;
	(tag) =	ssettag s2;
	_ =	strace s9  }
0x27: {  	s1 =	sld [smem:$0x3FA9]  }
0x28: {  	s2 =	sld [smem:$0x3FAA]  }
0x29: {  	s4 =	sld [smem:$0x3FAC]  }
0x2a: {  	p0 =	seq.s32 s5, $0x0;
	s5 =	sld [smem:$0x3FAD]  }
0x2b: {  	s6 =	sld [smem:$0x3FAE]  }
0x2c: {  	s7 =	sld [smem:$0x3FAF]  }
0x2d: {  	s3 =	simm.s32 $0x108;
	s8 =	sld [smem:$0x3FB0]  }
0x2e: {  	s3 =	simm.s32 @!p0 $0x1082;
	s9 =	sld [smem:$0x3FB1]  }
0x2f: {  	lr =	sadd.s32 s0, s3;
	s0 =	sld [smem:$0x3FA8]  }
0x30: {  	s3 =	sld [smem:$0x3FAB]  }
0x31: {  	[smem:$0x3FB4] =	sst s10  }
0x32: {  	s10 =	sld [smem:$0x3FB2];
	_ =	sdelay $0x3  }
0x33: {  	p0 =	seq.s32 s10, $0x1;
	s10 =	sld [smem:$0x3FB4];
	_ =	sdelay $0x3  }
0x34: {  	[smem:$0x3FB4] =	sst s10  }
0x35: {  	s10 =	sld [smem:$0x3FB3];
	_ =	sdelay $0x3  }
0x36: {  	p1 =	seq.s32 s10, $0x1;
	s10 =	sld [smem:$0x3FB4];
	_ =	sdelay $0x3  }
0x37: {  	[smem:$0x3FB4] =	sst s10  }
0x38: {  	s10 =	sld [smem:$0x3FB5]  }
0x39: {  	_ = 	snop;
	(pc) =	sbr.ind lr, $3  }
0x3a: {  	_ = 	snop  }
0x3b: {  	_ = 	snop  }
0x3c: {  	p2 =	seq.s32 s10, $0x1;
	s10 =	sld [smem:$0x3FB4]  }
0x3d: {  	_ =	shalt  }
0x3e: {  	_ =	shalt  }
0x3f: {  	_ =	shalt  }
0x40: {  	_ =	shalt  }
0x41: {  	_ =	shalt  }
0x42: {  	_ =	shalt  }
0x43: {  	_ =	shalt  }
0x44: {  	_ =	shalt  }
0x45: {  	_ =	shalt  }
0x46: {  	_ =	shalt  }
0x47: {  	_ =	shalt  }
0x48: {  	_ =	shalt  }
0x49: {  	_ =	shalt  }
0x4a: {  	_ =	shalt  }
0x4b: {  	_ =	shalt  }
0x4c: {  	_ =	shalt  }
0x4d: {  	_ =	shalt  }
0x4e: {  	_ =	shalt  }
0x4f: {  	_ =	shalt  }
0x50: {  	_ =	shalt  }
0x51: {  	_ =	shalt  }
0x52: {  	_ =	shalt  }
0x53: {  	_ =	shalt  }
0x54: {  	_ =	shalt  }
0x55: {  	_ =	shalt  }
0x56: {  	_ =	shalt  }
0x57: {  	_ =	shalt  }
0x58: {  	_ =	shalt  }
0x59: {  	_ =	shalt  }
0x5a: {  	_ =	shalt  }
0x5b: {  	_ =	shalt  }
0x5c: {  	_ =	shalt  }
0x5d: {  	_ =	shalt  }
0x5e: {  	_ =	shalt  }
0x5f: {  	_ =	shalt  }
0x60: {  	_ =	shalt  }
0x61: {  	_ =	shalt  }
0x62: {  	_ =	shalt  }
0x63: {  	_ =	shalt  }
0x64: {  	_ =	shalt  }
0x65: {  	_ =	shalt  }
0x66: {  	_ =	shalt  }
0x67: {  	_ =	shalt  }
0x68: {  	_ =	shalt  }
0x69: {  	_ =	shalt  }
0x6a: {  	_ =	shalt  }
0x6b: {  	_ =	shalt  }
0x6c: {  	_ =	shalt  }
0x6d: {  	_ =	shalt  }
0x6e: {  	_ =	shalt  }
0x6f: {  	_ =	shalt  }
0x70: {  	_ =	shalt  }
0x71: {  	_ =	shalt  }
0x72: {  	_ =	shalt  }
0x73: {  	_ =	shalt  }
0x74: {  	_ =	shalt  }
0x75: {  	_ =	shalt  }
0x76: {  	_ =	shalt  }
0x77: {  	_ =	shalt  }
0x78: {  	_ =	shalt  }
0x79: {  	_ =	shalt  }
0x7a: {  	_ =	shalt  }
0x7b: {  	_ =	shalt  }
0x7c: {  	_ =	shalt  }
0x7d: {  	_ =	shalt  }
0x7e: {  	_ =	shalt  }
0x7f: {  	_ =	shalt  }
0x80: {  	_ =	shalt  }
0x81: {  	_ =	shalt  }
0x82: {  	_ =	shalt  }
0x83: {  	_ =	shalt  }
0x84: {  	_ =	shalt  }
0x85: {  	_ =	shalt  }
0x86: {  	_ =	shalt  }
0x87: {  	_ =	shalt  }
.Lfunc_end0:
.L_simem_size_0:
called_computation.1_lowered:
.L_overlay_start_0:
0x88: {  	s2 =	sld [smem:$0x3FD9]  }
0x89: {  	s3 =	sld [smem:$0x3FFE];
	_ =	sdelay $0x1  }
0x8a: {  	s1 =	srdreg.scid  }
0x8b: {  	s0 =	sand.u32 $0x1, s1  }
0x8c: {  	s17 =	sshll.u32 s0, $0xA;
	s2 =	sadd.s32 s3, s2  }
0x8d: {  	s2 =	sadd.s32 s2, s17  }
0x8e: {  	[smem:$0x3FC0] =	sst s2  }
0x8f: {  	_ = 	snop  }
0x90: {  	s2 =	sld [smem:$0x3FD0];
	(tm) =	ssettm $0x1  }
0x91: {  	s18 =	sld [smem:$0x3FFB];
	_ =	sdelay $0x3  }
0x92: {  	_ =	strace s18  }
0x93: {  	s3 =	sld [smem:$0x3FFC];
	_ =	sdelay $0x3  }
0x94: {  	_ =	strace s3  }
0x95: {  	s3 =	sld [smem:$0x3FFD];
	_ =	sdelay $0x3  }
0x96: {  	_ =	strace s3  }
0x97: {  	_ =	strace $0x8FFFFFFF  }
0x98: {  	s19 =	sld [smem:$0x3FDB];
	_ =	sdelay $0x1  }
0x99: {  	s4 =	simm.s32 $_scs_section_size  }
0x9a: {  	s5 =	simm.s32 $_size__tile_overlayer_lowered;
	s6 =	simm.s32 $_tile_overlayer_lowered  }
0x9b: {  	s22 =	simm.s32 $0x1BFF;
	s21 =	sshll.u32 s6, $0x1;
	s3 =	sadd.s32 s4, s19  }
0x9c: {  	s7 =	simm.s32 $0x0;
	s20 =	sshll.u32 s5, $0x1;
	s5 =	sadd.s32 s21, s3  }
0x9d: {  	[timem:s7], [sflag:s22] =	dma.local [hbm:s5], s20  }
0x9e: {  	_ =	swait.ge [sflag:s22], s20  }
0x9f: {  	s4 =	ssub.s32 $0x0, s20;
	[sflag:s22] =	ssyncset.done $0x0  }
0xa0: {  	[sflag:s22] =	ssyncadd.s32 s4;
	_ =	sdelay $0x1  }
0xa1: {  	s23 =	simm.s32 $0x1B8B  }
0xa2: {  	_ =	swait.ge [sflag:s23], $0x1  }
0xa3: {  	[sflag:s23] =	ssyncset.done $0x0  }
0xa4: {  	s25 =	simm.s32 $0x1B8E;
	s24 =	sld [smem:$0x3FFE];
	[sflag:s23] =	ssyncadd.s32 $0xFFFFFFFF  }
0xa5: {  	s26 =	simm.s32 $execute0_lowered;
	[smem:$0x3FD2] =	sst s25  }
0xa6: {  	s5 =	sshll.u32 s26, $0x1;
	_ =	strace $0x8000004F;
	[dreg:$0x1] =	wrdreg $0xFFFFFFFF  }
0xa7: {  	s28 =	simm.s32 $_size_execute0_lowered;
	s3 =	sadd.s32 s3, s5;
	[dreg:$0x0] =	wrdreg $0x0  }
0xa8: {  	s5 =	sshll.u32 s28, $0x1;
	[dreg:$0x2] =	wrdreg s3  }
0xa9: {  	[dreg:$0x3] =	wrdreg s5  }
0xaa: {  	[dreg:$0x4] =	wrdreg $0xC0  }
0xab: {  	_ =	task [dreg:s7], $0x5FFFF  }
0xac: {  	[dreg:$0x1] =	wrdreg $0xFFFFFFFF  }
0xad: {  	[dreg:$0x0] =	wrdreg $0x60  }
0xae: {  	[dreg:$0x2] =	wrdreg s24  }
0xaf: {  	[dreg:$0x3] =	wrdreg s2  }
0xb0: {  	[dreg:$0x4] =	wrdreg $0x60000  }
0xb1: {  	[dreg:$0x5] =	wrdreg $0x9  }
0xb2: {  	_ =	task.clear_ibuf [dreg:s7], $0x6FFFF;
	_ =	strace $0x9000004F  }
0xb3: {  	s29 =	simm.s32 $0x9;
	_ =	strace $0x80000057  }
0xb4: {  	_ =	swait.ge [sflag:s29], $0x1  }
0xb5: {  	[sflag:s29] =	ssyncadd.s32 $0xFFFFFFFF  }
0xb6: {  	_ =	strace $0x90000057  }
0xb7: {  	_ =	sfence  }
0xb8: {  	s30 =	sld [smem:$0x0];
	_ =	sdelay $0x2  }
0xb9: {  	s31 =	sshll.u32 s1, $0xD;
	s1 =	sshrl.u32 s1, $0x2  }
0xba: {  	s3 =	sand.u32 $0x4000, s31;
	s1 =	sadd.s32 s1, s30  }
0xbb: {  	s0 =	sor.u32 s3, s0;
	s1 =	sshll.u32 s1, $0x11  }
0xbc: {  	s0 =	sor.u32 s1, s0  }
0xbd: {  	s0 =	sadd.s32 $0x8F2B, s0  }
0xbe: {  	[sflag:s0] =	ssyncadd.remote.s32 $0x1  }
0xbf: {  	_ =	sfence.sel $0xFFFF  }
0xc0: {  	[dreg:$0x0] =	wrdreg $0xFFFFFFFF;
	(pc) =	sbr.abs _section_cstart, $3  }
0xc1: {  	[dreg:$0x1] =	wrdreg $0xFFFFFFFF  }
0xc2: {  	_ =	task.clear_ibuf [dreg:s7], $0x2FFFF;
	_ =	strace $0x9FFFFFFF  }
0xc3: {  	(tm) =	ssettm $0x7FFFFFFF  }
tec
execute0_lowered:
.L_overlay_start_1:
0x0: {  	(tag) =	ssettag $0x1  }
0x1: {  	s0 =	rddreg [dreg:$0x0]  }
0x2: {  	s9 =	rddreg [dreg:$0x1]  }
0x3: {  	s3 =	rddreg [dreg:$0x2];
	s1 =	simm.s32 $0x0  }
0x4: {  	s10 =	stileid.u32;
	s2 =	srdreg.scid;
	s16 =	simm.s32 $0x80  }
0x5: {  	s30 =	simm.s32 $0x1;
	s31 =	simm.s32 $0x2;
	s28 =	simm.s32 $0x4000  }
0x6: {  	s29 =	simm.s32 $0x4800;
	[smem:$0x7FF] =	sst s1;
	s23 =	smul.u32 $0x18700, s10  }
0x7: {  	s11 =	sadd.s32 $0x1A200, s0;
	s2 =	sand.u32 $0x1, s2;
	s8 =	smul.u32 $0x44, s10  }
0x8: {  	s24 =	smul.u32 $0x3300, s10;
	s25 =	sshll.u32 s10, $0x6;
	_ =	strace $0x80000050  }
0x9: {  	s5 =	smul.u32 $0x32000, s2;
	s2 =	ssub.s32 $0x2, s2;
	[dreg:$0x5] =	wrdreg s11  }
0xa: {  	s4 =	sshrl.u32 s23, $0x3;
	s7 =	sshrl.u32 s2, $0x1;
	s1 =	sadd.s32 s23, s3  }
0xb: {  	[dreg:$0x4] =	wrdreg s8;
	s26 =	sadd.s32 s9, s24;
	s6 =	sadd.s32 s4, s0  }
0xc: {  	s0 =	sadd.s32 s5, s0;
	[dreg:$0x8] =	wrdreg s26;
	s5 =	sadd.s32 s11, s24  }
0xd: {  	s2 =	ssub.s32 s2, s7;
	s1 =	sshrl.u32 s1, $0x3;
	[dreg:$0x9] =	wrdreg s5  }
0xe: {  	s6 =	sadd.s32 $0xB1200, s6;
	s10 =	sadd.s32 $0x4D200, s0;
	[dreg:$0xb] =	wrdreg s1  }
0xf: {  	s0 =	sadd.s32 $0xE2000, s0;
	s2 =	smax.u32 s2, $0x1;
	[dreg:$0x6] =	wrdreg s6  }
0x10: {  	s3 =	simm.s32 $0x0;
	[dreg:$0xa] =	wrdreg s2;
	s0 =	sadd.s32 s4, s0  }
0x11: {  	s26 =	simm.s32 $0x3800;
	s6 =	sor.u32 $0x1C03, s25;
	[dreg:$0xc] =	wrdreg s0  }
0x12: {  	s2 =	simm.s32 $0x3;
	s25 =	simm.s32 $0x3000;
	[dreg:$0x7] =	wrdreg s6  }
.LBB2_1:
0x13: {  	[dreg:$0xd] =	wrdreg s3  }
0x14: {  	s0 =	rddreg [dreg:$0x6]  }
0x15: {  	[spmem:s1], [sflag:s6] =	dma.local [hbm:s0], $0x30E0  }
0x16: {  	_ =	swait.ge [sflag:s2], $0x30E0  }
0x17: {  	[sflag:s2] =	ssyncset.done $0x0  }
0x18: {  	[sflag:s2] =	ssyncadd.s32 $0xFFFFCF20  }
0x19: {  	s8 =	simm.s32 $0x0;
	s24 =	simm.s32 $0x1E700;
	[bflag:$0x0] =	sbarrier.arrive $0xFFFF  }
0x1a: {  	s14 =	simm.s32 $0x1;
	p0 =	por $0x0, $0x0;
	_ =	strace $0x80000051  }
0x1b: {  	s14 =	simm.s32 @p0 $0x0;
	p0 =	por $0x0, $0x0;
	s23 =	rddreg [dreg:$0x8]  }
0x1c: {  	[tilespmem:s24], [sflag:$0x3] =	stream.linear.gather [hbm4b:s23+s8], $0x600, $0x200038;
	[tilespmem:$0x1FF00] =	vst v63  }
0x1d: {  	s3 =	simm.s32 $0x1F300;
	p2 =	seq.s32 @!p0 s14, $0x0;
	s2 =	rddreg [dreg:$0x9]  }
0x1e: {  	[tilespmem:s3], [sflag:$0x5] =	stream.linear.gather [hbm4b:s2+s8], $0x600, $0x200038;
	[tilespmem:$0x1FF00] =	vst v63  }
0x1f: {  	p1 =	por p2, p0;
	_ =	strace $0x90000051  }
0x20: {  	s1 =	sand.u32 @!p1 $0x1, s30;
	s0 =	rddreg [dreg:$0x4]  }
0x21: {  	s2 =	smul.u32 @!p1 $0x1800, s1;
	s0 =	sadd.s32 @!p1 s0, s14  }
0x22: {  	s0 =	smul.u32 @!p1 $0x600, s0  }
0x23: {  	s5 =	simm.s32 @!p1 $0x0;
	_ =	strace @!p1 $0x80000052  }
0x24: {  	s2 =	sshrl.u32 @!p1 s2, $0x2;
	s7 =	rddreg [dreg:$0x1];
	s0 =	sshrl.u32 @!p1 s0, $0x3  }
0x25: {  	s4 =	sadd.s32 @!p1 $0x3, s1;
	s6 =	sadd.s32 @!p1 $0x1E700, s2;
	s7 =	sadd.s32 @!p1 s7, s0  }
0x26: {  	[tilespmem:s6], [sflag:s4] =	stream.linear.gather @!p1 [hbm4b:s7+s5], $0x600, $0x200038;
	[tilespmem:$0x1FF00] =	vst v63  }
0x27: {  	_ =	strace @!p1 $0x90000052  }
0x28: {  	s1 =	sadd.s32 @!p1 $0x5, s1;
	s4 =	rddreg [dreg:$0x5]  }
0x29: {  	s2 =	sadd.s32 @!p1 $0x1F300, s2;
	_ =	strace @!p1 $0x80000053;
	s0 =	sadd.s32 @!p1 s4, s0  }
0x2a: {  	[tilespmem:s2], [sflag:s1] =	stream.linear.gather @!p1 [hbm4b:s0+s5], $0x600, $0x200038;
	[tilespmem:$0x1FF00] =	vst v63  }
0x2b: {  	s4 =	sand.u32 $0x1, s8;
	_ =	strace @!p1 $0x90000053  }
0x2c: {  	s5 =	sadd.s32 $0x3, s4;
	_ =	strace $0x80000054  }
0x2d: {  	_ =	swait.ge [sflag:s5], $0x600  }
0x2e: {  	[sflag:s5] =	ssyncset.done $0x0  }
0x2f: {  	[sflag:s5] =	ssyncadd.s32 $0xFFFFFA00  }
0x30: {  	_ =	strace $0x90000054  }
0x31: {  	s6 =	sadd.s32 $0x5, s4;
	_ =	strace $0x80000055  }
0x32: {  	_ =	swait.ge [sflag:s6], $0x600  }
0x33: {  	[sflag:s6] =	ssyncset.done $0x0  }
0x34: {  	p3 =	seq.s32 s4, $0x1;
	s0 =	simm.s32 $0x600;
	[sflag:s6] =	ssyncadd.s32 $0xFFFFFA00  }
0x35: {  	s0 =	simm.s32 @!p3 $0x0;
	_ =	strace $0x90000055  }
0x36: {  	s7 =	sadd.s32 $0x1E700, s0;
	_ =	strace $0x80000056  }
0x37: {  	[tilespmem:s8], [sflag:$0x1] =	stream.indirect.gather [hbm4b:s10+s16], $0x10, s7, s16, $0x2000b8;
	[tilespmem:$0x1FF00] =	vst v63  }
0x38: {  	s2 =	simm.s32 $0x800;
	s9 =	sadd.s32 $0x1E780, s0  }
0x39: {  	[tilespmem:s2], [sflag:$0x1] =	stream.indirect.gather [hbm4b:s10+s16], $0x10, s9, s16, $0x2000b8;
	[tilespmem:$0x1FF00] =	vst v63  }
0x3a: {  	s4 =	simm.s32 $0x1000;
	s11 =	sor.u32 $0x1E800, s0  }
0x3b: {  	[tilespmem:s4], [sflag:$0x1] =	stream.indirect.gather [hbm4b:s10+s16], $0x10, s11, s16, $0x2000b8;
	[tilespmem:$0x1FF00] =	vst v63  }
0x3c: {  	s12 =	sor.u32 $0x1E880, s0;
	s5 =	simm.s32 $0x1800  }
0x3d: {  	[tilespmem:s5], [sflag:$0x1] =	stream.indirect.gather [hbm4b:s10+s16], $0x10, s12, s16, $0x2000b8;
	[tilespmem:$0x1FF00] =	vst v63  }
0x3e: {  	s13 =	sor.u32 $0x1E900, s0;
	s6 =	simm.s32 $0x2000  }
0x3f: {  	[tilespmem:s6], [sflag:$0x1] =	stream.indirect.gather [hbm4b:s10+s16], $0x10, s13, s16, $0x2000b8;
	[tilespmem:$0x1FF00] =	vst v63  }
0x40: {  	s15 =	sor.u32 $0x1E980, s0;
	s7 =	simm.s32 $0x2800  }
0x41: {  	[tilespmem:s7], [sflag:$0x1] =	stream.indirect.gather [hbm4b:s10+s16], $0x10, s15, s16, $0x2000b8;
	[tilespmem:$0x1FF00] =	vst v63  }
0x42: {  	s17 =	sadd.s32 $0x1EA00, s0;
	s9 =	simm.s32 $0x3000  }
0x43: {  	[tilespmem:s9], [sflag:$0x1] =	stream.indirect.gather [hbm4b:s10+s16], $0x10, s17, s16, $0x2000b8;
	[tilespmem:$0x1FF00] =	vst v63  }
0x44: {  	s18 =	sadd.s32 $0x1EA80, s0;
	s11 =	simm.s32 $0x3800  }
0x45: {  	[tilespmem:s11], [sflag:$0x1] =	stream.indirect.gather [hbm4b:s10+s16], $0x10, s18, s16, $0x2000b8;
	[tilespmem:$0x1FF00] =	vst v63  }
0x46: {  	s19 =	sadd.s32 $0x1EB00, s0;
	s12 =	simm.s32 $0x4000  }
0x47: {  	[tilespmem:s12], [sflag:$0x1] =	stream.indirect.gather [hbm4b:s10+s16], $0x10, s19, s16, $0x2000b8;
	[tilespmem:$0x1FF00] =	vst v63  }
0x48: {  	s20 =	sadd.s32 $0x1EB80, s0;
	s13 =	simm.s32 $0x4800  }
0x49: {  	[tilespmem:s13], [sflag:$0x1] =	stream.indirect.gather [hbm4b:s10+s16], $0x10, s20, s16, $0x2000b8;
	[tilespmem:$0x1FF00] =	vst v63  }
0x4a: {  	s21 =	sadd.s32 $0x1EC00, s0;
	s15 =	simm.s32 $0x5000  }
0x4b: {  	[tilespmem:s15], [sflag:$0x1] =	stream.indirect.gather [hbm4b:s10+s16], $0x10, s21, s16, $0x2000b8;
	[tilespmem:$0x1FF00] =	vst v63  }
0x4c: {  	s3 =	simm.s32 $0x5800;
	s22 =	sadd.s32 $0x1EC80, s0  }
0x4d: {  	[tilespmem:s3], [sflag:$0x1] =	stream.indirect.gather [hbm4b:s10+s16], $0x10, s22, s16, $0x2000b8;
	[tilespmem:$0x1FF00] =	vst v63  }
0x4e: {  	_ =	swait.ge [sflag:s30], $0x800  }
0x4f: {  	[sflag:s30] =	ssyncset.done $0x0  }
0x50: {  	[sflag:s30] =	ssyncadd.s32 $0xFFFFF800  }
0x51: {  	s23 =	sadd.s32 $0x1F300, s0;
	s17 =	rddreg [dreg:$0x2]  }
0x52: {  	[spmem:s17] =	stream.indirect.scatter.add.f32 [tilespmem:s8], [sflag:$0x2], $0x10, s23, s16, $0x2000b8;
	[tilespmem:$0x1FF00] =	vst v63  }
0x53: {  	_ =	swait.ge [sflag:s30], $0x800  }
0x54: {  	[sflag:s30] =	ssyncset.done $0x0  }
0x55: {  	s24 =	sadd.s32 $0x1F380, s0;
	[sflag:s30] =	ssyncadd.s32 $0xFFFFF800  }
0x56: {  	[spmem:s17] =	stream.indirect.scatter.add.f32 [tilespmem:s2], [sflag:$0x2], $0x10, s24, s16, $0x2000b8;
	[tilespmem:$0x1FF00] =	vst v63  }
0x57: {  	_ =	swait.ge [sflag:s30], $0x800  }
0x58: {  	[sflag:s30] =	ssyncset.done $0x0  }
0x59: {  	s2 =	sadd.s32 $0x1F400, s0;
	[sflag:s30] =	ssyncadd.s32 $0xFFFFF800  }
0x5a: {  	[spmem:s17] =	stream.indirect.scatter.add.f32 [tilespmem:s4], [sflag:$0x2], $0x10, s2, s16, $0x2000b8;
	[tilespmem:$0x1FF00] =	vst v63  }
0x5b: {  	_ =	swait.ge [sflag:s30], $0x800  }
0x5c: {  	[sflag:s30] =	ssyncset.done $0x0  }
0x5d: {  	s8 =	sadd.s32 $0x1F480, s0;
	[sflag:s30] =	ssyncadd.s32 $0xFFFFF800  }
0x5e: {  	[spmem:s17] =	stream.indirect.scatter.add.f32 [tilespmem:s5], [sflag:$0x2], $0x10, s8, s16, $0x2000b8;
	[tilespmem:$0x1FF00] =	vst v63  }
0x5f: {  	_ =	swait.ge [sflag:s30], $0x800  }
0x60: {  	[sflag:s30] =	ssyncset.done $0x0  }
0x61: {  	s18 =	sadd.s32 $0x1F500, s0;
	[sflag:s30] =	ssyncadd.s32 $0xFFFFF800  }
0x62: {  	[spmem:s17] =	stream.indirect.scatter.add.f32 [tilespmem:s6], [sflag:$0x2], $0x10, s18, s16, $0x2000b8;
	[tilespmem:$0x1FF00] =	vst v63  }
0x63: {  	_ =	swait.ge [sflag:s30], $0x800  }
0x64: {  	[sflag:s30] =	ssyncset.done $0x0  }
0x65: {  	s19 =	sadd.s32 $0x1F580, s0;
	[sflag:s30] =	ssyncadd.s32 $0xFFFFF800  }
0x66: {  	[spmem:s17] =	stream.indirect.scatter.add.f32 [tilespmem:s7], [sflag:$0x2], $0x10, s19, s16, $0x2000b8;
	[tilespmem:$0x1FF00] =	vst v63  }
0x67: {  	_ =	swait.ge [sflag:s30], $0x800  }
0x68: {  	[sflag:s30] =	ssyncset.done $0x0  }
0x69: {  	s20 =	sadd.s32 $0x1F600, s0;
	[sflag:s30] =	ssyncadd.s32 $0xFFFFF800  }
0x6a: {  	[spmem:s17] =	stream.indirect.scatter.add.f32 [tilespmem:s9], [sflag:$0x2], $0x10, s20, s16, $0x2000b8;
	[tilespmem:$0x1FF00] =	vst v63  }
0x6b: {  	_ =	swait.ge [sflag:s30], $0x800  }
0x6c: {  	[sflag:s30] =	ssyncset.done $0x0  }
0x6d: {  	s21 =	sadd.s32 $0x1F680, s0;
	[sflag:s30] =	ssyncadd.s32 $0xFFFFF800  }
0x6e: {  	[spmem:s17] =	stream.indirect.scatter.add.f32 [tilespmem:s11], [sflag:$0x2], $0x10, s21, s16, $0x2000b8;
	[tilespmem:$0x1FF00] =	vst v63  }
0x6f: {  	_ =	swait.ge [sflag:s30], $0x800  }
0x70: {  	[sflag:s30] =	ssyncset.done $0x0  }
0x71: {  	s22 =	sadd.s32 $0x1F700, s0;
	[sflag:s30] =	ssyncadd.s32 $0xFFFFF800  }
0x72: {  	[spmem:s17] =	stream.indirect.scatter.add.f32 [tilespmem:s12], [sflag:$0x2], $0x10, s22, s16, $0x2000b8;
	[tilespmem:$0x1FF00] =	vst v63  }
0x73: {  	_ =	swait.ge [sflag:s30], $0x800  }
0x74: {  	[sflag:s30] =	ssyncset.done $0x0  }
0x75: {  	s23 =	sadd.s32 $0x1F780, s0;
	[sflag:s30] =	ssyncadd.s32 $0xFFFFF800  }
0x76: {  	[spmem:s17] =	stream.indirect.scatter.add.f32 [tilespmem:s13], [sflag:$0x2], $0x10, s23, s16, $0x2000b8;
	[tilespmem:$0x1FF00] =	vst v63  }
0x77: {  	_ =	swait.ge [sflag:s30], $0x800  }
0x78: {  	[sflag:s30] =	ssyncset.done $0x0  }
0x79: {  	s24 =	sor.u32 $0x1F800, s0;
	[sflag:s30] =	ssyncadd.s32 $0xFFFFF800  }
0x7a: {  	[spmem:s17] =	stream.indirect.scatter.add.f32 [tilespmem:s15], [sflag:$0x2], $0x10, s24, s16, $0x2000b8;
	[tilespmem:$0x1FF00] =	vst v63  }
0x7b: {  	_ =	swait.ge [sflag:s30], $0x800  }
0x7c: {  	[sflag:s30] =	ssyncset.done $0x0  }
0x7d: {  	s0 =	sor.u32 $0x1F880, s0;
	[sflag:s30] =	ssyncadd.s32 $0xFFFFF800  }
0x7e: {  	[spmem:s17] =	stream.indirect.scatter.add.f32 [tilespmem:s3], [sflag:$0x2], $0x10, s0, s16, $0x2000b8;
	[tilespmem:$0x1FF00] =	vst v63  }
0x7f: {  	_ =	swait.ge [sflag:s31], $0x800  }
0x80: {  	[sflag:s31] =	ssyncset.done $0x0  }
0x81: {  	[sflag:s31] =	ssyncadd.s32 $0xFFFFF800  }
0x82: {  	_ =	swait.ge [sflag:s31], $0x800  }
0x83: {  	[sflag:s31] =	ssyncset.done $0x0  }
0x84: {  	[sflag:s31] =	ssyncadd.s32 $0xFFFFF800  }
0x85: {  	_ =	swait.ge [sflag:s31], $0x800  }
0x86: {  	[sflag:s31] =	ssyncset.done $0x0  }
0x87: {  	[sflag:s31] =	ssyncadd.s32 $0xFFFFF800  }
0x88: {  	_ =	swait.ge [sflag:s31], $0x800  }
0x89: {  	[sflag:s31] =	ssyncset.done $0x0  }
0x8a: {  	[sflag:s31] =	ssyncadd.s32 $0xFFFFF800  }
0x8b: {  	_ =	swait.ge [sflag:s31], $0x800  }
0x8c: {  	[sflag:s31] =	ssyncset.done $0x0  }
0x8d: {  	[sflag:s31] =	ssyncadd.s32 $0xFFFFF800  }
0x8e: {  	_ =	swait.ge [sflag:s31], $0x800  }
0x8f: {  	[sflag:s31] =	ssyncset.done $0x0  }
0x90: {  	[sflag:s31] =	ssyncadd.s32 $0xFFFFF800  }
0x91: {  	_ =	swait.ge [sflag:s31], $0x800  }
0x92: {  	[sflag:s31] =	ssyncset.done $0x0  }
0x93: {  	[sflag:s31] =	ssyncadd.s32 $0xFFFFF800  }
0x94: {  	_ =	swait.ge [sflag:s31], $0x800  }
0x95: {  	[sflag:s31] =	ssyncset.done $0x0  }
0x96: {  	p2 =	por !p2, p0;
	s1 =	simm.s32 $0x0;
	[sflag:s31] =	ssyncadd.s32 $0xFFFFF800  }
0x97: {  	p6 =	sne.s32 s14, $0x0;
	s1 =	simm.s32 @p2 $0x1;
	_ =	swait.ge [sflag:s31], $0x800  }
0x98: {  	p3 =	por p0, p6;
	s1 =	simm.s32 @p0 $0x0;
	[sflag:s31] =	ssyncset.done $0x0  }
0x99: {  	s2 =	simm.s32 @!p1 $0x2;
	s4 =	simm.s32 $0x1;
	[sflag:s31] =	ssyncadd.s32 $0xFFFFF800  }
0x9a: {  	s4 =	simm.s32 @!p3 $0x0;
	s8 =	simm.s32 $0x1;
	_ =	swait.ge [sflag:s31], $0x800  }
0x9b: {  	s8 =	smov.u32 @p2 s2;
	s2 =	simm.s32 $0x600;
	[sflag:s31] =	ssyncset.done $0x0  }
0x9c: {  	s8 =	smov.u32 @p0 s30;
	s12 =	sadd.s32 $0x0, s4;
	[sflag:s31] =	ssyncadd.s32 $0xFFFFF800  }
0x9d: {  	s7 =	simm.s32 $0x42;
	s6 =	sand.u32 $0x1, s12;
	_ =	swait.ge [sflag:s31], $0x800  }
0x9e: {  	s9 =	sadd.s32 $0x1, s1;
	p1 =	seq.s32 s6, $0x1;
	[sflag:s31] =	ssyncset.done $0x0  }
0x9f: {  	s11 =	smov.u32 s12;
	s2 =	simm.s32 @!p1 $0x0;
	[sflag:s31] =	ssyncadd.s32 $0xFFFFF800  }
0xa0: {  	s13 =	smov.u32 s6;
	s24 =	sadd.s32 $0x1, s14;
	_ =	swait.ge [sflag:s31], $0x800  }
0xa1: {  	s15 =	smov.u32 s2;
	s0 =	simm.s32 $0x43;
	[sflag:s31] =	ssyncset.done $0x0  }
.LBB2_2:
0xa2: {  	p0 =	seq.s32 s24, $0x44  }
0xa3: {  	s24 =	simm.s32 @p0 $0x0;
	p0 =	seq.s32 s0, $0x1  }
0xa4: {  	[sflag:s31] =	ssyncadd.s32 $0xFFFFF800;
	p1 =	seq.s32 @!p0 s14, s24  }
0xa5: {  	_ =	strace $0x90000056;
	p2 =	por p1, p0  }
0xa6: {  	s5 =	sadd.s32 $0x3, s6;
	s0 =	rddreg [dreg:$0x4];
	s6 =	sand.u32 @!p2 $0x1, s8  }
0xa7: {  	s0 =	sadd.s32 @!p2 s0, s24;
	s18 =	smul.u32 @!p2 $0x1800, s6  }
0xa8: {  	s17 =	sand.u32 @!p2 $0x1, s9;
	s21 =	simm.s32 @!p2 $0x0;
	s0 =	smul.u32 @!p2 $0x600, s0  }
0xa9: {  	_ =	strace @!p2 $0x80000052;
	s6 =	sadd.s32 @!p2 $0x3, s6;
	s19 =	sadd.s32 @!p2 $0x5, s17  }
0xaa: {  	s22 =	rddreg [dreg:$0x1];
	s18 =	sshrl.u32 @!p2 s18, $0x2;
	s0 =	sshrl.u32 @!p2 s0, $0x3  }
0xab: {  	s17 =	smul.u32 @!p2 $0x1800, s17;
	s18 =	sadd.s32 @!p2 $0x1E700, s18;
	s22 =	sadd.s32 @!p2 s22, s0  }
0xac: {  	[tilespmem:s18], [sflag:s6] =	stream.linear.gather @!p2 [hbm4b:s22+s21], $0x600, $0x200038;
	[tilespmem:$0x1FF00] =	vst v63  }
0xad: {  	s23 =	rddreg [dreg:$0x5];
	s17 =	sshrl.u32 @!p2 s17, $0x2;
	_ =	strace @!p2 $0x90000052  }
0xae: {  	s0 =	sadd.s32 @!p2 s23, s0;
	s6 =	sadd.s32 @!p2 $0x1F300, s17;
	_ =	strace @!p2 $0x80000053  }
0xaf: {  	[tilespmem:s6], [sflag:s19] =	stream.linear.gather @!p2 [hbm4b:s0+s21], $0x600, $0x200038;
	[tilespmem:$0x1FF00] =	vst v63  }
0xb0: {  	_ =	strace @!p2 $0x90000053  }
0xb1: {  	_ =	strace $0x80000054  }
0xb2: {  	_ =	swait.ge [sflag:s5], $0x600  }
0xb3: {  	[sflag:s5] =	ssyncset.done $0x0  }
0xb4: {  	[sflag:s5] =	ssyncadd.s32 $0xFFFFFA00  }
0xb5: {  	_ =	strace $0x90000054  }
0xb6: {  	s18 =	sadd.s32 $0x5, s13;
	_ =	strace $0x80000055  }
0xb7: {  	_ =	swait.ge [sflag:s18], $0x600  }
0xb8: {  	s20 =	simm.s32 $0x0;
	p3 =	por !p1, p0;
	[sflag:s18] =	ssyncset.done $0x0  }
0xb9: {  	s1 =	smov.u32 s8;
	s20 =	simm.s32 @p3 $0x1;
	[sflag:s18] =	ssyncadd.s32 $0xFFFFFA00  }
0xba: {  	p4 =	sne.s32 s14, s24;
	s20 =	simm.s32 @p0 $0x0;
	_ =	strace $0x90000055  }
0xbb: {  	s19 =	sadd.s32 $0x1E700, s2;
	s18 =	simm.s32 $0x0;
	_ =	strace $0x80000056  }
0xbc: {  	[tilespmem:s18], [sflag:$0x1] =	stream.indirect.gather [hbm4b:s10+s16], $0x10, s19, s16, $0x2000b8;
	[tilespmem:$0x1FF00] =	vst v63  }
0xbd: {  	s9 =	sadd.s32 s9, s20;
	s20 =	sadd.s32 $0x1E780, s2;
	s19 =	simm.s32 $0x800  }
0xbe: {  	[tilespmem:s19], [sflag:$0x1] =	stream.indirect.gather [hbm4b:s10+s16], $0x10, s20, s16, $0x2000b8;
	[tilespmem:$0x1FF00] =	vst v63  }
0xbf: {  	p1 =	por p0, p4;
	s21 =	sor.u32 $0x1E800, s2;
	s20 =	simm.s32 $0x1000  }
0xc0: {  	[tilespmem:s20], [sflag:$0x1] =	stream.indirect.gather [hbm4b:s10+s16], $0x10, s21, s16, $0x2000b8;
	[tilespmem:$0x1FF00] =	vst v63  }
0xc1: {  	s14 =	sadd.s32 @!p2 $0x1, s8;
	s22 =	sor.u32 $0x1E880, s2;
	s21 =	simm.s32 $0x1800  }
0xc2: {  	[tilespmem:s21], [sflag:$0x1] =	stream.indirect.gather [hbm4b:s10+s16], $0x10, s22, s16, $0x2000b8;
	[tilespmem:$0x1FF00] =	vst v63  }
0xc3: {  	s23 =	sor.u32 $0x1E900, s2;
	s0 =	simm.s32 $0x1;
	s22 =	simm.s32 $0x2000  }
0xc4: {  	[tilespmem:s22], [sflag:$0x1] =	stream.indirect.gather [hbm4b:s10+s16], $0x10, s23, s16, $0x2000b8;
	[tilespmem:$0x1FF00] =	vst v63  }
0xc5: {  	s0 =	simm.s32 @!p1 $0x0;
	s5 =	sor.u32 $0x1E980, s2;
	s23 =	simm.s32 $0x2800  }
0xc6: {  	[tilespmem:s23], [sflag:$0x1] =	stream.indirect.gather [hbm4b:s10+s16], $0x10, s5, s16, $0x2000b8;
	[tilespmem:$0x1FF00] =	vst v63  }
0xc7: {  	s3 =	sadd.s32 $0x1EA00, s2;
	s8 =	smov.u32 @p3 s14;
	s12 =	sadd.s32 s0, s12  }
0xc8: {  	[tilespmem:s25], [sflag:$0x1] =	stream.indirect.gather [hbm4b:s10+s16], $0x10, s3, s16, $0x2000b8;
	[tilespmem:$0x1FF00] =	vst v63  }
0xc9: {  	s8 =	smov.u32 @p0 s1;
	s6 =	sand.u32 $0x1, s12;
	s5 =	sadd.s32 $0x1EA80, s2  }
0xca: {  	[tilespmem:s26], [sflag:$0x1] =	stream.indirect.gather [hbm4b:s10+s16], $0x10, s5, s16, $0x2000b8;
	[tilespmem:$0x1FF00] =	vst v63  }
0xcb: {  	s17 =	simm.s32 $0x600;
	p0 =	seq.s32 s6, $0x1;
	s3 =	sadd.s32 $0x1EB00, s2  }
0xcc: {  	[tilespmem:s28], [sflag:$0x1] =	stream.indirect.gather [hbm4b:s10+s16], $0x10, s3, s16, $0x2000b8;
	[tilespmem:$0x1FF00] =	vst v63  }
0xcd: {  	s17 =	simm.s32 @!p0 $0x0;
	s5 =	sadd.s32 $0x1EB80, s2;
	s3 =	sadd.s32 $0x1EC00, s2  }
0xce: {  	[tilespmem:s29], [sflag:$0x1] =	stream.indirect.gather [hbm4b:s10+s16], $0x10, s5, s16, $0x2000b8;
	[tilespmem:$0x1FF00] =	vst v63  }
0xcf: {  	s5 =	sadd.s32 $0x1EC80, s2;
	s2 =	smov.u32 s17;
	s17 =	simm.s32 $0x5000  }
0xd0: {  	[tilespmem:s17], [sflag:$0x1] =	stream.indirect.gather [hbm4b:s10+s16], $0x10, s3, s16, $0x2000b8;
	[tilespmem:$0x1FF00] =	vst v63  }
0xd1: {  	s3 =	simm.s32 $0x5800  }
0xd2: {  	[tilespmem:s3], [sflag:$0x1] =	stream.indirect.gather [hbm4b:s10+s16], $0x10, s5, s16, $0x2000b8;
	[tilespmem:$0x1FF00] =	vst v63  }
0xd3: {  	s11 =	sadd.s32 s0, s11;
	_ =	swait.ge [sflag:s30], $0x800  }
0xd4: {  	s4 =	smov.u32 s7;
	s0 =	sand.u32 $0x1, s11;
	[sflag:s30] =	ssyncset.done $0x0  }
0xd5: {  	p1 =	seq.s32 s0, $0x1;
	s13 =	smov.u32 s0;
	[sflag:s30] =	ssyncadd.s32 $0xFFFFF800  }
0xd6: {  	s0 =	smov.u32 s4;
	s4 =	sadd.s32 $0x1F300, s15;
	s5 =	rddreg [dreg:$0x2]  }
0xd7: {  	[spmem:s5] =	stream.indirect.scatter.add.f32 [tilespmem:s18], [sflag:$0x2], $0x10, s4, s16, $0x2000b8;
	[tilespmem:$0x1FF00] =	vst v63  }
0xd8: {  	_ =	swait.ge [sflag:s30], $0x800  }
0xd9: {  	[sflag:s30] =	ssyncset.done $0x0  }
0xda: {  	s18 =	sadd.s32 $0x1F380, s15;
	[sflag:s30] =	ssyncadd.s32 $0xFFFFF800  }
0xdb: {  	[spmem:s5] =	stream.indirect.scatter.add.f32 [tilespmem:s19], [sflag:$0x2], $0x10, s18, s16, $0x2000b8;
	[tilespmem:$0x1FF00] =	vst v63  }
0xdc: {  	_ =	swait.ge [sflag:s30], $0x800  }
0xdd: {  	[sflag:s30] =	ssyncset.done $0x0  }
0xde: {  	s19 =	sadd.s32 $0x1F400, s15;
	[sflag:s30] =	ssyncadd.s32 $0xFFFFF800  }
0xdf: {  	[spmem:s5] =	stream.indirect.scatter.add.f32 [tilespmem:s20], [sflag:$0x2], $0x10, s19, s16, $0x2000b8;
	[tilespmem:$0x1FF00] =	vst v63  }
0xe0: {  	_ =	swait.ge [sflag:s30], $0x800  }
0xe1: {  	[sflag:s30] =	ssyncset.done $0x0  }
0xe2: {  	s20 =	sadd.s32 $0x1F480, s15;
	[sflag:s30] =	ssyncadd.s32 $0xFFFFF800  }
0xe3: {  	[spmem:s5] =	stream.indirect.scatter.add.f32 [tilespmem:s21], [sflag:$0x2], $0x10, s20, s16, $0x2000b8;
	[tilespmem:$0x1FF00] =	vst v63  }
0xe4: {  	_ =	swait.ge [sflag:s30], $0x800  }
0xe5: {  	[sflag:s30] =	ssyncset.done $0x0  }
0xe6: {  	s21 =	sadd.s32 $0x1F500, s15;
	[sflag:s30] =	ssyncadd.s32 $0xFFFFF800  }
0xe7: {  	[spmem:s5] =	stream.indirect.scatter.add.f32 [tilespmem:s22], [sflag:$0x2], $0x10, s21, s16, $0x2000b8;
	[tilespmem:$0x1FF00] =	vst v63  }
0xe8: {  	_ =	swait.ge [sflag:s30], $0x800  }
0xe9: {  	[sflag:s30] =	ssyncset.done $0x0  }
0xea: {  	s22 =	sadd.s32 $0x1F580, s15;
	[sflag:s30] =	ssyncadd.s32 $0xFFFFF800  }
0xeb: {  	[spmem:s5] =	stream.indirect.scatter.add.f32 [tilespmem:s23], [sflag:$0x2], $0x10, s22, s16, $0x2000b8;
	[tilespmem:$0x1FF00] =	vst v63  }
0xec: {  	_ =	swait.ge [sflag:s30], $0x800  }
0xed: {  	[sflag:s30] =	ssyncset.done $0x0  }
0xee: {  	s18 =	sadd.s32 $0x1F600, s15;
	[sflag:s30] =	ssyncadd.s32 $0xFFFFF800  }
0xef: {  	[spmem:s5] =	stream.indirect.scatter.add.f32 [tilespmem:s25], [sflag:$0x2], $0x10, s18, s16, $0x2000b8;
	[tilespmem:$0x1FF00] =	vst v63  }
0xf0: {  	_ =	swait.ge [sflag:s30], $0x800  }
0xf1: {  	[sflag:s30] =	ssyncset.done $0x0  }
0xf2: {  	s19 =	sadd.s32 $0x1F680, s15;
	[sflag:s30] =	ssyncadd.s32 $0xFFFFF800  }
0xf3: {  	[spmem:s5] =	stream.indirect.scatter.add.f32 [tilespmem:s26], [sflag:$0x2], $0x10, s19, s16, $0x2000b8;
	[tilespmem:$0x1FF00] =	vst v63  }
0xf4: {  	_ =	swait.ge [sflag:s30], $0x800  }
0xf5: {  	[sflag:s30] =	ssyncset.done $0x0  }
0xf6: {  	s20 =	sadd.s32 $0x1F700, s15;
	[sflag:s30] =	ssyncadd.s32 $0xFFFFF800  }
0xf7: {  	[spmem:s5] =	stream.indirect.scatter.add.f32 [tilespmem:s28], [sflag:$0x2], $0x10, s20, s16, $0x2000b8;
	[tilespmem:$0x1FF00] =	vst v63  }
0xf8: {  	_ =	swait.ge [sflag:s30], $0x800  }
0xf9: {  	[sflag:s30] =	ssyncset.done $0x0  }
0xfa: {  	s21 =	sadd.s32 $0x1F780, s15;
	[sflag:s30] =	ssyncadd.s32 $0xFFFFF800  }
0xfb: {  	[spmem:s5] =	stream.indirect.scatter.add.f32 [tilespmem:s29], [sflag:$0x2], $0x10, s21, s16, $0x2000b8;
	[tilespmem:$0x1FF00] =	vst v63  }
0xfc: {  	_ =	swait.ge [sflag:s30], $0x800  }
0xfd: {  	[sflag:s30] =	ssyncset.done $0x0  }
0xfe: {  	s22 =	sor.u32 $0x1F800, s15;
	[sflag:s30] =	ssyncadd.s32 $0xFFFFF800  }
0xff: {  	[spmem:s5] =	stream.indirect.scatter.add.f32 [tilespmem:s17], [sflag:$0x2], $0x10, s22, s16, $0x2000b8;
	[tilespmem:$0x1FF00] =	vst v63  }
0x100: {  	_ =	swait.ge [sflag:s30], $0x800  }
0x101: {  	[sflag:s30] =	ssyncset.done $0x0  }
0x102: {  	s23 =	sor.u32 $0x1F880, s15;
	[sflag:s30] =	ssyncadd.s32 $0xFFFFF800  }
0x103: {  	[spmem:s5] =	stream.indirect.scatter.add.f32 [tilespmem:s3], [sflag:$0x2], $0x10, s23, s16, $0x2000b8;
	[tilespmem:$0x1FF00] =	vst v63  }
0x104: {  	_ =	swait.ge [sflag:s31], $0x800  }
0x105: {  	[sflag:s31] =	ssyncset.done $0x0  }
0x106: {  	[sflag:s31] =	ssyncadd.s32 $0xFFFFF800  }
0x107: {  	_ =	swait.ge [sflag:s31], $0x800  }
0x108: {  	[sflag:s31] =	ssyncset.done $0x0  }
0x109: {  	[sflag:s31] =	ssyncadd.s32 $0xFFFFF800  }
0x10a: {  	_ =	swait.ge [sflag:s31], $0x800  }
0x10b: {  	[sflag:s31] =	ssyncset.done $0x0  }
0x10c: {  	[sflag:s31] =	ssyncadd.s32 $0xFFFFF800  }
0x10d: {  	_ =	swait.ge [sflag:s31], $0x800  }
0x10e: {  	[sflag:s31] =	ssyncset.done $0x0  }
0x10f: {  	[sflag:s31] =	ssyncadd.s32 $0xFFFFF800  }
0x110: {  	_ =	swait.ge [sflag:s31], $0x800  }
0x111: {  	[sflag:s31] =	ssyncset.done $0x0  }
0x112: {  	[sflag:s31] =	ssyncadd.s32 $0xFFFFF800  }
0x113: {  	_ =	swait.ge [sflag:s31], $0x800  }
0x114: {  	[sflag:s31] =	ssyncset.done $0x0  }
0x115: {  	[sflag:s31] =	ssyncadd.s32 $0xFFFFF800  }
0x116: {  	_ =	swait.ge [sflag:s31], $0x800  }
0x117: {  	[sflag:s31] =	ssyncset.done $0x0  }
0x118: {  	[sflag:s31] =	ssyncadd.s32 $0xFFFFF800  }
0x119: {  	_ =	swait.ge [sflag:s31], $0x800  }
0x11a: {  	[sflag:s31] =	ssyncset.done $0x0  }
0x11b: {  	[sflag:s31] =	ssyncadd.s32 $0xFFFFF800  }
0x11c: {  	_ =	swait.ge [sflag:s31], $0x800  }
0x11d: {  	[sflag:s31] =	ssyncset.done $0x0  }
0x11e: {  	[sflag:s31] =	ssyncadd.s32 $0xFFFFF800  }
0x11f: {  	_ =	swait.ge [sflag:s31], $0x800  }
0x120: {  	s7 =	sadd.s32 $0xFFFFFFFF, s7;
	[sflag:s31] =	ssyncset.done $0x0  }
0x121: {  	p0 =	sne.s32 s7, $0x0;
	[sflag:s31] =	ssyncadd.s32 $0xFFFFF800  }
.Ltmp0:
0x122: {  	_ =	swait.ge [sflag:s31], $0x800;
	(pc) =	sbr.rel @p0 .LBB2_2-.Ltmp0, $4  }
0x123: {  	[sflag:s31] =	ssyncset.done $0x0  }
0x124: {  	s1 =	simm.s32 $0x600;
	[sflag:s31] =	ssyncadd.s32 $0xFFFFF800  }
0x125: {  	s14 =	smov.u32 s24;
	s1 =	simm.s32 @!p1 $0x0;
	_ =	swait.ge [sflag:s31], $0x800  }
0x126: {  	s24 =	sadd.s32 $0x1, s24;
	s15 =	smov.u32 s1;
	[sflag:s31] =	ssyncset.done $0x0  }
0x127: {  	p0 =	seq.s32 s24, $0x44  }
0x128: {  	s24 =	simm.s32 @p0 $0x0;
	p0 =	seq.s32 s0, $0x1  }
0x129: {  	[sflag:s31] =	ssyncadd.s32 $0xFFFFF800;
	p1 =	seq.s32 @!p0 s14, s24  }
0x12a: {  	_ =	strace $0x90000056;
	p0 =	por p1, p0  }
0x12b: {  	s0 =	rddreg [dreg:$0x4];
	s1 =	sand.u32 @!p0 $0x1, s8  }
0x12c: {  	s0 =	sadd.s32 @!p0 s0, s24;
	s4 =	smul.u32 @!p0 $0x1800, s1  }
0x12d: {  	s5 =	sand.u32 @!p0 $0x1, s9;
	s0 =	smul.u32 @!p0 $0x600, s0  }
0x12e: {  	s7 =	simm.s32 @!p0 $0x0;
	_ =	strace @!p0 $0x80000052;
	s1 =	sadd.s32 @!p0 $0x3, s1  }
0x12f: {  	s9 =	rddreg [dreg:$0x1];
	s4 =	sshrl.u32 @!p0 s4, $0x2;
	s0 =	sshrl.u32 @!p0 s0, $0x3  }
0x130: {  	s8 =	smul.u32 @!p0 $0x1800, s5;
	s4 =	sadd.s32 @!p0 $0x1E700, s4;
	s9 =	sadd.s32 @!p0 s9, s0  }
0x131: {  	[tilespmem:s4], [sflag:s1] =	stream.linear.gather @!p0 [hbm4b:s9+s7], $0x600, $0x200038;
	[tilespmem:$0x1FF00] =	vst v63  }
0x132: {  	_ =	strace @!p0 $0x90000052  }
0x133: {  	s1 =	sadd.s32 @!p0 $0x5, s5;
	s4 =	sshrl.u32 @!p0 s8, $0x2;
	s5 =	rddreg [dreg:$0x5]  }
0x134: {  	s4 =	sadd.s32 @!p0 $0x1F300, s4;
	_ =	strace @!p0 $0x80000053;
	s0 =	sadd.s32 @!p0 s5, s0  }
0x135: {  	[tilespmem:s4], [sflag:s1] =	stream.linear.gather @!p0 [hbm4b:s0+s7], $0x600, $0x200038;
	[tilespmem:$0x1FF00] =	vst v63  }
0x136: {  	_ =	strace @!p0 $0x90000053  }
0x137: {  	s21 =	sadd.s32 $0x3, s6;
	_ =	strace $0x80000054  }
0x138: {  	_ =	swait.ge [sflag:s21], $0x600  }
0x139: {  	[sflag:s21] =	ssyncset.done $0x0  }
0x13a: {  	[sflag:s21] =	ssyncadd.s32 $0xFFFFFA00  }
0x13b: {  	_ =	strace $0x90000054  }
0x13c: {  	s22 =	sadd.s32 $0x5, s13;
	_ =	strace $0x80000055  }
0x13d: {  	_ =	swait.ge [sflag:s22], $0x600  }
0x13e: {  	[sflag:s22] =	ssyncset.done $0x0  }
0x13f: {  	[sflag:s22] =	ssyncadd.s32 $0xFFFFFA00  }
0x140: {  	_ =	strace $0x90000055  }
0x141: {  	s23 =	sadd.s32 $0x1E700, s2;
	s1 =	simm.s32 $0x0;
	_ =	strace $0x80000056  }
0x142: {  	[tilespmem:s1], [sflag:$0x1] =	stream.indirect.gather [hbm4b:s10+s16], $0x10, s23, s16, $0x2000b8;
	[tilespmem:$0x1FF00] =	vst v63  }
0x143: {  	s24 =	sadd.s32 $0x1E780, s2;
	s4 =	simm.s32 $0x800  }
0x144: {  	[tilespmem:s4], [sflag:$0x1] =	stream.indirect.gather [hbm4b:s10+s16], $0x10, s24, s16, $0x2000b8;
	[tilespmem:$0x1FF00] =	vst v63  }
0x145: {  	s3 =	sor.u32 $0x1E800, s2;
	s5 =	simm.s32 $0x1000  }
0x146: {  	[tilespmem:s5], [sflag:$0x1] =	stream.indirect.gather [hbm4b:s10+s16], $0x10, s3, s16, $0x2000b8;
	[tilespmem:$0x1FF00] =	vst v63  }
0x147: {  	s6 =	sor.u32 $0x1E880, s2;
	s7 =	simm.s32 $0x1800  }
0x148: {  	[tilespmem:s7], [sflag:$0x1] =	stream.indirect.gather [hbm4b:s10+s16], $0x10, s6, s16, $0x2000b8;
	[tilespmem:$0x1FF00] =	vst v63  }
0x149: {  	s8 =	sor.u32 $0x1E900, s2;
	s9 =	simm.s32 $0x2000  }
0x14a: {  	[tilespmem:s9], [sflag:$0x1] =	stream.indirect.gather [hbm4b:s10+s16], $0x10, s8, s16, $0x2000b8;
	[tilespmem:$0x1FF00] =	vst v63  }
0x14b: {  	s17 =	simm.s32 $0x2800;
	s14 =	sor.u32 $0x1E980, s2  }
0x14c: {  	[tilespmem:s17], [sflag:$0x1] =	stream.indirect.gather [hbm4b:s10+s16], $0x10, s14, s16, $0x2000b8;
	[tilespmem:$0x1FF00] =	vst v63  }
0x14d: {  	s18 =	sadd.s32 $0x1EA00, s2;
	s19 =	simm.s32 $0x3000  }
0x14e: {  	[tilespmem:s19], [sflag:$0x1] =	stream.indirect.gather [hbm4b:s10+s16], $0x10, s18, s16, $0x2000b8;
	[tilespmem:$0x1FF00] =	vst v63  }
0x14f: {  	s11 =	simm.s32 $0x3800;
	s24 =	sadd.s32 $0x1EA80, s2  }
0x150: {  	[tilespmem:s11], [sflag:$0x1] =	stream.indirect.gather [hbm4b:s10+s16], $0x10, s24, s16, $0x2000b8;
	[tilespmem:$0x1FF00] =	vst v63  }
0x151: {  	s12 =	simm.s32 $0x4000;
	s3 =	sadd.s32 $0x1EB00, s2  }
0x152: {  	[tilespmem:s12], [sflag:$0x1] =	stream.indirect.gather [hbm4b:s10+s16], $0x10, s3, s16, $0x2000b8;
	[tilespmem:$0x1FF00] =	vst v63  }
0x153: {  	s13 =	sadd.s32 $0x1EB80, s2;
	s14 =	simm.s32 $0x4800  }
0x154: {  	[tilespmem:s14], [sflag:$0x1] =	stream.indirect.gather [hbm4b:s10+s16], $0x10, s13, s16, $0x2000b8;
	[tilespmem:$0x1FF00] =	vst v63  }
0x155: {  	s20 =	sadd.s32 $0x1EC00, s2;
	s21 =	simm.s32 $0x5000  }
0x156: {  	[tilespmem:s21], [sflag:$0x1] =	stream.indirect.gather [hbm4b:s10+s16], $0x10, s20, s16, $0x2000b8;
	[tilespmem:$0x1FF00] =	vst v63  }
0x157: {  	s22 =	sadd.s32 $0x1EC80, s2;
	s23 =	simm.s32 $0x5800  }
0x158: {  	[tilespmem:s23], [sflag:$0x1] =	stream.indirect.gather [hbm4b:s10+s16], $0x10, s22, s16, $0x2000b8;
	[tilespmem:$0x1FF00] =	vst v63  }
0x159: {  	_ =	swait.ge [sflag:s30], $0x800  }
0x15a: {  	[sflag:s30] =	ssyncset.done $0x0  }
0x15b: {  	[sflag:s30] =	ssyncadd.s32 $0xFFFFF800  }
0x15c: {  	s24 =	sadd.s32 $0x1F300, s15;
	s3 =	rddreg [dreg:$0x2]  }
0x15d: {  	[spmem:s3] =	stream.indirect.scatter.add.f32 [tilespmem:s1], [sflag:$0x2], $0x10, s24, s16, $0x2000b8;
	[tilespmem:$0x1FF00] =	vst v63  }
0x15e: {  	_ =	swait.ge [sflag:s30], $0x800  }
0x15f: {  	[sflag:s30] =	ssyncset.done $0x0  }
0x160: {  	s1 =	sadd.s32 $0x1F380, s15;
	[sflag:s30] =	ssyncadd.s32 $0xFFFFF800  }
0x161: {  	[spmem:s3] =	stream.indirect.scatter.add.f32 [tilespmem:s4], [sflag:$0x2], $0x10, s1, s16, $0x2000b8;
	[tilespmem:$0x1FF00] =	vst v63  }
0x162: {  	_ =	swait.ge [sflag:s30], $0x800  }
0x163: {  	[sflag:s30] =	ssyncset.done $0x0  }
0x164: {  	s4 =	sadd.s32 $0x1F400, s15;
	[sflag:s30] =	ssyncadd.s32 $0xFFFFF800  }
0x165: {  	[spmem:s3] =	stream.indirect.scatter.add.f32 [tilespmem:s5], [sflag:$0x2], $0x10, s4, s16, $0x2000b8;
	[tilespmem:$0x1FF00] =	vst v63  }
0x166: {  	_ =	swait.ge [sflag:s30], $0x800  }
0x167: {  	[sflag:s30] =	ssyncset.done $0x0  }
0x168: {  	s5 =	sadd.s32 $0x1F480, s15;
	[sflag:s30] =	ssyncadd.s32 $0xFFFFF800  }
0x169: {  	[spmem:s3] =	stream.indirect.scatter.add.f32 [tilespmem:s7], [sflag:$0x2], $0x10, s5, s16, $0x2000b8;
	[tilespmem:$0x1FF00] =	vst v63  }
0x16a: {  	_ =	swait.ge [sflag:s30], $0x800  }
0x16b: {  	[sflag:s30] =	ssyncset.done $0x0  }
0x16c: {  	s6 =	sadd.s32 $0x1F500, s15;
	[sflag:s30] =	ssyncadd.s32 $0xFFFFF800  }
0x16d: {  	[spmem:s3] =	stream.indirect.scatter.add.f32 [tilespmem:s9], [sflag:$0x2], $0x10, s6, s16, $0x2000b8;
	[tilespmem:$0x1FF00] =	vst v63  }
0x16e: {  	_ =	swait.ge [sflag:s30], $0x800  }
0x16f: {  	[sflag:s30] =	ssyncset.done $0x0  }
0x170: {  	s7 =	sadd.s32 $0x1F580, s15;
	[sflag:s30] =	ssyncadd.s32 $0xFFFFF800  }
0x171: {  	[spmem:s3] =	stream.indirect.scatter.add.f32 [tilespmem:s17], [sflag:$0x2], $0x10, s7, s16, $0x2000b8;
	[tilespmem:$0x1FF00] =	vst v63  }
0x172: {  	_ =	swait.ge [sflag:s30], $0x800  }
0x173: {  	[sflag:s30] =	ssyncset.done $0x0  }
0x174: {  	s8 =	sadd.s32 $0x1F600, s15;
	[sflag:s30] =	ssyncadd.s32 $0xFFFFF800  }
0x175: {  	[spmem:s3] =	stream.indirect.scatter.add.f32 [tilespmem:s19], [sflag:$0x2], $0x10, s8, s16, $0x2000b8;
	[tilespmem:$0x1FF00] =	vst v63  }
0x176: {  	_ =	swait.ge [sflag:s30], $0x800  }
0x177: {  	[sflag:s30] =	ssyncset.done $0x0  }
0x178: {  	s17 =	sadd.s32 $0x1F680, s15;
	[sflag:s30] =	ssyncadd.s32 $0xFFFFF800  }
0x179: {  	[spmem:s3] =	stream.indirect.scatter.add.f32 [tilespmem:s11], [sflag:$0x2], $0x10, s17, s16, $0x2000b8;
	[tilespmem:$0x1FF00] =	vst v63  }
0x17a: {  	_ =	swait.ge [sflag:s30], $0x800  }
0x17b: {  	[sflag:s30] =	ssyncset.done $0x0  }
0x17c: {  	s18 =	sadd.s32 $0x1F700, s15;
	[sflag:s30] =	ssyncadd.s32 $0xFFFFF800  }
0x17d: {  	[spmem:s3] =	stream.indirect.scatter.add.f32 [tilespmem:s12], [sflag:$0x2], $0x10, s18, s16, $0x2000b8;
	[tilespmem:$0x1FF00] =	vst v63  }
0x17e: {  	_ =	swait.ge [sflag:s30], $0x800  }
0x17f: {  	[sflag:s30] =	ssyncset.done $0x0  }
0x180: {  	s19 =	sadd.s32 $0x1F780, s15;
	[sflag:s30] =	ssyncadd.s32 $0xFFFFF800  }
0x181: {  	[spmem:s3] =	stream.indirect.scatter.add.f32 [tilespmem:s14], [sflag:$0x2], $0x10, s19, s16, $0x2000b8;
	[tilespmem:$0x1FF00] =	vst v63  }
0x182: {  	_ =	swait.ge [sflag:s30], $0x800  }
0x183: {  	[sflag:s30] =	ssyncset.done $0x0  }
0x184: {  	s20 =	sor.u32 $0x1F800, s15;
	[sflag:s30] =	ssyncadd.s32 $0xFFFFF800  }
0x185: {  	[spmem:s3] =	stream.indirect.scatter.add.f32 [tilespmem:s21], [sflag:$0x2], $0x10, s20, s16, $0x2000b8;
	[tilespmem:$0x1FF00] =	vst v63  }
0x186: {  	_ =	swait.ge [sflag:s30], $0x800  }
0x187: {  	[sflag:s30] =	ssyncset.done $0x0  }
0x188: {  	s21 =	sor.u32 $0x1F880, s15;
	[sflag:s30] =	ssyncadd.s32 $0xFFFFF800  }
0x189: {  	[spmem:s3] =	stream.indirect.scatter.add.f32 [tilespmem:s23], [sflag:$0x2], $0x10, s21, s16, $0x2000b8;
	[tilespmem:$0x1FF00] =	vst v63  }
0x18a: {  	_ =	swait.ge [sflag:s31], $0x800  }
0x18b: {  	[sflag:s31] =	ssyncset.done $0x0  }
0x18c: {  	[sflag:s31] =	ssyncadd.s32 $0xFFFFF800  }
0x18d: {  	_ =	swait.ge [sflag:s31], $0x800  }
0x18e: {  	[sflag:s31] =	ssyncset.done $0x0  }
0x18f: {  	[sflag:s31] =	ssyncadd.s32 $0xFFFFF800  }
0x190: {  	_ =	swait.ge [sflag:s31], $0x800  }
0x191: {  	[sflag:s31] =	ssyncset.done $0x0  }
0x192: {  	[sflag:s31] =	ssyncadd.s32 $0xFFFFF800  }
0x193: {  	_ =	swait.ge [sflag:s31], $0x800  }
0x194: {  	[sflag:s31] =	ssyncset.done $0x0  }
0x195: {  	[sflag:s31] =	ssyncadd.s32 $0xFFFFF800  }
0x196: {  	_ =	swait.ge [sflag:s31], $0x800  }
0x197: {  	[sflag:s31] =	ssyncset.done $0x0  }
0x198: {  	[sflag:s31] =	ssyncadd.s32 $0xFFFFF800  }
0x199: {  	_ =	swait.ge [sflag:s31], $0x800  }
0x19a: {  	[sflag:s31] =	ssyncset.done $0x0  }
0x19b: {  	[sflag:s31] =	ssyncadd.s32 $0xFFFFF800  }
0x19c: {  	_ =	swait.ge [sflag:s31], $0x800  }
0x19d: {  	[sflag:s31] =	ssyncset.done $0x0  }
0x19e: {  	[sflag:s31] =	ssyncadd.s32 $0xFFFFF800  }
0x19f: {  	_ =	swait.ge [sflag:s31], $0x800  }
0x1a0: {  	[sflag:s31] =	ssyncset.done $0x0  }
0x1a1: {  	[sflag:s31] =	ssyncadd.s32 $0xFFFFF800  }
0x1a2: {  	_ =	swait.ge [sflag:s31], $0x800  }
0x1a3: {  	[sflag:s31] =	ssyncset.done $0x0  }
0x1a4: {  	[sflag:s31] =	ssyncadd.s32 $0xFFFFF800  }
0x1a5: {  	_ =	swait.ge [sflag:s31], $0x800  }
0x1a6: {  	[sflag:s31] =	ssyncset.done $0x0  }
0x1a7: {  	[sflag:s31] =	ssyncadd.s32 $0xFFFFF800  }
0x1a8: {  	_ =	swait.ge [sflag:s31], $0x800  }
0x1a9: {  	[sflag:s31] =	ssyncset.done $0x0  }
0x1aa: {  	[sflag:s31] =	ssyncadd.s32 $0xFFFFF800  }
0x1ab: {  	_ =	swait.ge [sflag:s31], $0x800  }
0x1ac: {  	[sflag:s31] =	ssyncset.done $0x0  }
0x1ad: {  	[sflag:s31] =	ssyncadd.s32 $0xFFFFF800  }
0x1ae: {  	_ =	strace $0x90000056  }
0x1af: {  	[bflag:$0x0] =	sbarrier.arrive $0xFFFF  }
0x1b0: {  	s6 =	rddreg [dreg:$0x7]  }
0x1b1: {  	s1 =	rddreg [dreg:$0xb]  }
0x1b2: {  	s2 =	simm.s32 $0x3;
	s22 =	rddreg [dreg:$0xc]  }
0x1b3: {  	[hbm:s22], [sflag:s6] =	dma.local [spmem:s1], $0x30E0  }
0x1b4: {  	_ =	swait.ge [sflag:s2], $0x30E0  }
0x1b5: {  	s23 =	rddreg [dreg:$0xd]  }
0x1b6: {  	s24 =	rddreg [dreg:$0xa];
	s3 =	sadd.s32 $0x1, s23  }
0x1b7: {  	p0 =	sne.s32 s3, s24  }
.Ltmp1:
0x1b8: {  	_ = 	snop;
	(pc) =	sbr.rel @p0 .LBB2_1-.Ltmp1, $3  }
0x1b9: {  	_ =	sdelay $0x1  }
0x1ba: {  	[sflag:s2] =	ssyncset.done $0x0  }
0x1bb: {  	[sflag:s2] =	ssyncadd.s32 $0xFFFFCF20  }
0x1bc: {  	_ =	sfence.sel $0x180000  }
0x1bd: {  	[bflag:$0x0] =	sbarrier.arrive $0xFFFF  }
0x1be: {  	_ =	strace $0x90000050  }
0x1bf: {  	s0 =	stileid.u32;
	[bflag:$0x2] =	sbarrier.arrive $0xFFFF  }
0x1c0: {  	p0 =	sne.s32 s0, $0x0;
	s0 =	rddreg [dreg:$0x3]  }
0x1c1: {  	s0 =	sadd.s32 @!p0 $0x100000, s0  }
0x1c2: {  	[sflag:s0] =	ssyncadd.tile.s32 @!p0 $0x1;
	_ =	shalt  }
.Lfunc_end2:
_tile_overlayer_lowered:
.L_overlay_start_2:
0x1c3: {  	(tag) =	ssettag $0x2  }
0x1c4: {  	s0 =	rddreg [dreg:$0x0];
	s2 =	stileid.u32  }
0x1c5: {  	s1 =	rddreg [dreg:$0x1];
	p0 =	sne.s32 s2, $0x0  }
0x1c6: {  	s3 =	rddreg [dreg:$0x2];
	[bflag:$0x3] =	sbarrier.arrive $0xFFFF;
	s2 =	simm.s32 @!p0 $0x1C03  }
0x1c7: {  	[timem:s3], [sflag:s2] =	dma.local @!p0 [hbm:s0], s1  }
0x1c8: {  	s0 =	simm.s32 @!p0 $0x3  }
0x1c9: {  	_ =	swait.ge @!p0 [sflag:s0], s1  }
0x1ca: {  	s1 =	ssub.s32 @!p0 $0x0, s1;
	[sflag:s0] =	ssyncset.done @!p0 $0x0  }
0x1cb: {  	[sflag:s0] =	ssyncadd.s32 @!p0 s1  }
0x1cc: {  	[bflag:$0x3] =	sbarrier.arrive $0xFFFF  }
0x1cd: {  	_ =	shalt  }

</sc_bundles>
